<compile_context>
chip_gen: v7x
topology: tpu7x:2x2x1
jax: 0.10.2.dev20260603
libtpu: 0.0.44.dev20260713+nightly
codegen_flags: <defaults>
</compile_context>

<pallas_src>
import functools

import jax
import jax.numpy as jnp
from jax import lax
from jax.experimental import pallas as pl
from jax.experimental.pallas import tpu as pltpu
from jax.experimental.pallas import tpu_sc as plsc

NC = 2
NS = 16
NW = NC * NS


def _make_agg(V, EP, NRP, with_cnt, interpret=False):
  JT = EP // 128 // NS
  RT = NRP // NS
  mesh = plsc.VectorSubcoreMesh(
      core_axis_name="c", subcore_axis_name="s",
      num_cores=NC, num_subcores=NS)

  out_type = [jax.ShapeDtypeStruct((NRP, 128), jnp.float32)]
  scratch = [
      pltpu.VMEM((JT, 128), jnp.int32),
      pltpu.VMEM((JT, 128), jnp.int32),
      pltpu.VMEM((JT, 128), jnp.int32),
      pltpu.VMEM((128, 32), jnp.float32),
      pltpu.VMEM((128, 32), jnp.float32),
      pltpu.VMEM_SHARED((NRP, 32), jnp.float32),
      pltpu.SemaphoreType.DMA,
  ]
  if with_cnt:
    out_type.append(jax.ShapeDtypeStruct((NRP, 128), jnp.float32))
    scratch.append(pltpu.VMEM((128, 32), jnp.float32))

  def body(tbl, gidx, sidx, z32, *rest):
    if with_cnt:
      s4, cnt, gv, sv, gvc, rows0, rows1, acc, sem, ones_v = rest
    else:
      s4, gv, sv, gvc, rows0, rows1, acc, sem = rest
    c = lax.axis_index("c")
    s = lax.axis_index("s")
    row0 = s * RT

    pltpu.sync_copy(gidx.at[pl.ds(s * JT, JT)], gv)
    pltpu.sync_copy(sidx.at[pl.ds(s * JT, JT)], sv)
    if with_cnt:
      def fill(i, carry):
        ones_v[i, pl.ds(0, 16)] = jnp.full((16,), 1.0, jnp.float32)
        ones_v[i, pl.ds(16, 16)] = jnp.full((16,), 1.0, jnp.float32)
        return carry
      lax.fori_loop(0, 128, fill, 0)

    def zero_acc():
      pltpu.sync_copy(z32, acc.at[pl.ds(row0, RT)])
      plsc.subcore_barrier()

    def do_pass(cc):
      def adjust(j, carry):
        for l in range(8):
          sl = pl.ds(l * 16, 16)
          gvc[j, sl] = gv[j, sl] * 4 + cc
        return carry
      lax.fori_loop(0, JT, adjust, 0)
      zero_acc()
      pltpu.async_copy(tbl.at[gvc.at[0]], rows0, sem)
      def step(jj, carry):
        j0 = 2 * jj
        j1 = j0 + 1
        jn = jnp.minimum(j0 + 2, JT - 1)
        pltpu.make_async_copy(tbl.at[gvc.at[j0]], rows0, sem).wait()
        pltpu.async_copy(tbl.at[gvc.at[j1]], rows1, sem)
        pltpu.sync_copy(rows0, acc.at[sv.at[j0]], add=True)
        pltpu.make_async_copy(tbl.at[gvc.at[j1]], rows1, sem).wait()
        pltpu.async_copy(tbl.at[gvc.at[jn]], rows0, sem)
        pltpu.sync_copy(rows1, acc.at[sv.at[j1]], add=True)
        return carry
      lax.fori_loop(0, JT // 2, step, 0)
      pltpu.make_async_copy(tbl.at[gvc.at[JT - 1]], rows0, sem).wait()
      plsc.subcore_barrier()
      pltpu.sync_copy(acc.at[pl.ds(row0, RT)],
                      s4.at[pl.ds(row0, RT), pl.ds(cc * 32, 32)])
      plsc.subcore_barrier()

    def do_cnt_pass(k):
      zero_acc()
      def step(j, carry):
        pltpu.sync_copy(ones_v, acc.at[sv.at[k * (JT // 2) + j]], add=True)
        return carry
      lax.fori_loop(0, JT // 2, step, 0)
      plsc.subcore_barrier()
      pltpu.sync_copy(acc.at[pl.ds(row0, RT)],
                      cnt.at[pl.ds(row0, RT), pl.ds(k * 32, 32)])
      plsc.subcore_barrier()

    for p in range(2):
      for k in range(NC):
        @pl.when(c == k)
        def _(p=p, k=k):
          do_pass(2 * p + k)
    if with_cnt:
      for k in range(NC):
        @pl.when(c == k)
        def _(k=k):
          do_cnt_pass(k)

  return pl.kernel(body, out_type=out_type if with_cnt else out_type[0],
                   mesh=mesh, scratch_types=scratch, interpret=interpret,
                   compiler_params=pltpu.CompilerParams(
                       use_tc_tiling_on_sc=False))


def _make_gather(BIDX, D, interpret=False):
  rows_per_w = BIDX // NW
  JW = rows_per_w // 128
  mesh = plsc.VectorSubcoreMesh(
      core_axis_name="c", subcore_axis_name="s",
      num_cores=NC, num_subcores=NS)
  scratch = [
      pltpu.VMEM((BIDX // 128, 128), jnp.int32),
      pltpu.VMEM((128, D), jnp.float32),
      pltpu.SemaphoreType.DMA,
  ]

  def body(table, idx2, out, iv, rv, sem):
    c = lax.axis_index("c")
    s = lax.axis_index("s")
    w = s * NC + c
    pltpu.sync_copy(idx2, iv)
    for j in range(JW):
      pltpu.async_copy(table.at[iv.at[w * JW + j]], rv, sem).wait()
      pltpu.sync_copy(rv, out.at[pl.ds(w * rows_per_w + j * 128, 128)])

  return pl.kernel(
      body, out_type=jax.ShapeDtypeStruct((BIDX, D), jnp.float32),
      mesh=mesh, scratch_types=scratch, interpret=interpret,
      compiler_params=pltpu.CompilerParams(use_tc_tiling_on_sc=False))


def _tc_a(S1, cnt, x, W1r, Ws1, b1, W2r, Ws2, NRP, interpret=False):
  N, D = x.shape
  H = Ws1.shape[1]
  R = W1r.shape[0]
  LAST = Ws2.shape[1]
  bn = 1000
  npb = N // bn

  def body(s0_ref, s1_ref, s2_ref, s3_ref, c0_ref, c1_ref, c2_ref, c3_ref,
           x_ref, w1_ref, ws1_ref, b1_ref, w2_ref, ws2_ref,
           g2_ref, self2_ref, h_ref):
    r = pl.program_id(1)

    @pl.when(r == 0)
    def _():
      acc = jnp.dot(x_ref[...], ws1_ref[...],
                    preferred_element_type=jnp.float32) + b1_ref[...]
      for rr, (s_ref, c_ref) in enumerate(
          zip((s0_ref, s1_ref, s2_ref, s3_ref),
              (c0_ref, c1_ref, c2_ref, c3_ref))):
        cnt_rr = c_ref[:, 0:1] + c_ref[:, 32:33]
        inv = 1.0 / jnp.maximum(cnt_rr, 1.0)
        acc = acc + jnp.dot(s_ref[...] * inv, w1_ref[rr],
                            preferred_element_type=jnp.float32)
      h = jnp.maximum(acc, 0.0)
      h_ref[...] = h
      self2_ref[...] = jnp.dot(h, ws2_ref[...],
                               preferred_element_type=jnp.float32)

    g2_ref[...] = jnp.dot(h_ref[...], w2_ref[r],
                          preferred_element_type=jnp.float32)

  sspec = [pl.BlockSpec((bn, D), lambda i, r, rr=rr: (rr * npb + i, 0))
           for rr in range(4)]
  cspec = [pl.BlockSpec((bn, 128), lambda i, r, rr=rr: (rr * npb + i, 0))
           for rr in range(4)]
  return pl.pallas_call(
      body,
      grid=(npb, R),
      in_specs=sspec + cspec + [
          pl.BlockSpec((bn, D), lambda i, r: (i, 0)),
          pl.BlockSpec((R, D, H), lambda i, r: (0, 0, 0)),
          pl.BlockSpec((D, H), lambda i, r: (0, 0)),
          pl.BlockSpec((1, H), lambda i, r: (0, 0)),
          pl.BlockSpec((R, H, LAST), lambda i, r: (0, 0, 0)),
          pl.BlockSpec((H, LAST), lambda i, r: (0, 0)),
      ],
      out_specs=[
          pl.BlockSpec((bn, LAST), lambda i, r: (r * npb + i, 0)),
          pl.BlockSpec((bn, LAST), lambda i, r: (i, 0)),
      ],
      out_shape=[
          jax.ShapeDtypeStruct((NRP, LAST), jnp.float32),
          jax.ShapeDtypeStruct((N, LAST), jnp.float32),
      ],
      scratch_shapes=[pltpu.VMEM((bn, H), jnp.float32)],
      interpret=interpret,
  )(S1, S1, S1, S1, cnt, cnt, cnt, cnt, x, W1r, Ws1, b1, W2r, Ws2)


def _tc_b(S2, cnt, self2, b2, N, interpret=False):
  LAST = self2.shape[1]
  bn = 1000
  npb = N // bn

  def body(s0_ref, s1_ref, s2_ref, s3_ref, c0_ref, c1_ref, c2_ref, c3_ref,
           self2_ref, b2_ref, out_ref):
    acc = self2_ref[...] + b2_ref[...]
    for s_ref, c_ref in zip((s0_ref, s1_ref, s2_ref, s3_ref),
                            (c0_ref, c1_ref, c2_ref, c3_ref)):
      cnt_rr = c_ref[:, 0:1] + c_ref[:, 32:33]
      inv = 1.0 / jnp.maximum(cnt_rr, 1.0)
      acc = acc + s_ref[...] * inv
    out_ref[...] = jnp.maximum(acc, 0.0)

  sspec = [pl.BlockSpec((bn, LAST), lambda i, rr=rr: (rr * npb + i, 0))
           for rr in range(4)]
  cspec = [pl.BlockSpec((bn, 128), lambda i, rr=rr: (rr * npb + i, 0))
           for rr in range(4)]
  return pl.pallas_call(
      body,
      grid=(npb,),
      in_specs=sspec + cspec + [
          pl.BlockSpec((bn, LAST), lambda i: (i, 0)),
          pl.BlockSpec((1, LAST), lambda i: (0, 0)),
      ],
      out_specs=pl.BlockSpec((bn, LAST), lambda i: (i, 0)),
      out_shape=jax.ShapeDtypeStruct((N, LAST), jnp.float32),
      interpret=interpret,
  )(S2, S2, S2, S2, cnt, cnt, cnt, cnt, self2, b2)


def _tc_c(x1, x2, Wf1a, Wf1b, bf1, Wf2, bf2, Wf3p, bf3p, interpret=False):
  B, LAST = x1.shape
  H1 = Wf1a.shape[1]
  H2 = Wf2.shape[1]
  OP = Wf3p.shape[1]
  bn = 1024
  grid = B // bn

  def body(x1_ref, x2_ref, a_ref, b_ref, b1_ref, w2_ref, b2_ref, w3_ref,
           b3_ref, out_ref):
    y = jnp.dot(x1_ref[...], a_ref[...], preferred_element_type=jnp.float32)
    y = y + jnp.dot(x2_ref[...], b_ref[...],
                    preferred_element_type=jnp.float32)
    y = jnp.maximum(y + b1_ref[...], 0.0)
    y = jnp.maximum(jnp.dot(y, w2_ref[...],
                            preferred_element_type=jnp.float32) + b2_ref[...],
                    0.0)
    out_ref[...] = jnp.dot(y, w3_ref[...],
                           preferred_element_type=jnp.float32) + b3_ref[...]

  return pl.pallas_call(
      body,
      grid=(grid,),
      in_specs=[
          pl.BlockSpec((bn, LAST), lambda i: (i, 0)),
          pl.BlockSpec((bn, LAST), lambda i: (i, 0)),
          pl.BlockSpec((LAST, H1), lambda i: (0, 0)),
          pl.BlockSpec((LAST, H1), lambda i: (0, 0)),
          pl.BlockSpec((1, H1), lambda i: (0, 0)),
          pl.BlockSpec((H1, H2), lambda i: (0, 0)),
          pl.BlockSpec((1, H2), lambda i: (0, 0)),
          pl.BlockSpec((H2, OP), lambda i: (0, 0)),
          pl.BlockSpec((1, OP), lambda i: (0, 0)),
      ],
      out_specs=pl.BlockSpec((bn, OP), lambda i: (i, 0)),
      out_shape=jax.ShapeDtypeStruct((B, OP), jnp.float32),
      interpret=interpret,
  )(x1, x2, Wf1a, Wf1b, bf1, Wf2, bf2, Wf3p, bf3p)


def kernel(inputs, edge_index, edge_type, node_feature,
           W1, Ws1, b1, W2, Ws2, b2,
           Wf1, bf1, Wf2, bf2, Wf3, bf3):
  N, D = node_feature.shape
  H = Ws1.shape[1]
  R = W1.shape[0] // D
  LAST = W2.shape[1]
  E = edge_type.shape[0]
  B = inputs.shape[0]
  NR = N * R

  NRP = -(-NR // (NS * 128)) * (NS * 128)
  EP = -(-E // (NS * 128 * 8)) * (NS * 128 * 8)
  npad = EP - E

  src = edge_index[0].astype(jnp.int32)
  dst = edge_index[1].astype(jnp.int32)
  rel = edge_type.astype(jnp.int32)

  pad_g = jnp.arange(npad, dtype=jnp.int32) % N
  pad_s = NR + jnp.arange(npad, dtype=jnp.int32) % (NRP - NR)
  relN = rel * N
  sidx = jnp.concatenate([relN + dst, pad_s]).reshape(EP // 128, 128)
  g1 = jnp.concatenate([src, pad_g]).reshape(EP // 128, 128)
  g2 = jnp.concatenate([relN + src, pad_g]).reshape(EP // 128, 128)

  z32 = jnp.zeros((NRP // NS, 32), jnp.float32)

  agg1 = _make_agg(N, EP, NRP, with_cnt=True)
  S1, cnt = agg1(node_feature.reshape(N * 4, 32), g1, sidx, z32)

  G2, self2 = _tc_a(S1, cnt, node_feature,
                    W1.reshape(R, D, H), Ws1, b1.reshape(1, H),
                    W2.reshape(R, H, LAST), Ws2, NRP)

  agg2 = _make_agg(NRP, EP, NRP, with_cnt=False)
  S2 = agg2(G2.reshape(NRP * 4, 32), g2, sidx, z32)

  h2 = _tc_b(S2, cnt, self2, b2.reshape(1, LAST), N)

  idx_all = jnp.concatenate(
      [inputs[:, 0], inputs[:, 1]]).astype(jnp.int32).reshape(-1, 128)
  rows = _make_gather(2 * B, LAST)(h2, idx_all)
  x1, x2 = rows[:B], rows[B:]

  OP = 8
  Wf3p = jnp.concatenate(
      [Wf3, jnp.zeros((Wf3.shape[0], OP - 1), jnp.float32)], axis=1)
  bf3p = jnp.concatenate(
      [bf3, jnp.zeros((OP - 1,), jnp.float32)]).reshape(1, OP)
  out = _tc_c(x1, x2, Wf1[:LAST], Wf1[LAST:], bf1.reshape(1, -1),
              Wf2, bf2.reshape(1, -1), Wf3p, bf3p)
  return out[:, 0:1]

# --- scband reference (transcript-rebuilt; emitter-appended) ---
"""Pipeline reference for scband-rgcn-51762945851955 (READ-ONLY COPY).

The authoritative reference and input builder live on the scoring server;
editing this copy changes nothing except your own understanding.
"""

import jax, jax.numpy as jnp
import numpy as np

N = 10000      # n_nodes
E = 160000     # n_edges = N * avg_degree(16)
R = 4          # num_relation
D = 128        # node_feature_dim
H = 512        # hidden_dims[0]
LAST = 128     # last_dim_size
B = 4096       # batch of (drug1, drug2, context) triples


def setup_inputs(seed: int = 0) -> dict:
    key = jax.random.key(seed)
    ks = jax.random.split(key, 20)
    inputs = jax.random.randint(ks[0], (B, 3), 0, N, dtype=jnp.int64)
    edge_index = jax.random.randint(ks[1], (2, E), 0, N, dtype=jnp.int64)
    edge_type = jax.random.randint(ks[2], (E,), 0, R, dtype=jnp.int64)
    node_feature = jax.random.normal(ks[3], (N, D), dtype=jnp.float32)
    # RGCN layer 1: relation-linear (R*D -> H) + self loop (D -> H)
    W1 = jax.random.normal(ks[4], (R * D, H), dtype=jnp.float32) / np.sqrt(R * D)
    Ws1 = jax.random.normal(ks[5], (D, H), dtype=jnp.float32) / np.sqrt(D)
    b1 = jnp.zeros((H,), dtype=jnp.float32)
    # RGCN layer 2: relation-linear (R*H -> LAST) + self loop (H -> LAST)
    W2 = jax.random.normal(ks[6], (R * H, LAST), dtype=jnp.float32) / np.sqrt(R * H)
    Ws2 = jax.random.normal(ks[7], (H, LAST), dtype=jnp.float32) / np.sqrt(H)
    b2 = jnp.zeros((LAST,), dtype=jnp.float32)
    # Final MLP: 2*LAST -> 128 -> 64 -> 1
    Wf1 = jax.random.normal(ks[8], (2 * LAST, 128), dtype=jnp.float32) / np.sqrt(2 * LAST)
    bf1 = jnp.zeros((128,), dtype=jnp.float32)
    Wf2 = jax.random.normal(ks[9], (128, 64), dtype=jnp.float32) / np.sqrt(128)
    bf2 = jnp.zeros((64,), dtype=jnp.float32)
    Wf3 = jax.random.normal(ks[10], (64, 1), dtype=jnp.float32) / np.sqrt(64)
    bf3 = jnp.zeros((1,), dtype=jnp.float32)
    return {
        "inputs": inputs, "edge_index": edge_index, "edge_type": edge_type,
        "node_feature": node_feature,
        "W1": W1, "Ws1": Ws1, "b1": b1,
        "W2": W2, "Ws2": Ws2, "b2": b2,
        "Wf1": Wf1, "bf1": bf1, "Wf2": Wf2, "bf2": bf2, "Wf3": Wf3, "bf3": bf3,
    }


def _rgcn_layer(x, src, dst, rel, W, Ws, b):
    # torchdrug-style RelationalGraphConv: per-(dst, relation) mean aggregation,
    # then relation-blocked linear + self loop, then ReLU.
    in_dim = x.shape[1]
    idx = dst * R + rel
    msg = x[src]                                   # gather [E, in_dim]
    summed = jax.ops.segment_sum(msg, idx, num_segments=N * R)
    cnt = jax.ops.segment_sum(jnp.ones((src.shape[0],), x.dtype), idx, num_segments=N * R)
    mean = summed / jnp.clip(cnt, 1.0)[:, None]
    update = mean.reshape(N, R * in_dim)
    return jax.nn.relu(update @ W + x @ Ws + b)


def reference(inputs, edge_index, edge_type, node_feature,
              W1, Ws1, b1, W2, Ws2, b2,
              Wf1, bf1, Wf2, bf2, Wf3, bf3):
    src, dst = edge_index[0], edge_index[1]
    h = _rgcn_layer(node_feature, src, dst, edge_type, W1, Ws1, b1)   # [N, H]
    h = _rgcn_layer(h, src, dst, edge_type, W2, Ws2, b2)              # [N, LAST]
    drug1 = inputs[:, 0]
    drug2 = inputs[:, 1]
    # context ids (inputs[:, 2]) are split but unused in the original forward
    x1 = h[drug1]
    x2 = h[drug2]
    x = jnp.concatenate([x1, x2], axis=1)          # [B, 2*LAST]
    x = jax.nn.relu(x @ Wf1 + bf1)
    x = jax.nn.relu(x @ Wf2 + bf2)                 # dropout is identity in eval
    out = x @ Wf3 + bf3                            # [B, 1] synergy scores
    return out

if __name__ == "__main__":
    import jax
    _d = setup_inputs()
    print(jax.jit(kernel)(*tuple(_d.values())))

</pallas_src>

<mosaic_0001>
#map = affine_map<(d0, d1) -> (0, 0)>
module attributes {stable_mosaic.version = 14 : i64} {
  func.func @body(%arg0: i32, %arg1: i32, %arg2: memref<40000x32xf32, #tpu.memory_space<hbm>>, %arg3: memref<1280x128xi32, #tpu.memory_space<hbm>>, %arg4: memref<1280x128xi32, #tpu.memory_space<hbm>>, %arg5: memref<2560x32xf32, #tpu.memory_space<hbm>>, %arg6: memref<40960x128xf32, #tpu.memory_space<hbm>>, %arg7: memref<40960x128xf32, #tpu.memory_space<hbm>>, %arg8: memref<80x128xi32, #tpu.memory_space<vmem>>, %arg9: memref<80x128xi32, #tpu.memory_space<vmem>>, %arg10: memref<80x128xi32, #tpu.memory_space<vmem>>, %arg11: memref<128x32xf32, #tpu.memory_space<vmem>>, %arg12: memref<128x32xf32, #tpu.memory_space<vmem>>, %arg13: memref<40960x32xf32, #tpu.memory_space<vmem_shared>>, %arg14: memref<!tpu.dma_semaphore, #tpu.memory_space<semaphore_mem>>, %arg15: memref<128x32xf32, #tpu.memory_space<vmem>>) attributes {dimension_semantics = [#tpu.dimension_semantics<core_parallel>, #tpu.dimension_semantics<subcore_parallel>], iteration_bounds = array<i64: 2, 16>, scalar_prefetch = 0 : i64, scratch_operands = 8 : i64, tpu.core_type = #tpu.core_type<sc_vector_subcore>, window_params = [{transform_indices = #map}, {transform_indices = #map}, {transform_indices = #map}, {transform_indices = #map}, {transform_indices = #map}, {transform_indices = #map}]} {
    %mul3A = arith.constant 2560 : i32
    %mul3A_0 = arith.muli %arg1, %mul3A : i32
    %mul3A_1 = arith.constant 80 : i32
    %mul3A_2 = arith.muli %arg1, %mul3A_1 : i32
    "tpu.region"() ({
      %run_scoped3A = tpu.sem_alloc : memref<!tpu.dma_semaphore, #tpu.memory_space<semaphore_mem>>
      %dma_start3A = arith.constant 0 : i32
      %dma_start3A_37 = tpu.memref_slice %arg3[%mul3A_2, %dma_start3A] : memref<1280x128xi32, #tpu.memory_space<hbm>> -> memref<80x128xi32, #tpu.memory_space<hbm>>
      %dma_start3A_38 = arith.constant 0 : i32
      %dma_start3A_39 = tpu.memref_slice %arg3[%mul3A_2, %dma_start3A_38] : memref<1280x128xi32, #tpu.memory_space<hbm>> -> memref<80x128xi32, #tpu.memory_space<hbm>>
      tpu.enqueue_dma source(%dma_start3A_39 : memref<80x128xi32, #tpu.memory_space<hbm>>) target(%arg8 : memref<80x128xi32, #tpu.memory_space<vmem>>) target_semaphore(%run_scoped3A : memref<!tpu.dma_semaphore, #tpu.memory_space<semaphore_mem>>)
      %dma_wait3A = arith.constant 0 : i32
      %dma_wait3A_40 = tpu.memref_slice %arg3[%mul3A_2, %dma_wait3A] : memref<1280x128xi32, #tpu.memory_space<hbm>> -> memref<80x128xi32, #tpu.memory_space<hbm>>
      %dma_wait3A_41 = arith.constant 0 : i32
      %dma_wait3A_42 = tpu.memref_slice %arg3[%mul3A_2, %dma_wait3A_41] : memref<1280x128xi32, #tpu.memory_space<hbm>> -> memref<80x128xi32, #tpu.memory_space<hbm>>
      tpu.wait_dma2 semaphore(%run_scoped3A : memref<!tpu.dma_semaphore, #tpu.memory_space<semaphore_mem>>) src(%dma_wait3A_42 : memref<80x128xi32, #tpu.memory_space<hbm>>) dst(%arg8 : memref<80x128xi32, #tpu.memory_space<vmem>>)
      tpu.yield
    }) : () -> ()
    %mul3A_3 = arith.constant 80 : i32
    %mul3A_4 = arith.muli %arg1, %mul3A_3 : i32
    "tpu.region"() ({
      %run_scoped3A = tpu.sem_alloc : memref<!tpu.dma_semaphore, #tpu.memory_space<semaphore_mem>>
      %dma_start3A = arith.constant 0 : i32
      %dma_start3A_37 = tpu.memref_slice %arg4[%mul3A_4, %dma_start3A] : memref<1280x128xi32, #tpu.memory_space<hbm>> -> memref<80x128xi32, #tpu.memory_space<hbm>>
      %dma_start3A_38 = arith.constant 0 : i32
      %dma_start3A_39 = tpu.memref_slice %arg4[%mul3A_4, %dma_start3A_38] : memref<1280x128xi32, #tpu.memory_space<hbm>> -> memref<80x128xi32, #tpu.memory_space<hbm>>
      tpu.enqueue_dma source(%dma_start3A_39 : memref<80x128xi32, #tpu.memory_space<hbm>>) target(%arg9 : memref<80x128xi32, #tpu.memory_space<vmem>>) target_semaphore(%run_scoped3A : memref<!tpu.dma_semaphore, #tpu.memory_space<semaphore_mem>>)
      %dma_wait3A = arith.constant 0 : i32
      %dma_wait3A_40 = tpu.memref_slice %arg4[%mul3A_4, %dma_wait3A] : memref<1280x128xi32, #tpu.memory_space<hbm>> -> memref<80x128xi32, #tpu.memory_space<hbm>>
      %dma_wait3A_41 = arith.constant 0 : i32
      %dma_wait3A_42 = tpu.memref_slice %arg4[%mul3A_4, %dma_wait3A_41] : memref<1280x128xi32, #tpu.memory_space<hbm>> -> memref<80x128xi32, #tpu.memory_space<hbm>>
      tpu.wait_dma2 semaphore(%run_scoped3A : memref<!tpu.dma_semaphore, #tpu.memory_space<semaphore_mem>>) src(%dma_wait3A_42 : memref<80x128xi32, #tpu.memory_space<hbm>>) dst(%arg9 : memref<80x128xi32, #tpu.memory_space<vmem>>)
      tpu.yield
    }) : () -> ()
    %scan3A = arith.constant 0 : i32
    %scan3A_5 = arith.constant 0 : i32
    %scan3A_6 = arith.constant 128 : i32
    %scan3A_7 = arith.addi %scan3A_5, %scan3A_6 : i32
    %scan3A_8 = arith.constant 1 : i32
    scf.for %scan3A_37 = %scan3A_5 to %scan3A_7 step %scan3A_8  : i32 {
      %broadcast_in_dim3A = arith.constant 1.000000e+00 : f32
      %broadcast_in_dim3A_38 = vector.broadcast %broadcast_in_dim3A : f32 to vector<16xf32>
      %swap3A = arith.index_cast %scan3A_37 : i32 to index
      %swap3A_39 = arith.constant 0 : index
      %swap3A_40 = tpu.vector_load %arg15[%swap3A, %swap3A_39] {strides = array<i32>} : memref<128x32xf32, #tpu.memory_space<vmem>>, vector<1x16xf32>,
      %swap3A_41 = vector.shape_cast %swap3A_40 : vector<1x16xf32> to vector<16xf32>
      %swap3A_42 = vector.shape_cast %broadcast_in_dim3A_38 : vector<16xf32> to vector<1x16xf32>
      tpu.vector_store %arg15[%swap3A, %swap3A_39], %swap3A_42 {strides = array<i32>} : memref<128x32xf32, #tpu.memory_space<vmem>>, vector<1x16xf32>,
      %broadcast_in_dim3A_43 = arith.constant 1.000000e+00 : f32
      %broadcast_in_dim3A_44 = vector.broadcast %broadcast_in_dim3A_43 : f32 to vector<16xf32>
      %swap3A_45 = arith.index_cast %scan3A_37 : i32 to index
      %swap3A_46 = arith.constant 16 : index
      %swap3A_47 = tpu.vector_load %arg15[%swap3A_45, %swap3A_46] {strides = array<i32>} : memref<128x32xf32, #tpu.memory_space<vmem>>, vector<1x16xf32>,
      %swap3A_48 = vector.shape_cast %swap3A_47 : vector<1x16xf32> to vector<16xf32>
      %swap3A_49 = vector.shape_cast %broadcast_in_dim3A_44 : vector<16xf32> to vector<1x16xf32>
      tpu.vector_store %arg15[%swap3A_45, %swap3A_46], %swap3A_49 {strides = array<i32>} : memref<128x32xf32, #tpu.memory_space<vmem>>, vector<1x16xf32>,
    }
    %scan3A_9 = arith.constant 128 : i32
    %eq3A = arith.constant 0 : i32
    %eq3A_10 = arith.cmpi eq, %arg0, %eq3A : i32
    %convert_element_type3A = arith.extui %eq3A_10 : i1 to i32
    %cond3A = arith.constant 0 : i32
    %cond3A_11 = arith.cmpi ne, %convert_element_type3A, %cond3A : i32
    scf.if %cond3A_11 {
      %scan3A_37 = arith.constant 0 : i32
      %scan3A_38 = arith.constant 0 : i32
      %scan3A_39 = arith.constant 80 : i32
      %scan3A_40 = arith.addi %scan3A_38, %scan3A_39 : i32
      %scan3A_41 = arith.constant 1 : i32
      scf.for %scan3A_63 = %scan3A_38 to %scan3A_40 step %scan3A_41  : i32 {
        %get3A = arith.index_cast %scan3A_63 : i32 to index
        %get3A_64 = arith.constant 0 : index
        %get3A_65 = tpu.vector_load %arg8[%get3A, %get3A_64] {strides = array<i32>} : memref<80x128xi32, #tpu.memory_space<vmem>>, vector<1x16xi32>,
        %get3A_66 = vector.shape_cast %get3A_65 : vector<1x16xi32> to vector<16xi32>
        %mul3A_67 = arith.constant 4 : i32
        %mul3A_68 = vector.broadcast %mul3A_67 : i32 to vector<16xi32>
        %mul3A_69 = arith.muli %get3A_66, %mul3A_68 : vector<16xi32>
        %add3A = arith.constant 0 : i32
        %add3A_70 = vector.broadcast %add3A : i32 to vector<16xi32>
        %add3A_71 = arith.addi %mul3A_69, %add3A_70 : vector<16xi32>
        %swap3A = arith.index_cast %scan3A_63 : i32 to index
        %swap3A_72 = arith.constant 0 : index
        %swap3A_73 = tpu.vector_load %arg10[%swap3A, %swap3A_72] {strides = array<i32>} : memref<80x128xi32, #tpu.memory_space<vmem>>, vector<1x16xi32>,
        %swap3A_74 = vector.shape_cast %swap3A_73 : vector<1x16xi32> to vector<16xi32>
        %swap3A_75 = vector.shape_cast %add3A_71 : vector<16xi32> to vector<1x16xi32>
        tpu.vector_store %arg10[%swap3A, %swap3A_72], %swap3A_75 {strides = array<i32>} : memref<80x128xi32, #tpu.memory_space<vmem>>, vector<1x16xi32>,
        %get3A_76 = arith.index_cast %scan3A_63 : i32 to index
        %get3A_77 = arith.constant 16 : index
        %get3A_78 = tpu.vector_load %arg8[%get3A_76, %get3A_77] {strides = array<i32>} : memref<80x128xi32, #tpu.memory_space<vmem>>, vector<1x16xi32>,
        %get3A_79 = vector.shape_cast %get3A_78 : vector<1x16xi32> to vector<16xi32>
        %mul3A_80 = arith.constant 4 : i32
        %mul3A_81 = vector.broadcast %mul3A_80 : i32 to vector<16xi32>
        %mul3A_82 = arith.muli %get3A_79, %mul3A_81 : vector<16xi32>
        %add3A_83 = arith.constant 0 : i32
        %add3A_84 = vector.broadcast %add3A_83 : i32 to vector<16xi32>
        %add3A_85 = arith.addi %mul3A_82, %add3A_84 : vector<16xi32>
        %swap3A_86 = arith.index_cast %scan3A_63 : i32 to index
        %swap3A_87 = arith.constant 16 : index
        %swap3A_88 = tpu.vector_load %arg10[%swap3A_86, %swap3A_87] {strides = array<i32>} : memref<80x128xi32, #tpu.memory_space<vmem>>, vector<1x16xi32>,
        %swap3A_89 = vector.shape_cast %swap3A_88 : vector<1x16xi32> to vector<16xi32>
        %swap3A_90 = vector.shape_cast %add3A_85 : vector<16xi32> to vector<1x16xi32>
        tpu.vector_store %arg10[%swap3A_86, %swap3A_87], %swap3A_90 {strides = array<i32>} : memref<80x128xi32, #tpu.memory_space<vmem>>, vector<1x16xi32>,
        %get3A_91 = arith.index_cast %scan3A_63 : i32 to index
        %get3A_92 = arith.constant 32 : index
        %get3A_93 = tpu.vector_load %arg8[%get3A_91, %get3A_92] {strides = array<i32>} : memref<80x128xi32, #tpu.memory_space<vmem>>, vector<1x16xi32>,
        %get3A_94 = vector.shape_cast %get3A_93 : vector<1x16xi32> to vector<16xi32>
        %mul3A_95 = arith.constant 4 : i32
        %mul3A_96 = vector.broadcast %mul3A_95 : i32 to vector<16xi32>
        %mul3A_97 = arith.muli %get3A_94, %mul3A_96 : vector<16xi32>
        %add3A_98 = arith.constant 0 : i32
        %add3A_99 = vector.broadcast %add3A_98 : i32 to vector<16xi32>
        %add3A_100 = arith.addi %mul3A_97, %add3A_99 : vector<16xi32>
        %swap3A_101 = arith.index_cast %scan3A_63 : i32 to index
        %swap3A_102 = arith.constant 32 : index
        %swap3A_103 = tpu.vector_load %arg10[%swap3A_101, %swap3A_102] {strides = array<i32>} : memref<80x128xi32, #tpu.memory_space<vmem>>, vector<1x16xi32>,
        %swap3A_104 = vector.shape_cast %swap3A_103 : vector<1x16xi32> to vector<16xi32>
        %swap3A_105 = vector.shape_cast %add3A_100 : vector<16xi32> to vector<1x16xi32>
        tpu.vector_store %arg10[%swap3A_101, %swap3A_102], %swap3A_105 {strides = array<i32>} : memref<80x128xi32, #tpu.memory_space<vmem>>, vector<1x16xi32>,
        %get3A_106 = arith.index_cast %scan3A_63 : i32 to index
        %get3A_107 = arith.constant 48 : index
        %get3A_108 = tpu.vector_load %arg8[%get3A_106, %get3A_107] {strides = array<i32>} : memref<80x128xi32, #tpu.memory_space<vmem>>, vector<1x16xi32>,
        %get3A_109 = vector.shape_cast %get3A_108 : vector<1x16xi32> to vector<16xi32>
        %mul3A_110 = arith.constant 4 : i32
        %mul3A_111 = vector.broadcast %mul3A_110 : i32 to vector<16xi32>
        %mul3A_112 = arith.muli %get3A_109, %mul3A_111 : vector<16xi32>
        %add3A_113 = arith.constant 0 : i32
        %add3A_114 = vector.broadcast %add3A_113 : i32 to vector<16xi32>
        %add3A_115 = arith.addi %mul3A_112, %add3A_114 : vector<16xi32>
        %swap3A_116 = arith.index_cast %scan3A_63 : i32 to index
        %swap3A_117 = arith.constant 48 : index
        %swap3A_118 = tpu.vector_load %arg10[%swap3A_116, %swap3A_117] {strides = array<i32>} : memref<80x128xi32, #tpu.memory_space<vmem>>, vector<1x16xi32>,
        %swap3A_119 = vector.shape_cast %swap3A_118 : vector<1x16xi32> to vector<16xi32>
        %swap3A_120 = vector.shape_cast %add3A_115 : vector<16xi32> to vector<1x16xi32>
        tpu.vector_store %arg10[%swap3A_116, %swap3A_117], %swap3A_120 {strides = array<i32>} : memref<80x128xi32, #tpu.memory_space<vmem>>, vector<1x16xi32>,
        %get3A_121 = arith.index_cast %scan3A_63 : i32 to index
        %get3A_122 = arith.constant 64 : index
        %get3A_123 = tpu.vector_load %arg8[%get3A_121, %get3A_122] {strides = array<i32>} : memref<80x128xi32, #tpu.memory_space<vmem>>, vector<1x16xi32>,
        %get3A_124 = vector.shape_cast %get3A_123 : vector<1x16xi32> to vector<16xi32>
        %mul3A_125 = arith.constant 4 : i32
        %mul3A_126 = vector.broadcast %mul3A_125 : i32 to vector<16xi32>
        %mul3A_127 = arith.muli %get3A_124, %mul3A_126 : vector<16xi32>
        %add3A_128 = arith.constant 0 : i32
        %add3A_129 = vector.broadcast %add3A_128 : i32 to vector<16xi32>
        %add3A_130 = arith.addi %mul3A_127, %add3A_129 : vector<16xi32>
        %swap3A_131 = arith.index_cast %scan3A_63 : i32 to index
        %swap3A_132 = arith.constant 64 : index
        %swap3A_133 = tpu.vector_load %arg10[%swap3A_131, %swap3A_132] {strides = array<i32>} : memref<80x128xi32, #tpu.memory_space<vmem>>, vector<1x16xi32>,
        %swap3A_134 = vector.shape_cast %swap3A_133 : vector<1x16xi32> to vector<16xi32>
        %swap3A_135 = vector.shape_cast %add3A_130 : vector<16xi32> to vector<1x16xi32>
        tpu.vector_store %arg10[%swap3A_131, %swap3A_132], %swap3A_135 {strides = array<i32>} : memref<80x128xi32, #tpu.memory_space<vmem>>, vector<1x16xi32>,
        %get3A_136 = arith.index_cast %scan3A_63 : i32 to index
        %get3A_137 = arith.constant 80 : index
        %get3A_138 = tpu.vector_load %arg8[%get3A_136, %get3A_137] {strides = array<i32>} : memref<80x128xi32, #tpu.memory_space<vmem>>, vector<1x16xi32>,
        %get3A_139 = vector.shape_cast %get3A_138 : vector<1x16xi32> to vector<16xi32>
        %mul3A_140 = arith.constant 4 : i32
        %mul3A_141 = vector.broadcast %mul3A_140 : i32 to vector<16xi32>
        %mul3A_142 = arith.muli %get3A_139, %mul3A_141 : vector<16xi32>
        %add3A_143 = arith.constant 0 : i32
        %add3A_144 = vector.broadcast %add3A_143 : i32 to vector<16xi32>
        %add3A_145 = arith.addi %mul3A_142, %add3A_144 : vector<16xi32>
        %swap3A_146 = arith.index_cast %scan3A_63 : i32 to index
        %swap3A_147 = arith.constant 80 : index
        %swap3A_148 = tpu.vector_load %arg10[%swap3A_146, %swap3A_147] {strides = array<i32>} : memref<80x128xi32, #tpu.memory_space<vmem>>, vector<1x16xi32>,
        %swap3A_149 = vector.shape_cast %swap3A_148 : vector<1x16xi32> to vector<16xi32>
        %swap3A_150 = vector.shape_cast %add3A_145 : vector<16xi32> to vector<1x16xi32>
        tpu.vector_store %arg10[%swap3A_146, %swap3A_147], %swap3A_150 {strides = array<i32>} : memref<80x128xi32, #tpu.memory_space<vmem>>, vector<1x16xi32>,
        %get3A_151 = arith.index_cast %scan3A_63 : i32 to index
        %get3A_152 = arith.constant 96 : index
        %get3A_153 = tpu.vector_load %arg8[%get3A_151, %get3A_152] {strides = array<i32>} : memref<80x128xi32, #tpu.memory_space<vmem>>, vector<1x16xi32>,
        %get3A_154 = vector.shape_cast %get3A_153 : vector<1x16xi32> to vector<16xi32>
        %mul3A_155 = arith.constant 4 : i32
        %mul3A_156 = vector.broadcast %mul3A_155 : i32 to vector<16xi32>
        %mul3A_157 = arith.muli %get3A_154, %mul3A_156 : vector<16xi32>
        %add3A_158 = arith.constant 0 : i32
        %add3A_159 = vector.broadcast %add3A_158 : i32 to vector<16xi32>
        %add3A_160 = arith.addi %mul3A_157, %add3A_159 : vector<16xi32>
        %swap3A_161 = arith.index_cast %scan3A_63 : i32 to index
        %swap3A_162 = arith.constant 96 : index
        %swap3A_163 = tpu.vector_load %arg10[%swap3A_161, %swap3A_162] {strides = array<i32>} : memref<80x128xi32, #tpu.memory_space<vmem>>, vector<1x16xi32>,
        %swap3A_164 = vector.shape_cast %swap3A_163 : vector<1x16xi32> to vector<16xi32>
        %swap3A_165 = vector.shape_cast %add3A_160 : vector<16xi32> to vector<1x16xi32>
        tpu.vector_store %arg10[%swap3A_161, %swap3A_162], %swap3A_165 {strides = array<i32>} : memref<80x128xi32, #tpu.memory_space<vmem>>, vector<1x16xi32>,
        %get3A_166 = arith.index_cast %scan3A_63 : i32 to index
        %get3A_167 = arith.constant 112 : index
        %get3A_168 = tpu.vector_load %arg8[%get3A_166, %get3A_167] {strides = array<i32>} : memref<80x128xi32, #tpu.memory_space<vmem>>, vector<1x16xi32>,
        %get3A_169 = vector.shape_cast %get3A_168 : vector<1x16xi32> to vector<16xi32>
        %mul3A_170 = arith.constant 4 : i32
        %mul3A_171 = vector.broadcast %mul3A_170 : i32 to vector<16xi32>
        %mul3A_172 = arith.muli %get3A_169, %mul3A_171 : vector<16xi32>
        %add3A_173 = arith.constant 0 : i32
        %add3A_174 = vector.broadcast %add3A_173 : i32 to vector<16xi32>
        %add3A_175 = arith.addi %mul3A_172, %add3A_174 : vector<16xi32>
        %swap3A_176 = arith.index_cast %scan3A_63 : i32 to index
        %swap3A_177 = arith.constant 112 : index
        %swap3A_178 = tpu.vector_load %arg10[%swap3A_176, %swap3A_177] {strides = array<i32>} : memref<80x128xi32, #tpu.memory_space<vmem>>, vector<1x16xi32>,
        %swap3A_179 = vector.shape_cast %swap3A_178 : vector<1x16xi32> to vector<16xi32>
        %swap3A_180 = vector.shape_cast %add3A_175 : vector<16xi32> to vector<1x16xi32>
        tpu.vector_store %arg10[%swap3A_176, %swap3A_177], %swap3A_180 {strides = array<i32>} : memref<80x128xi32, #tpu.memory_space<vmem>>, vector<1x16xi32>,
      }
      %scan3A_42 = arith.constant 80 : i32
      "tpu.region"() ({
        %run_scoped3A = tpu.sem_alloc : memref<!tpu.dma_semaphore, #tpu.memory_space<semaphore_mem>>
        %dma_start3A_63 = arith.constant 0 : i32
        %dma_start3A_64 = tpu.memref_slice %arg13[%mul3A_0, %dma_start3A_63] : memref<40960x32xf32, #tpu.memory_space<vmem_shared>> -> memref<2560x32xf32, #tpu.memory_space<vmem_shared>>
        tpu.enqueue_dma source(%arg5 : memref<2560x32xf32, #tpu.memory_space<hbm>>) target(%dma_start3A_64 : memref<2560x32xf32, #tpu.memory_space<vmem_shared>>) target_semaphore(%run_scoped3A : memref<!tpu.dma_semaphore, #tpu.memory_space<semaphore_mem>>)
        %dma_wait3A_65 = arith.constant 0 : i32
        %dma_wait3A_66 = tpu.memref_slice %arg13[%mul3A_0, %dma_wait3A_65] : memref<40960x32xf32, #tpu.memory_space<vmem_shared>> -> memref<2560x32xf32, #tpu.memory_space<vmem_shared>>
        tpu.wait_dma2 semaphore(%run_scoped3A : memref<!tpu.dma_semaphore, #tpu.memory_space<semaphore_mem>>) src(%arg5 : memref<2560x32xf32, #tpu.memory_space<hbm>>) dst(%dma_wait3A_66 : memref<2560x32xf32, #tpu.memory_space<vmem_shared>>)
        tpu.yield
      }) : () -> ()
      %barrier3A = arith.constant 0 : index
      tpu.barrier barrier_id(%barrier3A)
      %dma_start3A = arith.constant 0 : i32
      %dma_start3A_43 = arith.constant 0 : i32
      %dma_start3A_44 = tpu.memref_slice %arg10[%dma_start3A, %dma_start3A_43] : memref<80x128xi32, #tpu.memory_space<vmem>> -> memref<1x128xi32, #tpu.memory_space<vmem>>
      %dma_start3A_45 = tpu.memref_squeeze %dma_start3A_44 : memref<1x128xi32, #tpu.memory_space<vmem>> -> memref<128xi32, #tpu.memory_space<vmem>>
      %dma_start3A_46 = arith.constant 0 : i32
      %dma_start3A_47 = arith.constant 0 : i32
      %dma_start3A_48 = tpu.memref_slice %arg2[%dma_start3A_46, %dma_start3A_47] : memref<40000x32xf32, #tpu.memory_space<hbm>> -> memref<40000x32xf32, #tpu.memory_space<hbm>>
      tpu.enqueue_indirect_dma source(%dma_start3A_48 : memref<40000x32xf32, #tpu.memory_space<hbm>>) target(%arg11 : memref<128x32xf32, #tpu.memory_space<vmem>>) offsets(%dma_start3A_45 : memref<128xi32, #tpu.memory_space<vmem>>) semaphore(%arg14 : memref<!tpu.dma_semaphore, #tpu.memory_space<semaphore_mem>>)
      %scan3A_49 = arith.constant 0 : i32
      %scan3A_50 = arith.constant 0 : i32
      %scan3A_51 = arith.constant 40 : i32
      %scan3A_52 = arith.addi %scan3A_50, %scan3A_51 : i32
      %scan3A_53 = arith.constant 1 : i32
      scf.for %scan3A_63 = %scan3A_50 to %scan3A_52 step %scan3A_53  : i32 {
        %mul3A_64 = arith.constant 2 : i32
        %mul3A_65 = arith.muli %mul3A_64, %scan3A_63 : i32
        %add3A = arith.constant 1 : i32
        %add3A_66 = arith.addi %mul3A_65, %add3A : i32
        %add3A_67 = arith.constant 2 : i32
        %add3A_68 = arith.addi %mul3A_65, %add3A_67 : i32
        %min3A = arith.constant 79 : i32
        %min3A_69 = arith.minsi %add3A_68, %min3A : i32
        %dma_wait3A_70 = arith.constant 0 : i32
        %dma_wait3A_71 = tpu.memref_slice %arg10[%mul3A_65, %dma_wait3A_70] : memref<80x128xi32, #tpu.memory_space<vmem>> -> memref<1x128xi32, #tpu.memory_space<vmem>>
        %dma_wait3A_72 = tpu.memref_squeeze %dma_wait3A_71 : memref<1x128xi32, #tpu.memory_space<vmem>> -> memref<128xi32, #tpu.memory_space<vmem>>
        %dma_wait3A_73 = arith.constant 0 : i32
        %dma_wait3A_74 = arith.constant 0 : i32
        %dma_wait3A_75 = tpu.memref_slice %arg2[%dma_wait3A_73, %dma_wait3A_74] : memref<40000x32xf32, #tpu.memory_space<hbm>> -> memref<40000x32xf32, #tpu.memory_space<hbm>>
        tpu.wait_indirect_dma semaphore(%arg14 : memref<!tpu.dma_semaphore, #tpu.memory_space<semaphore_mem>>) src(%dma_wait3A_75 : memref<40000x32xf32, #tpu.memory_space<hbm>>) dst(%arg11 : memref<128x32xf32, #tpu.memory_space<vmem>>)
        %dma_start3A_76 = arith.constant 0 : i32
        %dma_start3A_77 = tpu.memref_slice %arg10[%add3A_66, %dma_start3A_76] : memref<80x128xi32, #tpu.memory_space<vmem>> -> memref<1x128xi32, #tpu.memory_space<vmem>>
        %dma_start3A_78 = tpu.memref_squeeze %dma_start3A_77 : memref<1x128xi32, #tpu.memory_space<vmem>> -> memref<128xi32, #tpu.memory_space<vmem>>
        %dma_start3A_79 = arith.constant 0 : i32
        %dma_start3A_80 = arith.constant 0 : i32
        %dma_start3A_81 = tpu.memref_slice %arg2[%dma_start3A_79, %dma_start3A_80] : memref<40000x32xf32, #tpu.memory_space<hbm>> -> memref<40000x32xf32, #tpu.memory_space<hbm>>
        tpu.enqueue_indirect_dma source(%dma_start3A_81 : memref<40000x32xf32, #tpu.memory_space<hbm>>) target(%arg12 : memref<128x32xf32, #tpu.memory_space<vmem>>) offsets(%dma_start3A_78 : memref<128xi32, #tpu.memory_space<vmem>>) semaphore(%arg14 : memref<!tpu.dma_semaphore, #tpu.memory_space<semaphore_mem>>)
        "tpu.region"() ({
          %run_scoped3A = tpu.sem_alloc : memref<!tpu.dma_semaphore, #tpu.memory_space<semaphore_mem>>
          %dma_start3A_94 = arith.constant 0 : i32
          %dma_start3A_95 = tpu.memref_slice %arg9[%mul3A_65, %dma_start3A_94] : memref<80x128xi32, #tpu.memory_space<vmem>> -> memref<1x128xi32, #tpu.memory_space<vmem>>
          %dma_start3A_96 = tpu.memref_squeeze %dma_start3A_95 : memref<1x128xi32, #tpu.memory_space<vmem>> -> memref<128xi32, #tpu.memory_space<vmem>>
          %dma_start3A_97 = arith.constant 0 : i32
          %dma_start3A_98 = arith.constant 0 : i32
          %dma_start3A_99 = tpu.memref_slice %arg13[%dma_start3A_97, %dma_start3A_98] : memref<40960x32xf32, #tpu.memory_space<vmem_shared>> -> memref<40960x32xf32, #tpu.memory_space<vmem_shared>>
          tpu.enqueue_indirect_dma source(%arg11 : memref<128x32xf32, #tpu.memory_space<vmem>>) target(%dma_start3A_99 : memref<40960x32xf32, #tpu.memory_space<vmem_shared>>) offsets(%dma_start3A_96 : memref<128xi32, #tpu.memory_space<vmem>>) semaphore(%run_scoped3A : memref<!tpu.dma_semaphore, #tpu.memory_space<semaphore_mem>>) {add = true}
          %dma_wait3A_100 = arith.constant 0 : i32
          %dma_wait3A_101 = tpu.memref_slice %arg9[%mul3A_65, %dma_wait3A_100] : memref<80x128xi32, #tpu.memory_space<vmem>> -> memref<1x128xi32, #tpu.memory_space<vmem>>
          %dma_wait3A_102 = tpu.memref_squeeze %dma_wait3A_101 : memref<1x128xi32, #tpu.memory_space<vmem>> -> memref<128xi32, #tpu.memory_space<vmem>>
          %dma_wait3A_103 = arith.constant 0 : i32
          %dma_wait3A_104 = arith.constant 0 : i32
          %dma_wait3A_105 = tpu.memref_slice %arg13[%dma_wait3A_103, %dma_wait3A_104] : memref<40960x32xf32, #tpu.memory_space<vmem_shared>> -> memref<40960x32xf32, #tpu.memory_space<vmem_shared>>
          tpu.wait_indirect_dma semaphore(%run_scoped3A : memref<!tpu.dma_semaphore, #tpu.memory_space<semaphore_mem>>) src(%arg11 : memref<128x32xf32, #tpu.memory_space<vmem>>) dst(%dma_wait3A_105 : memref<40960x32xf32, #tpu.memory_space<vmem_shared>>)
          tpu.yield
        }) : () -> ()
        %dma_wait3A_82 = arith.constant 0 : i32
        %dma_wait3A_83 = tpu.memref_slice %arg10[%add3A_66, %dma_wait3A_82] : memref<80x128xi32, #tpu.memory_space<vmem>> -> memref<1x128xi32, #tpu.memory_space<vmem>>
        %dma_wait3A_84 = tpu.memref_squeeze %dma_wait3A_83 : memref<1x128xi32, #tpu.memory_space<vmem>> -> memref<128xi32, #tpu.memory_space<vmem>>
        %dma_wait3A_85 = arith.constant 0 : i32
        %dma_wait3A_86 = arith.constant 0 : i32
        %dma_wait3A_87 = tpu.memref_slice %arg2[%dma_wait3A_85, %dma_wait3A_86] : memref<40000x32xf32, #tpu.memory_space<hbm>> -> memref<40000x32xf32, #tpu.memory_space<hbm>>
        tpu.wait_indirect_dma semaphore(%arg14 : memref<!tpu.dma_semaphore, #tpu.memory_space<semaphore_mem>>) src(%dma_wait3A_87 : memref<40000x32xf32, #tpu.memory_space<hbm>>) dst(%arg12 : memref<128x32xf32, #tpu.memory_space<vmem>>)
        %dma_start3A_88 = arith.constant 0 : i32
        %dma_start3A_89 = tpu.memref_slice %arg10[%min3A_69, %dma_start3A_88] : memref<80x128xi32, #tpu.memory_space<vmem>> -> memref<1x128xi32, #tpu.memory_space<vmem>>
        %dma_start3A_90 = tpu.memref_squeeze %dma_start3A_89 : memref<1x128xi32, #tpu.memory_space<vmem>> -> memref<128xi32, #tpu.memory_space<vmem>>
        %dma_start3A_91 = arith.constant 0 : i32
        %dma_start3A_92 = arith.constant 0 : i32
        %dma_start3A_93 = tpu.memref_slice %arg2[%dma_start3A_91, %dma_start3A_92] : memref<40000x32xf32, #tpu.memory_space<hbm>> -> memref<40000x32xf32, #tpu.memory_space<hbm>>
        tpu.enqueue_indirect_dma source(%dma_start3A_93 : memref<40000x32xf32, #tpu.memory_space<hbm>>) target(%arg11 : memref<128x32xf32, #tpu.memory_space<vmem>>) offsets(%dma_start3A_90 : memref<128xi32, #tpu.memory_space<vmem>>) semaphore(%arg14 : memref<!tpu.dma_semaphore, #tpu.memory_space<semaphore_mem>>)
        "tpu.region"() ({
          %run_scoped3A = tpu.sem_alloc : memref<!tpu.dma_semaphore, #tpu.memory_space<semaphore_mem>>
          %dma_start3A_94 = arith.constant 0 : i32
          %dma_start3A_95 = tpu.memref_slice %arg9[%add3A_66, %dma_start3A_94] : memref<80x128xi32, #tpu.memory_space<vmem>> -> memref<1x128xi32, #tpu.memory_space<vmem>>
          %dma_start3A_96 = tpu.memref_squeeze %dma_start3A_95 : memref<1x128xi32, #tpu.memory_space<vmem>> -> memref<128xi32, #tpu.memory_space<vmem>>
          %dma_start3A_97 = arith.constant 0 : i32
          %dma_start3A_98 = arith.constant 0 : i32
          %dma_start3A_99 = tpu.memref_slice %arg13[%dma_start3A_97, %dma_start3A_98] : memref<40960x32xf32, #tpu.memory_space<vmem_shared>> -> memref<40960x32xf32, #tpu.memory_space<vmem_shared>>
          tpu.enqueue_indirect_dma source(%arg12 : memref<128x32xf32, #tpu.memory_space<vmem>>) target(%dma_start3A_99 : memref<40960x32xf32, #tpu.memory_space<vmem_shared>>) offsets(%dma_start3A_96 : memref<128xi32, #tpu.memory_space<vmem>>) semaphore(%run_scoped3A : memref<!tpu.dma_semaphore, #tpu.memory_space<semaphore_mem>>) {add = true}
          %dma_wait3A_100 = arith.constant 0 : i32
          %dma_wait3A_101 = tpu.memref_slice %arg9[%add3A_66, %dma_wait3A_100] : memref<80x128xi32, #tpu.memory_space<vmem>> -> memref<1x128xi32, #tpu.memory_space<vmem>>
          %dma_wait3A_102 = tpu.memref_squeeze %dma_wait3A_101 : memref<1x128xi32, #tpu.memory_space<vmem>> -> memref<128xi32, #tpu.memory_space<vmem>>
          %dma_wait3A_103 = arith.constant 0 : i32
          %dma_wait3A_104 = arith.constant 0 : i32
          %dma_wait3A_105 = tpu.memref_slice %arg13[%dma_wait3A_103, %dma_wait3A_104] : memref<40960x32xf32, #tpu.memory_space<vmem_shared>> -> memref<40960x32xf32, #tpu.memory_space<vmem_shared>>
          tpu.wait_indirect_dma semaphore(%run_scoped3A : memref<!tpu.dma_semaphore, #tpu.memory_space<semaphore_mem>>) src(%arg12 : memref<128x32xf32, #tpu.memory_space<vmem>>) dst(%dma_wait3A_105 : memref<40960x32xf32, #tpu.memory_space<vmem_shared>>)
          tpu.yield
        }) : () -> ()
      }
      %scan3A_54 = arith.constant 40 : i32
      %dma_wait3A = arith.constant 79 : i32
      %dma_wait3A_55 = arith.constant 0 : i32
      %dma_wait3A_56 = tpu.memref_slice %arg10[%dma_wait3A, %dma_wait3A_55] : memref<80x128xi32, #tpu.memory_space<vmem>> -> memref<1x128xi32, #tpu.memory_space<vmem>>
      %dma_wait3A_57 = tpu.memref_squeeze %dma_wait3A_56 : memref<1x128xi32, #tpu.memory_space<vmem>> -> memref<128xi32, #tpu.memory_space<vmem>>
      %dma_wait3A_58 = arith.constant 0 : i32
      %dma_wait3A_59 = arith.constant 0 : i32
      %dma_wait3A_60 = tpu.memref_slice %arg2[%dma_wait3A_58, %dma_wait3A_59] : memref<40000x32xf32, #tpu.memory_space<hbm>> -> memref<40000x32xf32, #tpu.memory_space<hbm>>
      tpu.wait_indirect_dma semaphore(%arg14 : memref<!tpu.dma_semaphore, #tpu.memory_space<semaphore_mem>>) src(%dma_wait3A_60 : memref<40000x32xf32, #tpu.memory_space<hbm>>) dst(%arg11 : memref<128x32xf32, #tpu.memory_space<vmem>>)
      %barrier3A_61 = arith.constant 0 : index
      tpu.barrier barrier_id(%barrier3A_61)
      "tpu.region"() ({
        %run_scoped3A = tpu.sem_alloc : memref<!tpu.dma_semaphore, #tpu.memory_space<semaphore_mem>>
        %dma_start3A_63 = arith.constant 0 : i32
        %dma_start3A_64 = tpu.memref_slice %arg6[%mul3A_0, %dma_start3A_63] : memref<40960x128xf32, #tpu.memory_space<hbm>> -> memref<2560x32xf32, #tpu.memory_space<hbm>>
        %dma_start3A_65 = arith.constant 0 : i32
        %dma_start3A_66 = tpu.memref_slice %arg13[%mul3A_0, %dma_start3A_65] : memref<40960x32xf32, #tpu.memory_space<vmem_shared>> -> memref<2560x32xf32, #tpu.memory_space<vmem_shared>>
        tpu.enqueue_dma source(%dma_start3A_66 : memref<2560x32xf32, #tpu.memory_space<vmem_shared>>) target(%dma_start3A_64 : memref<2560x32xf32, #tpu.memory_space<hbm>>) target_semaphore(%run_scoped3A : memref<!tpu.dma_semaphore, #tpu.memory_space<semaphore_mem>>)
        %dma_wait3A_67 = arith.constant 0 : i32
        %dma_wait3A_68 = tpu.memref_slice %arg6[%mul3A_0, %dma_wait3A_67] : memref<40960x128xf32, #tpu.memory_space<hbm>> -> memref<2560x32xf32, #tpu.memory_space<hbm>>
        %dma_wait3A_69 = arith.constant 0 : i32
        %dma_wait3A_70 = tpu.memref_slice %arg13[%mul3A_0, %dma_wait3A_69] : memref<40960x32xf32, #tpu.memory_space<vmem_shared>> -> memref<2560x32xf32, #tpu.memory_space<vmem_shared>>
        tpu.wait_dma2 semaphore(%run_scoped3A : memref<!tpu.dma_semaphore, #tpu.memory_space<semaphore_mem>>) src(%dma_wait3A_70 : memref<2560x32xf32, #tpu.memory_space<vmem_shared>>) dst(%dma_wait3A_68 : memref<2560x32xf32, #tpu.memory_space<hbm>>)
        tpu.yield
      }) : () -> ()
      %barrier3A_62 = arith.constant 0 : index
      tpu.barrier barrier_id(%barrier3A_62)
    } else {
    }
    %eq3A_12 = arith.constant 1 : i32
    %eq3A_13 = arith.cmpi eq, %arg0, %eq3A_12 : i32
    %convert_element_type3A_14 = arith.extui %eq3A_13 : i1 to i32
    %cond3A_15 = arith.constant 0 : i32
    %cond3A_16 = arith.cmpi ne, %convert_element_type3A_14, %cond3A_15 : i32
    scf.if %cond3A_16 {
      %scan3A_37 = arith.constant 0 : i32
      %scan3A_38 = arith.constant 0 : i32
      %scan3A_39 = arith.constant 80 : i32
      %scan3A_40 = arith.addi %scan3A_38, %scan3A_39 : i32
      %scan3A_41 = arith.constant 1 : i32
      scf.for %scan3A_63 = %scan3A_38 to %scan3A_40 step %scan3A_41  : i32 {
        %get3A = arith.index_cast %scan3A_63 : i32 to index
        %get3A_64 = arith.constant 0 : index
        %get3A_65 = tpu.vector_load %arg8[%get3A, %get3A_64] {strides = array<i32>} : memref<80x128xi32, #tpu.memory_space<vmem>>, vector<1x16xi32>,
        %get3A_66 = vector.shape_cast %get3A_65 : vector<1x16xi32> to vector<16xi32>
        %mul3A_67 = arith.constant 4 : i32
        %mul3A_68 = vector.broadcast %mul3A_67 : i32 to vector<16xi32>
        %mul3A_69 = arith.muli %get3A_66, %mul3A_68 : vector<16xi32>
        %add3A = arith.constant 1 : i32
        %add3A_70 = vector.broadcast %add3A : i32 to vector<16xi32>
        %add3A_71 = arith.addi %mul3A_69, %add3A_70 : vector<16xi32>
        %swap3A = arith.index_cast %scan3A_63 : i32 to index
        %swap3A_72 = arith.constant 0 : index
        %swap3A_73 = tpu.vector_load %arg10[%swap3A, %swap3A_72] {strides = array<i32>} : memref<80x128xi32, #tpu.memory_space<vmem>>, vector<1x16xi32>,
        %swap3A_74 = vector.shape_cast %swap3A_73 : vector<1x16xi32> to vector<16xi32>
        %swap3A_75 = vector.shape_cast %add3A_71 : vector<16xi32> to vector<1x16xi32>
        tpu.vector_store %arg10[%swap3A, %swap3A_72], %swap3A_75 {strides = array<i32>} : memref<80x128xi32, #tpu.memory_space<vmem>>, vector<1x16xi32>,
        %get3A_76 = arith.index_cast %scan3A_63 : i32 to index
        %get3A_77 = arith.constant 16 : index
        %get3A_78 = tpu.vector_load %arg8[%get3A_76, %get3A_77] {strides = array<i32>} : memref<80x128xi32, #tpu.memory_space<vmem>>, vector<1x16xi32>,
        %get3A_79 = vector.shape_cast %get3A_78 : vector<1x16xi32> to vector<16xi32>
        %mul3A_80 = arith.constant 4 : i32
        %mul3A_81 = vector.broadcast %mul3A_80 : i32 to vector<16xi32>
        %mul3A_82 = arith.muli %get3A_79, %mul3A_81 : vector<16xi32>
        %add3A_83 = arith.constant 1 : i32
        %add3A_84 = vector.broadcast %add3A_83 : i32 to vector<16xi32>
        %add3A_85 = arith.addi %mul3A_82, %add3A_84 : vector<16xi32>
        %swap3A_86 = arith.index_cast %scan3A_63 : i32 to index
        %swap3A_87 = arith.constant 16 : index
        %swap3A_88 = tpu.vector_load %arg10[%swap3A_86, %swap3A_87] {strides = array<i32>} : memref<80x128xi32, #tpu.memory_space<vmem>>, vector<1x16xi32>,
        %swap3A_89 = vector.shape_cast %swap3A_88 : vector<1x16xi32> to vector<16xi32>
        %swap3A_90 = vector.shape_cast %add3A_85 : vector<16xi32> to vector<1x16xi32>
        tpu.vector_store %arg10[%swap3A_86, %swap3A_87], %swap3A_90 {strides = array<i32>} : memref<80x128xi32, #tpu.memory_space<vmem>>, vector<1x16xi32>,
        %get3A_91 = arith.index_cast %scan3A_63 : i32 to index
        %get3A_92 = arith.constant 32 : index
        %get3A_93 = tpu.vector_load %arg8[%get3A_91, %get3A_92] {strides = array<i32>} : memref<80x128xi32, #tpu.memory_space<vmem>>, vector<1x16xi32>,
        %get3A_94 = vector.shape_cast %get3A_93 : vector<1x16xi32> to vector<16xi32>
        %mul3A_95 = arith.constant 4 : i32
        %mul3A_96 = vector.broadcast %mul3A_95 : i32 to vector<16xi32>
        %mul3A_97 = arith.muli %get3A_94, %mul3A_96 : vector<16xi32>
        %add3A_98 = arith.constant 1 : i32
        %add3A_99 = vector.broadcast %add3A_98 : i32 to vector<16xi32>
        %add3A_100 = arith.addi %mul3A_97, %add3A_99 : vector<16xi32>
        %swap3A_101 = arith.index_cast %scan3A_63 : i32 to index
        %swap3A_102 = arith.constant 32 : index
        %swap3A_103 = tpu.vector_load %arg10[%swap3A_101, %swap3A_102] {strides = array<i32>} : memref<80x128xi32, #tpu.memory_space<vmem>>, vector<1x16xi32>,
        %swap3A_104 = vector.shape_cast %swap3A_103 : vector<1x16xi32> to vector<16xi32>
        %swap3A_105 = vector.shape_cast %add3A_100 : vector<16xi32> to vector<1x16xi32>
        tpu.vector_store %arg10[%swap3A_101, %swap3A_102], %swap3A_105 {strides = array<i32>} : memref<80x128xi32, #tpu.memory_space<vmem>>, vector<1x16xi32>,
        %get3A_106 = arith.index_cast %scan3A_63 : i32 to index
        %get3A_107 = arith.constant 48 : index
        %get3A_108 = tpu.vector_load %arg8[%get3A_106, %get3A_107] {strides = array<i32>} : memref<80x128xi32, #tpu.memory_space<vmem>>, vector<1x16xi32>,
        %get3A_109 = vector.shape_cast %get3A_108 : vector<1x16xi32> to vector<16xi32>
        %mul3A_110 = arith.constant 4 : i32
        %mul3A_111 = vector.broadcast %mul3A_110 : i32 to vector<16xi32>
        %mul3A_112 = arith.muli %get3A_109, %mul3A_111 : vector<16xi32>
        %add3A_113 = arith.constant 1 : i32
        %add3A_114 = vector.broadcast %add3A_113 : i32 to vector<16xi32>
        %add3A_115 = arith.addi %mul3A_112, %add3A_114 : vector<16xi32>
        %swap3A_116 = arith.index_cast %scan3A_63 : i32 to index
        %swap3A_117 = arith.constant 48 : index
        %swap3A_118 = tpu.vector_load %arg10[%swap3A_116, %swap3A_117] {strides = array<i32>} : memref<80x128xi32, #tpu.memory_space<vmem>>, vector<1x16xi32>,
        %swap3A_119 = vector.shape_cast %swap3A_118 : vector<1x16xi32> to vector<16xi32>
        %swap3A_120 = vector.shape_cast %add3A_115 : vector<16xi32> to vector<1x16xi32>
        tpu.vector_store %arg10[%swap3A_116, %swap3A_117], %swap3A_120 {strides = array<i32>} : memref<80x128xi32, #tpu.memory_space<vmem>>, vector<1x16xi32>,
        %get3A_121 = arith.index_cast %scan3A_63 : i32 to index
        %get3A_122 = arith.constant 64 : index
        %get3A_123 = tpu.vector_load %arg8[%get3A_121, %get3A_122] {strides = array<i32>} : memref<80x128xi32, #tpu.memory_space<vmem>>, vector<1x16xi32>,
        %get3A_124 = vector.shape_cast %get3A_123 : vector<1x16xi32> to vector<16xi32>
        %mul3A_125 = arith.constant 4 : i32
        %mul3A_126 = vector.broadcast %mul3A_125 : i32 to vector<16xi32>
        %mul3A_127 = arith.muli %get3A_124, %mul3A_126 : vector<16xi32>
        %add3A_128 = arith.constant 1 : i32
        %add3A_129 = vector.broadcast %add3A_128 : i32 to vector<16xi32>
        %add3A_130 = arith.addi %mul3A_127, %add3A_129 : vector<16xi32>
        %swap3A_131 = arith.index_cast %scan3A_63 : i32 to index
        %swap3A_132 = arith.constant 64 : index
        %swap3A_133 = tpu.vector_load %arg10[%swap3A_131, %swap3A_132] {strides = array<i32>} : memref<80x128xi32, #tpu.memory_space<vmem>>, vector<1x16xi32>,
        %swap3A_134 = vector.shape_cast %swap3A_133 : vector<1x16xi32> to vector<16xi32>
        %swap3A_135 = vector.shape_cast %add3A_130 : vector<16xi32> to vector<1x16xi32>
        tpu.vector_store %arg10[%swap3A_131, %swap3A_132], %swap3A_135 {strides = array<i32>} : memref<80x128xi32, #tpu.memory_space<vmem>>, vector<1x16xi32>,
        %get3A_136 = arith.index_cast %scan3A_63 : i32 to index
        %get3A_137 = arith.constant 80 : index
        %get3A_138 = tpu.vector_load %arg8[%get3A_136, %get3A_137] {strides = array<i32>} : memref<80x128xi32, #tpu.memory_space<vmem>>, vector<1x16xi32>,
        %get3A_139 = vector.shape_cast %get3A_138 : vector<1x16xi32> to vector<16xi32>
        %mul3A_140 = arith.constant 4 : i32
        %mul3A_141 = vector.broadcast %mul3A_140 : i32 to vector<16xi32>
        %mul3A_142 = arith.muli %get3A_139, %mul3A_141 : vector<16xi32>
        %add3A_143 = arith.constant 1 : i32
        %add3A_144 = vector.broadcast %add3A_143 : i32 to vector<16xi32>
        %add3A_145 = arith.addi %mul3A_142, %add3A_144 : vector<16xi32>
        %swap3A_146 = arith.index_cast %scan3A_63 : i32 to index
        %swap3A_147 = arith.constant 80 : index
        %swap3A_148 = tpu.vector_load %arg10[%swap3A_146, %swap3A_147] {strides = array<i32>} : memref<80x128xi32, #tpu.memory_space<vmem>>, vector<1x16xi32>,
        %swap3A_149 = vector.shape_cast %swap3A_148 : vector<1x16xi32> to vector<16xi32>
        %swap3A_150 = vector.shape_cast %add3A_145 : vector<16xi32> to vector<1x16xi32>
        tpu.vector_store %arg10[%swap3A_146, %swap3A_147], %swap3A_150 {strides = array<i32>} : memref<80x128xi32, #tpu.memory_space<vmem>>, vector<1x16xi32>,
        %get3A_151 = arith.index_cast %scan3A_63 : i32 to index
        %get3A_152 = arith.constant 96 : index
        %get3A_153 = tpu.vector_load %arg8[%get3A_151, %get3A_152] {strides = array<i32>} : memref<80x128xi32, #tpu.memory_space<vmem>>, vector<1x16xi32>,
        %get3A_154 = vector.shape_cast %get3A_153 : vector<1x16xi32> to vector<16xi32>
        %mul3A_155 = arith.constant 4 : i32
        %mul3A_156 = vector.broadcast %mul3A_155 : i32 to vector<16xi32>
        %mul3A_157 = arith.muli %get3A_154, %mul3A_156 : vector<16xi32>
        %add3A_158 = arith.constant 1 : i32
        %add3A_159 = vector.broadcast %add3A_158 : i32 to vector<16xi32>
        %add3A_160 = arith.addi %mul3A_157, %add3A_159 : vector<16xi32>
        %swap3A_161 = arith.index_cast %scan3A_63 : i32 to index
        %swap3A_162 = arith.constant 96 : index
        %swap3A_163 = tpu.vector_load %arg10[%swap3A_161, %swap3A_162] {strides = array<i32>} : memref<80x128xi32, #tpu.memory_space<vmem>>, vector<1x16xi32>,
        %swap3A_164 = vector.shape_cast %swap3A_163 : vector<1x16xi32> to vector<16xi32>
        %swap3A_165 = vector.shape_cast %add3A_160 : vector<16xi32> to vector<1x16xi32>
        tpu.vector_store %arg10[%swap3A_161, %swap3A_162], %swap3A_165 {strides = array<i32>} : memref<80x128xi32, #tpu.memory_space<vmem>>, vector<1x16xi32>,
        %get3A_166 = arith.index_cast %scan3A_63 : i32 to index
        %get3A_167 = arith.constant 112 : index
        %get3A_168 = tpu.vector_load %arg8[%get3A_166, %get3A_167] {strides = array<i32>} : memref<80x128xi32, #tpu.memory_space<vmem>>, vector<1x16xi32>,
        %get3A_169 = vector.shape_cast %get3A_168 : vector<1x16xi32> to vector<16xi32>
        %mul3A_170 = arith.constant 4 : i32
        %mul3A_171 = vector.broadcast %mul3A_170 : i32 to vector<16xi32>
        %mul3A_172 = arith.muli %get3A_169, %mul3A_171 : vector<16xi32>
        %add3A_173 = arith.constant 1 : i32
        %add3A_174 = vector.broadcast %add3A_173 : i32 to vector<16xi32>
        %add3A_175 = arith.addi %mul3A_172, %add3A_174 : vector<16xi32>
        %swap3A_176 = arith.index_cast %scan3A_63 : i32 to index
        %swap3A_177 = arith.constant 112 : index
        %swap3A_178 = tpu.vector_load %arg10[%swap3A_176, %swap3A_177] {strides = array<i32>} : memref<80x128xi32, #tpu.memory_space<vmem>>, vector<1x16xi32>,
        %swap3A_179 = vector.shape_cast %swap3A_178 : vector<1x16xi32> to vector<16xi32>
        %swap3A_180 = vector.shape_cast %add3A_175 : vector<16xi32> to vector<1x16xi32>
        tpu.vector_store %arg10[%swap3A_176, %swap3A_177], %swap3A_180 {strides = array<i32>} : memref<80x128xi32, #tpu.memory_space<vmem>>, vector<1x16xi32>,
      }
      %scan3A_42 = arith.constant 80 : i32
      "tpu.region"() ({
        %run_scoped3A = tpu.sem_alloc : memref<!tpu.dma_semaphore, #tpu.memory_space<semaphore_mem>>
        %dma_start3A_63 = arith.constant 0 : i32
        %dma_start3A_64 = tpu.memref_slice %arg13[%mul3A_0, %dma_start3A_63] : memref<40960x32xf32, #tpu.memory_space<vmem_shared>> -> memref<2560x32xf32, #tpu.memory_space<vmem_shared>>
        tpu.enqueue_dma source(%arg5 : memref<2560x32xf32, #tpu.memory_space<hbm>>) target(%dma_start3A_64 : memref<2560x32xf32, #tpu.memory_space<vmem_shared>>) target_semaphore(%run_scoped3A : memref<!tpu.dma_semaphore, #tpu.memory_space<semaphore_mem>>)
        %dma_wait3A_65 = arith.constant 0 : i32
        %dma_wait3A_66 = tpu.memref_slice %arg13[%mul3A_0, %dma_wait3A_65] : memref<40960x32xf32, #tpu.memory_space<vmem_shared>> -> memref<2560x32xf32, #tpu.memory_space<vmem_shared>>
        tpu.wait_dma2 semaphore(%run_scoped3A : memref<!tpu.dma_semaphore, #tpu.memory_space<semaphore_mem>>) src(%arg5 : memref<2560x32xf32, #tpu.memory_space<hbm>>) dst(%dma_wait3A_66 : memref<2560x32xf32, #tpu.memory_space<vmem_shared>>)
        tpu.yield
      }) : () -> ()
      %barrier3A = arith.constant 0 : index
      tpu.barrier barrier_id(%barrier3A)
      %dma_start3A = arith.constant 0 : i32
      %dma_start3A_43 = arith.constant 0 : i32
      %dma_start3A_44 = tpu.memref_slice %arg10[%dma_start3A, %dma_start3A_43] : memref<80x128xi32, #tpu.memory_space<vmem>> -> memref<1x128xi32, #tpu.memory_space<vmem>>
      %dma_start3A_45 = tpu.memref_squeeze %dma_start3A_44 : memref<1x128xi32, #tpu.memory_space<vmem>> -> memref<128xi32, #tpu.memory_space<vmem>>
      %dma_start3A_46 = arith.constant 0 : i32
      %dma_start3A_47 = arith.constant 0 : i32
      %dma_start3A_48 = tpu.memref_slice %arg2[%dma_start3A_46, %dma_start3A_47] : memref<40000x32xf32, #tpu.memory_space<hbm>> -> memref<40000x32xf32, #tpu.memory_space<hbm>>
      tpu.enqueue_indirect_dma source(%dma_start3A_48 : memref<40000x32xf32, #tpu.memory_space<hbm>>) target(%arg11 : memref<128x32xf32, #tpu.memory_space<vmem>>) offsets(%dma_start3A_45 : memref<128xi32, #tpu.memory_space<vmem>>) semaphore(%arg14 : memref<!tpu.dma_semaphore, #tpu.memory_space<semaphore_mem>>)
      %scan3A_49 = arith.constant 0 : i32
      %scan3A_50 = arith.constant 0 : i32
      %scan3A_51 = arith.constant 40 : i32
      %scan3A_52 = arith.addi %scan3A_50, %scan3A_51 : i32
      %scan3A_53 = arith.constant 1 : i32
      scf.for %scan3A_63 = %scan3A_50 to %scan3A_52 step %scan3A_53  : i32 {
        %mul3A_64 = arith.constant 2 : i32
        %mul3A_65 = arith.muli %mul3A_64, %scan3A_63 : i32
        %add3A = arith.constant 1 : i32
        %add3A_66 = arith.addi %mul3A_65, %add3A : i32
        %add3A_67 = arith.constant 2 : i32
        %add3A_68 = arith.addi %mul3A_65, %add3A_67 : i32
        %min3A = arith.constant 79 : i32
        %min3A_69 = arith.minsi %add3A_68, %min3A : i32
        %dma_wait3A_70 = arith.constant 0 : i32
        %dma_wait3A_71 = tpu.memref_slice %arg10[%mul3A_65, %dma_wait3A_70] : memref<80x128xi32, #tpu.memory_space<vmem>> -> memref<1x128xi32, #tpu.memory_space<vmem>>
        %dma_wait3A_72 = tpu.memref_squeeze %dma_wait3A_71 : memref<1x128xi32, #tpu.memory_space<vmem>> -> memref<128xi32, #tpu.memory_space<vmem>>
        %dma_wait3A_73 = arith.constant 0 : i32
        %dma_wait3A_74 = arith.constant 0 : i32
        %dma_wait3A_75 = tpu.memref_slice %arg2[%dma_wait3A_73, %dma_wait3A_74] : memref<40000x32xf32, #tpu.memory_space<hbm>> -> memref<40000x32xf32, #tpu.memory_space<hbm>>
        tpu.wait_indirect_dma semaphore(%arg14 : memref<!tpu.dma_semaphore, #tpu.memory_space<semaphore_mem>>) src(%dma_wait3A_75 : memref<40000x32xf32, #tpu.memory_space<hbm>>) dst(%arg11 : memref<128x32xf32, #tpu.memory_space<vmem>>)
        %dma_start3A_76 = arith.constant 0 : i32
        %dma_start3A_77 = tpu.memref_slice %arg10[%add3A_66, %dma_start3A_76] : memref<80x128xi32, #tpu.memory_space<vmem>> -> memref<1x128xi32, #tpu.memory_space<vmem>>
        %dma_start3A_78 = tpu.memref_squeeze %dma_start3A_77 : memref<1x128xi32, #tpu.memory_space<vmem>> -> memref<128xi32, #tpu.memory_space<vmem>>
        %dma_start3A_79 = arith.constant 0 : i32
        %dma_start3A_80 = arith.constant 0 : i32
        %dma_start3A_81 = tpu.memref_slice %arg2[%dma_start3A_79, %dma_start3A_80] : memref<40000x32xf32, #tpu.memory_space<hbm>> -> memref<40000x32xf32, #tpu.memory_space<hbm>>
        tpu.enqueue_indirect_dma source(%dma_start3A_81 : memref<40000x32xf32, #tpu.memory_space<hbm>>) target(%arg12 : memref<128x32xf32, #tpu.memory_space<vmem>>) offsets(%dma_start3A_78 : memref<128xi32, #tpu.memory_space<vmem>>) semaphore(%arg14 : memref<!tpu.dma_semaphore, #tpu.memory_space<semaphore_mem>>)
        "tpu.region"() ({
          %run_scoped3A = tpu.sem_alloc : memref<!tpu.dma_semaphore, #tpu.memory_space<semaphore_mem>>
          %dma_start3A_94 = arith.constant 0 : i32
          %dma_start3A_95 = tpu.memref_slice %arg9[%mul3A_65, %dma_start3A_94] : memref<80x128xi32, #tpu.memory_space<vmem>> -> memref<1x128xi32, #tpu.memory_space<vmem>>
          %dma_start3A_96 = tpu.memref_squeeze %dma_start3A_95 : memref<1x128xi32, #tpu.memory_space<vmem>> -> memref<128xi32, #tpu.memory_space<vmem>>
          %dma_start3A_97 = arith.constant 0 : i32
          %dma_start3A_98 = arith.constant 0 : i32
          %dma_start3A_99 = tpu.memref_slice %arg13[%dma_start3A_97, %dma_start3A_98] : memref<40960x32xf32, #tpu.memory_space<vmem_shared>> -> memref<40960x32xf32, #tpu.memory_space<vmem_shared>>
          tpu.enqueue_indirect_dma source(%arg11 : memref<128x32xf32, #tpu.memory_space<vmem>>) target(%dma_start3A_99 : memref<40960x32xf32, #tpu.memory_space<vmem_shared>>) offsets(%dma_start3A_96 : memref<128xi32, #tpu.memory_space<vmem>>) semaphore(%run_scoped3A : memref<!tpu.dma_semaphore, #tpu.memory_space<semaphore_mem>>) {add = true}
          %dma_wait3A_100 = arith.constant 0 : i32
          %dma_wait3A_101 = tpu.memref_slice %arg9[%mul3A_65, %dma_wait3A_100] : memref<80x128xi32, #tpu.memory_space<vmem>> -> memref<1x128xi32, #tpu.memory_space<vmem>>
          %dma_wait3A_102 = tpu.memref_squeeze %dma_wait3A_101 : memref<1x128xi32, #tpu.memory_space<vmem>> -> memref<128xi32, #tpu.memory_space<vmem>>
          %dma_wait3A_103 = arith.constant 0 : i32
          %dma_wait3A_104 = arith.constant 0 : i32
          %dma_wait3A_105 = tpu.memref_slice %arg13[%dma_wait3A_103, %dma_wait3A_104] : memref<40960x32xf32, #tpu.memory_space<vmem_shared>> -> memref<40960x32xf32, #tpu.memory_space<vmem_shared>>
          tpu.wait_indirect_dma semaphore(%run_scoped3A : memref<!tpu.dma_semaphore, #tpu.memory_space<semaphore_mem>>) src(%arg11 : memref<128x32xf32, #tpu.memory_space<vmem>>) dst(%dma_wait3A_105 : memref<40960x32xf32, #tpu.memory_space<vmem_shared>>)
          tpu.yield
        }) : () -> ()
        %dma_wait3A_82 = arith.constant 0 : i32
        %dma_wait3A_83 = tpu.memref_slice %arg10[%add3A_66, %dma_wait3A_82] : memref<80x128xi32, #tpu.memory_space<vmem>> -> memref<1x128xi32, #tpu.memory_space<vmem>>
        %dma_wait3A_84 = tpu.memref_squeeze %dma_wait3A_83 : memref<1x128xi32, #tpu.memory_space<vmem>> -> memref<128xi32, #tpu.memory_space<vmem>>
        %dma_wait3A_85 = arith.constant 0 : i32
        %dma_wait3A_86 = arith.constant 0 : i32
        %dma_wait3A_87 = tpu.memref_slice %arg2[%dma_wait3A_85, %dma_wait3A_86] : memref<40000x32xf32, #tpu.memory_space<hbm>> -> memref<40000x32xf32, #tpu.memory_space<hbm>>
        tpu.wait_indirect_dma semaphore(%arg14 : memref<!tpu.dma_semaphore, #tpu.memory_space<semaphore_mem>>) src(%dma_wait3A_87 : memref<40000x32xf32, #tpu.memory_space<hbm>>) dst(%arg12 : memref<128x32xf32, #tpu.memory_space<vmem>>)
        %dma_start3A_88 = arith.constant 0 : i32
        %dma_start3A_89 = tpu.memref_slice %arg10[%min3A_69, %dma_start3A_88] : memref<80x128xi32, #tpu.memory_space<vmem>> -> memref<1x128xi32, #tpu.memory_space<vmem>>
        %dma_start3A_90 = tpu.memref_squeeze %dma_start3A_89 : memref<1x128xi32, #tpu.memory_space<vmem>> -> memref<128xi32, #tpu.memory_space<vmem>>
        %dma_start3A_91 = arith.constant 0 : i32
        %dma_start3A_92 = arith.constant 0 : i32
        %dma_start3A_93 = tpu.memref_slice %arg2[%dma_start3A_91, %dma_start3A_92] : memref<40000x32xf32, #tpu.memory_space<hbm>> -> memref<40000x32xf32, #tpu.memory_space<hbm>>
        tpu.enqueue_indirect_dma source(%dma_start3A_93 : memref<40000x32xf32, #tpu.memory_space<hbm>>) target(%arg11 : memref<128x32xf32, #tpu.memory_space<vmem>>) offsets(%dma_start3A_90 : memref<128xi32, #tpu.memory_space<vmem>>) semaphore(%arg14 : memref<!tpu.dma_semaphore, #tpu.memory_space<semaphore_mem>>)
        "tpu.region"() ({
          %run_scoped3A = tpu.sem_alloc : memref<!tpu.dma_semaphore, #tpu.memory_space<semaphore_mem>>
          %dma_start3A_94 = arith.constant 0 : i32
          %dma_start3A_95 = tpu.memref_slice %arg9[%add3A_66, %dma_start3A_94] : memref<80x128xi32, #tpu.memory_space<vmem>> -> memref<1x128xi32, #tpu.memory_space<vmem>>
          %dma_start3A_96 = tpu.memref_squeeze %dma_start3A_95 : memref<1x128xi32, #tpu.memory_space<vmem>> -> memref<128xi32, #tpu.memory_space<vmem>>
          %dma_start3A_97 = arith.constant 0 : i32
          %dma_start3A_98 = arith.constant 0 : i32
          %dma_start3A_99 = tpu.memref_slice %arg13[%dma_start3A_97, %dma_start3A_98] : memref<40960x32xf32, #tpu.memory_space<vmem_shared>> -> memref<40960x32xf32, #tpu.memory_space<vmem_shared>>
          tpu.enqueue_indirect_dma source(%arg12 : memref<128x32xf32, #tpu.memory_space<vmem>>) target(%dma_start3A_99 : memref<40960x32xf32, #tpu.memory_space<vmem_shared>>) offsets(%dma_start3A_96 : memref<128xi32, #tpu.memory_space<vmem>>) semaphore(%run_scoped3A : memref<!tpu.dma_semaphore, #tpu.memory_space<semaphore_mem>>) {add = true}
          %dma_wait3A_100 = arith.constant 0 : i32
          %dma_wait3A_101 = tpu.memref_slice %arg9[%add3A_66, %dma_wait3A_100] : memref<80x128xi32, #tpu.memory_space<vmem>> -> memref<1x128xi32, #tpu.memory_space<vmem>>
          %dma_wait3A_102 = tpu.memref_squeeze %dma_wait3A_101 : memref<1x128xi32, #tpu.memory_space<vmem>> -> memref<128xi32, #tpu.memory_space<vmem>>
          %dma_wait3A_103 = arith.constant 0 : i32
          %dma_wait3A_104 = arith.constant 0 : i32
          %dma_wait3A_105 = tpu.memref_slice %arg13[%dma_wait3A_103, %dma_wait3A_104] : memref<40960x32xf32, #tpu.memory_space<vmem_shared>> -> memref<40960x32xf32, #tpu.memory_space<vmem_shared>>
          tpu.wait_indirect_dma semaphore(%run_scoped3A : memref<!tpu.dma_semaphore, #tpu.memory_space<semaphore_mem>>) src(%arg12 : memref<128x32xf32, #tpu.memory_space<vmem>>) dst(%dma_wait3A_105 : memref<40960x32xf32, #tpu.memory_space<vmem_shared>>)
          tpu.yield
        }) : () -> ()
      }
      %scan3A_54 = arith.constant 40 : i32
      %dma_wait3A = arith.constant 79 : i32
      %dma_wait3A_55 = arith.constant 0 : i32
      %dma_wait3A_56 = tpu.memref_slice %arg10[%dma_wait3A, %dma_wait3A_55] : memref<80x128xi32, #tpu.memory_space<vmem>> -> memref<1x128xi32, #tpu.memory_space<vmem>>
      %dma_wait3A_57 = tpu.memref_squeeze %dma_wait3A_56 : memref<1x128xi32, #tpu.memory_space<vmem>> -> memref<128xi32, #tpu.memory_space<vmem>>
      %dma_wait3A_58 = arith.constant 0 : i32
      %dma_wait3A_59 = arith.constant 0 : i32
      %dma_wait3A_60 = tpu.memref_slice %arg2[%dma_wait3A_58, %dma_wait3A_59] : memref<40000x32xf32, #tpu.memory_space<hbm>> -> memref<40000x32xf32, #tpu.memory_space<hbm>>
      tpu.wait_indirect_dma semaphore(%arg14 : memref<!tpu.dma_semaphore, #tpu.memory_space<semaphore_mem>>) src(%dma_wait3A_60 : memref<40000x32xf32, #tpu.memory_space<hbm>>) dst(%arg11 : memref<128x32xf32, #tpu.memory_space<vmem>>)
      %barrier3A_61 = arith.constant 0 : index
      tpu.barrier barrier_id(%barrier3A_61)
      "tpu.region"() ({
        %run_scoped3A = tpu.sem_alloc : memref<!tpu.dma_semaphore, #tpu.memory_space<semaphore_mem>>
        %dma_start3A_63 = arith.constant 32 : i32
        %dma_start3A_64 = tpu.memref_slice %arg6[%mul3A_0, %dma_start3A_63] : memref<40960x128xf32, #tpu.memory_space<hbm>> -> memref<2560x32xf32, #tpu.memory_space<hbm>>
        %dma_start3A_65 = arith.constant 0 : i32
        %dma_start3A_66 = tpu.memref_slice %arg13[%mul3A_0, %dma_start3A_65] : memref<40960x32xf32, #tpu.memory_space<vmem_shared>> -> memref<2560x32xf32, #tpu.memory_space<vmem_shared>>
        tpu.enqueue_dma source(%dma_start3A_66 : memref<2560x32xf32, #tpu.memory_space<vmem_shared>>) target(%dma_start3A_64 : memref<2560x32xf32, #tpu.memory_space<hbm>>) target_semaphore(%run_scoped3A : memref<!tpu.dma_semaphore, #tpu.memory_space<semaphore_mem>>)
        %dma_wait3A_67 = arith.constant 32 : i32
        %dma_wait3A_68 = tpu.memref_slice %arg6[%mul3A_0, %dma_wait3A_67] : memref<40960x128xf32, #tpu.memory_space<hbm>> -> memref<2560x32xf32, #tpu.memory_space<hbm>>
        %dma_wait3A_69 = arith.constant 0 : i32
        %dma_wait3A_70 = tpu.memref_slice %arg13[%mul3A_0, %dma_wait3A_69] : memref<40960x32xf32, #tpu.memory_space<vmem_shared>> -> memref<2560x32xf32, #tpu.memory_space<vmem_shared>>
        tpu.wait_dma2 semaphore(%run_scoped3A : memref<!tpu.dma_semaphore, #tpu.memory_space<semaphore_mem>>) src(%dma_wait3A_70 : memref<2560x32xf32, #tpu.memory_space<vmem_shared>>) dst(%dma_wait3A_68 : memref<2560x32xf32, #tpu.memory_space<hbm>>)
        tpu.yield
      }) : () -> ()
      %barrier3A_62 = arith.constant 0 : index
      tpu.barrier barrier_id(%barrier3A_62)
    } else {
    }
    %eq3A_17 = arith.constant 0 : i32
    %eq3A_18 = arith.cmpi eq, %arg0, %eq3A_17 : i32
    %convert_element_type3A_19 = arith.extui %eq3A_18 : i1 to i32
    %cond3A_20 = arith.constant 0 : i32
    %cond3A_21 = arith.cmpi ne, %convert_element_type3A_19, %cond3A_20 : i32
    scf.if %cond3A_21 {
      %scan3A_37 = arith.constant 0 : i32
      %scan3A_38 = arith.constant 0 : i32
      %scan3A_39 = arith.constant 80 : i32
      %scan3A_40 = arith.addi %scan3A_38, %scan3A_39 : i32
      %scan3A_41 = arith.constant 1 : i32
      scf.for %scan3A_63 = %scan3A_38 to %scan3A_40 step %scan3A_41  : i32 {
        %get3A = arith.index_cast %scan3A_63 : i32 to index
        %get3A_64 = arith.constant 0 : index
        %get3A_65 = tpu.vector_load %arg8[%get3A, %get3A_64] {strides = array<i32>} : memref<80x128xi32, #tpu.memory_space<vmem>>, vector<1x16xi32>,
        %get3A_66 = vector.shape_cast %get3A_65 : vector<1x16xi32> to vector<16xi32>
        %mul3A_67 = arith.constant 4 : i32
        %mul3A_68 = vector.broadcast %mul3A_67 : i32 to vector<16xi32>
        %mul3A_69 = arith.muli %get3A_66, %mul3A_68 : vector<16xi32>
        %add3A = arith.constant 2 : i32
        %add3A_70 = vector.broadcast %add3A : i32 to vector<16xi32>
        %add3A_71 = arith.addi %mul3A_69, %add3A_70 : vector<16xi32>
        %swap3A = arith.index_cast %scan3A_63 : i32 to index
        %swap3A_72 = arith.constant 0 : index
        %swap3A_73 = tpu.vector_load %arg10[%swap3A, %swap3A_72] {strides = array<i32>} : memref<80x128xi32, #tpu.memory_space<vmem>>, vector<1x16xi32>,
        %swap3A_74 = vector.shape_cast %swap3A_73 : vector<1x16xi32> to vector<16xi32>
        %swap3A_75 = vector.shape_cast %add3A_71 : vector<16xi32> to vector<1x16xi32>
        tpu.vector_store %arg10[%swap3A, %swap3A_72], %swap3A_75 {strides = array<i32>} : memref<80x128xi32, #tpu.memory_space<vmem>>, vector<1x16xi32>,
        %get3A_76 = arith.index_cast %scan3A_63 : i32 to index
        %get3A_77 = arith.constant 16 : index
        %get3A_78 = tpu.vector_load %arg8[%get3A_76, %get3A_77] {strides = array<i32>} : memref<80x128xi32, #tpu.memory_space<vmem>>, vector<1x16xi32>,
        %get3A_79 = vector.shape_cast %get3A_78 : vector<1x16xi32> to vector<16xi32>
        %mul3A_80 = arith.constant 4 : i32
        %mul3A_81 = vector.broadcast %mul3A_80 : i32 to vector<16xi32>
        %mul3A_82 = arith.muli %get3A_79, %mul3A_81 : vector<16xi32>
        %add3A_83 = arith.constant 2 : i32
        %add3A_84 = vector.broadcast %add3A_83 : i32 to vector<16xi32>
        %add3A_85 = arith.addi %mul3A_82, %add3A_84 : vector<16xi32>
        %swap3A_86 = arith.index_cast %scan3A_63 : i32 to index
        %swap3A_87 = arith.constant 16 : index
        %swap3A_88 = tpu.vector_load %arg10[%swap3A_86, %swap3A_87] {strides = array<i32>} : memref<80x128xi32, #tpu.memory_space<vmem>>, vector<1x16xi32>,
        %swap3A_89 = vector.shape_cast %swap3A_88 : vector<1x16xi32> to vector<16xi32>
        %swap3A_90 = vector.shape_cast %add3A_85 : vector<16xi32> to vector<1x16xi32>
        tpu.vector_store %arg10[%swap3A_86, %swap3A_87], %swap3A_90 {strides = array<i32>} : memref<80x128xi32, #tpu.memory_space<vmem>>, vector<1x16xi32>,
        %get3A_91 = arith.index_cast %scan3A_63 : i32 to index
        %get3A_92 = arith.constant 32 : index
        %get3A_93 = tpu.vector_load %arg8[%get3A_91, %get3A_92] {strides = array<i32>} : memref<80x128xi32, #tpu.memory_space<vmem>>, vector<1x16xi32>,
        %get3A_94 = vector.shape_cast %get3A_93 : vector<1x16xi32> to vector<16xi32>
        %mul3A_95 = arith.constant 4 : i32
        %mul3A_96 = vector.broadcast %mul3A_95 : i32 to vector<16xi32>
        %mul3A_97 = arith.muli %get3A_94, %mul3A_96 : vector<16xi32>
        %add3A_98 = arith.constant 2 : i32
        %add3A_99 = vector.broadcast %add3A_98 : i32 to vector<16xi32>
        %add3A_100 = arith.addi %mul3A_97, %add3A_99 : vector<16xi32>
        %swap3A_101 = arith.index_cast %scan3A_63 : i32 to index
        %swap3A_102 = arith.constant 32 : index
        %swap3A_103 = tpu.vector_load %arg10[%swap3A_101, %swap3A_102] {strides = array<i32>} : memref<80x128xi32, #tpu.memory_space<vmem>>, vector<1x16xi32>,
        %swap3A_104 = vector.shape_cast %swap3A_103 : vector<1x16xi32> to vector<16xi32>
        %swap3A_105 = vector.shape_cast %add3A_100 : vector<16xi32> to vector<1x16xi32>
        tpu.vector_store %arg10[%swap3A_101, %swap3A_102], %swap3A_105 {strides = array<i32>} : memref<80x128xi32, #tpu.memory_space<vmem>>, vector<1x16xi32>,
        %get3A_106 = arith.index_cast %scan3A_63 : i32 to index
        %get3A_107 = arith.constant 48 : index
        %get3A_108 = tpu.vector_load %arg8[%get3A_106, %get3A_107] {strides = array<i32>} : memref<80x128xi32, #tpu.memory_space<vmem>>, vector<1x16xi32>,
        %get3A_109 = vector.shape_cast %get3A_108 : vector<1x16xi32> to vector<16xi32>
        %mul3A_110 = arith.constant 4 : i32
        %mul3A_111 = vector.broadcast %mul3A_110 : i32 to vector<16xi32>
        %mul3A_112 = arith.muli %get3A_109, %mul3A_111 : vector<16xi32>
        %add3A_113 = arith.constant 2 : i32
        %add3A_114 = vector.broadcast %add3A_113 : i32 to vector<16xi32>
        %add3A_115 = arith.addi %mul3A_112, %add3A_114 : vector<16xi32>
        %swap3A_116 = arith.index_cast %scan3A_63 : i32 to index
        %swap3A_117 = arith.constant 48 : index
        %swap3A_118 = tpu.vector_load %arg10[%swap3A_116, %swap3A_117] {strides = array<i32>} : memref<80x128xi32, #tpu.memory_space<vmem>>, vector<1x16xi32>,
        %swap3A_119 = vector.shape_cast %swap3A_118 : vector<1x16xi32> to vector<16xi32>
        %swap3A_120 = vector.shape_cast %add3A_115 : vector<16xi32> to vector<1x16xi32>
        tpu.vector_store %arg10[%swap3A_116, %swap3A_117], %swap3A_120 {strides = array<i32>} : memref<80x128xi32, #tpu.memory_space<vmem>>, vector<1x16xi32>,
        %get3A_121 = arith.index_cast %scan3A_63 : i32 to index
        %get3A_122 = arith.constant 64 : index
        %get3A_123 = tpu.vector_load %arg8[%get3A_121, %get3A_122] {strides = array<i32>} : memref<80x128xi32, #tpu.memory_space<vmem>>, vector<1x16xi32>,
        %get3A_124 = vector.shape_cast %get3A_123 : vector<1x16xi32> to vector<16xi32>
        %mul3A_125 = arith.constant 4 : i32
        %mul3A_126 = vector.broadcast %mul3A_125 : i32 to vector<16xi32>
        %mul3A_127 = arith.muli %get3A_124, %mul3A_126 : vector<16xi32>
        %add3A_128 = arith.constant 2 : i32
        %add3A_129 = vector.broadcast %add3A_128 : i32 to vector<16xi32>
        %add3A_130 = arith.addi %mul3A_127, %add3A_129 : vector<16xi32>
        %swap3A_131 = arith.index_cast %scan3A_63 : i32 to index
        %swap3A_132 = arith.constant 64 : index
        %swap3A_133 = tpu.vector_load %arg10[%swap3A_131, %swap3A_132] {strides = array<i32>} : memref<80x128xi32, #tpu.memory_space<vmem>>, vector<1x16xi32>,
        %swap3A_134 = vector.shape_cast %swap3A_133 : vector<1x16xi32> to vector<16xi32>
        %swap3A_135 = vector.shape_cast %add3A_130 : vector<16xi32> to vector<1x16xi32>
        tpu.vector_store %arg10[%swap3A_131, %swap3A_132], %swap3A_135 {strides = array<i32>} : memref<80x128xi32, #tpu.memory_space<vmem>>, vector<1x16xi32>,
        %get3A_136 = arith.index_cast %scan3A_63 : i32 to index
        %get3A_137 = arith.constant 80 : index
        %get3A_138 = tpu.vector_load %arg8[%get3A_136, %get3A_137] {strides = array<i32>} : memref<80x128xi32, #tpu.memory_space<vmem>>, vector<1x16xi32>,
        %get3A_139 = vector.shape_cast %get3A_138 : vector<1x16xi32> to vector<16xi32>
        %mul3A_140 = arith.constant 4 : i32
        %mul3A_141 = vector.broadcast %mul3A_140 : i32 to vector<16xi32>
        %mul3A_142 = arith.muli %get3A_139, %mul3A_141 : vector<16xi32>
        %add3A_143 = arith.constant 2 : i32
        %add3A_144 = vector.broadcast %add3A_143 : i32 to vector<16xi32>
        %add3A_145 = arith.addi %mul3A_142, %add3A_144 : vector<16xi32>
        %swap3A_146 = arith.index_cast %scan3A_63 : i32 to index
        %swap3A_147 = arith.constant 80 : index
        %swap3A_148 = tpu.vector_load %arg10[%swap3A_146, %swap3A_147] {strides = array<i32>} : memref<80x128xi32, #tpu.memory_space<vmem>>, vector<1x16xi32>,
        %swap3A_149 = vector.shape_cast %swap3A_148 : vector<1x16xi32> to vector<16xi32>
        %swap3A_150 = vector.shape_cast %add3A_145 : vector<16xi32> to vector<1x16xi32>
        tpu.vector_store %arg10[%swap3A_146, %swap3A_147], %swap3A_150 {strides = array<i32>} : memref<80x128xi32, #tpu.memory_space<vmem>>, vector<1x16xi32>,
        %get3A_151 = arith.index_cast %scan3A_63 : i32 to index
        %get3A_152 = arith.constant 96 : index
        %get3A_153 = tpu.vector_load %arg8[%get3A_151, %get3A_152] {strides = array<i32>} : memref<80x128xi32, #tpu.memory_space<vmem>>, vector<1x16xi32>,
        %get3A_154 = vector.shape_cast %get3A_153 : vector<1x16xi32> to vector<16xi32>
        %mul3A_155 = arith.constant 4 : i32
        %mul3A_156 = vector.broadcast %mul3A_155 : i32 to vector<16xi32>
        %mul3A_157 = arith.muli %get3A_154, %mul3A_156 : vector<16xi32>
        %add3A_158 = arith.constant 2 : i32
        %add3A_159 = vector.broadcast %add3A_158 : i32 to vector<16xi32>
        %add3A_160 = arith.addi %mul3A_157, %add3A_159 : vector<16xi32>
        %swap3A_161 = arith.index_cast %scan3A_63 : i32 to index
        %swap3A_162 = arith.constant 96 : index
        %swap3A_163 = tpu.vector_load %arg10[%swap3A_161, %swap3A_162] {strides = array<i32>} : memref<80x128xi32, #tpu.memory_space<vmem>>, vector<1x16xi32>,
        %swap3A_164 = vector.shape_cast %swap3A_163 : vector<1x16xi32> to vector<16xi32>
        %swap3A_165 = vector.shape_cast %add3A_160 : vector<16xi32> to vector<1x16xi32>
        tpu.vector_store %arg10[%swap3A_161, %swap3A_162], %swap3A_165 {strides = array<i32>} : memref<80x128xi32, #tpu.memory_space<vmem>>, vector<1x16xi32>,
        %get3A_166 = arith.index_cast %scan3A_63 : i32 to index
        %get3A_167 = arith.constant 112 : index
        %get3A_168 = tpu.vector_load %arg8[%get3A_166, %get3A_167] {strides = array<i32>} : memref<80x128xi32, #tpu.memory_space<vmem>>, vector<1x16xi32>,
        %get3A_169 = vector.shape_cast %get3A_168 : vector<1x16xi32> to vector<16xi32>
        %mul3A_170 = arith.constant 4 : i32
        %mul3A_171 = vector.broadcast %mul3A_170 : i32 to vector<16xi32>
        %mul3A_172 = arith.muli %get3A_169, %mul3A_171 : vector<16xi32>
        %add3A_173 = arith.constant 2 : i32
        %add3A_174 = vector.broadcast %add3A_173 : i32 to vector<16xi32>
        %add3A_175 = arith.addi %mul3A_172, %add3A_174 : vector<16xi32>
        %swap3A_176 = arith.index_cast %scan3A_63 : i32 to index
        %swap3A_177 = arith.constant 112 : index
        %swap3A_178 = tpu.vector_load %arg10[%swap3A_176, %swap3A_177] {strides = array<i32>} : memref<80x128xi32, #tpu.memory_space<vmem>>, vector<1x16xi32>,
        %swap3A_179 = vector.shape_cast %swap3A_178 : vector<1x16xi32> to vector<16xi32>
        %swap3A_180 = vector.shape_cast %add3A_175 : vector<16xi32> to vector<1x16xi32>
        tpu.vector_store %arg10[%swap3A_176, %swap3A_177], %swap3A_180 {strides = array<i32>} : memref<80x128xi32, #tpu.memory_space<vmem>>, vector<1x16xi32>,
      }
      %scan3A_42 = arith.constant 80 : i32
      "tpu.region"() ({
        %run_scoped3A = tpu.sem_alloc : memref<!tpu.dma_semaphore, #tpu.memory_space<semaphore_mem>>
        %dma_start3A_63 = arith.constant 0 : i32
        %dma_start3A_64 = tpu.memref_slice %arg13[%mul3A_0, %dma_start3A_63] : memref<40960x32xf32, #tpu.memory_space<vmem_shared>> -> memref<2560x32xf32, #tpu.memory_space<vmem_shared>>
        tpu.enqueue_dma source(%arg5 : memref<2560x32xf32, #tpu.memory_space<hbm>>) target(%dma_start3A_64 : memref<2560x32xf32, #tpu.memory_space<vmem_shared>>) target_semaphore(%run_scoped3A : memref<!tpu.dma_semaphore, #tpu.memory_space<semaphore_mem>>)
        %dma_wait3A_65 = arith.constant 0 : i32
        %dma_wait3A_66 = tpu.memref_slice %arg13[%mul3A_0, %dma_wait3A_65] : memref<40960x32xf32, #tpu.memory_space<vmem_shared>> -> memref<2560x32xf32, #tpu.memory_space<vmem_shared>>
        tpu.wait_dma2 semaphore(%run_scoped3A : memref<!tpu.dma_semaphore, #tpu.memory_space<semaphore_mem>>) src(%arg5 : memref<2560x32xf32, #tpu.memory_space<hbm>>) dst(%dma_wait3A_66 : memref<2560x32xf32, #tpu.memory_space<vmem_shared>>)
        tpu.yield
      }) : () -> ()
      %barrier3A = arith.constant 0 : index
      tpu.barrier barrier_id(%barrier3A)
      %dma_start3A = arith.constant 0 : i32
      %dma_start3A_43 = arith.constant 0 : i32
      %dma_start3A_44 = tpu.memref_slice %arg10[%dma_start3A, %dma_start3A_43] : memref<80x128xi32, #tpu.memory_space<vmem>> -> memref<1x128xi32, #tpu.memory_space<vmem>>
      %dma_start3A_45 = tpu.memref_squeeze %dma_start3A_44 : memref<1x128xi32, #tpu.memory_space<vmem>> -> memref<128xi32, #tpu.memory_space<vmem>>
      %dma_start3A_46 = arith.constant 0 : i32
      %dma_start3A_47 = arith.constant 0 : i32
      %dma_start3A_48 = tpu.memref_slice %arg2[%dma_start3A_46, %dma_start3A_47] : memref<40000x32xf32, #tpu.memory_space<hbm>> -> memref<40000x32xf32, #tpu.memory_space<hbm>>
      tpu.enqueue_indirect_dma source(%dma_start3A_48 : memref<40000x32xf32, #tpu.memory_space<hbm>>) target(%arg11 : memref<128x32xf32, #tpu.memory_space<vmem>>) offsets(%dma_start3A_45 : memref<128xi32, #tpu.memory_space<vmem>>) semaphore(%arg14 : memref<!tpu.dma_semaphore, #tpu.memory_space<semaphore_mem>>)
      %scan3A_49 = arith.constant 0 : i32
      %scan3A_50 = arith.constant 0 : i32
      %scan3A_51 = arith.constant 40 : i32
      %scan3A_52 = arith.addi %scan3A_50, %scan3A_51 : i32
      %scan3A_53 = arith.constant 1 : i32
      scf.for %scan3A_63 = %scan3A_50 to %scan3A_52 step %scan3A_53  : i32 {
        %mul3A_64 = arith.constant 2 : i32
        %mul3A_65 = arith.muli %mul3A_64, %scan3A_63 : i32
        %add3A = arith.constant 1 : i32
        %add3A_66 = arith.addi %mul3A_65, %add3A : i32
        %add3A_67 = arith.constant 2 : i32
        %add3A_68 = arith.addi %mul3A_65, %add3A_67 : i32
        %min3A = arith.constant 79 : i32
        %min3A_69 = arith.minsi %add3A_68, %min3A : i32
        %dma_wait3A_70 = arith.constant 0 : i32
        %dma_wait3A_71 = tpu.memref_slice %arg10[%mul3A_65, %dma_wait3A_70] : memref<80x128xi32, #tpu.memory_space<vmem>> -> memref<1x128xi32, #tpu.memory_space<vmem>>
        %dma_wait3A_72 = tpu.memref_squeeze %dma_wait3A_71 : memref<1x128xi32, #tpu.memory_space<vmem>> -> memref<128xi32, #tpu.memory_space<vmem>>
        %dma_wait3A_73 = arith.constant 0 : i32
        %dma_wait3A_74 = arith.constant 0 : i32
        %dma_wait3A_75 = tpu.memref_slice %arg2[%dma_wait3A_73, %dma_wait3A_74] : memref<40000x32xf32, #tpu.memory_space<hbm>> -> memref<40000x32xf32, #tpu.memory_space<hbm>>
        tpu.wait_indirect_dma semaphore(%arg14 : memref<!tpu.dma_semaphore, #tpu.memory_space<semaphore_mem>>) src(%dma_wait3A_75 : memref<40000x32xf32, #tpu.memory_space<hbm>>) dst(%arg11 : memref<128x32xf32, #tpu.memory_space<vmem>>)
        %dma_start3A_76 = arith.constant 0 : i32
        %dma_start3A_77 = tpu.memref_slice %arg10[%add3A_66, %dma_start3A_76] : memref<80x128xi32, #tpu.memory_space<vmem>> -> memref<1x128xi32, #tpu.memory_space<vmem>>
        %dma_start3A_78 = tpu.memref_squeeze %dma_start3A_77 : memref<1x128xi32, #tpu.memory_space<vmem>> -> memref<128xi32, #tpu.memory_space<vmem>>
        %dma_start3A_79 = arith.constant 0 : i32
        %dma_start3A_80 = arith.constant 0 : i32
        %dma_start3A_81 = tpu.memref_slice %arg2[%dma_start3A_79, %dma_start3A_80] : memref<40000x32xf32, #tpu.memory_space<hbm>> -> memref<40000x32xf32, #tpu.memory_space<hbm>>
        tpu.enqueue_indirect_dma source(%dma_start3A_81 : memref<40000x32xf32, #tpu.memory_space<hbm>>) target(%arg12 : memref<128x32xf32, #tpu.memory_space<vmem>>) offsets(%dma_start3A_78 : memref<128xi32, #tpu.memory_space<vmem>>) semaphore(%arg14 : memref<!tpu.dma_semaphore, #tpu.memory_space<semaphore_mem>>)
        "tpu.region"() ({
          %run_scoped3A = tpu.sem_alloc : memref<!tpu.dma_semaphore, #tpu.memory_space<semaphore_mem>>
          %dma_start3A_94 = arith.constant 0 : i32
          %dma_start3A_95 = tpu.memref_slice %arg9[%mul3A_65, %dma_start3A_94] : memref<80x128xi32, #tpu.memory_space<vmem>> -> memref<1x128xi32, #tpu.memory_space<vmem>>
          %dma_start3A_96 = tpu.memref_squeeze %dma_start3A_95 : memref<1x128xi32, #tpu.memory_space<vmem>> -> memref<128xi32, #tpu.memory_space<vmem>>
          %dma_start3A_97 = arith.constant 0 : i32
          %dma_start3A_98 = arith.constant 0 : i32
          %dma_start3A_99 = tpu.memref_slice %arg13[%dma_start3A_97, %dma_start3A_98] : memref<40960x32xf32, #tpu.memory_space<vmem_shared>> -> memref<40960x32xf32, #tpu.memory_space<vmem_shared>>
          tpu.enqueue_indirect_dma source(%arg11 : memref<128x32xf32, #tpu.memory_space<vmem>>) target(%dma_start3A_99 : memref<40960x32xf32, #tpu.memory_space<vmem_shared>>) offsets(%dma_start3A_96 : memref<128xi32, #tpu.memory_space<vmem>>) semaphore(%run_scoped3A : memref<!tpu.dma_semaphore, #tpu.memory_space<semaphore_mem>>) {add = true}
          %dma_wait3A_100 = arith.constant 0 : i32
          %dma_wait3A_101 = tpu.memref_slice %arg9[%mul3A_65, %dma_wait3A_100] : memref<80x128xi32, #tpu.memory_space<vmem>> -> memref<1x128xi32, #tpu.memory_space<vmem>>
          %dma_wait3A_102 = tpu.memref_squeeze %dma_wait3A_101 : memref<1x128xi32, #tpu.memory_space<vmem>> -> memref<128xi32, #tpu.memory_space<vmem>>
          %dma_wait3A_103 = arith.constant 0 : i32
          %dma_wait3A_104 = arith.constant 0 : i32
          %dma_wait3A_105 = tpu.memref_slice %arg13[%dma_wait3A_103, %dma_wait3A_104] : memref<40960x32xf32, #tpu.memory_space<vmem_shared>> -> memref<40960x32xf32, #tpu.memory_space<vmem_shared>>
          tpu.wait_indirect_dma semaphore(%run_scoped3A : memref<!tpu.dma_semaphore, #tpu.memory_space<semaphore_mem>>) src(%arg11 : memref<128x32xf32, #tpu.memory_space<vmem>>) dst(%dma_wait3A_105 : memref<40960x32xf32, #tpu.memory_space<vmem_shared>>)
          tpu.yield
        }) : () -> ()
        %dma_wait3A_82 = arith.constant 0 : i32
        %dma_wait3A_83 = tpu.memref_slice %arg10[%add3A_66, %dma_wait3A_82] : memref<80x128xi32, #tpu.memory_space<vmem>> -> memref<1x128xi32, #tpu.memory_space<vmem>>
        %dma_wait3A_84 = tpu.memref_squeeze %dma_wait3A_83 : memref<1x128xi32, #tpu.memory_space<vmem>> -> memref<128xi32, #tpu.memory_space<vmem>>
        %dma_wait3A_85 = arith.constant 0 : i32
        %dma_wait3A_86 = arith.constant 0 : i32
        %dma_wait3A_87 = tpu.memref_slice %arg2[%dma_wait3A_85, %dma_wait3A_86] : memref<40000x32xf32, #tpu.memory_space<hbm>> -> memref<40000x32xf32, #tpu.memory_space<hbm>>
        tpu.wait_indirect_dma semaphore(%arg14 : memref<!tpu.dma_semaphore, #tpu.memory_space<semaphore_mem>>) src(%dma_wait3A_87 : memref<40000x32xf32, #tpu.memory_space<hbm>>) dst(%arg12 : memref<128x32xf32, #tpu.memory_space<vmem>>)
        %dma_start3A_88 = arith.constant 0 : i32
        %dma_start3A_89 = tpu.memref_slice %arg10[%min3A_69, %dma_start3A_88] : memref<80x128xi32, #tpu.memory_space<vmem>> -> memref<1x128xi32, #tpu.memory_space<vmem>>
        %dma_start3A_90 = tpu.memref_squeeze %dma_start3A_89 : memref<1x128xi32, #tpu.memory_space<vmem>> -> memref<128xi32, #tpu.memory_space<vmem>>
        %dma_start3A_91 = arith.constant 0 : i32
        %dma_start3A_92 = arith.constant 0 : i32
        %dma_start3A_93 = tpu.memref_slice %arg2[%dma_start3A_91, %dma_start3A_92] : memref<40000x32xf32, #tpu.memory_space<hbm>> -> memref<40000x32xf32, #tpu.memory_space<hbm>>
        tpu.enqueue_indirect_dma source(%dma_start3A_93 : memref<40000x32xf32, #tpu.memory_space<hbm>>) target(%arg11 : memref<128x32xf32, #tpu.memory_space<vmem>>) offsets(%dma_start3A_90 : memref<128xi32, #tpu.memory_space<vmem>>) semaphore(%arg14 : memref<!tpu.dma_semaphore, #tpu.memory_space<semaphore_mem>>)
        "tpu.region"() ({
          %run_scoped3A = tpu.sem_alloc : memref<!tpu.dma_semaphore, #tpu.memory_space<semaphore_mem>>
          %dma_start3A_94 = arith.constant 0 : i32
          %dma_start3A_95 = tpu.memref_slice %arg9[%add3A_66, %dma_start3A_94] : memref<80x128xi32, #tpu.memory_space<vmem>> -> memref<1x128xi32, #tpu.memory_space<vmem>>
          %dma_start3A_96 = tpu.memref_squeeze %dma_start3A_95 : memref<1x128xi32, #tpu.memory_space<vmem>> -> memref<128xi32, #tpu.memory_space<vmem>>
          %dma_start3A_97 = arith.constant 0 : i32
          %dma_start3A_98 = arith.constant 0 : i32
          %dma_start3A_99 = tpu.memref_slice %arg13[%dma_start3A_97, %dma_start3A_98] : memref<40960x32xf32, #tpu.memory_space<vmem_shared>> -> memref<40960x32xf32, #tpu.memory_space<vmem_shared>>
          tpu.enqueue_indirect_dma source(%arg12 : memref<128x32xf32, #tpu.memory_space<vmem>>) target(%dma_start3A_99 : memref<40960x32xf32, #tpu.memory_space<vmem_shared>>) offsets(%dma_start3A_96 : memref<128xi32, #tpu.memory_space<vmem>>) semaphore(%run_scoped3A : memref<!tpu.dma_semaphore, #tpu.memory_space<semaphore_mem>>) {add = true}
          %dma_wait3A_100 = arith.constant 0 : i32
          %dma_wait3A_101 = tpu.memref_slice %arg9[%add3A_66, %dma_wait3A_100] : memref<80x128xi32, #tpu.memory_space<vmem>> -> memref<1x128xi32, #tpu.memory_space<vmem>>
          %dma_wait3A_102 = tpu.memref_squeeze %dma_wait3A_101 : memref<1x128xi32, #tpu.memory_space<vmem>> -> memref<128xi32, #tpu.memory_space<vmem>>
          %dma_wait3A_103 = arith.constant 0 : i32
          %dma_wait3A_104 = arith.constant 0 : i32
          %dma_wait3A_105 = tpu.memref_slice %arg13[%dma_wait3A_103, %dma_wait3A_104] : memref<40960x32xf32, #tpu.memory_space<vmem_shared>> -> memref<40960x32xf32, #tpu.memory_space<vmem_shared>>
          tpu.wait_indirect_dma semaphore(%run_scoped3A : memref<!tpu.dma_semaphore, #tpu.memory_space<semaphore_mem>>) src(%arg12 : memref<128x32xf32, #tpu.memory_space<vmem>>) dst(%dma_wait3A_105 : memref<40960x32xf32, #tpu.memory_space<vmem_shared>>)
          tpu.yield
        }) : () -> ()
      }
      %scan3A_54 = arith.constant 40 : i32
      %dma_wait3A = arith.constant 79 : i32
      %dma_wait3A_55 = arith.constant 0 : i32
      %dma_wait3A_56 = tpu.memref_slice %arg10[%dma_wait3A, %dma_wait3A_55] : memref<80x128xi32, #tpu.memory_space<vmem>> -> memref<1x128xi32, #tpu.memory_space<vmem>>
      %dma_wait3A_57 = tpu.memref_squeeze %dma_wait3A_56 : memref<1x128xi32, #tpu.memory_space<vmem>> -> memref<128xi32, #tpu.memory_space<vmem>>
      %dma_wait3A_58 = arith.constant 0 : i32
      %dma_wait3A_59 = arith.constant 0 : i32
      %dma_wait3A_60 = tpu.memref_slice %arg2[%dma_wait3A_58, %dma_wait3A_59] : memref<40000x32xf32, #tpu.memory_space<hbm>> -> memref<40000x32xf32, #tpu.memory_space<hbm>>
      tpu.wait_indirect_dma semaphore(%arg14 : memref<!tpu.dma_semaphore, #tpu.memory_space<semaphore_mem>>) src(%dma_wait3A_60 : memref<40000x32xf32, #tpu.memory_space<hbm>>) dst(%arg11 : memref<128x32xf32, #tpu.memory_space<vmem>>)
      %barrier3A_61 = arith.constant 0 : index
      tpu.barrier barrier_id(%barrier3A_61)
      "tpu.region"() ({
        %run_scoped3A = tpu.sem_alloc : memref<!tpu.dma_semaphore, #tpu.memory_space<semaphore_mem>>
        %dma_start3A_63 = arith.constant 64 : i32
        %dma_start3A_64 = tpu.memref_slice %arg6[%mul3A_0, %dma_start3A_63] : memref<40960x128xf32, #tpu.memory_space<hbm>> -> memref<2560x32xf32, #tpu.memory_space<hbm>>
        %dma_start3A_65 = arith.constant 0 : i32
        %dma_start3A_66 = tpu.memref_slice %arg13[%mul3A_0, %dma_start3A_65] : memref<40960x32xf32, #tpu.memory_space<vmem_shared>> -> memref<2560x32xf32, #tpu.memory_space<vmem_shared>>
        tpu.enqueue_dma source(%dma_start3A_66 : memref<2560x32xf32, #tpu.memory_space<vmem_shared>>) target(%dma_start3A_64 : memref<2560x32xf32, #tpu.memory_space<hbm>>) target_semaphore(%run_scoped3A : memref<!tpu.dma_semaphore, #tpu.memory_space<semaphore_mem>>)
        %dma_wait3A_67 = arith.constant 64 : i32
        %dma_wait3A_68 = tpu.memref_slice %arg6[%mul3A_0, %dma_wait3A_67] : memref<40960x128xf32, #tpu.memory_space<hbm>> -> memref<2560x32xf32, #tpu.memory_space<hbm>>
        %dma_wait3A_69 = arith.constant 0 : i32
        %dma_wait3A_70 = tpu.memref_slice %arg13[%mul3A_0, %dma_wait3A_69] : memref<40960x32xf32, #tpu.memory_space<vmem_shared>> -> memref<2560x32xf32, #tpu.memory_space<vmem_shared>>
        tpu.wait_dma2 semaphore(%run_scoped3A : memref<!tpu.dma_semaphore, #tpu.memory_space<semaphore_mem>>) src(%dma_wait3A_70 : memref<2560x32xf32, #tpu.memory_space<vmem_shared>>) dst(%dma_wait3A_68 : memref<2560x32xf32, #tpu.memory_space<hbm>>)
        tpu.yield
      }) : () -> ()
      %barrier3A_62 = arith.constant 0 : index
      tpu.barrier barrier_id(%barrier3A_62)
    } else {
    }
    %eq3A_22 = arith.constant 1 : i32
    %eq3A_23 = arith.cmpi eq, %arg0, %eq3A_22 : i32
    %convert_element_type3A_24 = arith.extui %eq3A_23 : i1 to i32
    %cond3A_25 = arith.constant 0 : i32
    %cond3A_26 = arith.cmpi ne, %convert_element_type3A_24, %cond3A_25 : i32
    scf.if %cond3A_26 {
      %scan3A_37 = arith.constant 0 : i32
      %scan3A_38 = arith.constant 0 : i32
      %scan3A_39 = arith.constant 80 : i32
      %scan3A_40 = arith.addi %scan3A_38, %scan3A_39 : i32
      %scan3A_41 = arith.constant 1 : i32
      scf.for %scan3A_63 = %scan3A_38 to %scan3A_40 step %scan3A_41  : i32 {
        %get3A = arith.index_cast %scan3A_63 : i32 to index
        %get3A_64 = arith.constant 0 : index
        %get3A_65 = tpu.vector_load %arg8[%get3A, %get3A_64] {strides = array<i32>} : memref<80x128xi32, #tpu.memory_space<vmem>>, vector<1x16xi32>,
        %get3A_66 = vector.shape_cast %get3A_65 : vector<1x16xi32> to vector<16xi32>
        %mul3A_67 = arith.constant 4 : i32
        %mul3A_68 = vector.broadcast %mul3A_67 : i32 to vector<16xi32>
        %mul3A_69 = arith.muli %get3A_66, %mul3A_68 : vector<16xi32>
        %add3A = arith.constant 3 : i32
        %add3A_70 = vector.broadcast %add3A : i32 to vector<16xi32>
        %add3A_71 = arith.addi %mul3A_69, %add3A_70 : vector<16xi32>
        %swap3A = arith.index_cast %scan3A_63 : i32 to index
        %swap3A_72 = arith.constant 0 : index
        %swap3A_73 = tpu.vector_load %arg10[%swap3A, %swap3A_72] {strides = array<i32>} : memref<80x128xi32, #tpu.memory_space<vmem>>, vector<1x16xi32>,
        %swap3A_74 = vector.shape_cast %swap3A_73 : vector<1x16xi32> to vector<16xi32>
        %swap3A_75 = vector.shape_cast %add3A_71 : vector<16xi32> to vector<1x16xi32>
        tpu.vector_store %arg10[%swap3A, %swap3A_72], %swap3A_75 {strides = array<i32>} : memref<80x128xi32, #tpu.memory_space<vmem>>, vector<1x16xi32>,
        %get3A_76 = arith.index_cast %scan3A_63 : i32 to index
        %get3A_77 = arith.constant 16 : index
        %get3A_78 = tpu.vector_load %arg8[%get3A_76, %get3A_77] {strides = array<i32>} : memref<80x128xi32, #tpu.memory_space<vmem>>, vector<1x16xi32>,
        %get3A_79 = vector.shape_cast %get3A_78 : vector<1x16xi32> to vector<16xi32>
        %mul3A_80 = arith.constant 4 : i32
        %mul3A_81 = vector.broadcast %mul3A_80 : i32 to vector<16xi32>
        %mul3A_82 = arith.muli %get3A_79, %mul3A_81 : vector<16xi32>
        %add3A_83 = arith.constant 3 : i32
        %add3A_84 = vector.broadcast %add3A_83 : i32 to vector<16xi32>
        %add3A_85 = arith.addi %mul3A_82, %add3A_84 : vector<16xi32>
        %swap3A_86 = arith.index_cast %scan3A_63 : i32 to index
        %swap3A_87 = arith.constant 16 : index
        %swap3A_88 = tpu.vector_load %arg10[%swap3A_86, %swap3A_87] {strides = array<i32>} : memref<80x128xi32, #tpu.memory_space<vmem>>, vector<1x16xi32>,
        %swap3A_89 = vector.shape_cast %swap3A_88 : vector<1x16xi32> to vector<16xi32>
        %swap3A_90 = vector.shape_cast %add3A_85 : vector<16xi32> to vector<1x16xi32>
        tpu.vector_store %arg10[%swap3A_86, %swap3A_87], %swap3A_90 {strides = array<i32>} : memref<80x128xi32, #tpu.memory_space<vmem>>, vector<1x16xi32>,
        %get3A_91 = arith.index_cast %scan3A_63 : i32 to index
        %get3A_92 = arith.constant 32 : index
        %get3A_93 = tpu.vector_load %arg8[%get3A_91, %get3A_92] {strides = array<i32>} : memref<80x128xi32, #tpu.memory_space<vmem>>, vector<1x16xi32>,
        %get3A_94 = vector.shape_cast %get3A_93 : vector<1x16xi32> to vector<16xi32>
        %mul3A_95 = arith.constant 4 : i32
        %mul3A_96 = vector.broadcast %mul3A_95 : i32 to vector<16xi32>
        %mul3A_97 = arith.muli %get3A_94, %mul3A_96 : vector<16xi32>
        %add3A_98 = arith.constant 3 : i32
        %add3A_99 = vector.broadcast %add3A_98 : i32 to vector<16xi32>
        %add3A_100 = arith.addi %mul3A_97, %add3A_99 : vector<16xi32>
        %swap3A_101 = arith.index_cast %scan3A_63 : i32 to index
        %swap3A_102 = arith.constant 32 : index
        %swap3A_103 = tpu.vector_load %arg10[%swap3A_101, %swap3A_102] {strides = array<i32>} : memref<80x128xi32, #tpu.memory_space<vmem>>, vector<1x16xi32>,
        %swap3A_104 = vector.shape_cast %swap3A_103 : vector<1x16xi32> to vector<16xi32>
        %swap3A_105 = vector.shape_cast %add3A_100 : vector<16xi32> to vector<1x16xi32>
        tpu.vector_store %arg10[%swap3A_101, %swap3A_102], %swap3A_105 {strides = array<i32>} : memref<80x128xi32, #tpu.memory_space<vmem>>, vector<1x16xi32>,
        %get3A_106 = arith.index_cast %scan3A_63 : i32 to index
        %get3A_107 = arith.constant 48 : index
        %get3A_108 = tpu.vector_load %arg8[%get3A_106, %get3A_107] {strides = array<i32>} : memref<80x128xi32, #tpu.memory_space<vmem>>, vector<1x16xi32>,
        %get3A_109 = vector.shape_cast %get3A_108 : vector<1x16xi32> to vector<16xi32>
        %mul3A_110 = arith.constant 4 : i32
        %mul3A_111 = vector.broadcast %mul3A_110 : i32 to vector<16xi32>
        %mul3A_112 = arith.muli %get3A_109, %mul3A_111 : vector<16xi32>
        %add3A_113 = arith.constant 3 : i32
        %add3A_114 = vector.broadcast %add3A_113 : i32 to vector<16xi32>
        %add3A_115 = arith.addi %mul3A_112, %add3A_114 : vector<16xi32>
        %swap3A_116 = arith.index_cast %scan3A_63 : i32 to index
        %swap3A_117 = arith.constant 48 : index
        %swap3A_118 = tpu.vector_load %arg10[%swap3A_116, %swap3A_117] {strides = array<i32>} : memref<80x128xi32, #tpu.memory_space<vmem>>, vector<1x16xi32>,
        %swap3A_119 = vector.shape_cast %swap3A_118 : vector<1x16xi32> to vector<16xi32>
        %swap3A_120 = vector.shape_cast %add3A_115 : vector<16xi32> to vector<1x16xi32>
        tpu.vector_store %arg10[%swap3A_116, %swap3A_117], %swap3A_120 {strides = array<i32>} : memref<80x128xi32, #tpu.memory_space<vmem>>, vector<1x16xi32>,
        %get3A_121 = arith.index_cast %scan3A_63 : i32 to index
        %get3A_122 = arith.constant 64 : index
        %get3A_123 = tpu.vector_load %arg8[%get3A_121, %get3A_122] {strides = array<i32>} : memref<80x128xi32, #tpu.memory_space<vmem>>, vector<1x16xi32>,
        %get3A_124 = vector.shape_cast %get3A_123 : vector<1x16xi32> to vector<16xi32>
        %mul3A_125 = arith.constant 4 : i32
        %mul3A_126 = vector.broadcast %mul3A_125 : i32 to vector<16xi32>
        %mul3A_127 = arith.muli %get3A_124, %mul3A_126 : vector<16xi32>
        %add3A_128 = arith.constant 3 : i32
        %add3A_129 = vector.broadcast %add3A_128 : i32 to vector<16xi32>
        %add3A_130 = arith.addi %mul3A_127, %add3A_129 : vector<16xi32>
        %swap3A_131 = arith.index_cast %scan3A_63 : i32 to index
        %swap3A_132 = arith.constant 64 : index
        %swap3A_133 = tpu.vector_load %arg10[%swap3A_131, %swap3A_132] {strides = array<i32>} : memref<80x128xi32, #tpu.memory_space<vmem>>, vector<1x16xi32>,
        %swap3A_134 = vector.shape_cast %swap3A_133 : vector<1x16xi32> to vector<16xi32>
        %swap3A_135 = vector.shape_cast %add3A_130 : vector<16xi32> to vector<1x16xi32>
        tpu.vector_store %arg10[%swap3A_131, %swap3A_132], %swap3A_135 {strides = array<i32>} : memref<80x128xi32, #tpu.memory_space<vmem>>, vector<1x16xi32>,
        %get3A_136 = arith.index_cast %scan3A_63 : i32 to index
        %get3A_137 = arith.constant 80 : index
        %get3A_138 = tpu.vector_load %arg8[%get3A_136, %get3A_137] {strides = array<i32>} : memref<80x128xi32, #tpu.memory_space<vmem>>, vector<1x16xi32>,
        %get3A_139 = vector.shape_cast %get3A_138 : vector<1x16xi32> to vector<16xi32>
        %mul3A_140 = arith.constant 4 : i32
        %mul3A_141 = vector.broadcast %mul3A_140 : i32 to vector<16xi32>
        %mul3A_142 = arith.muli %get3A_139, %mul3A_141 : vector<16xi32>
        %add3A_143 = arith.constant 3 : i32
        %add3A_144 = vector.broadcast %add3A_143 : i32 to vector<16xi32>
        %add3A_145 = arith.addi %mul3A_142, %add3A_144 : vector<16xi32>
        %swap3A_146 = arith.index_cast %scan3A_63 : i32 to index
        %swap3A_147 = arith.constant 80 : index
        %swap3A_148 = tpu.vector_load %arg10[%swap3A_146, %swap3A_147] {strides = array<i32>} : memref<80x128xi32, #tpu.memory_space<vmem>>, vector<1x16xi32>,
        %swap3A_149 = vector.shape_cast %swap3A_148 : vector<1x16xi32> to vector<16xi32>
        %swap3A_150 = vector.shape_cast %add3A_145 : vector<16xi32> to vector<1x16xi32>
        tpu.vector_store %arg10[%swap3A_146, %swap3A_147], %swap3A_150 {strides = array<i32>} : memref<80x128xi32, #tpu.memory_space<vmem>>, vector<1x16xi32>,
        %get3A_151 = arith.index_cast %scan3A_63 : i32 to index
        %get3A_152 = arith.constant 96 : index
        %get3A_153 = tpu.vector_load %arg8[%get3A_151, %get3A_152] {strides = array<i32>} : memref<80x128xi32, #tpu.memory_space<vmem>>, vector<1x16xi32>,
        %get3A_154 = vector.shape_cast %get3A_153 : vector<1x16xi32> to vector<16xi32>
        %mul3A_155 = arith.constant 4 : i32
        %mul3A_156 = vector.broadcast %mul3A_155 : i32 to vector<16xi32>
        %mul3A_157 = arith.muli %get3A_154, %mul3A_156 : vector<16xi32>
        %add3A_158 = arith.constant 3 : i32
        %add3A_159 = vector.broadcast %add3A_158 : i32 to vector<16xi32>
        %add3A_160 = arith.addi %mul3A_157, %add3A_159 : vector<16xi32>
        %swap3A_161 = arith.index_cast %scan3A_63 : i32 to index
        %swap3A_162 = arith.constant 96 : index
        %swap3A_163 = tpu.vector_load %arg10[%swap3A_161, %swap3A_162] {strides = array<i32>} : memref<80x128xi32, #tpu.memory_space<vmem>>, vector<1x16xi32>,
        %swap3A_164 = vector.shape_cast %swap3A_163 : vector<1x16xi32> to vector<16xi32>
        %swap3A_165 = vector.shape_cast %add3A_160 : vector<16xi32> to vector<1x16xi32>
        tpu.vector_store %arg10[%swap3A_161, %swap3A_162], %swap3A_165 {strides = array<i32>} : memref<80x128xi32, #tpu.memory_space<vmem>>, vector<1x16xi32>,
        %get3A_166 = arith.index_cast %scan3A_63 : i32 to index
        %get3A_167 = arith.constant 112 : index
        %get3A_168 = tpu.vector_load %arg8[%get3A_166, %get3A_167] {strides = array<i32>} : memref<80x128xi32, #tpu.memory_space<vmem>>, vector<1x16xi32>,
        %get3A_169 = vector.shape_cast %get3A_168 : vector<1x16xi32> to vector<16xi32>
        %mul3A_170 = arith.constant 4 : i32
        %mul3A_171 = vector.broadcast %mul3A_170 : i32 to vector<16xi32>
        %mul3A_172 = arith.muli %get3A_169, %mul3A_171 : vector<16xi32>
        %add3A_173 = arith.constant 3 : i32
        %add3A_174 = vector.broadcast %add3A_173 : i32 to vector<16xi32>
        %add3A_175 = arith.addi %mul3A_172, %add3A_174 : vector<16xi32>
        %swap3A_176 = arith.index_cast %scan3A_63 : i32 to index
        %swap3A_177 = arith.constant 112 : index
        %swap3A_178 = tpu.vector_load %arg10[%swap3A_176, %swap3A_177] {strides = array<i32>} : memref<80x128xi32, #tpu.memory_space<vmem>>, vector<1x16xi32>,
        %swap3A_179 = vector.shape_cast %swap3A_178 : vector<1x16xi32> to vector<16xi32>
        %swap3A_180 = vector.shape_cast %add3A_175 : vector<16xi32> to vector<1x16xi32>
        tpu.vector_store %arg10[%swap3A_176, %swap3A_177], %swap3A_180 {strides = array<i32>} : memref<80x128xi32, #tpu.memory_space<vmem>>, vector<1x16xi32>,
      }
      %scan3A_42 = arith.constant 80 : i32
      "tpu.region"() ({
        %run_scoped3A = tpu.sem_alloc : memref<!tpu.dma_semaphore, #tpu.memory_space<semaphore_mem>>
        %dma_start3A_63 = arith.constant 0 : i32
        %dma_start3A_64 = tpu.memref_slice %arg13[%mul3A_0, %dma_start3A_63] : memref<40960x32xf32, #tpu.memory_space<vmem_shared>> -> memref<2560x32xf32, #tpu.memory_space<vmem_shared>>
        tpu.enqueue_dma source(%arg5 : memref<2560x32xf32, #tpu.memory_space<hbm>>) target(%dma_start3A_64 : memref<2560x32xf32, #tpu.memory_space<vmem_shared>>) target_semaphore(%run_scoped3A : memref<!tpu.dma_semaphore, #tpu.memory_space<semaphore_mem>>)
        %dma_wait3A_65 = arith.constant 0 : i32
        %dma_wait3A_66 = tpu.memref_slice %arg13[%mul3A_0, %dma_wait3A_65] : memref<40960x32xf32, #tpu.memory_space<vmem_shared>> -> memref<2560x32xf32, #tpu.memory_space<vmem_shared>>
        tpu.wait_dma2 semaphore(%run_scoped3A : memref<!tpu.dma_semaphore, #tpu.memory_space<semaphore_mem>>) src(%arg5 : memref<2560x32xf32, #tpu.memory_space<hbm>>) dst(%dma_wait3A_66 : memref<2560x32xf32, #tpu.memory_space<vmem_shared>>)
        tpu.yield
      }) : () -> ()
      %barrier3A = arith.constant 0 : index
      tpu.barrier barrier_id(%barrier3A)
      %dma_start3A = arith.constant 0 : i32
      %dma_start3A_43 = arith.constant 0 : i32
      %dma_start3A_44 = tpu.memref_slice %arg10[%dma_start3A, %dma_start3A_43] : memref<80x128xi32, #tpu.memory_space<vmem>> -> memref<1x128xi32, #tpu.memory_space<vmem>>
      %dma_start3A_45 = tpu.memref_squeeze %dma_start3A_44 : memref<1x128xi32, #tpu.memory_space<vmem>> -> memref<128xi32, #tpu.memory_space<vmem>>
      %dma_start3A_46 = arith.constant 0 : i32
      %dma_start3A_47 = arith.constant 0 : i32
      %dma_start3A_48 = tpu.memref_slice %arg2[%dma_start3A_46, %dma_start3A_47] : memref<40000x32xf32, #tpu.memory_space<hbm>> -> memref<40000x32xf32, #tpu.memory_space<hbm>>
      tpu.enqueue_indirect_dma source(%dma_start3A_48 : memref<40000x32xf32, #tpu.memory_space<hbm>>) target(%arg11 : memref<128x32xf32, #tpu.memory_space<vmem>>) offsets(%dma_start3A_45 : memref<128xi32, #tpu.memory_space<vmem>>) semaphore(%arg14 : memref<!tpu.dma_semaphore, #tpu.memory_space<semaphore_mem>>)
      %scan3A_49 = arith.constant 0 : i32
      %scan3A_50 = arith.constant 0 : i32
      %scan3A_51 = arith.constant 40 : i32
      %scan3A_52 = arith.addi %scan3A_50, %scan3A_51 : i32
      %scan3A_53 = arith.constant 1 : i32
      scf.for %scan3A_63 = %scan3A_50 to %scan3A_52 step %scan3A_53  : i32 {
        %mul3A_64 = arith.constant 2 : i32
        %mul3A_65 = arith.muli %mul3A_64, %scan3A_63 : i32
        %add3A = arith.constant 1 : i32
        %add3A_66 = arith.addi %mul3A_65, %add3A : i32
        %add3A_67 = arith.constant 2 : i32
        %add3A_68 = arith.addi %mul3A_65, %add3A_67 : i32
        %min3A = arith.constant 79 : i32
        %min3A_69 = arith.minsi %add3A_68, %min3A : i32
        %dma_wait3A_70 = arith.constant 0 : i32
        %dma_wait3A_71 = tpu.memref_slice %arg10[%mul3A_65, %dma_wait3A_70] : memref<80x128xi32, #tpu.memory_space<vmem>> -> memref<1x128xi32, #tpu.memory_space<vmem>>
        %dma_wait3A_72 = tpu.memref_squeeze %dma_wait3A_71 : memref<1x128xi32, #tpu.memory_space<vmem>> -> memref<128xi32, #tpu.memory_space<vmem>>
        %dma_wait3A_73 = arith.constant 0 : i32
        %dma_wait3A_74 = arith.constant 0 : i32
        %dma_wait3A_75 = tpu.memref_slice %arg2[%dma_wait3A_73, %dma_wait3A_74] : memref<40000x32xf32, #tpu.memory_space<hbm>> -> memref<40000x32xf32, #tpu.memory_space<hbm>>
        tpu.wait_indirect_dma semaphore(%arg14 : memref<!tpu.dma_semaphore, #tpu.memory_space<semaphore_mem>>) src(%dma_wait3A_75 : memref<40000x32xf32, #tpu.memory_space<hbm>>) dst(%arg11 : memref<128x32xf32, #tpu.memory_space<vmem>>)
        %dma_start3A_76 = arith.constant 0 : i32
        %dma_start3A_77 = tpu.memref_slice %arg10[%add3A_66, %dma_start3A_76] : memref<80x128xi32, #tpu.memory_space<vmem>> -> memref<1x128xi32, #tpu.memory_space<vmem>>
        %dma_start3A_78 = tpu.memref_squeeze %dma_start3A_77 : memref<1x128xi32, #tpu.memory_space<vmem>> -> memref<128xi32, #tpu.memory_space<vmem>>
        %dma_start3A_79 = arith.constant 0 : i32
        %dma_start3A_80 = arith.constant 0 : i32
        %dma_start3A_81 = tpu.memref_slice %arg2[%dma_start3A_79, %dma_start3A_80] : memref<40000x32xf32, #tpu.memory_space<hbm>> -> memref<40000x32xf32, #tpu.memory_space<hbm>>
        tpu.enqueue_indirect_dma source(%dma_start3A_81 : memref<40000x32xf32, #tpu.memory_space<hbm>>) target(%arg12 : memref<128x32xf32, #tpu.memory_space<vmem>>) offsets(%dma_start3A_78 : memref<128xi32, #tpu.memory_space<vmem>>) semaphore(%arg14 : memref<!tpu.dma_semaphore, #tpu.memory_space<semaphore_mem>>)
        "tpu.region"() ({
          %run_scoped3A = tpu.sem_alloc : memref<!tpu.dma_semaphore, #tpu.memory_space<semaphore_mem>>
          %dma_start3A_94 = arith.constant 0 : i32
          %dma_start3A_95 = tpu.memref_slice %arg9[%mul3A_65, %dma_start3A_94] : memref<80x128xi32, #tpu.memory_space<vmem>> -> memref<1x128xi32, #tpu.memory_space<vmem>>
          %dma_start3A_96 = tpu.memref_squeeze %dma_start3A_95 : memref<1x128xi32, #tpu.memory_space<vmem>> -> memref<128xi32, #tpu.memory_space<vmem>>
          %dma_start3A_97 = arith.constant 0 : i32
          %dma_start3A_98 = arith.constant 0 : i32
          %dma_start3A_99 = tpu.memref_slice %arg13[%dma_start3A_97, %dma_start3A_98] : memref<40960x32xf32, #tpu.memory_space<vmem_shared>> -> memref<40960x32xf32, #tpu.memory_space<vmem_shared>>
          tpu.enqueue_indirect_dma source(%arg11 : memref<128x32xf32, #tpu.memory_space<vmem>>) target(%dma_start3A_99 : memref<40960x32xf32, #tpu.memory_space<vmem_shared>>) offsets(%dma_start3A_96 : memref<128xi32, #tpu.memory_space<vmem>>) semaphore(%run_scoped3A : memref<!tpu.dma_semaphore, #tpu.memory_space<semaphore_mem>>) {add = true}
          %dma_wait3A_100 = arith.constant 0 : i32
          %dma_wait3A_101 = tpu.memref_slice %arg9[%mul3A_65, %dma_wait3A_100] : memref<80x128xi32, #tpu.memory_space<vmem>> -> memref<1x128xi32, #tpu.memory_space<vmem>>
          %dma_wait3A_102 = tpu.memref_squeeze %dma_wait3A_101 : memref<1x128xi32, #tpu.memory_space<vmem>> -> memref<128xi32, #tpu.memory_space<vmem>>
          %dma_wait3A_103 = arith.constant 0 : i32
          %dma_wait3A_104 = arith.constant 0 : i32
          %dma_wait3A_105 = tpu.memref_slice %arg13[%dma_wait3A_103, %dma_wait3A_104] : memref<40960x32xf32, #tpu.memory_space<vmem_shared>> -> memref<40960x32xf32, #tpu.memory_space<vmem_shared>>
          tpu.wait_indirect_dma semaphore(%run_scoped3A : memref<!tpu.dma_semaphore, #tpu.memory_space<semaphore_mem>>) src(%arg11 : memref<128x32xf32, #tpu.memory_space<vmem>>) dst(%dma_wait3A_105 : memref<40960x32xf32, #tpu.memory_space<vmem_shared>>)
          tpu.yield
        }) : () -> ()
        %dma_wait3A_82 = arith.constant 0 : i32
        %dma_wait3A_83 = tpu.memref_slice %arg10[%add3A_66, %dma_wait3A_82] : memref<80x128xi32, #tpu.memory_space<vmem>> -> memref<1x128xi32, #tpu.memory_space<vmem>>
        %dma_wait3A_84 = tpu.memref_squeeze %dma_wait3A_83 : memref<1x128xi32, #tpu.memory_space<vmem>> -> memref<128xi32, #tpu.memory_space<vmem>>
        %dma_wait3A_85 = arith.constant 0 : i32
        %dma_wait3A_86 = arith.constant 0 : i32
        %dma_wait3A_87 = tpu.memref_slice %arg2[%dma_wait3A_85, %dma_wait3A_86] : memref<40000x32xf32, #tpu.memory_space<hbm>> -> memref<40000x32xf32, #tpu.memory_space<hbm>>
        tpu.wait_indirect_dma semaphore(%arg14 : memref<!tpu.dma_semaphore, #tpu.memory_space<semaphore_mem>>) src(%dma_wait3A_87 : memref<40000x32xf32, #tpu.memory_space<hbm>>) dst(%arg12 : memref<128x32xf32, #tpu.memory_space<vmem>>)
        %dma_start3A_88 = arith.constant 0 : i32
        %dma_start3A_89 = tpu.memref_slice %arg10[%min3A_69, %dma_start3A_88] : memref<80x128xi32, #tpu.memory_space<vmem>> -> memref<1x128xi32, #tpu.memory_space<vmem>>
        %dma_start3A_90 = tpu.memref_squeeze %dma_start3A_89 : memref<1x128xi32, #tpu.memory_space<vmem>> -> memref<128xi32, #tpu.memory_space<vmem>>
        %dma_start3A_91 = arith.constant 0 : i32
        %dma_start3A_92 = arith.constant 0 : i32
        %dma_start3A_93 = tpu.memref_slice %arg2[%dma_start3A_91, %dma_start3A_92] : memref<40000x32xf32, #tpu.memory_space<hbm>> -> memref<40000x32xf32, #tpu.memory_space<hbm>>
        tpu.enqueue_indirect_dma source(%dma_start3A_93 : memref<40000x32xf32, #tpu.memory_space<hbm>>) target(%arg11 : memref<128x32xf32, #tpu.memory_space<vmem>>) offsets(%dma_start3A_90 : memref<128xi32, #tpu.memory_space<vmem>>) semaphore(%arg14 : memref<!tpu.dma_semaphore, #tpu.memory_space<semaphore_mem>>)
        "tpu.region"() ({
          %run_scoped3A = tpu.sem_alloc : memref<!tpu.dma_semaphore, #tpu.memory_space<semaphore_mem>>
          %dma_start3A_94 = arith.constant 0 : i32
          %dma_start3A_95 = tpu.memref_slice %arg9[%add3A_66, %dma_start3A_94] : memref<80x128xi32, #tpu.memory_space<vmem>> -> memref<1x128xi32, #tpu.memory_space<vmem>>
          %dma_start3A_96 = tpu.memref_squeeze %dma_start3A_95 : memref<1x128xi32, #tpu.memory_space<vmem>> -> memref<128xi32, #tpu.memory_space<vmem>>
          %dma_start3A_97 = arith.constant 0 : i32
          %dma_start3A_98 = arith.constant 0 : i32
          %dma_start3A_99 = tpu.memref_slice %arg13[%dma_start3A_97, %dma_start3A_98] : memref<40960x32xf32, #tpu.memory_space<vmem_shared>> -> memref<40960x32xf32, #tpu.memory_space<vmem_shared>>
          tpu.enqueue_indirect_dma source(%arg12 : memref<128x32xf32, #tpu.memory_space<vmem>>) target(%dma_start3A_99 : memref<40960x32xf32, #tpu.memory_space<vmem_shared>>) offsets(%dma_start3A_96 : memref<128xi32, #tpu.memory_space<vmem>>) semaphore(%run_scoped3A : memref<!tpu.dma_semaphore, #tpu.memory_space<semaphore_mem>>) {add = true}
          %dma_wait3A_100 = arith.constant 0 : i32
          %dma_wait3A_101 = tpu.memref_slice %arg9[%add3A_66, %dma_wait3A_100] : memref<80x128xi32, #tpu.memory_space<vmem>> -> memref<1x128xi32, #tpu.memory_space<vmem>>
          %dma_wait3A_102 = tpu.memref_squeeze %dma_wait3A_101 : memref<1x128xi32, #tpu.memory_space<vmem>> -> memref<128xi32, #tpu.memory_space<vmem>>
          %dma_wait3A_103 = arith.constant 0 : i32
          %dma_wait3A_104 = arith.constant 0 : i32
          %dma_wait3A_105 = tpu.memref_slice %arg13[%dma_wait3A_103, %dma_wait3A_104] : memref<40960x32xf32, #tpu.memory_space<vmem_shared>> -> memref<40960x32xf32, #tpu.memory_space<vmem_shared>>
          tpu.wait_indirect_dma semaphore(%run_scoped3A : memref<!tpu.dma_semaphore, #tpu.memory_space<semaphore_mem>>) src(%arg12 : memref<128x32xf32, #tpu.memory_space<vmem>>) dst(%dma_wait3A_105 : memref<40960x32xf32, #tpu.memory_space<vmem_shared>>)
          tpu.yield
        }) : () -> ()
      }
      %scan3A_54 = arith.constant 40 : i32
      %dma_wait3A = arith.constant 79 : i32
      %dma_wait3A_55 = arith.constant 0 : i32
      %dma_wait3A_56 = tpu.memref_slice %arg10[%dma_wait3A, %dma_wait3A_55] : memref<80x128xi32, #tpu.memory_space<vmem>> -> memref<1x128xi32, #tpu.memory_space<vmem>>
      %dma_wait3A_57 = tpu.memref_squeeze %dma_wait3A_56 : memref<1x128xi32, #tpu.memory_space<vmem>> -> memref<128xi32, #tpu.memory_space<vmem>>
      %dma_wait3A_58 = arith.constant 0 : i32
      %dma_wait3A_59 = arith.constant 0 : i32
      %dma_wait3A_60 = tpu.memref_slice %arg2[%dma_wait3A_58, %dma_wait3A_59] : memref<40000x32xf32, #tpu.memory_space<hbm>> -> memref<40000x32xf32, #tpu.memory_space<hbm>>
      tpu.wait_indirect_dma semaphore(%arg14 : memref<!tpu.dma_semaphore, #tpu.memory_space<semaphore_mem>>) src(%dma_wait3A_60 : memref<40000x32xf32, #tpu.memory_space<hbm>>) dst(%arg11 : memref<128x32xf32, #tpu.memory_space<vmem>>)
      %barrier3A_61 = arith.constant 0 : index
      tpu.barrier barrier_id(%barrier3A_61)
      "tpu.region"() ({
        %run_scoped3A = tpu.sem_alloc : memref<!tpu.dma_semaphore, #tpu.memory_space<semaphore_mem>>
        %dma_start3A_63 = arith.constant 96 : i32
        %dma_start3A_64 = tpu.memref_slice %arg6[%mul3A_0, %dma_start3A_63] : memref<40960x128xf32, #tpu.memory_space<hbm>> -> memref<2560x32xf32, #tpu.memory_space<hbm>>
        %dma_start3A_65 = arith.constant 0 : i32
        %dma_start3A_66 = tpu.memref_slice %arg13[%mul3A_0, %dma_start3A_65] : memref<40960x32xf32, #tpu.memory_space<vmem_shared>> -> memref<2560x32xf32, #tpu.memory_space<vmem_shared>>
        tpu.enqueue_dma source(%dma_start3A_66 : memref<2560x32xf32, #tpu.memory_space<vmem_shared>>) target(%dma_start3A_64 : memref<2560x32xf32, #tpu.memory_space<hbm>>) target_semaphore(%run_scoped3A : memref<!tpu.dma_semaphore, #tpu.memory_space<semaphore_mem>>)
        %dma_wait3A_67 = arith.constant 96 : i32
        %dma_wait3A_68 = tpu.memref_slice %arg6[%mul3A_0, %dma_wait3A_67] : memref<40960x128xf32, #tpu.memory_space<hbm>> -> memref<2560x32xf32, #tpu.memory_space<hbm>>
        %dma_wait3A_69 = arith.constant 0 : i32
        %dma_wait3A_70 = tpu.memref_slice %arg13[%mul3A_0, %dma_wait3A_69] : memref<40960x32xf32, #tpu.memory_space<vmem_shared>> -> memref<2560x32xf32, #tpu.memory_space<vmem_shared>>
        tpu.wait_dma2 semaphore(%run_scoped3A : memref<!tpu.dma_semaphore, #tpu.memory_space<semaphore_mem>>) src(%dma_wait3A_70 : memref<2560x32xf32, #tpu.memory_space<vmem_shared>>) dst(%dma_wait3A_68 : memref<2560x32xf32, #tpu.memory_space<hbm>>)
        tpu.yield
      }) : () -> ()
      %barrier3A_62 = arith.constant 0 : index
      tpu.barrier barrier_id(%barrier3A_62)
    } else {
    }
    %eq3A_27 = arith.constant 0 : i32
    %eq3A_28 = arith.cmpi eq, %arg0, %eq3A_27 : i32
    %convert_element_type3A_29 = arith.extui %eq3A_28 : i1 to i32
    %cond3A_30 = arith.constant 0 : i32
    %cond3A_31 = arith.cmpi ne, %convert_element_type3A_29, %cond3A_30 : i32
    scf.if %cond3A_31 {
      "tpu.region"() ({
        %run_scoped3A = tpu.sem_alloc : memref<!tpu.dma_semaphore, #tpu.memory_space<semaphore_mem>>
        %dma_start3A = arith.constant 0 : i32
        %dma_start3A_45 = tpu.memref_slice %arg13[%mul3A_0, %dma_start3A] : memref<40960x32xf32, #tpu.memory_space<vmem_shared>> -> memref<2560x32xf32, #tpu.memory_space<vmem_shared>>
        tpu.enqueue_dma source(%arg5 : memref<2560x32xf32, #tpu.memory_space<hbm>>) target(%dma_start3A_45 : memref<2560x32xf32, #tpu.memory_space<vmem_shared>>) target_semaphore(%run_scoped3A : memref<!tpu.dma_semaphore, #tpu.memory_space<semaphore_mem>>)
        %dma_wait3A = arith.constant 0 : i32
        %dma_wait3A_46 = tpu.memref_slice %arg13[%mul3A_0, %dma_wait3A] : memref<40960x32xf32, #tpu.memory_space<vmem_shared>> -> memref<2560x32xf32, #tpu.memory_space<vmem_shared>>
        tpu.wait_dma2 semaphore(%run_scoped3A : memref<!tpu.dma_semaphore, #tpu.memory_space<semaphore_mem>>) src(%arg5 : memref<2560x32xf32, #tpu.memory_space<hbm>>) dst(%dma_wait3A_46 : memref<2560x32xf32, #tpu.memory_space<vmem_shared>>)
        tpu.yield
      }) : () -> ()
      %barrier3A = arith.constant 0 : index
      tpu.barrier barrier_id(%barrier3A)
      %scan3A_37 = arith.constant 0 : i32
      %scan3A_38 = arith.constant 0 : i32
      %scan3A_39 = arith.constant 40 : i32
      %scan3A_40 = arith.addi %scan3A_38, %scan3A_39 : i32
      %scan3A_41 = arith.constant 1 : i32
      scf.for %scan3A_45 = %scan3A_38 to %scan3A_40 step %scan3A_41  : i32 {
        %add3A = arith.constant 0 : i32
        %add3A_46 = arith.addi %add3A, %scan3A_45 : i32
        "tpu.region"() ({
          %run_scoped3A = tpu.sem_alloc : memref<!tpu.dma_semaphore, #tpu.memory_space<semaphore_mem>>
          %dma_start3A = arith.constant 0 : i32
          %dma_start3A_47 = tpu.memref_slice %arg9[%add3A_46, %dma_start3A] : memref<80x128xi32, #tpu.memory_space<vmem>> -> memref<1x128xi32, #tpu.memory_space<vmem>>
          %dma_start3A_48 = tpu.memref_squeeze %dma_start3A_47 : memref<1x128xi32, #tpu.memory_space<vmem>> -> memref<128xi32, #tpu.memory_space<vmem>>
          %dma_start3A_49 = arith.constant 0 : i32
          %dma_start3A_50 = arith.constant 0 : i32
          %dma_start3A_51 = tpu.memref_slice %arg13[%dma_start3A_49, %dma_start3A_50] : memref<40960x32xf32, #tpu.memory_space<vmem_shared>> -> memref<40960x32xf32, #tpu.memory_space<vmem_shared>>
          tpu.enqueue_indirect_dma source(%arg15 : memref<128x32xf32, #tpu.memory_space<vmem>>) target(%dma_start3A_51 : memref<40960x32xf32, #tpu.memory_space<vmem_shared>>) offsets(%dma_start3A_48 : memref<128xi32, #tpu.memory_space<vmem>>) semaphore(%run_scoped3A : memref<!tpu.dma_semaphore, #tpu.memory_space<semaphore_mem>>) {add = true}
          %dma_wait3A = arith.constant 0 : i32
          %dma_wait3A_52 = tpu.memref_slice %arg9[%add3A_46, %dma_wait3A] : memref<80x128xi32, #tpu.memory_space<vmem>> -> memref<1x128xi32, #tpu.memory_space<vmem>>
          %dma_wait3A_53 = tpu.memref_squeeze %dma_wait3A_52 : memref<1x128xi32, #tpu.memory_space<vmem>> -> memref<128xi32, #tpu.memory_space<vmem>>
          %dma_wait3A_54 = arith.constant 0 : i32
          %dma_wait3A_55 = arith.constant 0 : i32
          %dma_wait3A_56 = tpu.memref_slice %arg13[%dma_wait3A_54, %dma_wait3A_55] : memref<40960x32xf32, #tpu.memory_space<vmem_shared>> -> memref<40960x32xf32, #tpu.memory_space<vmem_shared>>
          tpu.wait_indirect_dma semaphore(%run_scoped3A : memref<!tpu.dma_semaphore, #tpu.memory_space<semaphore_mem>>) src(%arg15 : memref<128x32xf32, #tpu.memory_space<vmem>>) dst(%dma_wait3A_56 : memref<40960x32xf32, #tpu.memory_space<vmem_shared>>)
          tpu.yield
        }) : () -> ()
      }
      %scan3A_42 = arith.constant 40 : i32
      %barrier3A_43 = arith.constant 0 : index
      tpu.barrier barrier_id(%barrier3A_43)
      "tpu.region"() ({
        %run_scoped3A = tpu.sem_alloc : memref<!tpu.dma_semaphore, #tpu.memory_space<semaphore_mem>>
        %dma_start3A = arith.constant 0 : i32
        %dma_start3A_45 = tpu.memref_slice %arg7[%mul3A_0, %dma_start3A] : memref<40960x128xf32, #tpu.memory_space<hbm>> -> memref<2560x32xf32, #tpu.memory_space<hbm>>
        %dma_start3A_46 = arith.constant 0 : i32
        %dma_start3A_47 = tpu.memref_slice %arg13[%mul3A_0, %dma_start3A_46] : memref<40960x32xf32, #tpu.memory_space<vmem_shared>> -> memref<2560x32xf32, #tpu.memory_space<vmem_shared>>
        tpu.enqueue_dma source(%dma_start3A_47 : memref<2560x32xf32, #tpu.memory_space<vmem_shared>>) target(%dma_start3A_45 : memref<2560x32xf32, #tpu.memory_space<hbm>>) target_semaphore(%run_scoped3A : memref<!tpu.dma_semaphore, #tpu.memory_space<semaphore_mem>>)
        %dma_wait3A = arith.constant 0 : i32
        %dma_wait3A_48 = tpu.memref_slice %arg7[%mul3A_0, %dma_wait3A] : memref<40960x128xf32, #tpu.memory_space<hbm>> -> memref<2560x32xf32, #tpu.memory_space<hbm>>
        %dma_wait3A_49 = arith.constant 0 : i32
        %dma_wait3A_50 = tpu.memref_slice %arg13[%mul3A_0, %dma_wait3A_49] : memref<40960x32xf32, #tpu.memory_space<vmem_shared>> -> memref<2560x32xf32, #tpu.memory_space<vmem_shared>>
        tpu.wait_dma2 semaphore(%run_scoped3A : memref<!tpu.dma_semaphore, #tpu.memory_space<semaphore_mem>>) src(%dma_wait3A_50 : memref<2560x32xf32, #tpu.memory_space<vmem_shared>>) dst(%dma_wait3A_48 : memref<2560x32xf32, #tpu.memory_space<hbm>>)
        tpu.yield
      }) : () -> ()
      %barrier3A_44 = arith.constant 0 : index
      tpu.barrier barrier_id(%barrier3A_44)
    } else {
    }
    %eq3A_32 = arith.constant 1 : i32
    %eq3A_33 = arith.cmpi eq, %arg0, %eq3A_32 : i32
    %convert_element_type3A_34 = arith.extui %eq3A_33 : i1 to i32
    %cond3A_35 = arith.constant 0 : i32
    %cond3A_36 = arith.cmpi ne, %convert_element_type3A_34, %cond3A_35 : i32
    scf.if %cond3A_36 {
      "tpu.region"() ({
        %run_scoped3A = tpu.sem_alloc : memref<!tpu.dma_semaphore, #tpu.memory_space<semaphore_mem>>
        %dma_start3A = arith.constant 0 : i32
        %dma_start3A_45 = tpu.memref_slice %arg13[%mul3A_0, %dma_start3A] : memref<40960x32xf32, #tpu.memory_space<vmem_shared>> -> memref<2560x32xf32, #tpu.memory_space<vmem_shared>>
        tpu.enqueue_dma source(%arg5 : memref<2560x32xf32, #tpu.memory_space<hbm>>) target(%dma_start3A_45 : memref<2560x32xf32, #tpu.memory_space<vmem_shared>>) target_semaphore(%run_scoped3A : memref<!tpu.dma_semaphore, #tpu.memory_space<semaphore_mem>>)
        %dma_wait3A = arith.constant 0 : i32
        %dma_wait3A_46 = tpu.memref_slice %arg13[%mul3A_0, %dma_wait3A] : memref<40960x32xf32, #tpu.memory_space<vmem_shared>> -> memref<2560x32xf32, #tpu.memory_space<vmem_shared>>
        tpu.wait_dma2 semaphore(%run_scoped3A : memref<!tpu.dma_semaphore, #tpu.memory_space<semaphore_mem>>) src(%arg5 : memref<2560x32xf32, #tpu.memory_space<hbm>>) dst(%dma_wait3A_46 : memref<2560x32xf32, #tpu.memory_space<vmem_shared>>)
        tpu.yield
      }) : () -> ()
      %barrier3A = arith.constant 0 : index
      tpu.barrier barrier_id(%barrier3A)
      %scan3A_37 = arith.constant 0 : i32
      %scan3A_38 = arith.constant 0 : i32
      %scan3A_39 = arith.constant 40 : i32
      %scan3A_40 = arith.addi %scan3A_38, %scan3A_39 : i32
      %scan3A_41 = arith.constant 1 : i32
      scf.for %scan3A_45 = %scan3A_38 to %scan3A_40 step %scan3A_41  : i32 {
        %add3A = arith.constant 40 : i32
        %add3A_46 = arith.addi %add3A, %scan3A_45 : i32
        "tpu.region"() ({
          %run_scoped3A = tpu.sem_alloc : memref<!tpu.dma_semaphore, #tpu.memory_space<semaphore_mem>>
          %dma_start3A = arith.constant 0 : i32
          %dma_start3A_47 = tpu.memref_slice %arg9[%add3A_46, %dma_start3A] : memref<80x128xi32, #tpu.memory_space<vmem>> -> memref<1x128xi32, #tpu.memory_space<vmem>>
          %dma_start3A_48 = tpu.memref_squeeze %dma_start3A_47 : memref<1x128xi32, #tpu.memory_space<vmem>> -> memref<128xi32, #tpu.memory_space<vmem>>
          %dma_start3A_49 = arith.constant 0 : i32
          %dma_start3A_50 = arith.constant 0 : i32
          %dma_start3A_51 = tpu.memref_slice %arg13[%dma_start3A_49, %dma_start3A_50] : memref<40960x32xf32, #tpu.memory_space<vmem_shared>> -> memref<40960x32xf32, #tpu.memory_space<vmem_shared>>
          tpu.enqueue_indirect_dma source(%arg15 : memref<128x32xf32, #tpu.memory_space<vmem>>) target(%dma_start3A_51 : memref<40960x32xf32, #tpu.memory_space<vmem_shared>>) offsets(%dma_start3A_48 : memref<128xi32, #tpu.memory_space<vmem>>) semaphore(%run_scoped3A : memref<!tpu.dma_semaphore, #tpu.memory_space<semaphore_mem>>) {add = true}
          %dma_wait3A = arith.constant 0 : i32
          %dma_wait3A_52 = tpu.memref_slice %arg9[%add3A_46, %dma_wait3A] : memref<80x128xi32, #tpu.memory_space<vmem>> -> memref<1x128xi32, #tpu.memory_space<vmem>>
          %dma_wait3A_53 = tpu.memref_squeeze %dma_wait3A_52 : memref<1x128xi32, #tpu.memory_space<vmem>> -> memref<128xi32, #tpu.memory_space<vmem>>
          %dma_wait3A_54 = arith.constant 0 : i32
          %dma_wait3A_55 = arith.constant 0 : i32
          %dma_wait3A_56 = tpu.memref_slice %arg13[%dma_wait3A_54, %dma_wait3A_55] : memref<40960x32xf32, #tpu.memory_space<vmem_shared>> -> memref<40960x32xf32, #tpu.memory_space<vmem_shared>>
          tpu.wait_indirect_dma semaphore(%run_scoped3A : memref<!tpu.dma_semaphore, #tpu.memory_space<semaphore_mem>>) src(%arg15 : memref<128x32xf32, #tpu.memory_space<vmem>>) dst(%dma_wait3A_56 : memref<40960x32xf32, #tpu.memory_space<vmem_shared>>)
          tpu.yield
        }) : () -> ()
      }
      %scan3A_42 = arith.constant 40 : i32
      %barrier3A_43 = arith.constant 0 : index
      tpu.barrier barrier_id(%barrier3A_43)
      "tpu.region"() ({
        %run_scoped3A = tpu.sem_alloc : memref<!tpu.dma_semaphore, #tpu.memory_space<semaphore_mem>>
        %dma_start3A = arith.constant 32 : i32
        %dma_start3A_45 = tpu.memref_slice %arg7[%mul3A_0, %dma_start3A] : memref<40960x128xf32, #tpu.memory_space<hbm>> -> memref<2560x32xf32, #tpu.memory_space<hbm>>
        %dma_start3A_46 = arith.constant 0 : i32
        %dma_start3A_47 = tpu.memref_slice %arg13[%mul3A_0, %dma_start3A_46] : memref<40960x32xf32, #tpu.memory_space<vmem_shared>> -> memref<2560x32xf32, #tpu.memory_space<vmem_shared>>
        tpu.enqueue_dma source(%dma_start3A_47 : memref<2560x32xf32, #tpu.memory_space<vmem_shared>>) target(%dma_start3A_45 : memref<2560x32xf32, #tpu.memory_space<hbm>>) target_semaphore(%run_scoped3A : memref<!tpu.dma_semaphore, #tpu.memory_space<semaphore_mem>>)
        %dma_wait3A = arith.constant 32 : i32
        %dma_wait3A_48 = tpu.memref_slice %arg7[%mul3A_0, %dma_wait3A] : memref<40960x128xf32, #tpu.memory_space<hbm>> -> memref<2560x32xf32, #tpu.memory_space<hbm>>
        %dma_wait3A_49 = arith.constant 0 : i32
        %dma_wait3A_50 = tpu.memref_slice %arg13[%mul3A_0, %dma_wait3A_49] : memref<40960x32xf32, #tpu.memory_space<vmem_shared>> -> memref<2560x32xf32, #tpu.memory_space<vmem_shared>>
        tpu.wait_dma2 semaphore(%run_scoped3A : memref<!tpu.dma_semaphore, #tpu.memory_space<semaphore_mem>>) src(%dma_wait3A_50 : memref<2560x32xf32, #tpu.memory_space<vmem_shared>>) dst(%dma_wait3A_48 : memref<2560x32xf32, #tpu.memory_space<hbm>>)
        tpu.yield
      }) : () -> ()
      %barrier3A_44 = arith.constant 0 : index
      tpu.barrier barrier_id(%barrier3A_44)
    } else {
    }
    return
  }
}

#map = affine_map<(d0, d1) -> (0, 0)>
module attributes {stable_mosaic.version = 14 : i64} {
  func.func @body(%arg0: i32, %arg1: i32, %arg2: memref<163840x32xf32, #tpu.memory_space<hbm>>, %arg3: memref<1280x128xi32, #tpu.memory_space<hbm>>, %arg4: memref<1280x128xi32, #tpu.memory_space<hbm>>, %arg5: memref<2560x32xf32, #tpu.memory_space<hbm>>, %arg6: memref<40960x128xf32, #tpu.memory_space<hbm>>, %arg7: memref<80x128xi32, #tpu.memory_space<vmem>>, %arg8: memref<80x128xi32, #tpu.memory_space<vmem>>, %arg9: memref<80x128xi32, #tpu.memory_space<vmem>>, %arg10: memref<128x32xf32, #tpu.memory_space<vmem>>, %arg11: memref<128x32xf32, #tpu.memory_space<vmem>>, %arg12: memref<40960x32xf32, #tpu.memory_space<vmem_shared>>, %arg13: memref<!tpu.dma_semaphore, #tpu.memory_space<semaphore_mem>>) attributes {dimension_semantics = [#tpu.dimension_semantics<core_parallel>, #tpu.dimension_semantics<subcore_parallel>], iteration_bounds = array<i64: 2, 16>, scalar_prefetch = 0 : i64, scratch_operands = 7 : i64, tpu.core_type = #tpu.core_type<sc_vector_subcore>, window_params = [{transform_indices = #map}, {transform_indices = #map}, {transform_indices = #map}, {transform_indices = #map}, {transform_indices = #map}]} {
    %mul3A = arith.constant 2560 : i32
    %mul3A_0 = arith.muli %arg1, %mul3A : i32
    %mul3A_1 = arith.constant 80 : i32
    %mul3A_2 = arith.muli %arg1, %mul3A_1 : i32
    "tpu.region"() ({
      %run_scoped3A = tpu.sem_alloc : memref<!tpu.dma_semaphore, #tpu.memory_space<semaphore_mem>>
      %dma_start3A = arith.constant 0 : i32
      %dma_start3A_22 = tpu.memref_slice %arg3[%mul3A_2, %dma_start3A] : memref<1280x128xi32, #tpu.memory_space<hbm>> -> memref<80x128xi32, #tpu.memory_space<hbm>>
      %dma_start3A_23 = arith.constant 0 : i32
      %dma_start3A_24 = tpu.memref_slice %arg3[%mul3A_2, %dma_start3A_23] : memref<1280x128xi32, #tpu.memory_space<hbm>> -> memref<80x128xi32, #tpu.memory_space<hbm>>
      tpu.enqueue_dma source(%dma_start3A_24 : memref<80x128xi32, #tpu.memory_space<hbm>>) target(%arg7 : memref<80x128xi32, #tpu.memory_space<vmem>>) target_semaphore(%run_scoped3A : memref<!tpu.dma_semaphore, #tpu.memory_space<semaphore_mem>>)
      %dma_wait3A = arith.constant 0 : i32
      %dma_wait3A_25 = tpu.memref_slice %arg3[%mul3A_2, %dma_wait3A] : memref<1280x128xi32, #tpu.memory_space<hbm>> -> memref<80x128xi32, #tpu.memory_space<hbm>>
      %dma_wait3A_26 = arith.constant 0 : i32
      %dma_wait3A_27 = tpu.memref_slice %arg3[%mul3A_2, %dma_wait3A_26] : memref<1280x128xi32, #tpu.memory_space<hbm>> -> memref<80x128xi32, #tpu.memory_space<hbm>>
      tpu.wait_dma2 semaphore(%run_scoped3A : memref<!tpu.dma_semaphore, #tpu.memory_space<semaphore_mem>>) src(%dma_wait3A_27 : memref<80x128xi32, #tpu.memory_space<hbm>>) dst(%arg7 : memref<80x128xi32, #tpu.memory_space<vmem>>)
      tpu.yield
    }) : () -> ()
    %mul3A_3 = arith.constant 80 : i32
    %mul3A_4 = arith.muli %arg1, %mul3A_3 : i32
    "tpu.region"() ({
      %run_scoped3A = tpu.sem_alloc : memref<!tpu.dma_semaphore, #tpu.memory_space<semaphore_mem>>
      %dma_start3A = arith.constant 0 : i32
      %dma_start3A_22 = tpu.memref_slice %arg4[%mul3A_4, %dma_start3A] : memref<1280x128xi32, #tpu.memory_space<hbm>> -> memref<80x128xi32, #tpu.memory_space<hbm>>
      %dma_start3A_23 = arith.constant 0 : i32
      %dma_start3A_24 = tpu.memref_slice %arg4[%mul3A_4, %dma_start3A_23] : memref<1280x128xi32, #tpu.memory_space<hbm>> -> memref<80x128xi32, #tpu.memory_space<hbm>>
      tpu.enqueue_dma source(%dma_start3A_24 : memref<80x128xi32, #tpu.memory_space<hbm>>) target(%arg8 : memref<80x128xi32, #tpu.memory_space<vmem>>) target_semaphore(%run_scoped3A : memref<!tpu.dma_semaphore, #tpu.memory_space<semaphore_mem>>)
      %dma_wait3A = arith.constant 0 : i32
      %dma_wait3A_25 = tpu.memref_slice %arg4[%mul3A_4, %dma_wait3A] : memref<1280x128xi32, #tpu.memory_space<hbm>> -> memref<80x128xi32, #tpu.memory_space<hbm>>
      %dma_wait3A_26 = arith.constant 0 : i32
      %dma_wait3A_27 = tpu.memref_slice %arg4[%mul3A_4, %dma_wait3A_26] : memref<1280x128xi32, #tpu.memory_space<hbm>> -> memref<80x128xi32, #tpu.memory_space<hbm>>
      tpu.wait_dma2 semaphore(%run_scoped3A : memref<!tpu.dma_semaphore, #tpu.memory_space<semaphore_mem>>) src(%dma_wait3A_27 : memref<80x128xi32, #tpu.memory_space<hbm>>) dst(%arg8 : memref<80x128xi32, #tpu.memory_space<vmem>>)
      tpu.yield
    }) : () -> ()
    %eq3A = arith.constant 0 : i32
    %eq3A_5 = arith.cmpi eq, %arg0, %eq3A : i32
    %convert_element_type3A = arith.extui %eq3A_5 : i1 to i32
    %cond3A = arith.constant 0 : i32
    %cond3A_6 = arith.cmpi ne, %convert_element_type3A, %cond3A : i32
    scf.if %cond3A_6 {
      %scan3A = arith.constant 0 : i32
      %scan3A_22 = arith.constant 0 : i32
      %scan3A_23 = arith.constant 80 : i32
      %scan3A_24 = arith.addi %scan3A_22, %scan3A_23 : i32
      %scan3A_25 = arith.constant 1 : i32
      scf.for %scan3A_47 = %scan3A_22 to %scan3A_24 step %scan3A_25  : i32 {
        %get3A = arith.index_cast %scan3A_47 : i32 to index
        %get3A_48 = arith.constant 0 : index
        %get3A_49 = tpu.vector_load %arg7[%get3A, %get3A_48] {strides = array<i32>} : memref<80x128xi32, #tpu.memory_space<vmem>>, vector<1x16xi32>,
        %get3A_50 = vector.shape_cast %get3A_49 : vector<1x16xi32> to vector<16xi32>
        %mul3A_51 = arith.constant 4 : i32
        %mul3A_52 = vector.broadcast %mul3A_51 : i32 to vector<16xi32>
        %mul3A_53 = arith.muli %get3A_50, %mul3A_52 : vector<16xi32>
        %add3A = arith.constant 0 : i32
        %add3A_54 = vector.broadcast %add3A : i32 to vector<16xi32>
        %add3A_55 = arith.addi %mul3A_53, %add3A_54 : vector<16xi32>
        %swap3A = arith.index_cast %scan3A_47 : i32 to index
        %swap3A_56 = arith.constant 0 : index
        %swap3A_57 = tpu.vector_load %arg9[%swap3A, %swap3A_56] {strides = array<i32>} : memref<80x128xi32, #tpu.memory_space<vmem>>, vector<1x16xi32>,
        %swap3A_58 = vector.shape_cast %swap3A_57 : vector<1x16xi32> to vector<16xi32>
        %swap3A_59 = vector.shape_cast %add3A_55 : vector<16xi32> to vector<1x16xi32>
        tpu.vector_store %arg9[%swap3A, %swap3A_56], %swap3A_59 {strides = array<i32>} : memref<80x128xi32, #tpu.memory_space<vmem>>, vector<1x16xi32>,
        %get3A_60 = arith.index_cast %scan3A_47 : i32 to index
        %get3A_61 = arith.constant 16 : index
        %get3A_62 = tpu.vector_load %arg7[%get3A_60, %get3A_61] {strides = array<i32>} : memref<80x128xi32, #tpu.memory_space<vmem>>, vector<1x16xi32>,
        %get3A_63 = vector.shape_cast %get3A_62 : vector<1x16xi32> to vector<16xi32>
        %mul3A_64 = arith.constant 4 : i32
        %mul3A_65 = vector.broadcast %mul3A_64 : i32 to vector<16xi32>
        %mul3A_66 = arith.muli %get3A_63, %mul3A_65 : vector<16xi32>
        %add3A_67 = arith.constant 0 : i32
        %add3A_68 = vector.broadcast %add3A_67 : i32 to vector<16xi32>
        %add3A_69 = arith.addi %mul3A_66, %add3A_68 : vector<16xi32>
        %swap3A_70 = arith.index_cast %scan3A_47 : i32 to index
        %swap3A_71 = arith.constant 16 : index
        %swap3A_72 = tpu.vector_load %arg9[%swap3A_70, %swap3A_71] {strides = array<i32>} : memref<80x128xi32, #tpu.memory_space<vmem>>, vector<1x16xi32>,
        %swap3A_73 = vector.shape_cast %swap3A_72 : vector<1x16xi32> to vector<16xi32>
        %swap3A_74 = vector.shape_cast %add3A_69 : vector<16xi32> to vector<1x16xi32>
        tpu.vector_store %arg9[%swap3A_70, %swap3A_71], %swap3A_74 {strides = array<i32>} : memref<80x128xi32, #tpu.memory_space<vmem>>, vector<1x16xi32>,
        %get3A_75 = arith.index_cast %scan3A_47 : i32 to index
        %get3A_76 = arith.constant 32 : index
        %get3A_77 = tpu.vector_load %arg7[%get3A_75, %get3A_76] {strides = array<i32>} : memref<80x128xi32, #tpu.memory_space<vmem>>, vector<1x16xi32>,
        %get3A_78 = vector.shape_cast %get3A_77 : vector<1x16xi32> to vector<16xi32>
        %mul3A_79 = arith.constant 4 : i32
        %mul3A_80 = vector.broadcast %mul3A_79 : i32 to vector<16xi32>
        %mul3A_81 = arith.muli %get3A_78, %mul3A_80 : vector<16xi32>
        %add3A_82 = arith.constant 0 : i32
        %add3A_83 = vector.broadcast %add3A_82 : i32 to vector<16xi32>
        %add3A_84 = arith.addi %mul3A_81, %add3A_83 : vector<16xi32>
        %swap3A_85 = arith.index_cast %scan3A_47 : i32 to index
        %swap3A_86 = arith.constant 32 : index
        %swap3A_87 = tpu.vector_load %arg9[%swap3A_85, %swap3A_86] {strides = array<i32>} : memref<80x128xi32, #tpu.memory_space<vmem>>, vector<1x16xi32>,
        %swap3A_88 = vector.shape_cast %swap3A_87 : vector<1x16xi32> to vector<16xi32>
        %swap3A_89 = vector.shape_cast %add3A_84 : vector<16xi32> to vector<1x16xi32>
        tpu.vector_store %arg9[%swap3A_85, %swap3A_86], %swap3A_89 {strides = array<i32>} : memref<80x128xi32, #tpu.memory_space<vmem>>, vector<1x16xi32>,
        %get3A_90 = arith.index_cast %scan3A_47 : i32 to index
        %get3A_91 = arith.constant 48 : index
        %get3A_92 = tpu.vector_load %arg7[%get3A_90, %get3A_91] {strides = array<i32>} : memref<80x128xi32, #tpu.memory_space<vmem>>, vector<1x16xi32>,
        %get3A_93 = vector.shape_cast %get3A_92 : vector<1x16xi32> to vector<16xi32>
        %mul3A_94 = arith.constant 4 : i32
        %mul3A_95 = vector.broadcast %mul3A_94 : i32 to vector<16xi32>
        %mul3A_96 = arith.muli %get3A_93, %mul3A_95 : vector<16xi32>
        %add3A_97 = arith.constant 0 : i32
        %add3A_98 = vector.broadcast %add3A_97 : i32 to vector<16xi32>
        %add3A_99 = arith.addi %mul3A_96, %add3A_98 : vector<16xi32>
        %swap3A_100 = arith.index_cast %scan3A_47 : i32 to index
        %swap3A_101 = arith.constant 48 : index
        %swap3A_102 = tpu.vector_load %arg9[%swap3A_100, %swap3A_101] {strides = array<i32>} : memref<80x128xi32, #tpu.memory_space<vmem>>, vector<1x16xi32>,
        %swap3A_103 = vector.shape_cast %swap3A_102 : vector<1x16xi32> to vector<16xi32>
        %swap3A_104 = vector.shape_cast %add3A_99 : vector<16xi32> to vector<1x16xi32>
        tpu.vector_store %arg9[%swap3A_100, %swap3A_101], %swap3A_104 {strides = array<i32>} : memref<80x128xi32, #tpu.memory_space<vmem>>, vector<1x16xi32>,
        %get3A_105 = arith.index_cast %scan3A_47 : i32 to index
        %get3A_106 = arith.constant 64 : index
        %get3A_107 = tpu.vector_load %arg7[%get3A_105, %get3A_106] {strides = array<i32>} : memref<80x128xi32, #tpu.memory_space<vmem>>, vector<1x16xi32>,
        %get3A_108 = vector.shape_cast %get3A_107 : vector<1x16xi32> to vector<16xi32>
        %mul3A_109 = arith.constant 4 : i32
        %mul3A_110 = vector.broadcast %mul3A_109 : i32 to vector<16xi32>
        %mul3A_111 = arith.muli %get3A_108, %mul3A_110 : vector<16xi32>
        %add3A_112 = arith.constant 0 : i32
        %add3A_113 = vector.broadcast %add3A_112 : i32 to vector<16xi32>
        %add3A_114 = arith.addi %mul3A_111, %add3A_113 : vector<16xi32>
        %swap3A_115 = arith.index_cast %scan3A_47 : i32 to index
        %swap3A_116 = arith.constant 64 : index
        %swap3A_117 = tpu.vector_load %arg9[%swap3A_115, %swap3A_116] {strides = array<i32>} : memref<80x128xi32, #tpu.memory_space<vmem>>, vector<1x16xi32>,
        %swap3A_118 = vector.shape_cast %swap3A_117 : vector<1x16xi32> to vector<16xi32>
        %swap3A_119 = vector.shape_cast %add3A_114 : vector<16xi32> to vector<1x16xi32>
        tpu.vector_store %arg9[%swap3A_115, %swap3A_116], %swap3A_119 {strides = array<i32>} : memref<80x128xi32, #tpu.memory_space<vmem>>, vector<1x16xi32>,
        %get3A_120 = arith.index_cast %scan3A_47 : i32 to index
        %get3A_121 = arith.constant 80 : index
        %get3A_122 = tpu.vector_load %arg7[%get3A_120, %get3A_121] {strides = array<i32>} : memref<80x128xi32, #tpu.memory_space<vmem>>, vector<1x16xi32>,
        %get3A_123 = vector.shape_cast %get3A_122 : vector<1x16xi32> to vector<16xi32>
        %mul3A_124 = arith.constant 4 : i32
        %mul3A_125 = vector.broadcast %mul3A_124 : i32 to vector<16xi32>
        %mul3A_126 = arith.muli %get3A_123, %mul3A_125 : vector<16xi32>
        %add3A_127 = arith.constant 0 : i32
        %add3A_128 = vector.broadcast %add3A_127 : i32 to vector<16xi32>
        %add3A_129 = arith.addi %mul3A_126, %add3A_128 : vector<16xi32>
        %swap3A_130 = arith.index_cast %scan3A_47 : i32 to index
        %swap3A_131 = arith.constant 80 : index
        %swap3A_132 = tpu.vector_load %arg9[%swap3A_130, %swap3A_131] {strides = array<i32>} : memref<80x128xi32, #tpu.memory_space<vmem>>, vector<1x16xi32>,
        %swap3A_133 = vector.shape_cast %swap3A_132 : vector<1x16xi32> to vector<16xi32>
        %swap3A_134 = vector.shape_cast %add3A_129 : vector<16xi32> to vector<1x16xi32>
        tpu.vector_store %arg9[%swap3A_130, %swap3A_131], %swap3A_134 {strides = array<i32>} : memref<80x128xi32, #tpu.memory_space<vmem>>, vector<1x16xi32>,
        %get3A_135 = arith.index_cast %scan3A_47 : i32 to index
        %get3A_136 = arith.constant 96 : index
        %get3A_137 = tpu.vector_load %arg7[%get3A_135, %get3A_136] {strides = array<i32>} : memref<80x128xi32, #tpu.memory_space<vmem>>, vector<1x16xi32>,
        %get3A_138 = vector.shape_cast %get3A_137 : vector<1x16xi32> to vector<16xi32>
        %mul3A_139 = arith.constant 4 : i32
        %mul3A_140 = vector.broadcast %mul3A_139 : i32 to vector<16xi32>
        %mul3A_141 = arith.muli %get3A_138, %mul3A_140 : vector<16xi32>
        %add3A_142 = arith.constant 0 : i32
        %add3A_143 = vector.broadcast %add3A_142 : i32 to vector<16xi32>
        %add3A_144 = arith.addi %mul3A_141, %add3A_143 : vector<16xi32>
        %swap3A_145 = arith.index_cast %scan3A_47 : i32 to index
        %swap3A_146 = arith.constant 96 : index
        %swap3A_147 = tpu.vector_load %arg9[%swap3A_145, %swap3A_146] {strides = array<i32>} : memref<80x128xi32, #tpu.memory_space<vmem>>, vector<1x16xi32>,
        %swap3A_148 = vector.shape_cast %swap3A_147 : vector<1x16xi32> to vector<16xi32>
        %swap3A_149 = vector.shape_cast %add3A_144 : vector<16xi32> to vector<1x16xi32>
        tpu.vector_store %arg9[%swap3A_145, %swap3A_146], %swap3A_149 {strides = array<i32>} : memref<80x128xi32, #tpu.memory_space<vmem>>, vector<1x16xi32>,
        %get3A_150 = arith.index_cast %scan3A_47 : i32 to index
        %get3A_151 = arith.constant 112 : index
        %get3A_152 = tpu.vector_load %arg7[%get3A_150, %get3A_151] {strides = array<i32>} : memref<80x128xi32, #tpu.memory_space<vmem>>, vector<1x16xi32>,
        %get3A_153 = vector.shape_cast %get3A_152 : vector<1x16xi32> to vector<16xi32>
        %mul3A_154 = arith.constant 4 : i32
        %mul3A_155 = vector.broadcast %mul3A_154 : i32 to vector<16xi32>
        %mul3A_156 = arith.muli %get3A_153, %mul3A_155 : vector<16xi32>
        %add3A_157 = arith.constant 0 : i32
        %add3A_158 = vector.broadcast %add3A_157 : i32 to vector<16xi32>
        %add3A_159 = arith.addi %mul3A_156, %add3A_158 : vector<16xi32>
        %swap3A_160 = arith.index_cast %scan3A_47 : i32 to index
        %swap3A_161 = arith.constant 112 : index
        %swap3A_162 = tpu.vector_load %arg9[%swap3A_160, %swap3A_161] {strides = array<i32>} : memref<80x128xi32, #tpu.memory_space<vmem>>, vector<1x16xi32>,
        %swap3A_163 = vector.shape_cast %swap3A_162 : vector<1x16xi32> to vector<16xi32>
        %swap3A_164 = vector.shape_cast %add3A_159 : vector<16xi32> to vector<1x16xi32>
        tpu.vector_store %arg9[%swap3A_160, %swap3A_161], %swap3A_164 {strides = array<i32>} : memref<80x128xi32, #tpu.memory_space<vmem>>, vector<1x16xi32>,
      }
      %scan3A_26 = arith.constant 80 : i32
      "tpu.region"() ({
        %run_scoped3A = tpu.sem_alloc : memref<!tpu.dma_semaphore, #tpu.memory_space<semaphore_mem>>
        %dma_start3A_47 = arith.constant 0 : i32
        %dma_start3A_48 = tpu.memref_slice %arg12[%mul3A_0, %dma_start3A_47] : memref<40960x32xf32, #tpu.memory_space<vmem_shared>> -> memref<2560x32xf32, #tpu.memory_space<vmem_shared>>
        tpu.enqueue_dma source(%arg5 : memref<2560x32xf32, #tpu.memory_space<hbm>>) target(%dma_start3A_48 : memref<2560x32xf32, #tpu.memory_space<vmem_shared>>) target_semaphore(%run_scoped3A : memref<!tpu.dma_semaphore, #tpu.memory_space<semaphore_mem>>)
        %dma_wait3A_49 = arith.constant 0 : i32
        %dma_wait3A_50 = tpu.memref_slice %arg12[%mul3A_0, %dma_wait3A_49] : memref<40960x32xf32, #tpu.memory_space<vmem_shared>> -> memref<2560x32xf32, #tpu.memory_space<vmem_shared>>
        tpu.wait_dma2 semaphore(%run_scoped3A : memref<!tpu.dma_semaphore, #tpu.memory_space<semaphore_mem>>) src(%arg5 : memref<2560x32xf32, #tpu.memory_space<hbm>>) dst(%dma_wait3A_50 : memref<2560x32xf32, #tpu.memory_space<vmem_shared>>)
        tpu.yield
      }) : () -> ()
      %barrier3A = arith.constant 0 : index
      tpu.barrier barrier_id(%barrier3A)
      %dma_start3A = arith.constant 0 : i32
      %dma_start3A_27 = arith.constant 0 : i32
      %dma_start3A_28 = tpu.memref_slice %arg9[%dma_start3A, %dma_start3A_27] : memref<80x128xi32, #tpu.memory_space<vmem>> -> memref<1x128xi32, #tpu.memory_space<vmem>>
      %dma_start3A_29 = tpu.memref_squeeze %dma_start3A_28 : memref<1x128xi32, #tpu.memory_space<vmem>> -> memref<128xi32, #tpu.memory_space<vmem>>
      %dma_start3A_30 = arith.constant 0 : i32
      %dma_start3A_31 = arith.constant 0 : i32
      %dma_start3A_32 = tpu.memref_slice %arg2[%dma_start3A_30, %dma_start3A_31] : memref<163840x32xf32, #tpu.memory_space<hbm>> -> memref<163840x32xf32, #tpu.memory_space<hbm>>
      tpu.enqueue_indirect_dma source(%dma_start3A_32 : memref<163840x32xf32, #tpu.memory_space<hbm>>) target(%arg10 : memref<128x32xf32, #tpu.memory_space<vmem>>) offsets(%dma_start3A_29 : memref<128xi32, #tpu.memory_space<vmem>>) semaphore(%arg13 : memref<!tpu.dma_semaphore, #tpu.memory_space<semaphore_mem>>)
      %scan3A_33 = arith.constant 0 : i32
      %scan3A_34 = arith.constant 0 : i32
      %scan3A_35 = arith.constant 40 : i32
      %scan3A_36 = arith.addi %scan3A_34, %scan3A_35 : i32
      %scan3A_37 = arith.constant 1 : i32
      scf.for %scan3A_47 = %scan3A_34 to %scan3A_36 step %scan3A_37  : i32 {
        %mul3A_48 = arith.constant 2 : i32
        %mul3A_49 = arith.muli %mul3A_48, %scan3A_47 : i32
        %add3A = arith.constant 1 : i32
        %add3A_50 = arith.addi %mul3A_49, %add3A : i32
        %add3A_51 = arith.constant 2 : i32
        %add3A_52 = arith.addi %mul3A_49, %add3A_51 : i32
        %min3A = arith.constant 79 : i32
        %min3A_53 = arith.minsi %add3A_52, %min3A : i32
        %dma_wait3A_54 = arith.constant 0 : i32
        %dma_wait3A_55 = tpu.memref_slice %arg9[%mul3A_49, %dma_wait3A_54] : memref<80x128xi32, #tpu.memory_space<vmem>> -> memref<1x128xi32, #tpu.memory_space<vmem>>
        %dma_wait3A_56 = tpu.memref_squeeze %dma_wait3A_55 : memref<1x128xi32, #tpu.memory_space<vmem>> -> memref<128xi32, #tpu.memory_space<vmem>>
        %dma_wait3A_57 = arith.constant 0 : i32
        %dma_wait3A_58 = arith.constant 0 : i32
        %dma_wait3A_59 = tpu.memref_slice %arg2[%dma_wait3A_57, %dma_wait3A_58] : memref<163840x32xf32, #tpu.memory_space<hbm>> -> memref<163840x32xf32, #tpu.memory_space<hbm>>
        tpu.wait_indirect_dma semaphore(%arg13 : memref<!tpu.dma_semaphore, #tpu.memory_space<semaphore_mem>>) src(%dma_wait3A_59 : memref<163840x32xf32, #tpu.memory_space<hbm>>) dst(%arg10 : memref<128x32xf32, #tpu.memory_space<vmem>>)
        %dma_start3A_60 = arith.constant 0 : i32
        %dma_start3A_61 = tpu.memref_slice %arg9[%add3A_50, %dma_start3A_60] : memref<80x128xi32, #tpu.memory_space<vmem>> -> memref<1x128xi32, #tpu.memory_space<vmem>>
        %dma_start3A_62 = tpu.memref_squeeze %dma_start3A_61 : memref<1x128xi32, #tpu.memory_space<vmem>> -> memref<128xi32, #tpu.memory_space<vmem>>
        %dma_start3A_63 = arith.constant 0 : i32
        %dma_start3A_64 = arith.constant 0 : i32
        %dma_start3A_65 = tpu.memref_slice %arg2[%dma_start3A_63, %dma_start3A_64] : memref<163840x32xf32, #tpu.memory_space<hbm>> -> memref<163840x32xf32, #tpu.memory_space<hbm>>
        tpu.enqueue_indirect_dma source(%dma_start3A_65 : memref<163840x32xf32, #tpu.memory_space<hbm>>) target(%arg11 : memref<128x32xf32, #tpu.memory_space<vmem>>) offsets(%dma_start3A_62 : memref<128xi32, #tpu.memory_space<vmem>>) semaphore(%arg13 : memref<!tpu.dma_semaphore, #tpu.memory_space<semaphore_mem>>)
        "tpu.region"() ({
          %run_scoped3A = tpu.sem_alloc : memref<!tpu.dma_semaphore, #tpu.memory_space<semaphore_mem>>
          %dma_start3A_78 = arith.constant 0 : i32
          %dma_start3A_79 = tpu.memref_slice %arg8[%mul3A_49, %dma_start3A_78] : memref<80x128xi32, #tpu.memory_space<vmem>> -> memref<1x128xi32, #tpu.memory_space<vmem>>
          %dma_start3A_80 = tpu.memref_squeeze %dma_start3A_79 : memref<1x128xi32, #tpu.memory_space<vmem>> -> memref<128xi32, #tpu.memory_space<vmem>>
          %dma_start3A_81 = arith.constant 0 : i32
          %dma_start3A_82 = arith.constant 0 : i32
          %dma_start3A_83 = tpu.memref_slice %arg12[%dma_start3A_81, %dma_start3A_82] : memref<40960x32xf32, #tpu.memory_space<vmem_shared>> -> memref<40960x32xf32, #tpu.memory_space<vmem_shared>>
          tpu.enqueue_indirect_dma source(%arg10 : memref<128x32xf32, #tpu.memory_space<vmem>>) target(%dma_start3A_83 : memref<40960x32xf32, #tpu.memory_space<vmem_shared>>) offsets(%dma_start3A_80 : memref<128xi32, #tpu.memory_space<vmem>>) semaphore(%run_scoped3A : memref<!tpu.dma_semaphore, #tpu.memory_space<semaphore_mem>>) {add = true}
          %dma_wait3A_84 = arith.constant 0 : i32
          %dma_wait3A_85 = tpu.memref_slice %arg8[%mul3A_49, %dma_wait3A_84] : memref<80x128xi32, #tpu.memory_space<vmem>> -> memref<1x128xi32, #tpu.memory_space<vmem>>
          %dma_wait3A_86 = tpu.memref_squeeze %dma_wait3A_85 : memref<1x128xi32, #tpu.memory_space<vmem>> -> memref<128xi32, #tpu.memory_space<vmem>>
          %dma_wait3A_87 = arith.constant 0 : i32
          %dma_wait3A_88 = arith.constant 0 : i32
          %dma_wait3A_89 = tpu.memref_slice %arg12[%dma_wait3A_87, %dma_wait3A_88] : memref<40960x32xf32, #tpu.memory_space<vmem_shared>> -> memref<40960x32xf32, #tpu.memory_space<vmem_shared>>
          tpu.wait_indirect_dma semaphore(%run_scoped3A : memref<!tpu.dma_semaphore, #tpu.memory_space<semaphore_mem>>) src(%arg10 : memref<128x32xf32, #tpu.memory_space<vmem>>) dst(%dma_wait3A_89 : memref<40960x32xf32, #tpu.memory_space<vmem_shared>>)
          tpu.yield
        }) : () -> ()
        %dma_wait3A_66 = arith.constant 0 : i32
        %dma_wait3A_67 = tpu.memref_slice %arg9[%add3A_50, %dma_wait3A_66] : memref<80x128xi32, #tpu.memory_space<vmem>> -> memref<1x128xi32, #tpu.memory_space<vmem>>
        %dma_wait3A_68 = tpu.memref_squeeze %dma_wait3A_67 : memref<1x128xi32, #tpu.memory_space<vmem>> -> memref<128xi32, #tpu.memory_space<vmem>>
        %dma_wait3A_69 = arith.constant 0 : i32
        %dma_wait3A_70 = arith.constant 0 : i32
        %dma_wait3A_71 = tpu.memref_slice %arg2[%dma_wait3A_69, %dma_wait3A_70] : memref<163840x32xf32, #tpu.memory_space<hbm>> -> memref<163840x32xf32, #tpu.memory_space<hbm>>
        tpu.wait_indirect_dma semaphore(%arg13 : memref<!tpu.dma_semaphore, #tpu.memory_space<semaphore_mem>>) src(%dma_wait3A_71 : memref<163840x32xf32, #tpu.memory_space<hbm>>) dst(%arg11 : memref<128x32xf32, #tpu.memory_space<vmem>>)
        %dma_start3A_72 = arith.constant 0 : i32
        %dma_start3A_73 = tpu.memref_slice %arg9[%min3A_53, %dma_start3A_72] : memref<80x128xi32, #tpu.memory_space<vmem>> -> memref<1x128xi32, #tpu.memory_space<vmem>>
        %dma_start3A_74 = tpu.memref_squeeze %dma_start3A_73 : memref<1x128xi32, #tpu.memory_space<vmem>> -> memref<128xi32, #tpu.memory_space<vmem>>
        %dma_start3A_75 = arith.constant 0 : i32
        %dma_start3A_76 = arith.constant 0 : i32
        %dma_start3A_77 = tpu.memref_slice %arg2[%dma_start3A_75, %dma_start3A_76] : memref<163840x32xf32, #tpu.memory_space<hbm>> -> memref<163840x32xf32, #tpu.memory_space<hbm>>
        tpu.enqueue_indirect_dma source(%dma_start3A_77 : memref<163840x32xf32, #tpu.memory_space<hbm>>) target(%arg10 : memref<128x32xf32, #tpu.memory_space<vmem>>) offsets(%dma_start3A_74 : memref<128xi32, #tpu.memory_space<vmem>>) semaphore(%arg13 : memref<!tpu.dma_semaphore, #tpu.memory_space<semaphore_mem>>)
        "tpu.region"() ({
          %run_scoped3A = tpu.sem_alloc : memref<!tpu.dma_semaphore, #tpu.memory_space<semaphore_mem>>
          %dma_start3A_78 = arith.constant 0 : i32
          %dma_start3A_79 = tpu.memref_slice %arg8[%add3A_50, %dma_start3A_78] : memref<80x128xi32, #tpu.memory_space<vmem>> -> memref<1x128xi32, #tpu.memory_space<vmem>>
          %dma_start3A_80 = tpu.memref_squeeze %dma_start3A_79 : memref<1x128xi32, #tpu.memory_space<vmem>> -> memref<128xi32, #tpu.memory_space<vmem>>
          %dma_start3A_81 = arith.constant 0 : i32
          %dma_start3A_82 = arith.constant 0 : i32
          %dma_start3A_83 = tpu.memref_slice %arg12[%dma_start3A_81, %dma_start3A_82] : memref<40960x32xf32, #tpu.memory_space<vmem_shared>> -> memref<40960x32xf32, #tpu.memory_space<vmem_shared>>
          tpu.enqueue_indirect_dma source(%arg11 : memref<128x32xf32, #tpu.memory_space<vmem>>) target(%dma_start3A_83 : memref<40960x32xf32, #tpu.memory_space<vmem_shared>>) offsets(%dma_start3A_80 : memref<128xi32, #tpu.memory_space<vmem>>) semaphore(%run_scoped3A : memref<!tpu.dma_semaphore, #tpu.memory_space<semaphore_mem>>) {add = true}
          %dma_wait3A_84 = arith.constant 0 : i32
          %dma_wait3A_85 = tpu.memref_slice %arg8[%add3A_50, %dma_wait3A_84] : memref<80x128xi32, #tpu.memory_space<vmem>> -> memref<1x128xi32, #tpu.memory_space<vmem>>
          %dma_wait3A_86 = tpu.memref_squeeze %dma_wait3A_85 : memref<1x128xi32, #tpu.memory_space<vmem>> -> memref<128xi32, #tpu.memory_space<vmem>>
          %dma_wait3A_87 = arith.constant 0 : i32
          %dma_wait3A_88 = arith.constant 0 : i32
          %dma_wait3A_89 = tpu.memref_slice %arg12[%dma_wait3A_87, %dma_wait3A_88] : memref<40960x32xf32, #tpu.memory_space<vmem_shared>> -> memref<40960x32xf32, #tpu.memory_space<vmem_shared>>
          tpu.wait_indirect_dma semaphore(%run_scoped3A : memref<!tpu.dma_semaphore, #tpu.memory_space<semaphore_mem>>) src(%arg11 : memref<128x32xf32, #tpu.memory_space<vmem>>) dst(%dma_wait3A_89 : memref<40960x32xf32, #tpu.memory_space<vmem_shared>>)
          tpu.yield
        }) : () -> ()
      }
      %scan3A_38 = arith.constant 40 : i32
      %dma_wait3A = arith.constant 79 : i32
      %dma_wait3A_39 = arith.constant 0 : i32
      %dma_wait3A_40 = tpu.memref_slice %arg9[%dma_wait3A, %dma_wait3A_39] : memref<80x128xi32, #tpu.memory_space<vmem>> -> memref<1x128xi32, #tpu.memory_space<vmem>>
      %dma_wait3A_41 = tpu.memref_squeeze %dma_wait3A_40 : memref<1x128xi32, #tpu.memory_space<vmem>> -> memref<128xi32, #tpu.memory_space<vmem>>
      %dma_wait3A_42 = arith.constant 0 : i32
      %dma_wait3A_43 = arith.constant 0 : i32
      %dma_wait3A_44 = tpu.memref_slice %arg2[%dma_wait3A_42, %dma_wait3A_43] : memref<163840x32xf32, #tpu.memory_space<hbm>> -> memref<163840x32xf32, #tpu.memory_space<hbm>>
      tpu.wait_indirect_dma semaphore(%arg13 : memref<!tpu.dma_semaphore, #tpu.memory_space<semaphore_mem>>) src(%dma_wait3A_44 : memref<163840x32xf32, #tpu.memory_space<hbm>>) dst(%arg10 : memref<128x32xf32, #tpu.memory_space<vmem>>)
      %barrier3A_45 = arith.constant 0 : index
      tpu.barrier barrier_id(%barrier3A_45)
      "tpu.region"() ({
        %run_scoped3A = tpu.sem_alloc : memref<!tpu.dma_semaphore, #tpu.memory_space<semaphore_mem>>
        %dma_start3A_47 = arith.constant 0 : i32
        %dma_start3A_48 = tpu.memref_slice %arg6[%mul3A_0, %dma_start3A_47] : memref<40960x128xf32, #tpu.memory_space<hbm>> -> memref<2560x32xf32, #tpu.memory_space<hbm>>
        %dma_start3A_49 = arith.constant 0 : i32
        %dma_start3A_50 = tpu.memref_slice %arg12[%mul3A_0, %dma_start3A_49] : memref<40960x32xf32, #tpu.memory_space<vmem_shared>> -> memref<2560x32xf32, #tpu.memory_space<vmem_shared>>
        tpu.enqueue_dma source(%dma_start3A_50 : memref<2560x32xf32, #tpu.memory_space<vmem_shared>>) target(%dma_start3A_48 : memref<2560x32xf32, #tpu.memory_space<hbm>>) target_semaphore(%run_scoped3A : memref<!tpu.dma_semaphore, #tpu.memory_space<semaphore_mem>>)
        %dma_wait3A_51 = arith.constant 0 : i32
        %dma_wait3A_52 = tpu.memref_slice %arg6[%mul3A_0, %dma_wait3A_51] : memref<40960x128xf32, #tpu.memory_space<hbm>> -> memref<2560x32xf32, #tpu.memory_space<hbm>>
        %dma_wait3A_53 = arith.constant 0 : i32
        %dma_wait3A_54 = tpu.memref_slice %arg12[%mul3A_0, %dma_wait3A_53] : memref<40960x32xf32, #tpu.memory_space<vmem_shared>> -> memref<2560x32xf32, #tpu.memory_space<vmem_shared>>
        tpu.wait_dma2 semaphore(%run_scoped3A : memref<!tpu.dma_semaphore, #tpu.memory_space<semaphore_mem>>) src(%dma_wait3A_54 : memref<2560x32xf32, #tpu.memory_space<vmem_shared>>) dst(%dma_wait3A_52 : memref<2560x32xf32, #tpu.memory_space<hbm>>)
        tpu.yield
      }) : () -> ()
      %barrier3A_46 = arith.constant 0 : index
      tpu.barrier barrier_id(%barrier3A_46)
    } else {
    }
    %eq3A_7 = arith.constant 1 : i32
    %eq3A_8 = arith.cmpi eq, %arg0, %eq3A_7 : i32
    %convert_element_type3A_9 = arith.extui %eq3A_8 : i1 to i32
    %cond3A_10 = arith.constant 0 : i32
    %cond3A_11 = arith.cmpi ne, %convert_element_type3A_9, %cond3A_10 : i32
    scf.if %cond3A_11 {
      %scan3A = arith.constant 0 : i32
      %scan3A_22 = arith.constant 0 : i32
      %scan3A_23 = arith.constant 80 : i32
      %scan3A_24 = arith.addi %scan3A_22, %scan3A_23 : i32
      %scan3A_25 = arith.constant 1 : i32
      scf.for %scan3A_47 = %scan3A_22 to %scan3A_24 step %scan3A_25  : i32 {
        %get3A = arith.index_cast %scan3A_47 : i32 to index
        %get3A_48 = arith.constant 0 : index
        %get3A_49 = tpu.vector_load %arg7[%get3A, %get3A_48] {strides = array<i32>} : memref<80x128xi32, #tpu.memory_space<vmem>>, vector<1x16xi32>,
        %get3A_50 = vector.shape_cast %get3A_49 : vector<1x16xi32> to vector<16xi32>
        %mul3A_51 = arith.constant 4 : i32
        %mul3A_52 = vector.broadcast %mul3A_51 : i32 to vector<16xi32>
        %mul3A_53 = arith.muli %get3A_50, %mul3A_52 : vector<16xi32>
        %add3A = arith.constant 1 : i32
        %add3A_54 = vector.broadcast %add3A : i32 to vector<16xi32>
        %add3A_55 = arith.addi %mul3A_53, %add3A_54 : vector<16xi32>
        %swap3A = arith.index_cast %scan3A_47 : i32 to index
        %swap3A_56 = arith.constant 0 : index
        %swap3A_57 = tpu.vector_load %arg9[%swap3A, %swap3A_56] {strides = array<i32>} : memref<80x128xi32, #tpu.memory_space<vmem>>, vector<1x16xi32>,
        %swap3A_58 = vector.shape_cast %swap3A_57 : vector<1x16xi32> to vector<16xi32>
        %swap3A_59 = vector.shape_cast %add3A_55 : vector<16xi32> to vector<1x16xi32>
        tpu.vector_store %arg9[%swap3A, %swap3A_56], %swap3A_59 {strides = array<i32>} : memref<80x128xi32, #tpu.memory_space<vmem>>, vector<1x16xi32>,
        %get3A_60 = arith.index_cast %scan3A_47 : i32 to index
        %get3A_61 = arith.constant 16 : index
        %get3A_62 = tpu.vector_load %arg7[%get3A_60, %get3A_61] {strides = array<i32>} : memref<80x128xi32, #tpu.memory_space<vmem>>, vector<1x16xi32>,
        %get3A_63 = vector.shape_cast %get3A_62 : vector<1x16xi32> to vector<16xi32>
        %mul3A_64 = arith.constant 4 : i32
        %mul3A_65 = vector.broadcast %mul3A_64 : i32 to vector<16xi32>
        %mul3A_66 = arith.muli %get3A_63, %mul3A_65 : vector<16xi32>
        %add3A_67 = arith.constant 1 : i32
        %add3A_68 = vector.broadcast %add3A_67 : i32 to vector<16xi32>
        %add3A_69 = arith.addi %mul3A_66, %add3A_68 : vector<16xi32>
        %swap3A_70 = arith.index_cast %scan3A_47 : i32 to index
        %swap3A_71 = arith.constant 16 : index
        %swap3A_72 = tpu.vector_load %arg9[%swap3A_70, %swap3A_71] {strides = array<i32>} : memref<80x128xi32, #tpu.memory_space<vmem>>, vector<1x16xi32>,
        %swap3A_73 = vector.shape_cast %swap3A_72 : vector<1x16xi32> to vector<16xi32>
        %swap3A_74 = vector.shape_cast %add3A_69 : vector<16xi32> to vector<1x16xi32>
        tpu.vector_store %arg9[%swap3A_70, %swap3A_71], %swap3A_74 {strides = array<i32>} : memref<80x128xi32, #tpu.memory_space<vmem>>, vector<1x16xi32>,
        %get3A_75 = arith.index_cast %scan3A_47 : i32 to index
        %get3A_76 = arith.constant 32 : index
        %get3A_77 = tpu.vector_load %arg7[%get3A_75, %get3A_76] {strides = array<i32>} : memref<80x128xi32, #tpu.memory_space<vmem>>, vector<1x16xi32>,
        %get3A_78 = vector.shape_cast %get3A_77 : vector<1x16xi32> to vector<16xi32>
        %mul3A_79 = arith.constant 4 : i32
        %mul3A_80 = vector.broadcast %mul3A_79 : i32 to vector<16xi32>
        %mul3A_81 = arith.muli %get3A_78, %mul3A_80 : vector<16xi32>
        %add3A_82 = arith.constant 1 : i32
        %add3A_83 = vector.broadcast %add3A_82 : i32 to vector<16xi32>
        %add3A_84 = arith.addi %mul3A_81, %add3A_83 : vector<16xi32>
        %swap3A_85 = arith.index_cast %scan3A_47 : i32 to index
        %swap3A_86 = arith.constant 32 : index
        %swap3A_87 = tpu.vector_load %arg9[%swap3A_85, %swap3A_86] {strides = array<i32>} : memref<80x128xi32, #tpu.memory_space<vmem>>, vector<1x16xi32>,
        %swap3A_88 = vector.shape_cast %swap3A_87 : vector<1x16xi32> to vector<16xi32>
        %swap3A_89 = vector.shape_cast %add3A_84 : vector<16xi32> to vector<1x16xi32>
        tpu.vector_store %arg9[%swap3A_85, %swap3A_86], %swap3A_89 {strides = array<i32>} : memref<80x128xi32, #tpu.memory_space<vmem>>, vector<1x16xi32>,
        %get3A_90 = arith.index_cast %scan3A_47 : i32 to index
        %get3A_91 = arith.constant 48 : index
        %get3A_92 = tpu.vector_load %arg7[%get3A_90, %get3A_91] {strides = array<i32>} : memref<80x128xi32, #tpu.memory_space<vmem>>, vector<1x16xi32>,
        %get3A_93 = vector.shape_cast %get3A_92 : vector<1x16xi32> to vector<16xi32>
        %mul3A_94 = arith.constant 4 : i32
        %mul3A_95 = vector.broadcast %mul3A_94 : i32 to vector<16xi32>
        %mul3A_96 = arith.muli %get3A_93, %mul3A_95 : vector<16xi32>
        %add3A_97 = arith.constant 1 : i32
        %add3A_98 = vector.broadcast %add3A_97 : i32 to vector<16xi32>
        %add3A_99 = arith.addi %mul3A_96, %add3A_98 : vector<16xi32>
        %swap3A_100 = arith.index_cast %scan3A_47 : i32 to index
        %swap3A_101 = arith.constant 48 : index
        %swap3A_102 = tpu.vector_load %arg9[%swap3A_100, %swap3A_101] {strides = array<i32>} : memref<80x128xi32, #tpu.memory_space<vmem>>, vector<1x16xi32>,
        %swap3A_103 = vector.shape_cast %swap3A_102 : vector<1x16xi32> to vector<16xi32>
        %swap3A_104 = vector.shape_cast %add3A_99 : vector<16xi32> to vector<1x16xi32>
        tpu.vector_store %arg9[%swap3A_100, %swap3A_101], %swap3A_104 {strides = array<i32>} : memref<80x128xi32, #tpu.memory_space<vmem>>, vector<1x16xi32>,
        %get3A_105 = arith.index_cast %scan3A_47 : i32 to index
        %get3A_106 = arith.constant 64 : index
        %get3A_107 = tpu.vector_load %arg7[%get3A_105, %get3A_106] {strides = array<i32>} : memref<80x128xi32, #tpu.memory_space<vmem>>, vector<1x16xi32>,
        %get3A_108 = vector.shape_cast %get3A_107 : vector<1x16xi32> to vector<16xi32>
        %mul3A_109 = arith.constant 4 : i32
        %mul3A_110 = vector.broadcast %mul3A_109 : i32 to vector<16xi32>
        %mul3A_111 = arith.muli %get3A_108, %mul3A_110 : vector<16xi32>
        %add3A_112 = arith.constant 1 : i32
        %add3A_113 = vector.broadcast %add3A_112 : i32 to vector<16xi32>
        %add3A_114 = arith.addi %mul3A_111, %add3A_113 : vector<16xi32>
        %swap3A_115 = arith.index_cast %scan3A_47 : i32 to index
        %swap3A_116 = arith.constant 64 : index
        %swap3A_117 = tpu.vector_load %arg9[%swap3A_115, %swap3A_116] {strides = array<i32>} : memref<80x128xi32, #tpu.memory_space<vmem>>, vector<1x16xi32>,
        %swap3A_118 = vector.shape_cast %swap3A_117 : vector<1x16xi32> to vector<16xi32>
        %swap3A_119 = vector.shape_cast %add3A_114 : vector<16xi32> to vector<1x16xi32>
        tpu.vector_store %arg9[%swap3A_115, %swap3A_116], %swap3A_119 {strides = array<i32>} : memref<80x128xi32, #tpu.memory_space<vmem>>, vector<1x16xi32>,
        %get3A_120 = arith.index_cast %scan3A_47 : i32 to index
        %get3A_121 = arith.constant 80 : index
        %get3A_122 = tpu.vector_load %arg7[%get3A_120, %get3A_121] {strides = array<i32>} : memref<80x128xi32, #tpu.memory_space<vmem>>, vector<1x16xi32>,
        %get3A_123 = vector.shape_cast %get3A_122 : vector<1x16xi32> to vector<16xi32>
        %mul3A_124 = arith.constant 4 : i32
        %mul3A_125 = vector.broadcast %mul3A_124 : i32 to vector<16xi32>
        %mul3A_126 = arith.muli %get3A_123, %mul3A_125 : vector<16xi32>
        %add3A_127 = arith.constant 1 : i32
        %add3A_128 = vector.broadcast %add3A_127 : i32 to vector<16xi32>
        %add3A_129 = arith.addi %mul3A_126, %add3A_128 : vector<16xi32>
        %swap3A_130 = arith.index_cast %scan3A_47 : i32 to index
        %swap3A_131 = arith.constant 80 : index
        %swap3A_132 = tpu.vector_load %arg9[%swap3A_130, %swap3A_131] {strides = array<i32>} : memref<80x128xi32, #tpu.memory_space<vmem>>, vector<1x16xi32>,
        %swap3A_133 = vector.shape_cast %swap3A_132 : vector<1x16xi32> to vector<16xi32>
        %swap3A_134 = vector.shape_cast %add3A_129 : vector<16xi32> to vector<1x16xi32>
        tpu.vector_store %arg9[%swap3A_130, %swap3A_131], %swap3A_134 {strides = array<i32>} : memref<80x128xi32, #tpu.memory_space<vmem>>, vector<1x16xi32>,
        %get3A_135 = arith.index_cast %scan3A_47 : i32 to index
        %get3A_136 = arith.constant 96 : index
        %get3A_137 = tpu.vector_load %arg7[%get3A_135, %get3A_136] {strides = array<i32>} : memref<80x128xi32, #tpu.memory_space<vmem>>, vector<1x16xi32>,
        %get3A_138 = vector.shape_cast %get3A_137 : vector<1x16xi32> to vector<16xi32>
        %mul3A_139 = arith.constant 4 : i32
        %mul3A_140 = vector.broadcast %mul3A_139 : i32 to vector<16xi32>
        %mul3A_141 = arith.muli %get3A_138, %mul3A_140 : vector<16xi32>
        %add3A_142 = arith.constant 1 : i32
        %add3A_143 = vector.broadcast %add3A_142 : i32 to vector<16xi32>
        %add3A_144 = arith.addi %mul3A_141, %add3A_143 : vector<16xi32>
        %swap3A_145 = arith.index_cast %scan3A_47 : i32 to index
        %swap3A_146 = arith.constant 96 : index
        %swap3A_147 = tpu.vector_load %arg9[%swap3A_145, %swap3A_146] {strides = array<i32>} : memref<80x128xi32, #tpu.memory_space<vmem>>, vector<1x16xi32>,
        %swap3A_148 = vector.shape_cast %swap3A_147 : vector<1x16xi32> to vector<16xi32>
        %swap3A_149 = vector.shape_cast %add3A_144 : vector<16xi32> to vector<1x16xi32>
        tpu.vector_store %arg9[%swap3A_145, %swap3A_146], %swap3A_149 {strides = array<i32>} : memref<80x128xi32, #tpu.memory_space<vmem>>, vector<1x16xi32>,
        %get3A_150 = arith.index_cast %scan3A_47 : i32 to index
        %get3A_151 = arith.constant 112 : index
        %get3A_152 = tpu.vector_load %arg7[%get3A_150, %get3A_151] {strides = array<i32>} : memref<80x128xi32, #tpu.memory_space<vmem>>, vector<1x16xi32>,
        %get3A_153 = vector.shape_cast %get3A_152 : vector<1x16xi32> to vector<16xi32>
        %mul3A_154 = arith.constant 4 : i32
        %mul3A_155 = vector.broadcast %mul3A_154 : i32 to vector<16xi32>
        %mul3A_156 = arith.muli %get3A_153, %mul3A_155 : vector<16xi32>
        %add3A_157 = arith.constant 1 : i32
        %add3A_158 = vector.broadcast %add3A_157 : i32 to vector<16xi32>
        %add3A_159 = arith.addi %mul3A_156, %add3A_158 : vector<16xi32>
        %swap3A_160 = arith.index_cast %scan3A_47 : i32 to index
        %swap3A_161 = arith.constant 112 : index
        %swap3A_162 = tpu.vector_load %arg9[%swap3A_160, %swap3A_161] {strides = array<i32>} : memref<80x128xi32, #tpu.memory_space<vmem>>, vector<1x16xi32>,
        %swap3A_163 = vector.shape_cast %swap3A_162 : vector<1x16xi32> to vector<16xi32>
        %swap3A_164 = vector.shape_cast %add3A_159 : vector<16xi32> to vector<1x16xi32>
        tpu.vector_store %arg9[%swap3A_160, %swap3A_161], %swap3A_164 {strides = array<i32>} : memref<80x128xi32, #tpu.memory_space<vmem>>, vector<1x16xi32>,
      }
      %scan3A_26 = arith.constant 80 : i32
      "tpu.region"() ({
        %run_scoped3A = tpu.sem_alloc : memref<!tpu.dma_semaphore, #tpu.memory_space<semaphore_mem>>
        %dma_start3A_47 = arith.constant 0 : i32
        %dma_start3A_48 = tpu.memref_slice %arg12[%mul3A_0, %dma_start3A_47] : memref<40960x32xf32, #tpu.memory_space<vmem_shared>> -> memref<2560x32xf32, #tpu.memory_space<vmem_shared>>
        tpu.enqueue_dma source(%arg5 : memref<2560x32xf32, #tpu.memory_space<hbm>>) target(%dma_start3A_48 : memref<2560x32xf32, #tpu.memory_space<vmem_shared>>) target_semaphore(%run_scoped3A : memref<!tpu.dma_semaphore, #tpu.memory_space<semaphore_mem>>)
        %dma_wait3A_49 = arith.constant 0 : i32
        %dma_wait3A_50 = tpu.memref_slice %arg12[%mul3A_0, %dma_wait3A_49] : memref<40960x32xf32, #tpu.memory_space<vmem_shared>> -> memref<2560x32xf32, #tpu.memory_space<vmem_shared>>
        tpu.wait_dma2 semaphore(%run_scoped3A : memref<!tpu.dma_semaphore, #tpu.memory_space<semaphore_mem>>) src(%arg5 : memref<2560x32xf32, #tpu.memory_space<hbm>>) dst(%dma_wait3A_50 : memref<2560x32xf32, #tpu.memory_space<vmem_shared>>)
        tpu.yield
      }) : () -> ()
      %barrier3A = arith.constant 0 : index
      tpu.barrier barrier_id(%barrier3A)
      %dma_start3A = arith.constant 0 : i32
      %dma_start3A_27 = arith.constant 0 : i32
      %dma_start3A_28 = tpu.memref_slice %arg9[%dma_start3A, %dma_start3A_27] : memref<80x128xi32, #tpu.memory_space<vmem>> -> memref<1x128xi32, #tpu.memory_space<vmem>>
      %dma_start3A_29 = tpu.memref_squeeze %dma_start3A_28 : memref<1x128xi32, #tpu.memory_space<vmem>> -> memref<128xi32, #tpu.memory_space<vmem>>
      %dma_start3A_30 = arith.constant 0 : i32
      %dma_start3A_31 = arith.constant 0 : i32
      %dma_start3A_32 = tpu.memref_slice %arg2[%dma_start3A_30, %dma_start3A_31] : memref<163840x32xf32, #tpu.memory_space<hbm>> -> memref<163840x32xf32, #tpu.memory_space<hbm>>
      tpu.enqueue_indirect_dma source(%dma_start3A_32 : memref<163840x32xf32, #tpu.memory_space<hbm>>) target(%arg10 : memref<128x32xf32, #tpu.memory_space<vmem>>) offsets(%dma_start3A_29 : memref<128xi32, #tpu.memory_space<vmem>>) semaphore(%arg13 : memref<!tpu.dma_semaphore, #tpu.memory_space<semaphore_mem>>)
      %scan3A_33 = arith.constant 0 : i32
      %scan3A_34 = arith.constant 0 : i32
      %scan3A_35 = arith.constant 40 : i32
      %scan3A_36 = arith.addi %scan3A_34, %scan3A_35 : i32
      %scan3A_37 = arith.constant 1 : i32
      scf.for %scan3A_47 = %scan3A_34 to %scan3A_36 step %scan3A_37  : i32 {
        %mul3A_48 = arith.constant 2 : i32
        %mul3A_49 = arith.muli %mul3A_48, %scan3A_47 : i32
        %add3A = arith.constant 1 : i32
        %add3A_50 = arith.addi %mul3A_49, %add3A : i32
        %add3A_51 = arith.constant 2 : i32
        %add3A_52 = arith.addi %mul3A_49, %add3A_51 : i32
        %min3A = arith.constant 79 : i32
        %min3A_53 = arith.minsi %add3A_52, %min3A : i32
        %dma_wait3A_54 = arith.constant 0 : i32
        %dma_wait3A_55 = tpu.memref_slice %arg9[%mul3A_49, %dma_wait3A_54] : memref<80x128xi32, #tpu.memory_space<vmem>> -> memref<1x128xi32, #tpu.memory_space<vmem>>
        %dma_wait3A_56 = tpu.memref_squeeze %dma_wait3A_55 : memref<1x128xi32, #tpu.memory_space<vmem>> -> memref<128xi32, #tpu.memory_space<vmem>>
        %dma_wait3A_57 = arith.constant 0 : i32
        %dma_wait3A_58 = arith.constant 0 : i32
        %dma_wait3A_59 = tpu.memref_slice %arg2[%dma_wait3A_57, %dma_wait3A_58] : memref<163840x32xf32, #tpu.memory_space<hbm>> -> memref<163840x32xf32, #tpu.memory_space<hbm>>
        tpu.wait_indirect_dma semaphore(%arg13 : memref<!tpu.dma_semaphore, #tpu.memory_space<semaphore_mem>>) src(%dma_wait3A_59 : memref<163840x32xf32, #tpu.memory_space<hbm>>) dst(%arg10 : memref<128x32xf32, #tpu.memory_space<vmem>>)
        %dma_start3A_60 = arith.constant 0 : i32
        %dma_start3A_61 = tpu.memref_slice %arg9[%add3A_50, %dma_start3A_60] : memref<80x128xi32, #tpu.memory_space<vmem>> -> memref<1x128xi32, #tpu.memory_space<vmem>>
        %dma_start3A_62 = tpu.memref_squeeze %dma_start3A_61 : memref<1x128xi32, #tpu.memory_space<vmem>> -> memref<128xi32, #tpu.memory_space<vmem>>
        %dma_start3A_63 = arith.constant 0 : i32
        %dma_start3A_64 = arith.constant 0 : i32
        %dma_start3A_65 = tpu.memref_slice %arg2[%dma_start3A_63, %dma_start3A_64] : memref<163840x32xf32, #tpu.memory_space<hbm>> -> memref<163840x32xf32, #tpu.memory_space<hbm>>
        tpu.enqueue_indirect_dma source(%dma_start3A_65 : memref<163840x32xf32, #tpu.memory_space<hbm>>) target(%arg11 : memref<128x32xf32, #tpu.memory_space<vmem>>) offsets(%dma_start3A_62 : memref<128xi32, #tpu.memory_space<vmem>>) semaphore(%arg13 : memref<!tpu.dma_semaphore, #tpu.memory_space<semaphore_mem>>)
        "tpu.region"() ({
          %run_scoped3A = tpu.sem_alloc : memref<!tpu.dma_semaphore, #tpu.memory_space<semaphore_mem>>
          %dma_start3A_78 = arith.constant 0 : i32
          %dma_start3A_79 = tpu.memref_slice %arg8[%mul3A_49, %dma_start3A_78] : memref<80x128xi32, #tpu.memory_space<vmem>> -> memref<1x128xi32, #tpu.memory_space<vmem>>
          %dma_start3A_80 = tpu.memref_squeeze %dma_start3A_79 : memref<1x128xi32, #tpu.memory_space<vmem>> -> memref<128xi32, #tpu.memory_space<vmem>>
          %dma_start3A_81 = arith.constant 0 : i32
          %dma_start3A_82 = arith.constant 0 : i32
          %dma_start3A_83 = tpu.memref_slice %arg12[%dma_start3A_81, %dma_start3A_82] : memref<40960x32xf32, #tpu.memory_space<vmem_shared>> -> memref<40960x32xf32, #tpu.memory_space<vmem_shared>>
          tpu.enqueue_indirect_dma source(%arg10 : memref<128x32xf32, #tpu.memory_space<vmem>>) target(%dma_start3A_83 : memref<40960x32xf32, #tpu.memory_space<vmem_shared>>) offsets(%dma_start3A_80 : memref<128xi32, #tpu.memory_space<vmem>>) semaphore(%run_scoped3A : memref<!tpu.dma_semaphore, #tpu.memory_space<semaphore_mem>>) {add = true}
          %dma_wait3A_84 = arith.constant 0 : i32
          %dma_wait3A_85 = tpu.memref_slice %arg8[%mul3A_49, %dma_wait3A_84] : memref<80x128xi32, #tpu.memory_space<vmem>> -> memref<1x128xi32, #tpu.memory_space<vmem>>
          %dma_wait3A_86 = tpu.memref_squeeze %dma_wait3A_85 : memref<1x128xi32, #tpu.memory_space<vmem>> -> memref<128xi32, #tpu.memory_space<vmem>>
          %dma_wait3A_87 = arith.constant 0 : i32
          %dma_wait3A_88 = arith.constant 0 : i32
          %dma_wait3A_89 = tpu.memref_slice %arg12[%dma_wait3A_87, %dma_wait3A_88] : memref<40960x32xf32, #tpu.memory_space<vmem_shared>> -> memref<40960x32xf32, #tpu.memory_space<vmem_shared>>
          tpu.wait_indirect_dma semaphore(%run_scoped3A : memref<!tpu.dma_semaphore, #tpu.memory_space<semaphore_mem>>) src(%arg10 : memref<128x32xf32, #tpu.memory_space<vmem>>) dst(%dma_wait3A_89 : memref<40960x32xf32, #tpu.memory_space<vmem_shared>>)
          tpu.yield
        }) : () -> ()
        %dma_wait3A_66 = arith.constant 0 : i32
        %dma_wait3A_67 = tpu.memref_slice %arg9[%add3A_50, %dma_wait3A_66] : memref<80x128xi32, #tpu.memory_space<vmem>> -> memref<1x128xi32, #tpu.memory_space<vmem>>
        %dma_wait3A_68 = tpu.memref_squeeze %dma_wait3A_67 : memref<1x128xi32, #tpu.memory_space<vmem>> -> memref<128xi32, #tpu.memory_space<vmem>>
        %dma_wait3A_69 = arith.constant 0 : i32
        %dma_wait3A_70 = arith.constant 0 : i32
        %dma_wait3A_71 = tpu.memref_slice %arg2[%dma_wait3A_69, %dma_wait3A_70] : memref<163840x32xf32, #tpu.memory_space<hbm>> -> memref<163840x32xf32, #tpu.memory_space<hbm>>
        tpu.wait_indirect_dma semaphore(%arg13 : memref<!tpu.dma_semaphore, #tpu.memory_space<semaphore_mem>>) src(%dma_wait3A_71 : memref<163840x32xf32, #tpu.memory_space<hbm>>) dst(%arg11 : memref<128x32xf32, #tpu.memory_space<vmem>>)
        %dma_start3A_72 = arith.constant 0 : i32
        %dma_start3A_73 = tpu.memref_slice %arg9[%min3A_53, %dma_start3A_72] : memref<80x128xi32, #tpu.memory_space<vmem>> -> memref<1x128xi32, #tpu.memory_space<vmem>>
        %dma_start3A_74 = tpu.memref_squeeze %dma_start3A_73 : memref<1x128xi32, #tpu.memory_space<vmem>> -> memref<128xi32, #tpu.memory_space<vmem>>
        %dma_start3A_75 = arith.constant 0 : i32
        %dma_start3A_76 = arith.constant 0 : i32
        %dma_start3A_77 = tpu.memref_slice %arg2[%dma_start3A_75, %dma_start3A_76] : memref<163840x32xf32, #tpu.memory_space<hbm>> -> memref<163840x32xf32, #tpu.memory_space<hbm>>
        tpu.enqueue_indirect_dma source(%dma_start3A_77 : memref<163840x32xf32, #tpu.memory_space<hbm>>) target(%arg10 : memref<128x32xf32, #tpu.memory_space<vmem>>) offsets(%dma_start3A_74 : memref<128xi32, #tpu.memory_space<vmem>>) semaphore(%arg13 : memref<!tpu.dma_semaphore, #tpu.memory_space<semaphore_mem>>)
        "tpu.region"() ({
          %run_scoped3A = tpu.sem_alloc : memref<!tpu.dma_semaphore, #tpu.memory_space<semaphore_mem>>
          %dma_start3A_78 = arith.constant 0 : i32
          %dma_start3A_79 = tpu.memref_slice %arg8[%add3A_50, %dma_start3A_78] : memref<80x128xi32, #tpu.memory_space<vmem>> -> memref<1x128xi32, #tpu.memory_space<vmem>>
          %dma_start3A_80 = tpu.memref_squeeze %dma_start3A_79 : memref<1x128xi32, #tpu.memory_space<vmem>> -> memref<128xi32, #tpu.memory_space<vmem>>
          %dma_start3A_81 = arith.constant 0 : i32
          %dma_start3A_82 = arith.constant 0 : i32
          %dma_start3A_83 = tpu.memref_slice %arg12[%dma_start3A_81, %dma_start3A_82] : memref<40960x32xf32, #tpu.memory_space<vmem_shared>> -> memref<40960x32xf32, #tpu.memory_space<vmem_shared>>
          tpu.enqueue_indirect_dma source(%arg11 : memref<128x32xf32, #tpu.memory_space<vmem>>) target(%dma_start3A_83 : memref<40960x32xf32, #tpu.memory_space<vmem_shared>>) offsets(%dma_start3A_80 : memref<128xi32, #tpu.memory_space<vmem>>) semaphore(%run_scoped3A : memref<!tpu.dma_semaphore, #tpu.memory_space<semaphore_mem>>) {add = true}
          %dma_wait3A_84 = arith.constant 0 : i32
          %dma_wait3A_85 = tpu.memref_slice %arg8[%add3A_50, %dma_wait3A_84] : memref<80x128xi32, #tpu.memory_space<vmem>> -> memref<1x128xi32, #tpu.memory_space<vmem>>
          %dma_wait3A_86 = tpu.memref_squeeze %dma_wait3A_85 : memref<1x128xi32, #tpu.memory_space<vmem>> -> memref<128xi32, #tpu.memory_space<vmem>>
          %dma_wait3A_87 = arith.constant 0 : i32
          %dma_wait3A_88 = arith.constant 0 : i32
          %dma_wait3A_89 = tpu.memref_slice %arg12[%dma_wait3A_87, %dma_wait3A_88] : memref<40960x32xf32, #tpu.memory_space<vmem_shared>> -> memref<40960x32xf32, #tpu.memory_space<vmem_shared>>
          tpu.wait_indirect_dma semaphore(%run_scoped3A : memref<!tpu.dma_semaphore, #tpu.memory_space<semaphore_mem>>) src(%arg11 : memref<128x32xf32, #tpu.memory_space<vmem>>) dst(%dma_wait3A_89 : memref<40960x32xf32, #tpu.memory_space<vmem_shared>>)
          tpu.yield
        }) : () -> ()
      }
      %scan3A_38 = arith.constant 40 : i32
      %dma_wait3A = arith.constant 79 : i32
      %dma_wait3A_39 = arith.constant 0 : i32
      %dma_wait3A_40 = tpu.memref_slice %arg9[%dma_wait3A, %dma_wait3A_39] : memref<80x128xi32, #tpu.memory_space<vmem>> -> memref<1x128xi32, #tpu.memory_space<vmem>>
      %dma_wait3A_41 = tpu.memref_squeeze %dma_wait3A_40 : memref<1x128xi32, #tpu.memory_space<vmem>> -> memref<128xi32, #tpu.memory_space<vmem>>
      %dma_wait3A_42 = arith.constant 0 : i32
      %dma_wait3A_43 = arith.constant 0 : i32
      %dma_wait3A_44 = tpu.memref_slice %arg2[%dma_wait3A_42, %dma_wait3A_43] : memref<163840x32xf32, #tpu.memory_space<hbm>> -> memref<163840x32xf32, #tpu.memory_space<hbm>>
      tpu.wait_indirect_dma semaphore(%arg13 : memref<!tpu.dma_semaphore, #tpu.memory_space<semaphore_mem>>) src(%dma_wait3A_44 : memref<163840x32xf32, #tpu.memory_space<hbm>>) dst(%arg10 : memref<128x32xf32, #tpu.memory_space<vmem>>)
      %barrier3A_45 = arith.constant 0 : index
      tpu.barrier barrier_id(%barrier3A_45)
      "tpu.region"() ({
        %run_scoped3A = tpu.sem_alloc : memref<!tpu.dma_semaphore, #tpu.memory_space<semaphore_mem>>
        %dma_start3A_47 = arith.constant 32 : i32
        %dma_start3A_48 = tpu.memref_slice %arg6[%mul3A_0, %dma_start3A_47] : memref<40960x128xf32, #tpu.memory_space<hbm>> -> memref<2560x32xf32, #tpu.memory_space<hbm>>
        %dma_start3A_49 = arith.constant 0 : i32
        %dma_start3A_50 = tpu.memref_slice %arg12[%mul3A_0, %dma_start3A_49] : memref<40960x32xf32, #tpu.memory_space<vmem_shared>> -> memref<2560x32xf32, #tpu.memory_space<vmem_shared>>
        tpu.enqueue_dma source(%dma_start3A_50 : memref<2560x32xf32, #tpu.memory_space<vmem_shared>>) target(%dma_start3A_48 : memref<2560x32xf32, #tpu.memory_space<hbm>>) target_semaphore(%run_scoped3A : memref<!tpu.dma_semaphore, #tpu.memory_space<semaphore_mem>>)
        %dma_wait3A_51 = arith.constant 32 : i32
        %dma_wait3A_52 = tpu.memref_slice %arg6[%mul3A_0, %dma_wait3A_51] : memref<40960x128xf32, #tpu.memory_space<hbm>> -> memref<2560x32xf32, #tpu.memory_space<hbm>>
        %dma_wait3A_53 = arith.constant 0 : i32
        %dma_wait3A_54 = tpu.memref_slice %arg12[%mul3A_0, %dma_wait3A_53] : memref<40960x32xf32, #tpu.memory_space<vmem_shared>> -> memref<2560x32xf32, #tpu.memory_space<vmem_shared>>
        tpu.wait_dma2 semaphore(%run_scoped3A : memref<!tpu.dma_semaphore, #tpu.memory_space<semaphore_mem>>) src(%dma_wait3A_54 : memref<2560x32xf32, #tpu.memory_space<vmem_shared>>) dst(%dma_wait3A_52 : memref<2560x32xf32, #tpu.memory_space<hbm>>)
        tpu.yield
      }) : () -> ()
      %barrier3A_46 = arith.constant 0 : index
      tpu.barrier barrier_id(%barrier3A_46)
    } else {
    }
    %eq3A_12 = arith.constant 0 : i32
    %eq3A_13 = arith.cmpi eq, %arg0, %eq3A_12 : i32
    %convert_element_type3A_14 = arith.extui %eq3A_13 : i1 to i32
    %cond3A_15 = arith.constant 0 : i32
    %cond3A_16 = arith.cmpi ne, %convert_element_type3A_14, %cond3A_15 : i32
    scf.if %cond3A_16 {
      %scan3A = arith.constant 0 : i32
      %scan3A_22 = arith.constant 0 : i32
      %scan3A_23 = arith.constant 80 : i32
      %scan3A_24 = arith.addi %scan3A_22, %scan3A_23 : i32
      %scan3A_25 = arith.constant 1 : i32
      scf.for %scan3A_47 = %scan3A_22 to %scan3A_24 step %scan3A_25  : i32 {
        %get3A = arith.index_cast %scan3A_47 : i32 to index
        %get3A_48 = arith.constant 0 : index
        %get3A_49 = tpu.vector_load %arg7[%get3A, %get3A_48] {strides = array<i32>} : memref<80x128xi32, #tpu.memory_space<vmem>>, vector<1x16xi32>,
        %get3A_50 = vector.shape_cast %get3A_49 : vector<1x16xi32> to vector<16xi32>
        %mul3A_51 = arith.constant 4 : i32
        %mul3A_52 = vector.broadcast %mul3A_51 : i32 to vector<16xi32>
        %mul3A_53 = arith.muli %get3A_50, %mul3A_52 : vector<16xi32>
        %add3A = arith.constant 2 : i32
        %add3A_54 = vector.broadcast %add3A : i32 to vector<16xi32>
        %add3A_55 = arith.addi %mul3A_53, %add3A_54 : vector<16xi32>
        %swap3A = arith.index_cast %scan3A_47 : i32 to index
        %swap3A_56 = arith.constant 0 : index
        %swap3A_57 = tpu.vector_load %arg9[%swap3A, %swap3A_56] {strides = array<i32>} : memref<80x128xi32, #tpu.memory_space<vmem>>, vector<1x16xi32>,
        %swap3A_58 = vector.shape_cast %swap3A_57 : vector<1x16xi32> to vector<16xi32>
        %swap3A_59 = vector.shape_cast %add3A_55 : vector<16xi32> to vector<1x16xi32>
        tpu.vector_store %arg9[%swap3A, %swap3A_56], %swap3A_59 {strides = array<i32>} : memref<80x128xi32, #tpu.memory_space<vmem>>, vector<1x16xi32>,
        %get3A_60 = arith.index_cast %scan3A_47 : i32 to index
        %get3A_61 = arith.constant 16 : index
        %get3A_62 = tpu.vector_load %arg7[%get3A_60, %get3A_61] {strides = array<i32>} : memref<80x128xi32, #tpu.memory_space<vmem>>, vector<1x16xi32>,
        %get3A_63 = vector.shape_cast %get3A_62 : vector<1x16xi32> to vector<16xi32>
        %mul3A_64 = arith.constant 4 : i32
        %mul3A_65 = vector.broadcast %mul3A_64 : i32 to vector<16xi32>
        %mul3A_66 = arith.muli %get3A_63, %mul3A_65 : vector<16xi32>
        %add3A_67 = arith.constant 2 : i32
        %add3A_68 = vector.broadcast %add3A_67 : i32 to vector<16xi32>
        %add3A_69 = arith.addi %mul3A_66, %add3A_68 : vector<16xi32>
        %swap3A_70 = arith.index_cast %scan3A_47 : i32 to index
        %swap3A_71 = arith.constant 16 : index
        %swap3A_72 = tpu.vector_load %arg9[%swap3A_70, %swap3A_71] {strides = array<i32>} : memref<80x128xi32, #tpu.memory_space<vmem>>, vector<1x16xi32>,
        %swap3A_73 = vector.shape_cast %swap3A_72 : vector<1x16xi32> to vector<16xi32>
        %swap3A_74 = vector.shape_cast %add3A_69 : vector<16xi32> to vector<1x16xi32>
        tpu.vector_store %arg9[%swap3A_70, %swap3A_71], %swap3A_74 {strides = array<i32>} : memref<80x128xi32, #tpu.memory_space<vmem>>, vector<1x16xi32>,
        %get3A_75 = arith.index_cast %scan3A_47 : i32 to index
        %get3A_76 = arith.constant 32 : index
        %get3A_77 = tpu.vector_load %arg7[%get3A_75, %get3A_76] {strides = array<i32>} : memref<80x128xi32, #tpu.memory_space<vmem>>, vector<1x16xi32>,
        %get3A_78 = vector.shape_cast %get3A_77 : vector<1x16xi32> to vector<16xi32>
        %mul3A_79 = arith.constant 4 : i32
        %mul3A_80 = vector.broadcast %mul3A_79 : i32 to vector<16xi32>
        %mul3A_81 = arith.muli %get3A_78, %mul3A_80 : vector<16xi32>
        %add3A_82 = arith.constant 2 : i32
        %add3A_83 = vector.broadcast %add3A_82 : i32 to vector<16xi32>
        %add3A_84 = arith.addi %mul3A_81, %add3A_83 : vector<16xi32>
        %swap3A_85 = arith.index_cast %scan3A_47 : i32 to index
        %swap3A_86 = arith.constant 32 : index
        %swap3A_87 = tpu.vector_load %arg9[%swap3A_85, %swap3A_86] {strides = array<i32>} : memref<80x128xi32, #tpu.memory_space<vmem>>, vector<1x16xi32>,
        %swap3A_88 = vector.shape_cast %swap3A_87 : vector<1x16xi32> to vector<16xi32>
        %swap3A_89 = vector.shape_cast %add3A_84 : vector<16xi32> to vector<1x16xi32>
        tpu.vector_store %arg9[%swap3A_85, %swap3A_86], %swap3A_89 {strides = array<i32>} : memref<80x128xi32, #tpu.memory_space<vmem>>, vector<1x16xi32>,
        %get3A_90 = arith.index_cast %scan3A_47 : i32 to index
        %get3A_91 = arith.constant 48 : index
        %get3A_92 = tpu.vector_load %arg7[%get3A_90, %get3A_91] {strides = array<i32>} : memref<80x128xi32, #tpu.memory_space<vmem>>, vector<1x16xi32>,
        %get3A_93 = vector.shape_cast %get3A_92 : vector<1x16xi32> to vector<16xi32>
        %mul3A_94 = arith.constant 4 : i32
        %mul3A_95 = vector.broadcast %mul3A_94 : i32 to vector<16xi32>
        %mul3A_96 = arith.muli %get3A_93, %mul3A_95 : vector<16xi32>
        %add3A_97 = arith.constant 2 : i32
        %add3A_98 = vector.broadcast %add3A_97 : i32 to vector<16xi32>
        %add3A_99 = arith.addi %mul3A_96, %add3A_98 : vector<16xi32>
        %swap3A_100 = arith.index_cast %scan3A_47 : i32 to index
        %swap3A_101 = arith.constant 48 : index
        %swap3A_102 = tpu.vector_load %arg9[%swap3A_100, %swap3A_101] {strides = array<i32>} : memref<80x128xi32, #tpu.memory_space<vmem>>, vector<1x16xi32>,
        %swap3A_103 = vector.shape_cast %swap3A_102 : vector<1x16xi32> to vector<16xi32>
        %swap3A_104 = vector.shape_cast %add3A_99 : vector<16xi32> to vector<1x16xi32>
        tpu.vector_store %arg9[%swap3A_100, %swap3A_101], %swap3A_104 {strides = array<i32>} : memref<80x128xi32, #tpu.memory_space<vmem>>, vector<1x16xi32>,
        %get3A_105 = arith.index_cast %scan3A_47 : i32 to index
        %get3A_106 = arith.constant 64 : index
        %get3A_107 = tpu.vector_load %arg7[%get3A_105, %get3A_106] {strides = array<i32>} : memref<80x128xi32, #tpu.memory_space<vmem>>, vector<1x16xi32>,
        %get3A_108 = vector.shape_cast %get3A_107 : vector<1x16xi32> to vector<16xi32>
        %mul3A_109 = arith.constant 4 : i32
        %mul3A_110 = vector.broadcast %mul3A_109 : i32 to vector<16xi32>
        %mul3A_111 = arith.muli %get3A_108, %mul3A_110 : vector<16xi32>
        %add3A_112 = arith.constant 2 : i32
        %add3A_113 = vector.broadcast %add3A_112 : i32 to vector<16xi32>
        %add3A_114 = arith.addi %mul3A_111, %add3A_113 : vector<16xi32>
        %swap3A_115 = arith.index_cast %scan3A_47 : i32 to index
        %swap3A_116 = arith.constant 64 : index
        %swap3A_117 = tpu.vector_load %arg9[%swap3A_115, %swap3A_116] {strides = array<i32>} : memref<80x128xi32, #tpu.memory_space<vmem>>, vector<1x16xi32>,
        %swap3A_118 = vector.shape_cast %swap3A_117 : vector<1x16xi32> to vector<16xi32>
        %swap3A_119 = vector.shape_cast %add3A_114 : vector<16xi32> to vector<1x16xi32>
        tpu.vector_store %arg9[%swap3A_115, %swap3A_116], %swap3A_119 {strides = array<i32>} : memref<80x128xi32, #tpu.memory_space<vmem>>, vector<1x16xi32>,
        %get3A_120 = arith.index_cast %scan3A_47 : i32 to index
        %get3A_121 = arith.constant 80 : index
        %get3A_122 = tpu.vector_load %arg7[%get3A_120, %get3A_121] {strides = array<i32>} : memref<80x128xi32, #tpu.memory_space<vmem>>, vector<1x16xi32>,
        %get3A_123 = vector.shape_cast %get3A_122 : vector<1x16xi32> to vector<16xi32>
        %mul3A_124 = arith.constant 4 : i32
        %mul3A_125 = vector.broadcast %mul3A_124 : i32 to vector<16xi32>
        %mul3A_126 = arith.muli %get3A_123, %mul3A_125 : vector<16xi32>
        %add3A_127 = arith.constant 2 : i32
        %add3A_128 = vector.broadcast %add3A_127 : i32 to vector<16xi32>
        %add3A_129 = arith.addi %mul3A_126, %add3A_128 : vector<16xi32>
        %swap3A_130 = arith.index_cast %scan3A_47 : i32 to index
        %swap3A_131 = arith.constant 80 : index
        %swap3A_132 = tpu.vector_load %arg9[%swap3A_130, %swap3A_131] {strides = array<i32>} : memref<80x128xi32, #tpu.memory_space<vmem>>, vector<1x16xi32>,
        %swap3A_133 = vector.shape_cast %swap3A_132 : vector<1x16xi32> to vector<16xi32>
        %swap3A_134 = vector.shape_cast %add3A_129 : vector<16xi32> to vector<1x16xi32>
        tpu.vector_store %arg9[%swap3A_130, %swap3A_131], %swap3A_134 {strides = array<i32>} : memref<80x128xi32, #tpu.memory_space<vmem>>, vector<1x16xi32>,
        %get3A_135 = arith.index_cast %scan3A_47 : i32 to index
        %get3A_136 = arith.constant 96 : index
        %get3A_137 = tpu.vector_load %arg7[%get3A_135, %get3A_136] {strides = array<i32>} : memref<80x128xi32, #tpu.memory_space<vmem>>, vector<1x16xi32>,
        %get3A_138 = vector.shape_cast %get3A_137 : vector<1x16xi32> to vector<16xi32>
        %mul3A_139 = arith.constant 4 : i32
        %mul3A_140 = vector.broadcast %mul3A_139 : i32 to vector<16xi32>
        %mul3A_141 = arith.muli %get3A_138, %mul3A_140 : vector<16xi32>
        %add3A_142 = arith.constant 2 : i32
        %add3A_143 = vector.broadcast %add3A_142 : i32 to vector<16xi32>
        %add3A_144 = arith.addi %mul3A_141, %add3A_143 : vector<16xi32>
        %swap3A_145 = arith.index_cast %scan3A_47 : i32 to index
        %swap3A_146 = arith.constant 96 : index
        %swap3A_147 = tpu.vector_load %arg9[%swap3A_145, %swap3A_146] {strides = array<i32>} : memref<80x128xi32, #tpu.memory_space<vmem>>, vector<1x16xi32>,
        %swap3A_148 = vector.shape_cast %swap3A_147 : vector<1x16xi32> to vector<16xi32>
        %swap3A_149 = vector.shape_cast %add3A_144 : vector<16xi32> to vector<1x16xi32>
        tpu.vector_store %arg9[%swap3A_145, %swap3A_146], %swap3A_149 {strides = array<i32>} : memref<80x128xi32, #tpu.memory_space<vmem>>, vector<1x16xi32>,
        %get3A_150 = arith.index_cast %scan3A_47 : i32 to index
        %get3A_151 = arith.constant 112 : index
        %get3A_152 = tpu.vector_load %arg7[%get3A_150, %get3A_151] {strides = array<i32>} : memref<80x128xi32, #tpu.memory_space<vmem>>, vector<1x16xi32>,
        %get3A_153 = vector.shape_cast %get3A_152 : vector<1x16xi32> to vector<16xi32>
        %mul3A_154 = arith.constant 4 : i32
        %mul3A_155 = vector.broadcast %mul3A_154 : i32 to vector<16xi32>
        %mul3A_156 = arith.muli %get3A_153, %mul3A_155 : vector<16xi32>
        %add3A_157 = arith.constant 2 : i32
        %add3A_158 = vector.broadcast %add3A_157 : i32 to vector<16xi32>
        %add3A_159 = arith.addi %mul3A_156, %add3A_158 : vector<16xi32>
        %swap3A_160 = arith.index_cast %scan3A_47 : i32 to index
        %swap3A_161 = arith.constant 112 : index
        %swap3A_162 = tpu.vector_load %arg9[%swap3A_160, %swap3A_161] {strides = array<i32>} : memref<80x128xi32, #tpu.memory_space<vmem>>, vector<1x16xi32>,
        %swap3A_163 = vector.shape_cast %swap3A_162 : vector<1x16xi32> to vector<16xi32>
        %swap3A_164 = vector.shape_cast %add3A_159 : vector<16xi32> to vector<1x16xi32>
        tpu.vector_store %arg9[%swap3A_160, %swap3A_161], %swap3A_164 {strides = array<i32>} : memref<80x128xi32, #tpu.memory_space<vmem>>, vector<1x16xi32>,
      }
      %scan3A_26 = arith.constant 80 : i32
      "tpu.region"() ({
        %run_scoped3A = tpu.sem_alloc : memref<!tpu.dma_semaphore, #tpu.memory_space<semaphore_mem>>
        %dma_start3A_47 = arith.constant 0 : i32
        %dma_start3A_48 = tpu.memref_slice %arg12[%mul3A_0, %dma_start3A_47] : memref<40960x32xf32, #tpu.memory_space<vmem_shared>> -> memref<2560x32xf32, #tpu.memory_space<vmem_shared>>
        tpu.enqueue_dma source(%arg5 : memref<2560x32xf32, #tpu.memory_space<hbm>>) target(%dma_start3A_48 : memref<2560x32xf32, #tpu.memory_space<vmem_shared>>) target_semaphore(%run_scoped3A : memref<!tpu.dma_semaphore, #tpu.memory_space<semaphore_mem>>)
        %dma_wait3A_49 = arith.constant 0 : i32
        %dma_wait3A_50 = tpu.memref_slice %arg12[%mul3A_0, %dma_wait3A_49] : memref<40960x32xf32, #tpu.memory_space<vmem_shared>> -> memref<2560x32xf32, #tpu.memory_space<vmem_shared>>
        tpu.wait_dma2 semaphore(%run_scoped3A : memref<!tpu.dma_semaphore, #tpu.memory_space<semaphore_mem>>) src(%arg5 : memref<2560x32xf32, #tpu.memory_space<hbm>>) dst(%dma_wait3A_50 : memref<2560x32xf32, #tpu.memory_space<vmem_shared>>)
        tpu.yield
      }) : () -> ()
      %barrier3A = arith.constant 0 : index
      tpu.barrier barrier_id(%barrier3A)
      %dma_start3A = arith.constant 0 : i32
      %dma_start3A_27 = arith.constant 0 : i32
      %dma_start3A_28 = tpu.memref_slice %arg9[%dma_start3A, %dma_start3A_27] : memref<80x128xi32, #tpu.memory_space<vmem>> -> memref<1x128xi32, #tpu.memory_space<vmem>>
      %dma_start3A_29 = tpu.memref_squeeze %dma_start3A_28 : memref<1x128xi32, #tpu.memory_space<vmem>> -> memref<128xi32, #tpu.memory_space<vmem>>
      %dma_start3A_30 = arith.constant 0 : i32
      %dma_start3A_31 = arith.constant 0 : i32
      %dma_start3A_32 = tpu.memref_slice %arg2[%dma_start3A_30, %dma_start3A_31] : memref<163840x32xf32, #tpu.memory_space<hbm>> -> memref<163840x32xf32, #tpu.memory_space<hbm>>
      tpu.enqueue_indirect_dma source(%dma_start3A_32 : memref<163840x32xf32, #tpu.memory_space<hbm>>) target(%arg10 : memref<128x32xf32, #tpu.memory_space<vmem>>) offsets(%dma_start3A_29 : memref<128xi32, #tpu.memory_space<vmem>>) semaphore(%arg13 : memref<!tpu.dma_semaphore, #tpu.memory_space<semaphore_mem>>)
      %scan3A_33 = arith.constant 0 : i32
      %scan3A_34 = arith.constant 0 : i32
      %scan3A_35 = arith.constant 40 : i32
      %scan3A_36 = arith.addi %scan3A_34, %scan3A_35 : i32
      %scan3A_37 = arith.constant 1 : i32
      scf.for %scan3A_47 = %scan3A_34 to %scan3A_36 step %scan3A_37  : i32 {
        %mul3A_48 = arith.constant 2 : i32
        %mul3A_49 = arith.muli %mul3A_48, %scan3A_47 : i32
        %add3A = arith.constant 1 : i32
        %add3A_50 = arith.addi %mul3A_49, %add3A : i32
        %add3A_51 = arith.constant 2 : i32
        %add3A_52 = arith.addi %mul3A_49, %add3A_51 : i32
        %min3A = arith.constant 79 : i32
        %min3A_53 = arith.minsi %add3A_52, %min3A : i32
        %dma_wait3A_54 = arith.constant 0 : i32
        %dma_wait3A_55 = tpu.memref_slice %arg9[%mul3A_49, %dma_wait3A_54] : memref<80x128xi32, #tpu.memory_space<vmem>> -> memref<1x128xi32, #tpu.memory_space<vmem>>
        %dma_wait3A_56 = tpu.memref_squeeze %dma_wait3A_55 : memref<1x128xi32, #tpu.memory_space<vmem>> -> memref<128xi32, #tpu.memory_space<vmem>>
        %dma_wait3A_57 = arith.constant 0 : i32
        %dma_wait3A_58 = arith.constant 0 : i32
        %dma_wait3A_59 = tpu.memref_slice %arg2[%dma_wait3A_57, %dma_wait3A_58] : memref<163840x32xf32, #tpu.memory_space<hbm>> -> memref<163840x32xf32, #tpu.memory_space<hbm>>
        tpu.wait_indirect_dma semaphore(%arg13 : memref<!tpu.dma_semaphore, #tpu.memory_space<semaphore_mem>>) src(%dma_wait3A_59 : memref<163840x32xf32, #tpu.memory_space<hbm>>) dst(%arg10 : memref<128x32xf32, #tpu.memory_space<vmem>>)
        %dma_start3A_60 = arith.constant 0 : i32
        %dma_start3A_61 = tpu.memref_slice %arg9[%add3A_50, %dma_start3A_60] : memref<80x128xi32, #tpu.memory_space<vmem>> -> memref<1x128xi32, #tpu.memory_space<vmem>>
        %dma_start3A_62 = tpu.memref_squeeze %dma_start3A_61 : memref<1x128xi32, #tpu.memory_space<vmem>> -> memref<128xi32, #tpu.memory_space<vmem>>
        %dma_start3A_63 = arith.constant 0 : i32
        %dma_start3A_64 = arith.constant 0 : i32
        %dma_start3A_65 = tpu.memref_slice %arg2[%dma_start3A_63, %dma_start3A_64] : memref<163840x32xf32, #tpu.memory_space<hbm>> -> memref<163840x32xf32, #tpu.memory_space<hbm>>
        tpu.enqueue_indirect_dma source(%dma_start3A_65 : memref<163840x32xf32, #tpu.memory_space<hbm>>) target(%arg11 : memref<128x32xf32, #tpu.memory_space<vmem>>) offsets(%dma_start3A_62 : memref<128xi32, #tpu.memory_space<vmem>>) semaphore(%arg13 : memref<!tpu.dma_semaphore, #tpu.memory_space<semaphore_mem>>)
        "tpu.region"() ({
          %run_scoped3A = tpu.sem_alloc : memref<!tpu.dma_semaphore, #tpu.memory_space<semaphore_mem>>
          %dma_start3A_78 = arith.constant 0 : i32
          %dma_start3A_79 = tpu.memref_slice %arg8[%mul3A_49, %dma_start3A_78] : memref<80x128xi32, #tpu.memory_space<vmem>> -> memref<1x128xi32, #tpu.memory_space<vmem>>
          %dma_start3A_80 = tpu.memref_squeeze %dma_start3A_79 : memref<1x128xi32, #tpu.memory_space<vmem>> -> memref<128xi32, #tpu.memory_space<vmem>>
          %dma_start3A_81 = arith.constant 0 : i32
          %dma_start3A_82 = arith.constant 0 : i32
          %dma_start3A_83 = tpu.memref_slice %arg12[%dma_start3A_81, %dma_start3A_82] : memref<40960x32xf32, #tpu.memory_space<vmem_shared>> -> memref<40960x32xf32, #tpu.memory_space<vmem_shared>>
          tpu.enqueue_indirect_dma source(%arg10 : memref<128x32xf32, #tpu.memory_space<vmem>>) target(%dma_start3A_83 : memref<40960x32xf32, #tpu.memory_space<vmem_shared>>) offsets(%dma_start3A_80 : memref<128xi32, #tpu.memory_space<vmem>>) semaphore(%run_scoped3A : memref<!tpu.dma_semaphore, #tpu.memory_space<semaphore_mem>>) {add = true}
          %dma_wait3A_84 = arith.constant 0 : i32
          %dma_wait3A_85 = tpu.memref_slice %arg8[%mul3A_49, %dma_wait3A_84] : memref<80x128xi32, #tpu.memory_space<vmem>> -> memref<1x128xi32, #tpu.memory_space<vmem>>
          %dma_wait3A_86 = tpu.memref_squeeze %dma_wait3A_85 : memref<1x128xi32, #tpu.memory_space<vmem>> -> memref<128xi32, #tpu.memory_space<vmem>>
          %dma_wait3A_87 = arith.constant 0 : i32
          %dma_wait3A_88 = arith.constant 0 : i32
          %dma_wait3A_89 = tpu.memref_slice %arg12[%dma_wait3A_87, %dma_wait3A_88] : memref<40960x32xf32, #tpu.memory_space<vmem_shared>> -> memref<40960x32xf32, #tpu.memory_space<vmem_shared>>
          tpu.wait_indirect_dma semaphore(%run_scoped3A : memref<!tpu.dma_semaphore, #tpu.memory_space<semaphore_mem>>) src(%arg10 : memref<128x32xf32, #tpu.memory_space<vmem>>) dst(%dma_wait3A_89 : memref<40960x32xf32, #tpu.memory_space<vmem_shared>>)
          tpu.yield
        }) : () -> ()
        %dma_wait3A_66 = arith.constant 0 : i32
        %dma_wait3A_67 = tpu.memref_slice %arg9[%add3A_50, %dma_wait3A_66] : memref<80x128xi32, #tpu.memory_space<vmem>> -> memref<1x128xi32, #tpu.memory_space<vmem>>
        %dma_wait3A_68 = tpu.memref_squeeze %dma_wait3A_67 : memref<1x128xi32, #tpu.memory_space<vmem>> -> memref<128xi32, #tpu.memory_space<vmem>>
        %dma_wait3A_69 = arith.constant 0 : i32
        %dma_wait3A_70 = arith.constant 0 : i32
        %dma_wait3A_71 = tpu.memref_slice %arg2[%dma_wait3A_69, %dma_wait3A_70] : memref<163840x32xf32, #tpu.memory_space<hbm>> -> memref<163840x32xf32, #tpu.memory_space<hbm>>
        tpu.wait_indirect_dma semaphore(%arg13 : memref<!tpu.dma_semaphore, #tpu.memory_space<semaphore_mem>>) src(%dma_wait3A_71 : memref<163840x32xf32, #tpu.memory_space<hbm>>) dst(%arg11 : memref<128x32xf32, #tpu.memory_space<vmem>>)
        %dma_start3A_72 = arith.constant 0 : i32
        %dma_start3A_73 = tpu.memref_slice %arg9[%min3A_53, %dma_start3A_72] : memref<80x128xi32, #tpu.memory_space<vmem>> -> memref<1x128xi32, #tpu.memory_space<vmem>>
        %dma_start3A_74 = tpu.memref_squeeze %dma_start3A_73 : memref<1x128xi32, #tpu.memory_space<vmem>> -> memref<128xi32, #tpu.memory_space<vmem>>
        %dma_start3A_75 = arith.constant 0 : i32
        %dma_start3A_76 = arith.constant 0 : i32
        %dma_start3A_77 = tpu.memref_slice %arg2[%dma_start3A_75, %dma_start3A_76] : memref<163840x32xf32, #tpu.memory_space<hbm>> -> memref<163840x32xf32, #tpu.memory_space<hbm>>
        tpu.enqueue_indirect_dma source(%dma_start3A_77 : memref<163840x32xf32, #tpu.memory_space<hbm>>) target(%arg10 : memref<128x32xf32, #tpu.memory_space<vmem>>) offsets(%dma_start3A_74 : memref<128xi32, #tpu.memory_space<vmem>>) semaphore(%arg13 : memref<!tpu.dma_semaphore, #tpu.memory_space<semaphore_mem>>)
        "tpu.region"() ({
          %run_scoped3A = tpu.sem_alloc : memref<!tpu.dma_semaphore, #tpu.memory_space<semaphore_mem>>
          %dma_start3A_78 = arith.constant 0 : i32
          %dma_start3A_79 = tpu.memref_slice %arg8[%add3A_50, %dma_start3A_78] : memref<80x128xi32, #tpu.memory_space<vmem>> -> memref<1x128xi32, #tpu.memory_space<vmem>>
          %dma_start3A_80 = tpu.memref_squeeze %dma_start3A_79 : memref<1x128xi32, #tpu.memory_space<vmem>> -> memref<128xi32, #tpu.memory_space<vmem>>
          %dma_start3A_81 = arith.constant 0 : i32
          %dma_start3A_82 = arith.constant 0 : i32
          %dma_start3A_83 = tpu.memref_slice %arg12[%dma_start3A_81, %dma_start3A_82] : memref<40960x32xf32, #tpu.memory_space<vmem_shared>> -> memref<40960x32xf32, #tpu.memory_space<vmem_shared>>
          tpu.enqueue_indirect_dma source(%arg11 : memref<128x32xf32, #tpu.memory_space<vmem>>) target(%dma_start3A_83 : memref<40960x32xf32, #tpu.memory_space<vmem_shared>>) offsets(%dma_start3A_80 : memref<128xi32, #tpu.memory_space<vmem>>) semaphore(%run_scoped3A : memref<!tpu.dma_semaphore, #tpu.memory_space<semaphore_mem>>) {add = true}
          %dma_wait3A_84 = arith.constant 0 : i32
          %dma_wait3A_85 = tpu.memref_slice %arg8[%add3A_50, %dma_wait3A_84] : memref<80x128xi32, #tpu.memory_space<vmem>> -> memref<1x128xi32, #tpu.memory_space<vmem>>
          %dma_wait3A_86 = tpu.memref_squeeze %dma_wait3A_85 : memref<1x128xi32, #tpu.memory_space<vmem>> -> memref<128xi32, #tpu.memory_space<vmem>>
          %dma_wait3A_87 = arith.constant 0 : i32
          %dma_wait3A_88 = arith.constant 0 : i32
          %dma_wait3A_89 = tpu.memref_slice %arg12[%dma_wait3A_87, %dma_wait3A_88] : memref<40960x32xf32, #tpu.memory_space<vmem_shared>> -> memref<40960x32xf32, #tpu.memory_space<vmem_shared>>
          tpu.wait_indirect_dma semaphore(%run_scoped3A : memref<!tpu.dma_semaphore, #tpu.memory_space<semaphore_mem>>) src(%arg11 : memref<128x32xf32, #tpu.memory_space<vmem>>) dst(%dma_wait3A_89 : memref<40960x32xf32, #tpu.memory_space<vmem_shared>>)
          tpu.yield
        }) : () -> ()
      }
      %scan3A_38 = arith.constant 40 : i32
      %dma_wait3A = arith.constant 79 : i32
      %dma_wait3A_39 = arith.constant 0 : i32
      %dma_wait3A_40 = tpu.memref_slice %arg9[%dma_wait3A, %dma_wait3A_39] : memref<80x128xi32, #tpu.memory_space<vmem>> -> memref<1x128xi32, #tpu.memory_space<vmem>>
      %dma_wait3A_41 = tpu.memref_squeeze %dma_wait3A_40 : memref<1x128xi32, #tpu.memory_space<vmem>> -> memref<128xi32, #tpu.memory_space<vmem>>
      %dma_wait3A_42 = arith.constant 0 : i32
      %dma_wait3A_43 = arith.constant 0 : i32
      %dma_wait3A_44 = tpu.memref_slice %arg2[%dma_wait3A_42, %dma_wait3A_43] : memref<163840x32xf32, #tpu.memory_space<hbm>> -> memref<163840x32xf32, #tpu.memory_space<hbm>>
      tpu.wait_indirect_dma semaphore(%arg13 : memref<!tpu.dma_semaphore, #tpu.memory_space<semaphore_mem>>) src(%dma_wait3A_44 : memref<163840x32xf32, #tpu.memory_space<hbm>>) dst(%arg10 : memref<128x32xf32, #tpu.memory_space<vmem>>)
      %barrier3A_45 = arith.constant 0 : index
      tpu.barrier barrier_id(%barrier3A_45)
      "tpu.region"() ({
        %run_scoped3A = tpu.sem_alloc : memref<!tpu.dma_semaphore, #tpu.memory_space<semaphore_mem>>
        %dma_start3A_47 = arith.constant 64 : i32
        %dma_start3A_48 = tpu.memref_slice %arg6[%mul3A_0, %dma_start3A_47] : memref<40960x128xf32, #tpu.memory_space<hbm>> -> memref<2560x32xf32, #tpu.memory_space<hbm>>
        %dma_start3A_49 = arith.constant 0 : i32
        %dma_start3A_50 = tpu.memref_slice %arg12[%mul3A_0, %dma_start3A_49] : memref<40960x32xf32, #tpu.memory_space<vmem_shared>> -> memref<2560x32xf32, #tpu.memory_space<vmem_shared>>
        tpu.enqueue_dma source(%dma_start3A_50 : memref<2560x32xf32, #tpu.memory_space<vmem_shared>>) target(%dma_start3A_48 : memref<2560x32xf32, #tpu.memory_space<hbm>>) target_semaphore(%run_scoped3A : memref<!tpu.dma_semaphore, #tpu.memory_space<semaphore_mem>>)
        %dma_wait3A_51 = arith.constant 64 : i32
        %dma_wait3A_52 = tpu.memref_slice %arg6[%mul3A_0, %dma_wait3A_51] : memref<40960x128xf32, #tpu.memory_space<hbm>> -> memref<2560x32xf32, #tpu.memory_space<hbm>>
        %dma_wait3A_53 = arith.constant 0 : i32
        %dma_wait3A_54 = tpu.memref_slice %arg12[%mul3A_0, %dma_wait3A_53] : memref<40960x32xf32, #tpu.memory_space<vmem_shared>> -> memref<2560x32xf32, #tpu.memory_space<vmem_shared>>
        tpu.wait_dma2 semaphore(%run_scoped3A : memref<!tpu.dma_semaphore, #tpu.memory_space<semaphore_mem>>) src(%dma_wait3A_54 : memref<2560x32xf32, #tpu.memory_space<vmem_shared>>) dst(%dma_wait3A_52 : memref<2560x32xf32, #tpu.memory_space<hbm>>)
        tpu.yield
      }) : () -> ()
      %barrier3A_46 = arith.constant 0 : index
      tpu.barrier barrier_id(%barrier3A_46)
    } else {
    }
    %eq3A_17 = arith.constant 1 : i32
    %eq3A_18 = arith.cmpi eq, %arg0, %eq3A_17 : i32
    %convert_element_type3A_19 = arith.extui %eq3A_18 : i1 to i32
    %cond3A_20 = arith.constant 0 : i32
    %cond3A_21 = arith.cmpi ne, %convert_element_type3A_19, %cond3A_20 : i32
    scf.if %cond3A_21 {
      %scan3A = arith.constant 0 : i32
      %scan3A_22 = arith.constant 0 : i32
      %scan3A_23 = arith.constant 80 : i32
      %scan3A_24 = arith.addi %scan3A_22, %scan3A_23 : i32
      %scan3A_25 = arith.constant 1 : i32
      scf.for %scan3A_47 = %scan3A_22 to %scan3A_24 step %scan3A_25  : i32 {
        %get3A = arith.index_cast %scan3A_47 : i32 to index
        %get3A_48 = arith.constant 0 : index
        %get3A_49 = tpu.vector_load %arg7[%get3A, %get3A_48] {strides = array<i32>} : memref<80x128xi32, #tpu.memory_space<vmem>>, vector<1x16xi32>,
        %get3A_50 = vector.shape_cast %get3A_49 : vector<1x16xi32> to vector<16xi32>
        %mul3A_51 = arith.constant 4 : i32
        %mul3A_52 = vector.broadcast %mul3A_51 : i32 to vector<16xi32>
        %mul3A_53 = arith.muli %get3A_50, %mul3A_52 : vector<16xi32>
        %add3A = arith.constant 3 : i32
        %add3A_54 = vector.broadcast %add3A : i32 to vector<16xi32>
        %add3A_55 = arith.addi %mul3A_53, %add3A_54 : vector<16xi32>
        %swap3A = arith.index_cast %scan3A_47 : i32 to index
        %swap3A_56 = arith.constant 0 : index
        %swap3A_57 = tpu.vector_load %arg9[%swap3A, %swap3A_56] {strides = array<i32>} : memref<80x128xi32, #tpu.memory_space<vmem>>, vector<1x16xi32>,
        %swap3A_58 = vector.shape_cast %swap3A_57 : vector<1x16xi32> to vector<16xi32>
        %swap3A_59 = vector.shape_cast %add3A_55 : vector<16xi32> to vector<1x16xi32>
        tpu.vector_store %arg9[%swap3A, %swap3A_56], %swap3A_59 {strides = array<i32>} : memref<80x128xi32, #tpu.memory_space<vmem>>, vector<1x16xi32>,
        %get3A_60 = arith.index_cast %scan3A_47 : i32 to index
        %get3A_61 = arith.constant 16 : index
        %get3A_62 = tpu.vector_load %arg7[%get3A_60, %get3A_61] {strides = array<i32>} : memref<80x128xi32, #tpu.memory_space<vmem>>, vector<1x16xi32>,
        %get3A_63 = vector.shape_cast %get3A_62 : vector<1x16xi32> to vector<16xi32>
        %mul3A_64 = arith.constant 4 : i32
        %mul3A_65 = vector.broadcast %mul3A_64 : i32 to vector<16xi32>
        %mul3A_66 = arith.muli %get3A_63, %mul3A_65 : vector<16xi32>
        %add3A_67 = arith.constant 3 : i32
        %add3A_68 = vector.broadcast %add3A_67 : i32 to vector<16xi32>
        %add3A_69 = arith.addi %mul3A_66, %add3A_68 : vector<16xi32>
        %swap3A_70 = arith.index_cast %scan3A_47 : i32 to index
        %swap3A_71 = arith.constant 16 : index
        %swap3A_72 = tpu.vector_load %arg9[%swap3A_70, %swap3A_71] {strides = array<i32>} : memref<80x128xi32, #tpu.memory_space<vmem>>, vector<1x16xi32>,
        %swap3A_73 = vector.shape_cast %swap3A_72 : vector<1x16xi32> to vector<16xi32>
        %swap3A_74 = vector.shape_cast %add3A_69 : vector<16xi32> to vector<1x16xi32>
        tpu.vector_store %arg9[%swap3A_70, %swap3A_71], %swap3A_74 {strides = array<i32>} : memref<80x128xi32, #tpu.memory_space<vmem>>, vector<1x16xi32>,
        %get3A_75 = arith.index_cast %scan3A_47 : i32 to index
        %get3A_76 = arith.constant 32 : index
        %get3A_77 = tpu.vector_load %arg7[%get3A_75, %get3A_76] {strides = array<i32>} : memref<80x128xi32, #tpu.memory_space<vmem>>, vector<1x16xi32>,
        %get3A_78 = vector.shape_cast %get3A_77 : vector<1x16xi32> to vector<16xi32>
        %mul3A_79 = arith.constant 4 : i32
        %mul3A_80 = vector.broadcast %mul3A_79 : i32 to vector<16xi32>
        %mul3A_81 = arith.muli %get3A_78, %mul3A_80 : vector<16xi32>
        %add3A_82 = arith.constant 3 : i32
        %add3A_83 = vector.broadcast %add3A_82 : i32 to vector<16xi32>
        %add3A_84 = arith.addi %mul3A_81, %add3A_83 : vector<16xi32>
        %swap3A_85 = arith.index_cast %scan3A_47 : i32 to index
        %swap3A_86 = arith.constant 32 : index
        %swap3A_87 = tpu.vector_load %arg9[%swap3A_85, %swap3A_86] {strides = array<i32>} : memref<80x128xi32, #tpu.memory_space<vmem>>, vector<1x16xi32>,
        %swap3A_88 = vector.shape_cast %swap3A_87 : vector<1x16xi32> to vector<16xi32>
        %swap3A_89 = vector.shape_cast %add3A_84 : vector<16xi32> to vector<1x16xi32>
        tpu.vector_store %arg9[%swap3A_85, %swap3A_86], %swap3A_89 {strides = array<i32>} : memref<80x128xi32, #tpu.memory_space<vmem>>, vector<1x16xi32>,
        %get3A_90 = arith.index_cast %scan3A_47 : i32 to index
        %get3A_91 = arith.constant 48 : index
        %get3A_92 = tpu.vector_load %arg7[%get3A_90, %get3A_91] {strides = array<i32>} : memref<80x128xi32, #tpu.memory_space<vmem>>, vector<1x16xi32>,
        %get3A_93 = vector.shape_cast %get3A_92 : vector<1x16xi32> to vector<16xi32>
        %mul3A_94 = arith.constant 4 : i32
        %mul3A_95 = vector.broadcast %mul3A_94 : i32 to vector<16xi32>
        %mul3A_96 = arith.muli %get3A_93, %mul3A_95 : vector<16xi32>
        %add3A_97 = arith.constant 3 : i32
        %add3A_98 = vector.broadcast %add3A_97 : i32 to vector<16xi32>
        %add3A_99 = arith.addi %mul3A_96, %add3A_98 : vector<16xi32>
        %swap3A_100 = arith.index_cast %scan3A_47 : i32 to index
        %swap3A_101 = arith.constant 48 : index
        %swap3A_102 = tpu.vector_load %arg9[%swap3A_100, %swap3A_101] {strides = array<i32>} : memref<80x128xi32, #tpu.memory_space<vmem>>, vector<1x16xi32>,
        %swap3A_103 = vector.shape_cast %swap3A_102 : vector<1x16xi32> to vector<16xi32>
        %swap3A_104 = vector.shape_cast %add3A_99 : vector<16xi32> to vector<1x16xi32>
        tpu.vector_store %arg9[%swap3A_100, %swap3A_101], %swap3A_104 {strides = array<i32>} : memref<80x128xi32, #tpu.memory_space<vmem>>, vector<1x16xi32>,
        %get3A_105 = arith.index_cast %scan3A_47 : i32 to index
        %get3A_106 = arith.constant 64 : index
        %get3A_107 = tpu.vector_load %arg7[%get3A_105, %get3A_106] {strides = array<i32>} : memref<80x128xi32, #tpu.memory_space<vmem>>, vector<1x16xi32>,
        %get3A_108 = vector.shape_cast %get3A_107 : vector<1x16xi32> to vector<16xi32>
        %mul3A_109 = arith.constant 4 : i32
        %mul3A_110 = vector.broadcast %mul3A_109 : i32 to vector<16xi32>
        %mul3A_111 = arith.muli %get3A_108, %mul3A_110 : vector<16xi32>
        %add3A_112 = arith.constant 3 : i32
        %add3A_113 = vector.broadcast %add3A_112 : i32 to vector<16xi32>
        %add3A_114 = arith.addi %mul3A_111, %add3A_113 : vector<16xi32>
        %swap3A_115 = arith.index_cast %scan3A_47 : i32 to index
        %swap3A_116 = arith.constant 64 : index
        %swap3A_117 = tpu.vector_load %arg9[%swap3A_115, %swap3A_116] {strides = array<i32>} : memref<80x128xi32, #tpu.memory_space<vmem>>, vector<1x16xi32>,
        %swap3A_118 = vector.shape_cast %swap3A_117 : vector<1x16xi32> to vector<16xi32>
        %swap3A_119 = vector.shape_cast %add3A_114 : vector<16xi32> to vector<1x16xi32>
        tpu.vector_store %arg9[%swap3A_115, %swap3A_116], %swap3A_119 {strides = array<i32>} : memref<80x128xi32, #tpu.memory_space<vmem>>, vector<1x16xi32>,
        %get3A_120 = arith.index_cast %scan3A_47 : i32 to index
        %get3A_121 = arith.constant 80 : index
        %get3A_122 = tpu.vector_load %arg7[%get3A_120, %get3A_121] {strides = array<i32>} : memref<80x128xi32, #tpu.memory_space<vmem>>, vector<1x16xi32>,
        %get3A_123 = vector.shape_cast %get3A_122 : vector<1x16xi32> to vector<16xi32>
        %mul3A_124 = arith.constant 4 : i32
        %mul3A_125 = vector.broadcast %mul3A_124 : i32 to vector<16xi32>
        %mul3A_126 = arith.muli %get3A_123, %mul3A_125 : vector<16xi32>
        %add3A_127 = arith.constant 3 : i32
        %add3A_128 = vector.broadcast %add3A_127 : i32 to vector<16xi32>
        %add3A_129 = arith.addi %mul3A_126, %add3A_128 : vector<16xi32>
        %swap3A_130 = arith.index_cast %scan3A_47 : i32 to index
        %swap3A_131 = arith.constant 80 : index
        %swap3A_132 = tpu.vector_load %arg9[%swap3A_130, %swap3A_131] {strides = array<i32>} : memref<80x128xi32, #tpu.memory_space<vmem>>, vector<1x16xi32>,
        %swap3A_133 = vector.shape_cast %swap3A_132 : vector<1x16xi32> to vector<16xi32>
        %swap3A_134 = vector.shape_cast %add3A_129 : vector<16xi32> to vector<1x16xi32>
        tpu.vector_store %arg9[%swap3A_130, %swap3A_131], %swap3A_134 {strides = array<i32>} : memref<80x128xi32, #tpu.memory_space<vmem>>, vector<1x16xi32>,
        %get3A_135 = arith.index_cast %scan3A_47 : i32 to index
        %get3A_136 = arith.constant 96 : index
        %get3A_137 = tpu.vector_load %arg7[%get3A_135, %get3A_136] {strides = array<i32>} : memref<80x128xi32, #tpu.memory_space<vmem>>, vector<1x16xi32>,
        %get3A_138 = vector.shape_cast %get3A_137 : vector<1x16xi32> to vector<16xi32>
        %mul3A_139 = arith.constant 4 : i32
        %mul3A_140 = vector.broadcast %mul3A_139 : i32 to vector<16xi32>
        %mul3A_141 = arith.muli %get3A_138, %mul3A_140 : vector<16xi32>
        %add3A_142 = arith.constant 3 : i32
        %add3A_143 = vector.broadcast %add3A_142 : i32 to vector<16xi32>
        %add3A_144 = arith.addi %mul3A_141, %add3A_143 : vector<16xi32>
        %swap3A_145 = arith.index_cast %scan3A_47 : i32 to index
        %swap3A_146 = arith.constant 96 : index
        %swap3A_147 = tpu.vector_load %arg9[%swap3A_145, %swap3A_146] {strides = array<i32>} : memref<80x128xi32, #tpu.memory_space<vmem>>, vector<1x16xi32>,
        %swap3A_148 = vector.shape_cast %swap3A_147 : vector<1x16xi32> to vector<16xi32>
        %swap3A_149 = vector.shape_cast %add3A_144 : vector<16xi32> to vector<1x16xi32>
        tpu.vector_store %arg9[%swap3A_145, %swap3A_146], %swap3A_149 {strides = array<i32>} : memref<80x128xi32, #tpu.memory_space<vmem>>, vector<1x16xi32>,
        %get3A_150 = arith.index_cast %scan3A_47 : i32 to index
        %get3A_151 = arith.constant 112 : index
        %get3A_152 = tpu.vector_load %arg7[%get3A_150, %get3A_151] {strides = array<i32>} : memref<80x128xi32, #tpu.memory_space<vmem>>, vector<1x16xi32>,
        %get3A_153 = vector.shape_cast %get3A_152 : vector<1x16xi32> to vector<16xi32>
        %mul3A_154 = arith.constant 4 : i32
        %mul3A_155 = vector.broadcast %mul3A_154 : i32 to vector<16xi32>
        %mul3A_156 = arith.muli %get3A_153, %mul3A_155 : vector<16xi32>
        %add3A_157 = arith.constant 3 : i32
        %add3A_158 = vector.broadcast %add3A_157 : i32 to vector<16xi32>
        %add3A_159 = arith.addi %mul3A_156, %add3A_158 : vector<16xi32>
        %swap3A_160 = arith.index_cast %scan3A_47 : i32 to index
        %swap3A_161 = arith.constant 112 : index
        %swap3A_162 = tpu.vector_load %arg9[%swap3A_160, %swap3A_161] {strides = array<i32>} : memref<80x128xi32, #tpu.memory_space<vmem>>, vector<1x16xi32>,
        %swap3A_163 = vector.shape_cast %swap3A_162 : vector<1x16xi32> to vector<16xi32>
        %swap3A_164 = vector.shape_cast %add3A_159 : vector<16xi32> to vector<1x16xi32>
        tpu.vector_store %arg9[%swap3A_160, %swap3A_161], %swap3A_164 {strides = array<i32>} : memref<80x128xi32, #tpu.memory_space<vmem>>, vector<1x16xi32>,
      }
      %scan3A_26 = arith.constant 80 : i32
      "tpu.region"() ({
        %run_scoped3A = tpu.sem_alloc : memref<!tpu.dma_semaphore, #tpu.memory_space<semaphore_mem>>
        %dma_start3A_47 = arith.constant 0 : i32
        %dma_start3A_48 = tpu.memref_slice %arg12[%mul3A_0, %dma_start3A_47] : memref<40960x32xf32, #tpu.memory_space<vmem_shared>> -> memref<2560x32xf32, #tpu.memory_space<vmem_shared>>
        tpu.enqueue_dma source(%arg5 : memref<2560x32xf32, #tpu.memory_space<hbm>>) target(%dma_start3A_48 : memref<2560x32xf32, #tpu.memory_space<vmem_shared>>) target_semaphore(%run_scoped3A : memref<!tpu.dma_semaphore, #tpu.memory_space<semaphore_mem>>)
        %dma_wait3A_49 = arith.constant 0 : i32
        %dma_wait3A_50 = tpu.memref_slice %arg12[%mul3A_0, %dma_wait3A_49] : memref<40960x32xf32, #tpu.memory_space<vmem_shared>> -> memref<2560x32xf32, #tpu.memory_space<vmem_shared>>
        tpu.wait_dma2 semaphore(%run_scoped3A : memref<!tpu.dma_semaphore, #tpu.memory_space<semaphore_mem>>) src(%arg5 : memref<2560x32xf32, #tpu.memory_space<hbm>>) dst(%dma_wait3A_50 : memref<2560x32xf32, #tpu.memory_space<vmem_shared>>)
        tpu.yield
      }) : () -> ()
      %barrier3A = arith.constant 0 : index
      tpu.barrier barrier_id(%barrier3A)
      %dma_start3A = arith.constant 0 : i32
      %dma_start3A_27 = arith.constant 0 : i32
      %dma_start3A_28 = tpu.memref_slice %arg9[%dma_start3A, %dma_start3A_27] : memref<80x128xi32, #tpu.memory_space<vmem>> -> memref<1x128xi32, #tpu.memory_space<vmem>>
      %dma_start3A_29 = tpu.memref_squeeze %dma_start3A_28 : memref<1x128xi32, #tpu.memory_space<vmem>> -> memref<128xi32, #tpu.memory_space<vmem>>
      %dma_start3A_30 = arith.constant 0 : i32
      %dma_start3A_31 = arith.constant 0 : i32
      %dma_start3A_32 = tpu.memref_slice %arg2[%dma_start3A_30, %dma_start3A_31] : memref<163840x32xf32, #tpu.memory_space<hbm>> -> memref<163840x32xf32, #tpu.memory_space<hbm>>
      tpu.enqueue_indirect_dma source(%dma_start3A_32 : memref<163840x32xf32, #tpu.memory_space<hbm>>) target(%arg10 : memref<128x32xf32, #tpu.memory_space<vmem>>) offsets(%dma_start3A_29 : memref<128xi32, #tpu.memory_space<vmem>>) semaphore(%arg13 : memref<!tpu.dma_semaphore, #tpu.memory_space<semaphore_mem>>)
      %scan3A_33 = arith.constant 0 : i32
      %scan3A_34 = arith.constant 0 : i32
      %scan3A_35 = arith.constant 40 : i32
      %scan3A_36 = arith.addi %scan3A_34, %scan3A_35 : i32
      %scan3A_37 = arith.constant 1 : i32
      scf.for %scan3A_47 = %scan3A_34 to %scan3A_36 step %scan3A_37  : i32 {
        %mul3A_48 = arith.constant 2 : i32
        %mul3A_49 = arith.muli %mul3A_48, %scan3A_47 : i32
        %add3A = arith.constant 1 : i32
        %add3A_50 = arith.addi %mul3A_49, %add3A : i32
        %add3A_51 = arith.constant 2 : i32
        %add3A_52 = arith.addi %mul3A_49, %add3A_51 : i32
        %min3A = arith.constant 79 : i32
        %min3A_53 = arith.minsi %add3A_52, %min3A : i32
        %dma_wait3A_54 = arith.constant 0 : i32
        %dma_wait3A_55 = tpu.memref_slice %arg9[%mul3A_49, %dma_wait3A_54] : memref<80x128xi32, #tpu.memory_space<vmem>> -> memref<1x128xi32, #tpu.memory_space<vmem>>
        %dma_wait3A_56 = tpu.memref_squeeze %dma_wait3A_55 : memref<1x128xi32, #tpu.memory_space<vmem>> -> memref<128xi32, #tpu.memory_space<vmem>>
        %dma_wait3A_57 = arith.constant 0 : i32
        %dma_wait3A_58 = arith.constant 0 : i32
        %dma_wait3A_59 = tpu.memref_slice %arg2[%dma_wait3A_57, %dma_wait3A_58] : memref<163840x32xf32, #tpu.memory_space<hbm>> -> memref<163840x32xf32, #tpu.memory_space<hbm>>
        tpu.wait_indirect_dma semaphore(%arg13 : memref<!tpu.dma_semaphore, #tpu.memory_space<semaphore_mem>>) src(%dma_wait3A_59 : memref<163840x32xf32, #tpu.memory_space<hbm>>) dst(%arg10 : memref<128x32xf32, #tpu.memory_space<vmem>>)
        %dma_start3A_60 = arith.constant 0 : i32
        %dma_start3A_61 = tpu.memref_slice %arg9[%add3A_50, %dma_start3A_60] : memref<80x128xi32, #tpu.memory_space<vmem>> -> memref<1x128xi32, #tpu.memory_space<vmem>>
        %dma_start3A_62 = tpu.memref_squeeze %dma_start3A_61 : memref<1x128xi32, #tpu.memory_space<vmem>> -> memref<128xi32, #tpu.memory_space<vmem>>
        %dma_start3A_63 = arith.constant 0 : i32
        %dma_start3A_64 = arith.constant 0 : i32
        %dma_start3A_65 = tpu.memref_slice %arg2[%dma_start3A_63, %dma_start3A_64] : memref<163840x32xf32, #tpu.memory_space<hbm>> -> memref<163840x32xf32, #tpu.memory_space<hbm>>
        tpu.enqueue_indirect_dma source(%dma_start3A_65 : memref<163840x32xf32, #tpu.memory_space<hbm>>) target(%arg11 : memref<128x32xf32, #tpu.memory_space<vmem>>) offsets(%dma_start3A_62 : memref<128xi32, #tpu.memory_space<vmem>>) semaphore(%arg13 : memref<!tpu.dma_semaphore, #tpu.memory_space<semaphore_mem>>)
        "tpu.region"() ({
          %run_scoped3A = tpu.sem_alloc : memref<!tpu.dma_semaphore, #tpu.memory_space<semaphore_mem>>
          %dma_start3A_78 = arith.constant 0 : i32
          %dma_start3A_79 = tpu.memref_slice %arg8[%mul3A_49, %dma_start3A_78] : memref<80x128xi32, #tpu.memory_space<vmem>> -> memref<1x128xi32, #tpu.memory_space<vmem>>
          %dma_start3A_80 = tpu.memref_squeeze %dma_start3A_79 : memref<1x128xi32, #tpu.memory_space<vmem>> -> memref<128xi32, #tpu.memory_space<vmem>>
          %dma_start3A_81 = arith.constant 0 : i32
          %dma_start3A_82 = arith.constant 0 : i32
          %dma_start3A_83 = tpu.memref_slice %arg12[%dma_start3A_81, %dma_start3A_82] : memref<40960x32xf32, #tpu.memory_space<vmem_shared>> -> memref<40960x32xf32, #tpu.memory_space<vmem_shared>>
          tpu.enqueue_indirect_dma source(%arg10 : memref<128x32xf32, #tpu.memory_space<vmem>>) target(%dma_start3A_83 : memref<40960x32xf32, #tpu.memory_space<vmem_shared>>) offsets(%dma_start3A_80 : memref<128xi32, #tpu.memory_space<vmem>>) semaphore(%run_scoped3A : memref<!tpu.dma_semaphore, #tpu.memory_space<semaphore_mem>>) {add = true}
          %dma_wait3A_84 = arith.constant 0 : i32
          %dma_wait3A_85 = tpu.memref_slice %arg8[%mul3A_49, %dma_wait3A_84] : memref<80x128xi32, #tpu.memory_space<vmem>> -> memref<1x128xi32, #tpu.memory_space<vmem>>
          %dma_wait3A_86 = tpu.memref_squeeze %dma_wait3A_85 : memref<1x128xi32, #tpu.memory_space<vmem>> -> memref<128xi32, #tpu.memory_space<vmem>>
          %dma_wait3A_87 = arith.constant 0 : i32
          %dma_wait3A_88 = arith.constant 0 : i32
          %dma_wait3A_89 = tpu.memref_slice %arg12[%dma_wait3A_87, %dma_wait3A_88] : memref<40960x32xf32, #tpu.memory_space<vmem_shared>> -> memref<40960x32xf32, #tpu.memory_space<vmem_shared>>
          tpu.wait_indirect_dma semaphore(%run_scoped3A : memref<!tpu.dma_semaphore, #tpu.memory_space<semaphore_mem>>) src(%arg10 : memref<128x32xf32, #tpu.memory_space<vmem>>) dst(%dma_wait3A_89 : memref<40960x32xf32, #tpu.memory_space<vmem_shared>>)
          tpu.yield
        }) : () -> ()
        %dma_wait3A_66 = arith.constant 0 : i32
        %dma_wait3A_67 = tpu.memref_slice %arg9[%add3A_50, %dma_wait3A_66] : memref<80x128xi32, #tpu.memory_space<vmem>> -> memref<1x128xi32, #tpu.memory_space<vmem>>
        %dma_wait3A_68 = tpu.memref_squeeze %dma_wait3A_67 : memref<1x128xi32, #tpu.memory_space<vmem>> -> memref<128xi32, #tpu.memory_space<vmem>>
        %dma_wait3A_69 = arith.constant 0 : i32
        %dma_wait3A_70 = arith.constant 0 : i32
        %dma_wait3A_71 = tpu.memref_slice %arg2[%dma_wait3A_69, %dma_wait3A_70] : memref<163840x32xf32, #tpu.memory_space<hbm>> -> memref<163840x32xf32, #tpu.memory_space<hbm>>
        tpu.wait_indirect_dma semaphore(%arg13 : memref<!tpu.dma_semaphore, #tpu.memory_space<semaphore_mem>>) src(%dma_wait3A_71 : memref<163840x32xf32, #tpu.memory_space<hbm>>) dst(%arg11 : memref<128x32xf32, #tpu.memory_space<vmem>>)
        %dma_start3A_72 = arith.constant 0 : i32
        %dma_start3A_73 = tpu.memref_slice %arg9[%min3A_53, %dma_start3A_72] : memref<80x128xi32, #tpu.memory_space<vmem>> -> memref<1x128xi32, #tpu.memory_space<vmem>>
        %dma_start3A_74 = tpu.memref_squeeze %dma_start3A_73 : memref<1x128xi32, #tpu.memory_space<vmem>> -> memref<128xi32, #tpu.memory_space<vmem>>
        %dma_start3A_75 = arith.constant 0 : i32
        %dma_start3A_76 = arith.constant 0 : i32
        %dma_start3A_77 = tpu.memref_slice %arg2[%dma_start3A_75, %dma_start3A_76] : memref<163840x32xf32, #tpu.memory_space<hbm>> -> memref<163840x32xf32, #tpu.memory_space<hbm>>
        tpu.enqueue_indirect_dma source(%dma_start3A_77 : memref<163840x32xf32, #tpu.memory_space<hbm>>) target(%arg10 : memref<128x32xf32, #tpu.memory_space<vmem>>) offsets(%dma_start3A_74 : memref<128xi32, #tpu.memory_space<vmem>>) semaphore(%arg13 : memref<!tpu.dma_semaphore, #tpu.memory_space<semaphore_mem>>)
        "tpu.region"() ({
          %run_scoped3A = tpu.sem_alloc : memref<!tpu.dma_semaphore, #tpu.memory_space<semaphore_mem>>
          %dma_start3A_78 = arith.constant 0 : i32
          %dma_start3A_79 = tpu.memref_slice %arg8[%add3A_50, %dma_start3A_78] : memref<80x128xi32, #tpu.memory_space<vmem>> -> memref<1x128xi32, #tpu.memory_space<vmem>>
          %dma_start3A_80 = tpu.memref_squeeze %dma_start3A_79 : memref<1x128xi32, #tpu.memory_space<vmem>> -> memref<128xi32, #tpu.memory_space<vmem>>
          %dma_start3A_81 = arith.constant 0 : i32
          %dma_start3A_82 = arith.constant 0 : i32
          %dma_start3A_83 = tpu.memref_slice %arg12[%dma_start3A_81, %dma_start3A_82] : memref<40960x32xf32, #tpu.memory_space<vmem_shared>> -> memref<40960x32xf32, #tpu.memory_space<vmem_shared>>
          tpu.enqueue_indirect_dma source(%arg11 : memref<128x32xf32, #tpu.memory_space<vmem>>) target(%dma_start3A_83 : memref<40960x32xf32, #tpu.memory_space<vmem_shared>>) offsets(%dma_start3A_80 : memref<128xi32, #tpu.memory_space<vmem>>) semaphore(%run_scoped3A : memref<!tpu.dma_semaphore, #tpu.memory_space<semaphore_mem>>) {add = true}
          %dma_wait3A_84 = arith.constant 0 : i32
          %dma_wait3A_85 = tpu.memref_slice %arg8[%add3A_50, %dma_wait3A_84] : memref<80x128xi32, #tpu.memory_space<vmem>> -> memref<1x128xi32, #tpu.memory_space<vmem>>
          %dma_wait3A_86 = tpu.memref_squeeze %dma_wait3A_85 : memref<1x128xi32, #tpu.memory_space<vmem>> -> memref<128xi32, #tpu.memory_space<vmem>>
          %dma_wait3A_87 = arith.constant 0 : i32
          %dma_wait3A_88 = arith.constant 0 : i32
          %dma_wait3A_89 = tpu.memref_slice %arg12[%dma_wait3A_87, %dma_wait3A_88] : memref<40960x32xf32, #tpu.memory_space<vmem_shared>> -> memref<40960x32xf32, #tpu.memory_space<vmem_shared>>
          tpu.wait_indirect_dma semaphore(%run_scoped3A : memref<!tpu.dma_semaphore, #tpu.memory_space<semaphore_mem>>) src(%arg11 : memref<128x32xf32, #tpu.memory_space<vmem>>) dst(%dma_wait3A_89 : memref<40960x32xf32, #tpu.memory_space<vmem_shared>>)
          tpu.yield
        }) : () -> ()
      }
      %scan3A_38 = arith.constant 40 : i32
      %dma_wait3A = arith.constant 79 : i32
      %dma_wait3A_39 = arith.constant 0 : i32
      %dma_wait3A_40 = tpu.memref_slice %arg9[%dma_wait3A, %dma_wait3A_39] : memref<80x128xi32, #tpu.memory_space<vmem>> -> memref<1x128xi32, #tpu.memory_space<vmem>>
      %dma_wait3A_41 = tpu.memref_squeeze %dma_wait3A_40 : memref<1x128xi32, #tpu.memory_space<vmem>> -> memref<128xi32, #tpu.memory_space<vmem>>
      %dma_wait3A_42 = arith.constant 0 : i32
      %dma_wait3A_43 = arith.constant 0 : i32
      %dma_wait3A_44 = tpu.memref_slice %arg2[%dma_wait3A_42, %dma_wait3A_43] : memref<163840x32xf32, #tpu.memory_space<hbm>> -> memref<163840x32xf32, #tpu.memory_space<hbm>>
      tpu.wait_indirect_dma semaphore(%arg13 : memref<!tpu.dma_semaphore, #tpu.memory_space<semaphore_mem>>) src(%dma_wait3A_44 : memref<163840x32xf32, #tpu.memory_space<hbm>>) dst(%arg10 : memref<128x32xf32, #tpu.memory_space<vmem>>)
      %barrier3A_45 = arith.constant 0 : index
      tpu.barrier barrier_id(%barrier3A_45)
      "tpu.region"() ({
        %run_scoped3A = tpu.sem_alloc : memref<!tpu.dma_semaphore, #tpu.memory_space<semaphore_mem>>
        %dma_start3A_47 = arith.constant 96 : i32
        %dma_start3A_48 = tpu.memref_slice %arg6[%mul3A_0, %dma_start3A_47] : memref<40960x128xf32, #tpu.memory_space<hbm>> -> memref<2560x32xf32, #tpu.memory_space<hbm>>
        %dma_start3A_49 = arith.constant 0 : i32
        %dma_start3A_50 = tpu.memref_slice %arg12[%mul3A_0, %dma_start3A_49] : memref<40960x32xf32, #tpu.memory_space<vmem_shared>> -> memref<2560x32xf32, #tpu.memory_space<vmem_shared>>
        tpu.enqueue_dma source(%dma_start3A_50 : memref<2560x32xf32, #tpu.memory_space<vmem_shared>>) target(%dma_start3A_48 : memref<2560x32xf32, #tpu.memory_space<hbm>>) target_semaphore(%run_scoped3A : memref<!tpu.dma_semaphore, #tpu.memory_space<semaphore_mem>>)
        %dma_wait3A_51 = arith.constant 96 : i32
        %dma_wait3A_52 = tpu.memref_slice %arg6[%mul3A_0, %dma_wait3A_51] : memref<40960x128xf32, #tpu.memory_space<hbm>> -> memref<2560x32xf32, #tpu.memory_space<hbm>>
        %dma_wait3A_53 = arith.constant 0 : i32
        %dma_wait3A_54 = tpu.memref_slice %arg12[%mul3A_0, %dma_wait3A_53] : memref<40960x32xf32, #tpu.memory_space<vmem_shared>> -> memref<2560x32xf32, #tpu.memory_space<vmem_shared>>
        tpu.wait_dma2 semaphore(%run_scoped3A : memref<!tpu.dma_semaphore, #tpu.memory_space<semaphore_mem>>) src(%dma_wait3A_54 : memref<2560x32xf32, #tpu.memory_space<vmem_shared>>) dst(%dma_wait3A_52 : memref<2560x32xf32, #tpu.memory_space<hbm>>)
        tpu.yield
      }) : () -> ()
      %barrier3A_46 = arith.constant 0 : index
      tpu.barrier barrier_id(%barrier3A_46)
    } else {
    }
    return
  }
}

#map = affine_map<(d0, d1) -> (0, 0)>
module attributes {stable_mosaic.version = 14 : i64} {
  func.func @body(%arg0: i32, %arg1: i32, %arg2: memref<10000x128xf32, #tpu.memory_space<hbm>>, %arg3: memref<64x128xi32, #tpu.memory_space<hbm>>, %arg4: memref<8192x128xf32, #tpu.memory_space<hbm>>, %arg5: memref<64x128xi32, #tpu.memory_space<vmem>>, %arg6: memref<128x128xf32, #tpu.memory_space<vmem>>, %arg7: memref<!tpu.dma_semaphore, #tpu.memory_space<semaphore_mem>>) attributes {dimension_semantics = [#tpu.dimension_semantics<core_parallel>, #tpu.dimension_semantics<subcore_parallel>], iteration_bounds = array<i64: 2, 16>, scalar_prefetch = 0 : i64, scratch_operands = 3 : i64, tpu.core_type = #tpu.core_type<sc_vector_subcore>, window_params = [{transform_indices = #map}, {transform_indices = #map}, {transform_indices = #map}]} {
    %mul3A = arith.constant 2 : i32
    %mul3A_0 = arith.muli %arg1, %mul3A : i32
    %add3A = arith.addi %mul3A_0, %arg0 : i32
    "tpu.region"() ({
      %run_scoped3A = tpu.sem_alloc : memref<!tpu.dma_semaphore, #tpu.memory_space<semaphore_mem>>
      tpu.enqueue_dma source(%arg3 : memref<64x128xi32, #tpu.memory_space<hbm>>) target(%arg5 : memref<64x128xi32, #tpu.memory_space<vmem>>) target_semaphore(%run_scoped3A : memref<!tpu.dma_semaphore, #tpu.memory_space<semaphore_mem>>)
      tpu.wait_dma2 semaphore(%run_scoped3A : memref<!tpu.dma_semaphore, #tpu.memory_space<semaphore_mem>>) src(%arg3 : memref<64x128xi32, #tpu.memory_space<hbm>>) dst(%arg5 : memref<64x128xi32, #tpu.memory_space<vmem>>)
      tpu.yield
    }) : () -> ()
    %mul3A_1 = arith.constant 2 : i32
    %mul3A_2 = arith.muli %add3A, %mul3A_1 : i32
    %add3A_3 = arith.constant 0 : i32
    %add3A_4 = arith.addi %mul3A_2, %add3A_3 : i32
    %dma_start3A = arith.constant 0 : i32
    %dma_start3A_5 = tpu.memref_slice %arg5[%add3A_4, %dma_start3A] : memref<64x128xi32, #tpu.memory_space<vmem>> -> memref<1x128xi32, #tpu.memory_space<vmem>>
    %dma_start3A_6 = tpu.memref_squeeze %dma_start3A_5 : memref<1x128xi32, #tpu.memory_space<vmem>> -> memref<128xi32, #tpu.memory_space<vmem>>
    %dma_start3A_7 = arith.constant 0 : i32
    %dma_start3A_8 = arith.constant 0 : i32
    %dma_start3A_9 = tpu.memref_slice %arg2[%dma_start3A_7, %dma_start3A_8] : memref<10000x128xf32, #tpu.memory_space<hbm>> -> memref<10000x128xf32, #tpu.memory_space<hbm>>
    tpu.enqueue_indirect_dma source(%dma_start3A_9 : memref<10000x128xf32, #tpu.memory_space<hbm>>) target(%arg6 : memref<128x128xf32, #tpu.memory_space<vmem>>) offsets(%dma_start3A_6 : memref<128xi32, #tpu.memory_space<vmem>>) semaphore(%arg7 : memref<!tpu.dma_semaphore, #tpu.memory_space<semaphore_mem>>)
    %dma_wait3A = arith.constant 0 : i32
    %dma_wait3A_10 = tpu.memref_slice %arg5[%add3A_4, %dma_wait3A] : memref<64x128xi32, #tpu.memory_space<vmem>> -> memref<1x128xi32, #tpu.memory_space<vmem>>
    %dma_wait3A_11 = tpu.memref_squeeze %dma_wait3A_10 : memref<1x128xi32, #tpu.memory_space<vmem>> -> memref<128xi32, #tpu.memory_space<vmem>>
    %dma_wait3A_12 = arith.constant 0 : i32
    %dma_wait3A_13 = arith.constant 0 : i32
    %dma_wait3A_14 = tpu.memref_slice %arg2[%dma_wait3A_12, %dma_wait3A_13] : memref<10000x128xf32, #tpu.memory_space<hbm>> -> memref<10000x128xf32, #tpu.memory_space<hbm>>
    tpu.wait_indirect_dma semaphore(%arg7 : memref<!tpu.dma_semaphore, #tpu.memory_space<semaphore_mem>>) src(%dma_wait3A_14 : memref<10000x128xf32, #tpu.memory_space<hbm>>) dst(%arg6 : memref<128x128xf32, #tpu.memory_space<vmem>>)
    %mul3A_15 = arith.constant 256 : i32
    %mul3A_16 = arith.muli %add3A, %mul3A_15 : i32
    %add3A_17 = arith.constant 0 : i32
    %add3A_18 = arith.addi %mul3A_16, %add3A_17 : i32
    "tpu.region"() ({
      %run_scoped3A = tpu.sem_alloc : memref<!tpu.dma_semaphore, #tpu.memory_space<semaphore_mem>>
      %dma_start3A_39 = arith.constant 0 : i32
      %dma_start3A_40 = tpu.memref_slice %arg4[%add3A_18, %dma_start3A_39] : memref<8192x128xf32, #tpu.memory_space<hbm>> -> memref<128x128xf32, #tpu.memory_space<hbm>>
      %dma_start3A_41 = arith.constant 0 : i32
      %dma_start3A_42 = tpu.memref_slice %arg4[%add3A_18, %dma_start3A_41] : memref<8192x128xf32, #tpu.memory_space<hbm>> -> memref<128x128xf32, #tpu.memory_space<hbm>>
      tpu.enqueue_dma source(%arg6 : memref<128x128xf32, #tpu.memory_space<vmem>>) target(%dma_start3A_42 : memref<128x128xf32, #tpu.memory_space<hbm>>) target_semaphore(%run_scoped3A : memref<!tpu.dma_semaphore, #tpu.memory_space<semaphore_mem>>)
      %dma_wait3A_43 = arith.constant 0 : i32
      %dma_wait3A_44 = tpu.memref_slice %arg4[%add3A_18, %dma_wait3A_43] : memref<8192x128xf32, #tpu.memory_space<hbm>> -> memref<128x128xf32, #tpu.memory_space<hbm>>
      %dma_wait3A_45 = arith.constant 0 : i32
      %dma_wait3A_46 = tpu.memref_slice %arg4[%add3A_18, %dma_wait3A_45] : memref<8192x128xf32, #tpu.memory_space<hbm>> -> memref<128x128xf32, #tpu.memory_space<hbm>>
      tpu.wait_dma2 semaphore(%run_scoped3A : memref<!tpu.dma_semaphore, #tpu.memory_space<semaphore_mem>>) src(%arg6 : memref<128x128xf32, #tpu.memory_space<vmem>>) dst(%dma_wait3A_46 : memref<128x128xf32, #tpu.memory_space<hbm>>)
      tpu.yield
    }) : () -> ()
    %mul3A_19 = arith.constant 2 : i32
    %mul3A_20 = arith.muli %add3A, %mul3A_19 : i32
    %add3A_21 = arith.constant 1 : i32
    %add3A_22 = arith.addi %mul3A_20, %add3A_21 : i32
    %dma_start3A_23 = arith.constant 0 : i32
    %dma_start3A_24 = tpu.memref_slice %arg5[%add3A_22, %dma_start3A_23] : memref<64x128xi32, #tpu.memory_space<vmem>> -> memref<1x128xi32, #tpu.memory_space<vmem>>
    %dma_start3A_25 = tpu.memref_squeeze %dma_start3A_24 : memref<1x128xi32, #tpu.memory_space<vmem>> -> memref<128xi32, #tpu.memory_space<vmem>>
    %dma_start3A_26 = arith.constant 0 : i32
    %dma_start3A_27 = arith.constant 0 : i32
    %dma_start3A_28 = tpu.memref_slice %arg2[%dma_start3A_26, %dma_start3A_27] : memref<10000x128xf32, #tpu.memory_space<hbm>> -> memref<10000x128xf32, #tpu.memory_space<hbm>>
    tpu.enqueue_indirect_dma source(%dma_start3A_28 : memref<10000x128xf32, #tpu.memory_space<hbm>>) target(%arg6 : memref<128x128xf32, #tpu.memory_space<vmem>>) offsets(%dma_start3A_25 : memref<128xi32, #tpu.memory_space<vmem>>) semaphore(%arg7 : memref<!tpu.dma_semaphore, #tpu.memory_space<semaphore_mem>>)
    %dma_wait3A_29 = arith.constant 0 : i32
    %dma_wait3A_30 = tpu.memref_slice %arg5[%add3A_22, %dma_wait3A_29] : memref<64x128xi32, #tpu.memory_space<vmem>> -> memref<1x128xi32, #tpu.memory_space<vmem>>
    %dma_wait3A_31 = tpu.memref_squeeze %dma_wait3A_30 : memref<1x128xi32, #tpu.memory_space<vmem>> -> memref<128xi32, #tpu.memory_space<vmem>>
    %dma_wait3A_32 = arith.constant 0 : i32
    %dma_wait3A_33 = arith.constant 0 : i32
    %dma_wait3A_34 = tpu.memref_slice %arg2[%dma_wait3A_32, %dma_wait3A_33] : memref<10000x128xf32, #tpu.memory_space<hbm>> -> memref<10000x128xf32, #tpu.memory_space<hbm>>
    tpu.wait_indirect_dma semaphore(%arg7 : memref<!tpu.dma_semaphore, #tpu.memory_space<semaphore_mem>>) src(%dma_wait3A_34 : memref<10000x128xf32, #tpu.memory_space<hbm>>) dst(%arg6 : memref<128x128xf32, #tpu.memory_space<vmem>>)
    %mul3A_35 = arith.constant 256 : i32
    %mul3A_36 = arith.muli %add3A, %mul3A_35 : i32
    %add3A_37 = arith.constant 128 : i32
    %add3A_38 = arith.addi %mul3A_36, %add3A_37 : i32
    "tpu.region"() ({
      %run_scoped3A = tpu.sem_alloc : memref<!tpu.dma_semaphore, #tpu.memory_space<semaphore_mem>>
      %dma_start3A_39 = arith.constant 0 : i32
      %dma_start3A_40 = tpu.memref_slice %arg4[%add3A_38, %dma_start3A_39] : memref<8192x128xf32, #tpu.memory_space<hbm>> -> memref<128x128xf32, #tpu.memory_space<hbm>>
      %dma_start3A_41 = arith.constant 0 : i32
      %dma_start3A_42 = tpu.memref_slice %arg4[%add3A_38, %dma_start3A_41] : memref<8192x128xf32, #tpu.memory_space<hbm>> -> memref<128x128xf32, #tpu.memory_space<hbm>>
      tpu.enqueue_dma source(%arg6 : memref<128x128xf32, #tpu.memory_space<vmem>>) target(%dma_start3A_42 : memref<128x128xf32, #tpu.memory_space<hbm>>) target_semaphore(%run_scoped3A : memref<!tpu.dma_semaphore, #tpu.memory_space<semaphore_mem>>)
      %dma_wait3A_43 = arith.constant 0 : i32
      %dma_wait3A_44 = tpu.memref_slice %arg4[%add3A_38, %dma_wait3A_43] : memref<8192x128xf32, #tpu.memory_space<hbm>> -> memref<128x128xf32, #tpu.memory_space<hbm>>
      %dma_wait3A_45 = arith.constant 0 : i32
      %dma_wait3A_46 = tpu.memref_slice %arg4[%add3A_38, %dma_wait3A_45] : memref<8192x128xf32, #tpu.memory_space<hbm>> -> memref<128x128xf32, #tpu.memory_space<hbm>>
      tpu.wait_dma2 semaphore(%run_scoped3A : memref<!tpu.dma_semaphore, #tpu.memory_space<semaphore_mem>>) src(%arg6 : memref<128x128xf32, #tpu.memory_space<vmem>>) dst(%dma_wait3A_46 : memref<128x128xf32, #tpu.memory_space<hbm>>)
      tpu.yield
    }) : () -> ()
    return
  }
}

module attributes {stable_mosaic.version = 14 : i64} {
  func.func @body(%arg0: i32, %arg1: i32, %arg2: memref<1000x128xf32, #tpu.memory_space<vmem>>, %arg3: memref<1000x128xf32, #tpu.memory_space<vmem>>, %arg4: memref<1000x128xf32, #tpu.memory_space<vmem>>, %arg5: memref<1000x128xf32, #tpu.memory_space<vmem>>, %arg6: memref<1000x128xf32, #tpu.memory_space<vmem>>, %arg7: memref<1000x128xf32, #tpu.memory_space<vmem>>, %arg8: memref<1000x128xf32, #tpu.memory_space<vmem>>, %arg9: memref<1000x128xf32, #tpu.memory_space<vmem>>, %arg10: memref<1000x128xf32, #tpu.memory_space<vmem>>, %arg11: memref<4x128x512xf32, #tpu.memory_space<vmem>>, %arg12: memref<128x512xf32, #tpu.memory_space<vmem>>, %arg13: memref<1x512xf32, #tpu.memory_space<vmem>>, %arg14: memref<4x512x128xf32, #tpu.memory_space<vmem>>, %arg15: memref<512x128xf32, #tpu.memory_space<vmem>>, %arg16: memref<1000x128xf32, #tpu.memory_space<vmem>>, %arg17: memref<1000x128xf32, #tpu.memory_space<vmem>>, %arg18: memref<1000x512xf32, #tpu.memory_space<vmem>>) attributes {dimension_semantics = [#tpu.dimension_semantics<arbitrary>, #tpu.dimension_semantics<arbitrary>], iteration_bounds = array<i64: 10, 4>, scalar_prefetch = 0 : i64, scratch_operands = 1 : i64, tpu.core_type = #tpu.core_type<tc>, window_params = [{transform_indices = @transform_0, window_bounds = array<i64: 1000, 128>}, {transform_indices = @transform_1, window_bounds = array<i64: 1000, 128>}, {transform_indices = @transform_2, window_bounds = array<i64: 1000, 128>}, {transform_indices = @transform_3, window_bounds = array<i64: 1000, 128>}, {transform_indices = @transform_4, window_bounds = array<i64: 1000, 128>}, {transform_indices = @transform_5, window_bounds = array<i64: 1000, 128>}, {transform_indices = @transform_6, window_bounds = array<i64: 1000, 128>}, {transform_indices = @transform_7, window_bounds = array<i64: 1000, 128>}, {transform_indices = @transform_8, window_bounds = array<i64: 1000, 128>}, {pipeline_mode = #tpu.pipeline_mode<synchronous>, transform_indices = @transform_9, window_bounds = array<i64: 4, 128, 512>}, {pipeline_mode = #tpu.pipeline_mode<synchronous>, transform_indices = @transform_10, window_bounds = array<i64: 128, 512>}, {pipeline_mode = #tpu.pipeline_mode<synchronous>, transform_indices = @transform_11, window_bounds = array<i64: 1, 512>}, {pipeline_mode = #tpu.pipeline_mode<synchronous>, transform_indices = @transform_12, window_bounds = array<i64: 4, 512, 128>}, {pipeline_mode = #tpu.pipeline_mode<synchronous>, transform_indices = @transform_13, window_bounds = array<i64: 512, 128>}, {transform_indices = @transform_14, window_bounds = array<i64: 1000, 128>}, {transform_indices = @transform_15, window_bounds = array<i64: 1000, 128>}]} {
    %eq3A = arith.constant 0 : i32
    %eq3A_0 = arith.cmpi eq, %arg1, %eq3A : i32
    %convert_element_type3A = arith.extui %eq3A_0 : i1 to i32
    %cond3A = arith.constant 0 : i32
    %cond3A_1 = arith.cmpi ne, %convert_element_type3A, %cond3A : i32
    scf.if %cond3A_1 {
      %get3A_12 = arith.constant 0 : index
      %get3A_13 = arith.constant 0 : index
      %get3A_14 = vector.load %arg10[%get3A_12, %get3A_13] : memref<1000x128xf32, #tpu.memory_space<vmem>>, vector<1000x128xf32>
      %get3A_15 = arith.constant 0 : index
      %get3A_16 = arith.constant 0 : index
      %get3A_17 = vector.load %arg12[%get3A_15, %get3A_16] : memref<128x512xf32, #tpu.memory_space<vmem>>, vector<128x512xf32>
      %dot_general3A_18 = arith.constant dense<0.000000e+00> : vector<1000x512xf32>
      %dot_general3A_19 = tpu.matmul %get3A_14, %get3A_17, %dot_general3A_18 {dimension_numbers = #tpu.dot_dimension_numbers<[1], [0], [0], [1], [0, 0, 1, 1], [], []>, transpose_lhs_hint = false} : vector<1000x128xf32>, vector<128x512xf32>, vector<1000x512xf32> -> vector<1000x512xf32>
      %get3A_20 = arith.constant 0 : index
      %get3A_21 = arith.constant 0 : index
      %get3A_22 = vector.load %arg13[%get3A_20, %get3A_21] : memref<1x512xf32, #tpu.memory_space<vmem>>, vector<1x512xf32>
      %add3A = vector.broadcast %get3A_22 : vector<1x512xf32> to vector<1000x512xf32>
      %add3A_23 = arith.addf %dot_general3A_19, %add3A : vector<1000x512xf32>
      %get3A_24 = arith.constant 0 : index
      %get3A_25 = arith.constant 0 : index
      %get3A_26 = vector.load %arg6[%get3A_24, %get3A_25] : memref<1000x128xf32, #tpu.memory_space<vmem>>, vector<1000x1xf32>
      %get3A_27 = arith.constant 0 : index
      %get3A_28 = arith.constant 32 : index
      %get3A_29 = vector.load %arg6[%get3A_27, %get3A_28] : memref<1000x128xf32, #tpu.memory_space<vmem>>, vector<1000x1xf32>
      %add3A_30 = arith.addf %get3A_26, %get3A_29 : vector<1000x1xf32>
      %max3A = arith.constant 1.000000e+00 : f32
      %max3A_31 = vector.broadcast %max3A : f32 to vector<1000x1xf32>
      %max3A_32 = arith.maximumf %add3A_30, %max3A_31 : vector<1000x1xf32>
      %div3A = arith.constant 1.000000e+00 : f32
      %div3A_33 = vector.broadcast %div3A : f32 to vector<1000x1xf32>
      %div3A_34 = arith.divf %div3A_33, %max3A_32 : vector<1000x1xf32>
      %get3A_35 = arith.constant 0 : index
      %get3A_36 = arith.constant 0 : index
      %get3A_37 = vector.load %arg2[%get3A_35, %get3A_36] : memref<1000x128xf32, #tpu.memory_space<vmem>>, vector<1000x128xf32>
      %mul3A = vector.broadcast %div3A_34 : vector<1000x1xf32> to vector<1000x128xf32>
      %mul3A_38 = arith.mulf %get3A_37, %mul3A : vector<1000x128xf32>
      %get3A_39 = arith.constant 0 : index
      %get3A_40 = arith.constant 0 : index
      %get3A_41 = arith.constant 0 : index
      %get3A_42 = vector.load %arg11[%get3A_39, %get3A_40, %get3A_41] : memref<4x128x512xf32, #tpu.memory_space<vmem>>, vector<1x128x512xf32>
      %get3A_43 = vector.shape_cast %get3A_42 : vector<1x128x512xf32> to vector<128x512xf32>
      %dot_general3A_44 = arith.constant dense<0.000000e+00> : vector<1000x512xf32>
      %dot_general3A_45 = tpu.matmul %mul3A_38, %get3A_43, %dot_general3A_44 {dimension_numbers = #tpu.dot_dimension_numbers<[1], [0], [0], [1], [0, 0, 1, 1], [], []>, transpose_lhs_hint = false} : vector<1000x128xf32>, vector<128x512xf32>, vector<1000x512xf32> -> vector<1000x512xf32>
      %add3A_46 = arith.addf %add3A_23, %dot_general3A_45 : vector<1000x512xf32>
      %get3A_47 = arith.constant 0 : index
      %get3A_48 = arith.constant 0 : index
      %get3A_49 = vector.load %arg7[%get3A_47, %get3A_48] : memref<1000x128xf32, #tpu.memory_space<vmem>>, vector<1000x1xf32>
      %get3A_50 = arith.constant 0 : index
      %get3A_51 = arith.constant 32 : index
      %get3A_52 = vector.load %arg7[%get3A_50, %get3A_51] : memref<1000x128xf32, #tpu.memory_space<vmem>>, vector<1000x1xf32>
      %add3A_53 = arith.addf %get3A_49, %get3A_52 : vector<1000x1xf32>
      %max3A_54 = arith.constant 1.000000e+00 : f32
      %max3A_55 = vector.broadcast %max3A_54 : f32 to vector<1000x1xf32>
      %max3A_56 = arith.maximumf %add3A_53, %max3A_55 : vector<1000x1xf32>
      %div3A_57 = arith.constant 1.000000e+00 : f32
      %div3A_58 = vector.broadcast %div3A_57 : f32 to vector<1000x1xf32>
      %div3A_59 = arith.divf %div3A_58, %max3A_56 : vector<1000x1xf32>
      %get3A_60 = arith.constant 0 : index
      %get3A_61 = arith.constant 0 : index
      %get3A_62 = vector.load %arg3[%get3A_60, %get3A_61] : memref<1000x128xf32, #tpu.memory_space<vmem>>, vector<1000x128xf32>
      %mul3A_63 = vector.broadcast %div3A_59 : vector<1000x1xf32> to vector<1000x128xf32>
      %mul3A_64 = arith.mulf %get3A_62, %mul3A_63 : vector<1000x128xf32>
      %get3A_65 = arith.constant 1 : index
      %get3A_66 = arith.constant 0 : index
      %get3A_67 = arith.constant 0 : index
      %get3A_68 = vector.load %arg11[%get3A_65, %get3A_66, %get3A_67] : memref<4x128x512xf32, #tpu.memory_space<vmem>>, vector<1x128x512xf32>
      %get3A_69 = vector.shape_cast %get3A_68 : vector<1x128x512xf32> to vector<128x512xf32>
      %dot_general3A_70 = arith.constant dense<0.000000e+00> : vector<1000x512xf32>
      %dot_general3A_71 = tpu.matmul %mul3A_64, %get3A_69, %dot_general3A_70 {dimension_numbers = #tpu.dot_dimension_numbers<[1], [0], [0], [1], [0, 0, 1, 1], [], []>, transpose_lhs_hint = false} : vector<1000x128xf32>, vector<128x512xf32>, vector<1000x512xf32> -> vector<1000x512xf32>
      %add3A_72 = arith.addf %add3A_46, %dot_general3A_71 : vector<1000x512xf32>
      %get3A_73 = arith.constant 0 : index
      %get3A_74 = arith.constant 0 : index
      %get3A_75 = vector.load %arg8[%get3A_73, %get3A_74] : memref<1000x128xf32, #tpu.memory_space<vmem>>, vector<1000x1xf32>
      %get3A_76 = arith.constant 0 : index
      %get3A_77 = arith.constant 32 : index
      %get3A_78 = vector.load %arg8[%get3A_76, %get3A_77] : memref<1000x128xf32, #tpu.memory_space<vmem>>, vector<1000x1xf32>
      %add3A_79 = arith.addf %get3A_75, %get3A_78 : vector<1000x1xf32>
      %max3A_80 = arith.constant 1.000000e+00 : f32
      %max3A_81 = vector.broadcast %max3A_80 : f32 to vector<1000x1xf32>
      %max3A_82 = arith.maximumf %add3A_79, %max3A_81 : vector<1000x1xf32>
      %div3A_83 = arith.constant 1.000000e+00 : f32
      %div3A_84 = vector.broadcast %div3A_83 : f32 to vector<1000x1xf32>
      %div3A_85 = arith.divf %div3A_84, %max3A_82 : vector<1000x1xf32>
      %get3A_86 = arith.constant 0 : index
      %get3A_87 = arith.constant 0 : index
      %get3A_88 = vector.load %arg4[%get3A_86, %get3A_87] : memref<1000x128xf32, #tpu.memory_space<vmem>>, vector<1000x128xf32>
      %mul3A_89 = vector.broadcast %div3A_85 : vector<1000x1xf32> to vector<1000x128xf32>
      %mul3A_90 = arith.mulf %get3A_88, %mul3A_89 : vector<1000x128xf32>
      %get3A_91 = arith.constant 2 : index
      %get3A_92 = arith.constant 0 : index
      %get3A_93 = arith.constant 0 : index
      %get3A_94 = vector.load %arg11[%get3A_91, %get3A_92, %get3A_93] : memref<4x128x512xf32, #tpu.memory_space<vmem>>, vector<1x128x512xf32>
      %get3A_95 = vector.shape_cast %get3A_94 : vector<1x128x512xf32> to vector<128x512xf32>
      %dot_general3A_96 = arith.constant dense<0.000000e+00> : vector<1000x512xf32>
      %dot_general3A_97 = tpu.matmul %mul3A_90, %get3A_95, %dot_general3A_96 {dimension_numbers = #tpu.dot_dimension_numbers<[1], [0], [0], [1], [0, 0, 1, 1], [], []>, transpose_lhs_hint = false} : vector<1000x128xf32>, vector<128x512xf32>, vector<1000x512xf32> -> vector<1000x512xf32>
      %add3A_98 = arith.addf %add3A_72, %dot_general3A_97 : vector<1000x512xf32>
      %get3A_99 = arith.constant 0 : index
      %get3A_100 = arith.constant 0 : index
      %get3A_101 = vector.load %arg9[%get3A_99, %get3A_100] : memref<1000x128xf32, #tpu.memory_space<vmem>>, vector<1000x1xf32>
      %get3A_102 = arith.constant 0 : index
      %get3A_103 = arith.constant 32 : index
      %get3A_104 = vector.load %arg9[%get3A_102, %get3A_103] : memref<1000x128xf32, #tpu.memory_space<vmem>>, vector<1000x1xf32>
      %add3A_105 = arith.addf %get3A_101, %get3A_104 : vector<1000x1xf32>
      %max3A_106 = arith.constant 1.000000e+00 : f32
      %max3A_107 = vector.broadcast %max3A_106 : f32 to vector<1000x1xf32>
      %max3A_108 = arith.maximumf %add3A_105, %max3A_107 : vector<1000x1xf32>
      %div3A_109 = arith.constant 1.000000e+00 : f32
      %div3A_110 = vector.broadcast %div3A_109 : f32 to vector<1000x1xf32>
      %div3A_111 = arith.divf %div3A_110, %max3A_108 : vector<1000x1xf32>
      %get3A_112 = arith.constant 0 : index
      %get3A_113 = arith.constant 0 : index
      %get3A_114 = vector.load %arg5[%get3A_112, %get3A_113] : memref<1000x128xf32, #tpu.memory_space<vmem>>, vector<1000x128xf32>
      %mul3A_115 = vector.broadcast %div3A_111 : vector<1000x1xf32> to vector<1000x128xf32>
      %mul3A_116 = arith.mulf %get3A_114, %mul3A_115 : vector<1000x128xf32>
      %get3A_117 = arith.constant 3 : index
      %get3A_118 = arith.constant 0 : index
      %get3A_119 = arith.constant 0 : index
      %get3A_120 = vector.load %arg11[%get3A_117, %get3A_118, %get3A_119] : memref<4x128x512xf32, #tpu.memory_space<vmem>>, vector<1x128x512xf32>
      %get3A_121 = vector.shape_cast %get3A_120 : vector<1x128x512xf32> to vector<128x512xf32>
      %dot_general3A_122 = arith.constant dense<0.000000e+00> : vector<1000x512xf32>
      %dot_general3A_123 = tpu.matmul %mul3A_116, %get3A_121, %dot_general3A_122 {dimension_numbers = #tpu.dot_dimension_numbers<[1], [0], [0], [1], [0, 0, 1, 1], [], []>, transpose_lhs_hint = false} : vector<1000x128xf32>, vector<128x512xf32>, vector<1000x512xf32> -> vector<1000x512xf32>
      %add3A_124 = arith.addf %add3A_98, %dot_general3A_123 : vector<1000x512xf32>
      %max3A_125 = arith.constant 0.000000e+00 : f32
      %max3A_126 = vector.broadcast %max3A_125 : f32 to vector<1000x512xf32>
      %max3A_127 = arith.maximumf %add3A_124, %max3A_126 : vector<1000x512xf32>
      %swap3A_128 = arith.constant 0 : index
      %swap3A_129 = arith.constant 0 : index
      %swap3A_130 = vector.load %arg18[%swap3A_128, %swap3A_129] : memref<1000x512xf32, #tpu.memory_space<vmem>>, vector<1000x512xf32>
      tpu.vector_store %arg18[%swap3A_128, %swap3A_129], %max3A_127 {strides = array<i32>} : memref<1000x512xf32, #tpu.memory_space<vmem>>, vector<1000x512xf32>,
      %get3A_131 = arith.constant 0 : index
      %get3A_132 = arith.constant 0 : index
      %get3A_133 = vector.load %arg15[%get3A_131, %get3A_132] : memref<512x128xf32, #tpu.memory_space<vmem>>, vector<512x128xf32>
      %dot_general3A_134 = arith.constant dense<0.000000e+00> : vector<1000x128xf32>
      %dot_general3A_135 = tpu.matmul %max3A_127, %get3A_133, %dot_general3A_134 {dimension_numbers = #tpu.dot_dimension_numbers<[1], [0], [0], [1], [0, 0, 1, 1], [], []>, transpose_lhs_hint = false} : vector<1000x512xf32>, vector<512x128xf32>, vector<1000x128xf32> -> vector<1000x128xf32>
      %swap3A_136 = arith.constant 0 : index
      %swap3A_137 = arith.constant 0 : index
      %swap3A_138 = vector.load %arg17[%swap3A_136, %swap3A_137] : memref<1000x128xf32, #tpu.memory_space<vmem>>, vector<1000x128xf32>
      tpu.vector_store %arg17[%swap3A_136, %swap3A_137], %dot_general3A_135 {strides = array<i32>} : memref<1000x128xf32, #tpu.memory_space<vmem>>, vector<1000x128xf32>,
    } else {
    }
    %get3A = arith.constant 0 : index
    %get3A_2 = arith.constant 0 : index
    %get3A_3 = vector.load %arg18[%get3A, %get3A_2] : memref<1000x512xf32, #tpu.memory_space<vmem>>, vector<1000x512xf32>
    %get3A_4 = arith.index_cast %arg1 : i32 to index
    %get3A_5 = arith.constant 0 : index
    %get3A_6 = arith.constant 0 : index
    %get3A_7 = vector.load %arg14[%get3A_4, %get3A_5, %get3A_6] : memref<4x512x128xf32, #tpu.memory_space<vmem>>, vector<1x512x128xf32>
    %get3A_8 = vector.shape_cast %get3A_7 : vector<1x512x128xf32> to vector<512x128xf32>
    %dot_general3A = arith.constant dense<0.000000e+00> : vector<1000x128xf32>
    %dot_general3A_9 = tpu.matmul %get3A_3, %get3A_8, %dot_general3A {dimension_numbers = #tpu.dot_dimension_numbers<[1], [0], [0], [1], [0, 0, 1, 1], [], []>, transpose_lhs_hint = false} : vector<1000x512xf32>, vector<512x128xf32>, vector<1000x128xf32> -> vector<1000x128xf32>
    %swap3A = arith.constant 0 : index
    %swap3A_10 = arith.constant 0 : index
    %swap3A_11 = vector.load %arg16[%swap3A, %swap3A_10] : memref<1000x128xf32, #tpu.memory_space<vmem>>, vector<1000x128xf32>
    tpu.vector_store %arg16[%swap3A, %swap3A_10], %dot_general3A_9 {strides = array<i32>} : memref<1000x128xf32, #tpu.memory_space<vmem>>, vector<1000x128xf32>,
    return
  }
  func.func @transform_0(%arg0: i32, %arg1: i32) -> (i32, i32) {
    %add3A = arith.constant 0 : i32
    %add3A_0 = arith.addi %add3A, %arg0 : i32
    %c0_i32 = arith.constant 0 : i32
    %c0_i32_1 = arith.constant 0 : i32
    return %add3A_0, %c0_i32 : i32, i32
  }
  func.func @transform_1(%arg0: i32, %arg1: i32) -> (i32, i32) {
    %add3A = arith.constant 10 : i32
    %add3A_0 = arith.addi %add3A, %arg0 : i32
    %c0_i32 = arith.constant 0 : i32
    %c0_i32_1 = arith.constant 0 : i32
    return %add3A_0, %c0_i32 : i32, i32
  }
  func.func @transform_2(%arg0: i32, %arg1: i32) -> (i32, i32) {
    %add3A = arith.constant 20 : i32
    %add3A_0 = arith.addi %add3A, %arg0 : i32
    %c0_i32 = arith.constant 0 : i32
    %c0_i32_1 = arith.constant 0 : i32
    return %add3A_0, %c0_i32 : i32, i32
  }
  func.func @transform_3(%arg0: i32, %arg1: i32) -> (i32, i32) {
    %add3A = arith.constant 30 : i32
    %add3A_0 = arith.addi %add3A, %arg0 : i32
    %c0_i32 = arith.constant 0 : i32
    %c0_i32_1 = arith.constant 0 : i32
    return %add3A_0, %c0_i32 : i32, i32
  }
  func.func @transform_4(%arg0: i32, %arg1: i32) -> (i32, i32) {
    %add3A = arith.constant 0 : i32
    %add3A_0 = arith.addi %add3A, %arg0 : i32
    %c0_i32 = arith.constant 0 : i32
    %c0_i32_1 = arith.constant 0 : i32
    return %add3A_0, %c0_i32 : i32, i32
  }
  func.func @transform_5(%arg0: i32, %arg1: i32) -> (i32, i32) {
    %add3A = arith.constant 10 : i32
    %add3A_0 = arith.addi %add3A, %arg0 : i32
    %c0_i32 = arith.constant 0 : i32
    %c0_i32_1 = arith.constant 0 : i32
    return %add3A_0, %c0_i32 : i32, i32
  }
  func.func @transform_6(%arg0: i32, %arg1: i32) -> (i32, i32) {
    %add3A = arith.constant 20 : i32
    %add3A_0 = arith.addi %add3A, %arg0 : i32
    %c0_i32 = arith.constant 0 : i32
    %c0_i32_1 = arith.constant 0 : i32
    return %add3A_0, %c0_i32 : i32, i32
  }
  func.func @transform_7(%arg0: i32, %arg1: i32) -> (i32, i32) {
    %add3A = arith.constant 30 : i32
    %add3A_0 = arith.addi %add3A, %arg0 : i32
    %c0_i32 = arith.constant 0 : i32
    %c0_i32_1 = arith.constant 0 : i32
    return %add3A_0, %c0_i32 : i32, i32
  }
  func.func @transform_8(%arg0: i32, %arg1: i32) -> (i32, i32) {
    %c0_i32 = arith.constant 0 : i32
    %c0_i32_0 = arith.constant 0 : i32
    return %arg0, %c0_i32 : i32, i32
  }
  func.func @transform_9(%arg0: i32, %arg1: i32) -> (i32, i32, i32) {
    %c0_i32 = arith.constant 0 : i32
    %c0_i32_0 = arith.constant 0 : i32
    %c0_i32_1 = arith.constant 0 : i32
    %c0_i32_2 = arith.constant 0 : i32
    return %c0_i32, %c0_i32_0, %c0_i32_1 : i32, i32, i32
  }
  func.func @transform_10(%arg0: i32, %arg1: i32) -> (i32, i32) {
    %c0_i32 = arith.constant 0 : i32
    %c0_i32_0 = arith.constant 0 : i32
    %c0_i32_1 = arith.constant 0 : i32
    return %c0_i32, %c0_i32_0 : i32, i32
  }
  func.func @transform_11(%arg0: i32, %arg1: i32) -> (i32, i32) {
    %c0_i32 = arith.constant 0 : i32
    %c0_i32_0 = arith.constant 0 : i32
    %c0_i32_1 = arith.constant 0 : i32
    return %c0_i32, %c0_i32_0 : i32, i32
  }
  func.func @transform_12(%arg0: i32, %arg1: i32) -> (i32, i32, i32) {
    %c0_i32 = arith.constant 0 : i32
    %c0_i32_0 = arith.constant 0 : i32
    %c0_i32_1 = arith.constant 0 : i32
    %c0_i32_2 = arith.constant 0 : i32
    return %c0_i32, %c0_i32_0, %c0_i32_1 : i32, i32, i32
  }
  func.func @transform_13(%arg0: i32, %arg1: i32) -> (i32, i32) {
    %c0_i32 = arith.constant 0 : i32
    %c0_i32_0 = arith.constant 0 : i32
    %c0_i32_1 = arith.constant 0 : i32
    return %c0_i32, %c0_i32_0 : i32, i32
  }
  func.func @transform_14(%arg0: i32, %arg1: i32) -> (i32, i32) {
    %mul3A = arith.constant 10 : i32
    %mul3A_0 = arith.muli %arg1, %mul3A : i32
    %add3A = arith.addi %mul3A_0, %arg0 : i32
    %c0_i32 = arith.constant 0 : i32
    %c0_i32_1 = arith.constant 0 : i32
    return %add3A, %c0_i32 : i32, i32
  }
  func.func @transform_15(%arg0: i32, %arg1: i32) -> (i32, i32) {
    %c0_i32 = arith.constant 0 : i32
    %c0_i32_0 = arith.constant 0 : i32
    return %arg0, %c0_i32 : i32, i32
  }
}

module attributes {stable_mosaic.version = 14 : i64} {
  func.func @body(%arg0: i32, %arg1: memref<1000x128xf32, #tpu.memory_space<vmem>>, %arg2: memref<1000x128xf32, #tpu.memory_space<vmem>>, %arg3: memref<1000x128xf32, #tpu.memory_space<vmem>>, %arg4: memref<1000x128xf32, #tpu.memory_space<vmem>>, %arg5: memref<1000x128xf32, #tpu.memory_space<vmem>>, %arg6: memref<1000x128xf32, #tpu.memory_space<vmem>>, %arg7: memref<1000x128xf32, #tpu.memory_space<vmem>>, %arg8: memref<1000x128xf32, #tpu.memory_space<vmem>>, %arg9: memref<1000x128xf32, #tpu.memory_space<vmem>>, %arg10: memref<1x128xf32, #tpu.memory_space<vmem>>, %arg11: memref<1000x128xf32, #tpu.memory_space<vmem>>) attributes {dimension_semantics = [#tpu.dimension_semantics<arbitrary>], iteration_bounds = array<i64: 10>, scalar_prefetch = 0 : i64, scratch_operands = 0 : i64, tpu.core_type = #tpu.core_type<tc>, window_params = [{transform_indices = @transform_0, window_bounds = array<i64: 1000, 128>}, {transform_indices = @transform_1, window_bounds = array<i64: 1000, 128>}, {transform_indices = @transform_2, window_bounds = array<i64: 1000, 128>}, {transform_indices = @transform_3, window_bounds = array<i64: 1000, 128>}, {transform_indices = @transform_4, window_bounds = array<i64: 1000, 128>}, {transform_indices = @transform_5, window_bounds = array<i64: 1000, 128>}, {transform_indices = @transform_6, window_bounds = array<i64: 1000, 128>}, {transform_indices = @transform_7, window_bounds = array<i64: 1000, 128>}, {transform_indices = @transform_8, window_bounds = array<i64: 1000, 128>}, {pipeline_mode = #tpu.pipeline_mode<synchronous>, transform_indices = @transform_9, window_bounds = array<i64: 1, 128>}, {transform_indices = @transform_10, window_bounds = array<i64: 1000, 128>}]} {
    %get3A = arith.constant 0 : index
    %get3A_0 = arith.constant 0 : index
    %get3A_1 = vector.load %arg9[%get3A, %get3A_0] : memref<1000x128xf32, #tpu.memory_space<vmem>>, vector<1000x128xf32>
    %get3A_2 = arith.constant 0 : index
    %get3A_3 = arith.constant 0 : index
    %get3A_4 = vector.load %arg10[%get3A_2, %get3A_3] : memref<1x128xf32, #tpu.memory_space<vmem>>, vector<1x128xf32>
    %add3A = vector.broadcast %get3A_4 : vector<1x128xf32> to vector<1000x128xf32>
    %add3A_5 = arith.addf %get3A_1, %add3A : vector<1000x128xf32>
    %get3A_6 = arith.constant 0 : index
    %get3A_7 = arith.constant 0 : index
    %get3A_8 = vector.load %arg5[%get3A_6, %get3A_7] : memref<1000x128xf32, #tpu.memory_space<vmem>>, vector<1000x1xf32>
    %get3A_9 = arith.constant 0 : index
    %get3A_10 = arith.constant 32 : index
    %get3A_11 = vector.load %arg5[%get3A_9, %get3A_10] : memref<1000x128xf32, #tpu.memory_space<vmem>>, vector<1000x1xf32>
    %add3A_12 = arith.addf %get3A_8, %get3A_11 : vector<1000x1xf32>
    %max3A = arith.constant 1.000000e+00 : f32
    %max3A_13 = vector.broadcast %max3A : f32 to vector<1000x1xf32>
    %max3A_14 = arith.maximumf %add3A_12, %max3A_13 : vector<1000x1xf32>
    %div3A = arith.constant 1.000000e+00 : f32
    %div3A_15 = vector.broadcast %div3A : f32 to vector<1000x1xf32>
    %div3A_16 = arith.divf %div3A_15, %max3A_14 : vector<1000x1xf32>
    %get3A_17 = arith.constant 0 : index
    %get3A_18 = arith.constant 0 : index
    %get3A_19 = vector.load %arg1[%get3A_17, %get3A_18] : memref<1000x128xf32, #tpu.memory_space<vmem>>, vector<1000x128xf32>
    %mul3A = vector.broadcast %div3A_16 : vector<1000x1xf32> to vector<1000x128xf32>
    %mul3A_20 = arith.mulf %get3A_19, %mul3A : vector<1000x128xf32>
    %add3A_21 = arith.addf %add3A_5, %mul3A_20 : vector<1000x128xf32>
    %get3A_22 = arith.constant 0 : index
    %get3A_23 = arith.constant 0 : index
    %get3A_24 = vector.load %arg6[%get3A_22, %get3A_23] : memref<1000x128xf32, #tpu.memory_space<vmem>>, vector<1000x1xf32>
    %get3A_25 = arith.constant 0 : index
    %get3A_26 = arith.constant 32 : index
    %get3A_27 = vector.load %arg6[%get3A_25, %get3A_26] : memref<1000x128xf32, #tpu.memory_space<vmem>>, vector<1000x1xf32>
    %add3A_28 = arith.addf %get3A_24, %get3A_27 : vector<1000x1xf32>
    %max3A_29 = arith.constant 1.000000e+00 : f32
    %max3A_30 = vector.broadcast %max3A_29 : f32 to vector<1000x1xf32>
    %max3A_31 = arith.maximumf %add3A_28, %max3A_30 : vector<1000x1xf32>
    %div3A_32 = arith.constant 1.000000e+00 : f32
    %div3A_33 = vector.broadcast %div3A_32 : f32 to vector<1000x1xf32>
    %div3A_34 = arith.divf %div3A_33, %max3A_31 : vector<1000x1xf32>
    %get3A_35 = arith.constant 0 : index
    %get3A_36 = arith.constant 0 : index
    %get3A_37 = vector.load %arg2[%get3A_35, %get3A_36] : memref<1000x128xf32, #tpu.memory_space<vmem>>, vector<1000x128xf32>
    %mul3A_38 = vector.broadcast %div3A_34 : vector<1000x1xf32> to vector<1000x128xf32>
    %mul3A_39 = arith.mulf %get3A_37, %mul3A_38 : vector<1000x128xf32>
    %add3A_40 = arith.addf %add3A_21, %mul3A_39 : vector<1000x128xf32>
    %get3A_41 = arith.constant 0 : index
    %get3A_42 = arith.constant 0 : index
    %get3A_43 = vector.load %arg7[%get3A_41, %get3A_42] : memref<1000x128xf32, #tpu.memory_space<vmem>>, vector<1000x1xf32>
    %get3A_44 = arith.constant 0 : index
    %get3A_45 = arith.constant 32 : index
    %get3A_46 = vector.load %arg7[%get3A_44, %get3A_45] : memref<1000x128xf32, #tpu.memory_space<vmem>>, vector<1000x1xf32>
    %add3A_47 = arith.addf %get3A_43, %get3A_46 : vector<1000x1xf32>
    %max3A_48 = arith.constant 1.000000e+00 : f32
    %max3A_49 = vector.broadcast %max3A_48 : f32 to vector<1000x1xf32>
    %max3A_50 = arith.maximumf %add3A_47, %max3A_49 : vector<1000x1xf32>
    %div3A_51 = arith.constant 1.000000e+00 : f32
    %div3A_52 = vector.broadcast %div3A_51 : f32 to vector<1000x1xf32>
    %div3A_53 = arith.divf %div3A_52, %max3A_50 : vector<1000x1xf32>
    %get3A_54 = arith.constant 0 : index
    %get3A_55 = arith.constant 0 : index
    %get3A_56 = vector.load %arg3[%get3A_54, %get3A_55] : memref<1000x128xf32, #tpu.memory_space<vmem>>, vector<1000x128xf32>
    %mul3A_57 = vector.broadcast %div3A_53 : vector<1000x1xf32> to vector<1000x128xf32>
    %mul3A_58 = arith.mulf %get3A_56, %mul3A_57 : vector<1000x128xf32>
    %add3A_59 = arith.addf %add3A_40, %mul3A_58 : vector<1000x128xf32>
    %get3A_60 = arith.constant 0 : index
    %get3A_61 = arith.constant 0 : index
    %get3A_62 = vector.load %arg8[%get3A_60, %get3A_61] : memref<1000x128xf32, #tpu.memory_space<vmem>>, vector<1000x1xf32>
    %get3A_63 = arith.constant 0 : index
    %get3A_64 = arith.constant 32 : index
    %get3A_65 = vector.load %arg8[%get3A_63, %get3A_64] : memref<1000x128xf32, #tpu.memory_space<vmem>>, vector<1000x1xf32>
    %add3A_66 = arith.addf %get3A_62, %get3A_65 : vector<1000x1xf32>
    %max3A_67 = arith.constant 1.000000e+00 : f32
    %max3A_68 = vector.broadcast %max3A_67 : f32 to vector<1000x1xf32>
    %max3A_69 = arith.maximumf %add3A_66, %max3A_68 : vector<1000x1xf32>
    %div3A_70 = arith.constant 1.000000e+00 : f32
    %div3A_71 = vector.broadcast %div3A_70 : f32 to vector<1000x1xf32>
    %div3A_72 = arith.divf %div3A_71, %max3A_69 : vector<1000x1xf32>
    %get3A_73 = arith.constant 0 : index
    %get3A_74 = arith.constant 0 : index
    %get3A_75 = vector.load %arg4[%get3A_73, %get3A_74] : memref<1000x128xf32, #tpu.memory_space<vmem>>, vector<1000x128xf32>
    %mul3A_76 = vector.broadcast %div3A_72 : vector<1000x1xf32> to vector<1000x128xf32>
    %mul3A_77 = arith.mulf %get3A_75, %mul3A_76 : vector<1000x128xf32>
    %add3A_78 = arith.addf %add3A_59, %mul3A_77 : vector<1000x128xf32>
    %max3A_79 = arith.constant 0.000000e+00 : f32
    %max3A_80 = vector.broadcast %max3A_79 : f32 to vector<1000x128xf32>
    %max3A_81 = arith.maximumf %add3A_78, %max3A_80 : vector<1000x128xf32>
    %swap3A = arith.constant 0 : index
    %swap3A_82 = arith.constant 0 : index
    %swap3A_83 = vector.load %arg11[%swap3A, %swap3A_82] : memref<1000x128xf32, #tpu.memory_space<vmem>>, vector<1000x128xf32>
    tpu.vector_store %arg11[%swap3A, %swap3A_82], %max3A_81 {strides = array<i32>} : memref<1000x128xf32, #tpu.memory_space<vmem>>, vector<1000x128xf32>,
    return
  }
  func.func @transform_0(%arg0: i32) -> (i32, i32) {
    %add3A = arith.constant 0 : i32
    %add3A_0 = arith.addi %add3A, %arg0 : i32
    %c0_i32 = arith.constant 0 : i32
    %c0_i32_1 = arith.constant 0 : i32
    return %add3A_0, %c0_i32 : i32, i32
  }
  func.func @transform_1(%arg0: i32) -> (i32, i32) {
    %add3A = arith.constant 10 : i32
    %add3A_0 = arith.addi %add3A, %arg0 : i32
    %c0_i32 = arith.constant 0 : i32
    %c0_i32_1 = arith.constant 0 : i32
    return %add3A_0, %c0_i32 : i32, i32
  }
  func.func @transform_2(%arg0: i32) -> (i32, i32) {
    %add3A = arith.constant 20 : i32
    %add3A_0 = arith.addi %add3A, %arg0 : i32
    %c0_i32 = arith.constant 0 : i32
    %c0_i32_1 = arith.constant 0 : i32
    return %add3A_0, %c0_i32 : i32, i32
  }
  func.func @transform_3(%arg0: i32) -> (i32, i32) {
    %add3A = arith.constant 30 : i32
    %add3A_0 = arith.addi %add3A, %arg0 : i32
    %c0_i32 = arith.constant 0 : i32
    %c0_i32_1 = arith.constant 0 : i32
    return %add3A_0, %c0_i32 : i32, i32
  }
  func.func @transform_4(%arg0: i32) -> (i32, i32) {
    %add3A = arith.constant 0 : i32
    %add3A_0 = arith.addi %add3A, %arg0 : i32
    %c0_i32 = arith.constant 0 : i32
    %c0_i32_1 = arith.constant 0 : i32
    return %add3A_0, %c0_i32 : i32, i32
  }
  func.func @transform_5(%arg0: i32) -> (i32, i32) {
    %add3A = arith.constant 10 : i32
    %add3A_0 = arith.addi %add3A, %arg0 : i32
    %c0_i32 = arith.constant 0 : i32
    %c0_i32_1 = arith.constant 0 : i32
    return %add3A_0, %c0_i32 : i32, i32
  }
  func.func @transform_6(%arg0: i32) -> (i32, i32) {
    %add3A = arith.constant 20 : i32
    %add3A_0 = arith.addi %add3A, %arg0 : i32
    %c0_i32 = arith.constant 0 : i32
    %c0_i32_1 = arith.constant 0 : i32
    return %add3A_0, %c0_i32 : i32, i32
  }
  func.func @transform_7(%arg0: i32) -> (i32, i32) {
    %add3A = arith.constant 30 : i32
    %add3A_0 = arith.addi %add3A, %arg0 : i32
    %c0_i32 = arith.constant 0 : i32
    %c0_i32_1 = arith.constant 0 : i32
    return %add3A_0, %c0_i32 : i32, i32
  }
  func.func @transform_8(%arg0: i32) -> (i32, i32) {
    %c0_i32 = arith.constant 0 : i32
    %c0_i32_0 = arith.constant 0 : i32
    return %arg0, %c0_i32 : i32, i32
  }
  func.func @transform_9(%arg0: i32) -> (i32, i32) {
    %c0_i32 = arith.constant 0 : i32
    %c0_i32_0 = arith.constant 0 : i32
    %c0_i32_1 = arith.constant 0 : i32
    return %c0_i32, %c0_i32_0 : i32, i32
  }
  func.func @transform_10(%arg0: i32) -> (i32, i32) {
    %c0_i32 = arith.constant 0 : i32
    %c0_i32_0 = arith.constant 0 : i32
    return %arg0, %c0_i32 : i32, i32
  }
}

module attributes {stable_mosaic.version = 14 : i64} {
  func.func @body(%arg0: i32, %arg1: memref<1024x128xf32, #tpu.memory_space<vmem>>, %arg2: memref<1024x128xf32, #tpu.memory_space<vmem>>, %arg3: memref<128x128xf32, #tpu.memory_space<vmem>>, %arg4: memref<128x128xf32, #tpu.memory_space<vmem>>, %arg5: memref<1x128xf32, #tpu.memory_space<vmem>>, %arg6: memref<128x64xf32, #tpu.memory_space<vmem>>, %arg7: memref<1x64xf32, #tpu.memory_space<vmem>>, %arg8: memref<64x8xf32, #tpu.memory_space<vmem>>, %arg9: memref<1x8xf32, #tpu.memory_space<vmem>>, %arg10: memref<1024x8xf32, #tpu.memory_space<vmem>>) attributes {dimension_semantics = [#tpu.dimension_semantics<arbitrary>], iteration_bounds = array<i64: 4>, scalar_prefetch = 0 : i64, scratch_operands = 0 : i64, tpu.core_type = #tpu.core_type<tc>, window_params = [{transform_indices = @transform_0, window_bounds = array<i64: 1024, 128>}, {transform_indices = @transform_1, window_bounds = array<i64: 1024, 128>}, {pipeline_mode = #tpu.pipeline_mode<synchronous>, transform_indices = @transform_2, window_bounds = array<i64: 128, 128>}, {pipeline_mode = #tpu.pipeline_mode<synchronous>, transform_indices = @transform_3, window_bounds = array<i64: 128, 128>}, {pipeline_mode = #tpu.pipeline_mode<synchronous>, transform_indices = @transform_4, window_bounds = array<i64: 1, 128>}, {pipeline_mode = #tpu.pipeline_mode<synchronous>, transform_indices = @transform_5, window_bounds = array<i64: 128, 64>}, {pipeline_mode = #tpu.pipeline_mode<synchronous>, transform_indices = @transform_6, window_bounds = array<i64: 1, 64>}, {pipeline_mode = #tpu.pipeline_mode<synchronous>, transform_indices = @transform_7, window_bounds = array<i64: 64, 8>}, {pipeline_mode = #tpu.pipeline_mode<synchronous>, transform_indices = @transform_8, window_bounds = array<i64: 1, 8>}, {transform_indices = @transform_9, window_bounds = array<i64: 1024, 8>}]} {
    %get3A = arith.constant 0 : index
    %get3A_0 = arith.constant 0 : index
    %get3A_1 = vector.load %arg1[%get3A, %get3A_0] : memref<1024x128xf32, #tpu.memory_space<vmem>>, vector<1024x128xf32>
    %get3A_2 = arith.constant 0 : index
    %get3A_3 = arith.constant 0 : index
    %get3A_4 = vector.load %arg3[%get3A_2, %get3A_3] : memref<128x128xf32, #tpu.memory_space<vmem>>, vector<128x128xf32>
    %dot_general3A = arith.constant dense<0.000000e+00> : vector<1024x128xf32>
    %dot_general3A_5 = tpu.matmul %get3A_1, %get3A_4, %dot_general3A {dimension_numbers = #tpu.dot_dimension_numbers<[1], [0], [0], [1], [0, 0, 1, 1], [], []>, transpose_lhs_hint = false} : vector<1024x128xf32>, vector<128x128xf32>, vector<1024x128xf32> -> vector<1024x128xf32>
    %get3A_6 = arith.constant 0 : index
    %get3A_7 = arith.constant 0 : index
    %get3A_8 = vector.load %arg2[%get3A_6, %get3A_7] : memref<1024x128xf32, #tpu.memory_space<vmem>>, vector<1024x128xf32>
    %get3A_9 = arith.constant 0 : index
    %get3A_10 = arith.constant 0 : index
    %get3A_11 = vector.load %arg4[%get3A_9, %get3A_10] : memref<128x128xf32, #tpu.memory_space<vmem>>, vector<128x128xf32>
    %dot_general3A_12 = arith.constant dense<0.000000e+00> : vector<1024x128xf32>
    %dot_general3A_13 = tpu.matmul %get3A_8, %get3A_11, %dot_general3A_12 {dimension_numbers = #tpu.dot_dimension_numbers<[1], [0], [0], [1], [0, 0, 1, 1], [], []>, transpose_lhs_hint = false} : vector<1024x128xf32>, vector<128x128xf32>, vector<1024x128xf32> -> vector<1024x128xf32>
    %add3A = arith.addf %dot_general3A_5, %dot_general3A_13 : vector<1024x128xf32>
    %get3A_14 = arith.constant 0 : index
    %get3A_15 = arith.constant 0 : index
    %get3A_16 = vector.load %arg5[%get3A_14, %get3A_15] : memref<1x128xf32, #tpu.memory_space<vmem>>, vector<1x128xf32>
    %add3A_17 = vector.broadcast %get3A_16 : vector<1x128xf32> to vector<1024x128xf32>
    %add3A_18 = arith.addf %add3A, %add3A_17 : vector<1024x128xf32>
    %max3A = arith.constant 0.000000e+00 : f32
    %max3A_19 = vector.broadcast %max3A : f32 to vector<1024x128xf32>
    %max3A_20 = arith.maximumf %add3A_18, %max3A_19 : vector<1024x128xf32>
    %get3A_21 = arith.constant 0 : index
    %get3A_22 = arith.constant 0 : index
    %get3A_23 = vector.load %arg6[%get3A_21, %get3A_22] : memref<128x64xf32, #tpu.memory_space<vmem>>, vector<128x64xf32>
    %dot_general3A_24 = arith.constant dense<0.000000e+00> : vector<1024x64xf32>
    %dot_general3A_25 = tpu.matmul %max3A_20, %get3A_23, %dot_general3A_24 {dimension_numbers = #tpu.dot_dimension_numbers<[1], [0], [0], [1], [0, 0, 1, 1], [], []>, transpose_lhs_hint = false} : vector<1024x128xf32>, vector<128x64xf32>, vector<1024x64xf32> -> vector<1024x64xf32>
    %get3A_26 = arith.constant 0 : index
    %get3A_27 = arith.constant 0 : index
    %get3A_28 = vector.load %arg7[%get3A_26, %get3A_27] : memref<1x64xf32, #tpu.memory_space<vmem>>, vector<1x64xf32>
    %add3A_29 = vector.broadcast %get3A_28 : vector<1x64xf32> to vector<1024x64xf32>
    %add3A_30 = arith.addf %dot_general3A_25, %add3A_29 : vector<1024x64xf32>
    %max3A_31 = arith.constant 0.000000e+00 : f32
    %max3A_32 = vector.broadcast %max3A_31 : f32 to vector<1024x64xf32>
    %max3A_33 = arith.maximumf %add3A_30, %max3A_32 : vector<1024x64xf32>
    %get3A_34 = arith.constant 0 : index
    %get3A_35 = arith.constant 0 : index
    %get3A_36 = vector.load %arg8[%get3A_34, %get3A_35] : memref<64x8xf32, #tpu.memory_space<vmem>>, vector<64x8xf32>
    %dot_general3A_37 = arith.constant dense<0.000000e+00> : vector<1024x8xf32>
    %dot_general3A_38 = tpu.matmul %max3A_33, %get3A_36, %dot_general3A_37 {dimension_numbers = #tpu.dot_dimension_numbers<[1], [0], [0], [1], [0, 0, 1, 1], [], []>, transpose_lhs_hint = false} : vector<1024x64xf32>, vector<64x8xf32>, vector<1024x8xf32> -> vector<1024x8xf32>
    %get3A_39 = arith.constant 0 : index
    %get3A_40 = arith.constant 0 : index
    %get3A_41 = vector.load %arg9[%get3A_39, %get3A_40] : memref<1x8xf32, #tpu.memory_space<vmem>>, vector<1x8xf32>
    %add3A_42 = vector.broadcast %get3A_41 : vector<1x8xf32> to vector<1024x8xf32>
    %add3A_43 = arith.addf %dot_general3A_38, %add3A_42 : vector<1024x8xf32>
    %swap3A = arith.constant 0 : index
    %swap3A_44 = arith.constant 0 : index
    %swap3A_45 = vector.load %arg10[%swap3A, %swap3A_44] : memref<1024x8xf32, #tpu.memory_space<vmem>>, vector<1024x8xf32>
    tpu.vector_store %arg10[%swap3A, %swap3A_44], %add3A_43 {strides = array<i32>} : memref<1024x8xf32, #tpu.memory_space<vmem>>, vector<1024x8xf32>,
    return
  }
  func.func @transform_0(%arg0: i32) -> (i32, i32) {
    %c0_i32 = arith.constant 0 : i32
    %c0_i32_0 = arith.constant 0 : i32
    return %arg0, %c0_i32 : i32, i32
  }
  func.func @transform_1(%arg0: i32) -> (i32, i32) {
    %c0_i32 = arith.constant 0 : i32
    %c0_i32_0 = arith.constant 0 : i32
    return %arg0, %c0_i32 : i32, i32
  }
  func.func @transform_2(%arg0: i32) -> (i32, i32) {
    %c0_i32 = arith.constant 0 : i32
    %c0_i32_0 = arith.constant 0 : i32
    %c0_i32_1 = arith.constant 0 : i32
    return %c0_i32, %c0_i32_0 : i32, i32
  }
  func.func @transform_3(%arg0: i32) -> (i32, i32) {
    %c0_i32 = arith.constant 0 : i32
    %c0_i32_0 = arith.constant 0 : i32
    %c0_i32_1 = arith.constant 0 : i32
    return %c0_i32, %c0_i32_0 : i32, i32
  }
  func.func @transform_4(%arg0: i32) -> (i32, i32) {
    %c0_i32 = arith.constant 0 : i32
    %c0_i32_0 = arith.constant 0 : i32
    %c0_i32_1 = arith.constant 0 : i32
    return %c0_i32, %c0_i32_0 : i32, i32
  }
  func.func @transform_5(%arg0: i32) -> (i32, i32) {
    %c0_i32 = arith.constant 0 : i32
    %c0_i32_0 = arith.constant 0 : i32
    %c0_i32_1 = arith.constant 0 : i32
    return %c0_i32, %c0_i32_0 : i32, i32
  }
  func.func @transform_6(%arg0: i32) -> (i32, i32) {
    %c0_i32 = arith.constant 0 : i32
    %c0_i32_0 = arith.constant 0 : i32
    %c0_i32_1 = arith.constant 0 : i32
    return %c0_i32, %c0_i32_0 : i32, i32
  }
  func.func @transform_7(%arg0: i32) -> (i32, i32) {
    %c0_i32 = arith.constant 0 : i32
    %c0_i32_0 = arith.constant 0 : i32
    %c0_i32_1 = arith.constant 0 : i32
    return %c0_i32, %c0_i32_0 : i32, i32
  }
  func.func @transform_8(%arg0: i32) -> (i32, i32) {
    %c0_i32 = arith.constant 0 : i32
    %c0_i32_0 = arith.constant 0 : i32
    %c0_i32_1 = arith.constant 0 : i32
    return %c0_i32, %c0_i32_0 : i32, i32
  }
  func.func @transform_9(%arg0: i32) -> (i32, i32) {
    %c0_i32 = arith.constant 0 : i32
    %c0_i32_0 = arith.constant 0 : i32
    return %arg0, %c0_i32 : i32, i32
  }
}

</mosaic_0001>

<sc_bundles>
// kernel: kernel.11.cloned.1.call-start
scs
__scs_entry_jumppad:
0x0: {  	(pc) =	sbr.rel $0x88, $3  }
0x1: {  	(tag) =	ssettag $0x0;
	lr =	simm.s32 $0x1  }
0x2: {  	[smem:$0x3F91] =	sst lr;
	_ =	strace $0xD0000000  }
0x3: {  	_ = 	snop  }
0x4: {  	_ = 	snop  }
0x5: {  	_ = 	snop  }
0x6: {  	_ = 	snop  }
0x7: {  	_ = 	snop  }
__scs_overlays_trampoline_lowered:
0x8: {  	[smem:$0x3FA0] =	sst s0  }
0x9: {  	[smem:$0x3FA1] =	sst s1  }
0xa: {  	[smem:$0x3FA2] =	sst s2  }
0xb: {  	[smem:$0x3FA3] =	sst s3  }
0xc: {  	[smem:$0x3FA4] =	sst s4  }
0xd: {  	[smem:$0x3FA5] =	sst s5  }
0xe: {  	[smem:$0x3FA6] =	sst s6  }
0xf: {  	[smem:$0x3FA7] =	sst s7  }
0x10: {  	[smem:$0x3FA8] =	sst s8  }
0x11: {  	[smem:$0x3FA9] =	sst s9;
	s0 =	simm.s32 @!p0 $0x0  }
0x12: {  	s1 =	sld [smem:$0x3F8F];
	s0 =	simm.s32 @p0 $0x1  }
0x13: {  	[smem:$0x3FAA] =	sst s0;
	s0 =	simm.s32 @!p1 $0x0  }
0x14: {  	s2 =	sld [smem:$0x3F8E];
	s0 =	simm.s32 @p1 $0x1  }
0x15: {  	[smem:$0x3FAB] =	sst s0;
	s0 =	simm.s32 @!p2 $0x0  }
0x16: {  	s3 =	sld [smem:$0x3FDB];
	s0 =	simm.s32 @p2 $0x1  }
0x17: {  	s4 =	simm.s32 $0x1BF5;
	[smem:$0x3FAD] =	sst s0  }
0x18: {  	s0 =	sld [smem:$0x3F90];
	_ =	swait.ge [sflag:s4], $0x0  }
0x19: {  	s7 =	sld [smem:$0x3F91]  }
0x1a: {  	s8 =	sadd.s32 $0xFFFFE003, lr  }
0x1b: {  	s9 =	sadd.s32 $0xFFFFFEF7, lr;
	s5 =	simm.s32 $0xFFFFFFFF;
	p2 =	slt.u32 s8, $0xFFFFF086  }
0x1c: {  	p1 =	slt.u32 s9, $0xF7A;
	s5 =	simm.s32 @!p2 $0x0  }
0x1d: {  	s5 =	simm.s32 @p1 $0x1;
	p0 =	seq.s32 s7, s2  }
0x1e: {  	s7 =	smul.u32 @!p0 $0xF7A, s2;
	p2 =	seq.s32 @!p0 s5, $0x0  }
0x1f: {  	s9 =	smul.u32 $0xF7A, s1;
	s8 =	simm.s32 @!p0 $0x1BF5;
	p2 =	por !p2, p0  }
0x20: {  	[sflag:s8] =	ssyncset.s32 @!p0 $0xFFFFF086;
	s6 =	sadd.s32 @!p0 s3, s7;
	s7 =	simm.s32 @!p0 $0x108  }
0x21: {  	s3 =	sadd.s32 s3, s9;
	s6 =	sadd.s32 @!p0 $0x88, s6;
	s7 =	simm.s32 @p2 $0x1082  }
0x22: {  	[simem:s7], [sflag:s8] =	dma.local @!p0 [hbm:s6], $0xF7A  }
0x23: {  	s9 =	sor.u32 $0xD0000000, s2;
	s6 =	simm.s32 $0x108;
	_ =	swait.ge @!p0 [sflag:s8], $0x0  }
0x24: {  	s3 =	sadd.s32 $0x88, s3;
	s6 =	simm.s32 @!p1 $0x1082;
	[sflag:s4] =	ssyncset.s32 $0xFFFFF086  }
0x25: {  	[simem:s6], [sflag:s4] =	dma.local [hbm:s3], $0xF7A  }
0x26: {  	[smem:$0x3F91] =	sst s1;
	(tag) =	ssettag s2;
	_ =	strace s9  }
0x27: {  	s1 =	sld [smem:$0x3FA1]  }
0x28: {  	s2 =	sld [smem:$0x3FA2]  }
0x29: {  	s4 =	sld [smem:$0x3FA4]  }
0x2a: {  	p0 =	seq.s32 s5, $0x0;
	s5 =	sld [smem:$0x3FA5]  }
0x2b: {  	s6 =	sld [smem:$0x3FA6]  }
0x2c: {  	s7 =	sld [smem:$0x3FA7]  }
0x2d: {  	s3 =	simm.s32 $0x108;
	s8 =	sld [smem:$0x3FA8]  }
0x2e: {  	s3 =	simm.s32 @!p0 $0x1082;
	s9 =	sld [smem:$0x3FA9]  }
0x2f: {  	lr =	sadd.s32 s0, s3;
	s0 =	sld [smem:$0x3FA0]  }
0x30: {  	s3 =	sld [smem:$0x3FA3]  }
0x31: {  	[smem:$0x3FAC] =	sst s10  }
0x32: {  	s10 =	sld [smem:$0x3FAA];
	_ =	sdelay $0x3  }
0x33: {  	p0 =	seq.s32 s10, $0x1;
	s10 =	sld [smem:$0x3FAC];
	_ =	sdelay $0x3  }
0x34: {  	[smem:$0x3FAC] =	sst s10  }
0x35: {  	s10 =	sld [smem:$0x3FAB];
	_ =	sdelay $0x3  }
0x36: {  	p1 =	seq.s32 s10, $0x1;
	s10 =	sld [smem:$0x3FAC];
	_ =	sdelay $0x3  }
0x37: {  	[smem:$0x3FAC] =	sst s10  }
0x38: {  	s10 =	sld [smem:$0x3FAD]  }
0x39: {  	_ = 	snop;
	(pc) =	sbr.ind lr, $3  }
0x3a: {  	_ = 	snop  }
0x3b: {  	_ = 	snop  }
0x3c: {  	p2 =	seq.s32 s10, $0x1;
	s10 =	sld [smem:$0x3FAC]  }
0x3d: {  	_ =	shalt  }
0x3e: {  	_ =	shalt  }
0x3f: {  	_ =	shalt  }
0x40: {  	_ =	shalt  }
0x41: {  	_ =	shalt  }
0x42: {  	_ =	shalt  }
0x43: {  	_ =	shalt  }
0x44: {  	_ =	shalt  }
0x45: {  	_ =	shalt  }
0x46: {  	_ =	shalt  }
0x47: {  	_ =	shalt  }
0x48: {  	_ =	shalt  }
0x49: {  	_ =	shalt  }
0x4a: {  	_ =	shalt  }
0x4b: {  	_ =	shalt  }
0x4c: {  	_ =	shalt  }
0x4d: {  	_ =	shalt  }
0x4e: {  	_ =	shalt  }
0x4f: {  	_ =	shalt  }
0x50: {  	_ =	shalt  }
0x51: {  	_ =	shalt  }
0x52: {  	_ =	shalt  }
0x53: {  	_ =	shalt  }
0x54: {  	_ =	shalt  }
0x55: {  	_ =	shalt  }
0x56: {  	_ =	shalt  }
0x57: {  	_ =	shalt  }
0x58: {  	_ =	shalt  }
0x59: {  	_ =	shalt  }
0x5a: {  	_ =	shalt  }
0x5b: {  	_ =	shalt  }
0x5c: {  	_ =	shalt  }
0x5d: {  	_ =	shalt  }
0x5e: {  	_ =	shalt  }
0x5f: {  	_ =	shalt  }
0x60: {  	_ =	shalt  }
0x61: {  	_ =	shalt  }
0x62: {  	_ =	shalt  }
0x63: {  	_ =	shalt  }
0x64: {  	_ =	shalt  }
0x65: {  	_ =	shalt  }
0x66: {  	_ =	shalt  }
0x67: {  	_ =	shalt  }
0x68: {  	_ =	shalt  }
0x69: {  	_ =	shalt  }
0x6a: {  	_ =	shalt  }
0x6b: {  	_ =	shalt  }
0x6c: {  	_ =	shalt  }
0x6d: {  	_ =	shalt  }
0x6e: {  	_ =	shalt  }
0x6f: {  	_ =	shalt  }
0x70: {  	_ =	shalt  }
0x71: {  	_ =	shalt  }
0x72: {  	_ =	shalt  }
0x73: {  	_ =	shalt  }
0x74: {  	_ =	shalt  }
0x75: {  	_ =	shalt  }
0x76: {  	_ =	shalt  }
0x77: {  	_ =	shalt  }
0x78: {  	_ =	shalt  }
0x79: {  	_ =	shalt  }
0x7a: {  	_ =	shalt  }
0x7b: {  	_ =	shalt  }
0x7c: {  	_ =	shalt  }
0x7d: {  	_ =	shalt  }
0x7e: {  	_ =	shalt  }
0x7f: {  	_ =	shalt  }
0x80: {  	_ =	shalt  }
0x81: {  	_ =	shalt  }
0x82: {  	_ =	shalt  }
0x83: {  	_ =	shalt  }
0x84: {  	_ =	shalt  }
0x85: {  	_ =	shalt  }
0x86: {  	_ =	shalt  }
0x87: {  	_ =	shalt  }
.Lfunc_end0:
.L_simem_size_0:
called_computation.1_lowered:
.L_overlay_start_0:
0x88: {  	s2 =	sld [smem:$0x3FD9]  }
0x89: {  	s3 =	sld [smem:$0x3FFE];
	_ =	sdelay $0x1  }
0x8a: {  	s1 =	srdreg.scid  }
0x8b: {  	s0 =	sand.u32 $0x1, s1  }
0x8c: {  	s16 =	sshll.u32 s0, $0xA;
	s2 =	sadd.s32 s3, s2  }
0x8d: {  	s2 =	sadd.s32 s2, s16  }
0x8e: {  	[smem:$0x3FB8] =	sst s2  }
0x8f: {  	_ = 	snop  }
0x90: {  	(tm) =	ssettm $0x1  }
0x91: {  	s17 =	sld [smem:$0x3FFB];
	_ =	sdelay $0x3  }
0x92: {  	_ =	strace s17  }
0x93: {  	s2 =	sld [smem:$0x3FFC];
	_ =	sdelay $0x3  }
0x94: {  	_ =	strace s2  }
0x95: {  	s2 =	sld [smem:$0x3FFD];
	_ =	sdelay $0x3  }
0x96: {  	_ =	strace s2  }
0x97: {  	_ =	strace $0x8FFFFFFF  }
0x98: {  	s18 =	sld [smem:$0x3FDB];
	_ =	sdelay $0x1  }
0x99: {  	s19 =	simm.s32 $_scs_section_size  }
0x9a: {  	s4 =	simm.s32 $_size__tile_overlayer_lowered;
	s5 =	simm.s32 $_tile_overlayer_lowered  }
0x9b: {  	s22 =	simm.s32 $0x1BFF;
	s21 =	sshll.u32 s5, $0x1;
	s2 =	sadd.s32 s19, s18  }
0x9c: {  	s6 =	simm.s32 $0x0;
	s20 =	sshll.u32 s4, $0x1;
	s4 =	sadd.s32 s21, s2  }
0x9d: {  	[timem:s6], [sflag:s22] =	dma.local [hbm:s4], s20  }
0x9e: {  	_ =	swait.ge [sflag:s22], s20  }
0x9f: {  	s3 =	ssub.s32 $0x0, s20;
	[sflag:s22] =	ssyncset.done $0x0  }
0xa0: {  	[sflag:s22] =	ssyncadd.s32 s3;
	_ =	sdelay $0x1  }
0xa1: {  	s23 =	simm.s32 $0x1B8B  }
0xa2: {  	_ =	swait.ge [sflag:s23], $0x1  }
0xa3: {  	[sflag:s23] =	ssyncset.done $0x0  }
0xa4: {  	s25 =	simm.s32 $0x1B8E;
	s24 =	sld [smem:$0x3FFE];
	[sflag:s23] =	ssyncadd.s32 $0xFFFFFFFF  }
0xa5: {  	s26 =	simm.s32 $execute0_lowered;
	[smem:$0x3FD2] =	sst s25  }
0xa6: {  	s4 =	sshll.u32 s26, $0x1;
	_ =	strace $0x80000049;
	[dreg:$0x1] =	wrdreg $0xFFFFFFFF  }
0xa7: {  	s28 =	simm.s32 $_size_execute0_lowered;
	s2 =	sadd.s32 s2, s4;
	[dreg:$0x0] =	wrdreg $0x0  }
0xa8: {  	s4 =	sshll.u32 s28, $0x1;
	[dreg:$0x2] =	wrdreg s2  }
0xa9: {  	[dreg:$0x3] =	wrdreg s4  }
0xaa: {  	[dreg:$0x4] =	wrdreg $0xC0  }
0xab: {  	_ =	task [dreg:s6], $0x5FFFF  }
0xac: {  	[dreg:$0x1] =	wrdreg $0xFFFFFFFF  }
0xad: {  	[dreg:$0x0] =	wrdreg $0x60  }
0xae: {  	[dreg:$0x2] =	wrdreg s24  }
0xaf: {  	[dreg:$0x3] =	wrdreg $0x98000  }
0xb0: {  	[dreg:$0x4] =	wrdreg $0x9  }
0xb1: {  	_ =	task.clear_ibuf [dreg:s6], $0x5FFFF;
	_ =	strace $0x90000049  }
0xb2: {  	s29 =	simm.s32 $0x9;
	_ =	strace $0x8000004B  }
0xb3: {  	_ =	swait.ge [sflag:s29], $0x1  }
0xb4: {  	[sflag:s29] =	ssyncadd.s32 $0xFFFFFFFF  }
0xb5: {  	_ =	strace $0x9000004B  }
0xb6: {  	_ =	sfence  }
0xb7: {  	s30 =	sld [smem:$0x0];
	_ =	sdelay $0x2  }
0xb8: {  	s31 =	sshll.u32 s1, $0xD;
	s1 =	sshrl.u32 s1, $0x2  }
0xb9: {  	s3 =	sand.u32 $0x4000, s31;
	s1 =	sadd.s32 s1, s30  }
0xba: {  	s0 =	sor.u32 s3, s0;
	s1 =	sshll.u32 s1, $0x11  }
0xbb: {  	s0 =	sor.u32 s1, s0  }
0xbc: {  	s0 =	sadd.s32 $0x8F2B, s0  }
0xbd: {  	[sflag:s0] =	ssyncadd.remote.s32 $0x1  }
0xbe: {  	_ =	sfence.sel $0xFFFF  }
0xbf: {  	[dreg:$0x0] =	wrdreg $0xFFFFFFFF;
	(pc) =	sbr.abs _section_cstart, $3  }
0xc0: {  	[dreg:$0x1] =	wrdreg $0xFFFFFFFF  }
0xc1: {  	_ =	task.clear_ibuf [dreg:s6], $0x2FFFF;
	_ =	strace $0x9FFFFFFF  }
0xc2: {  	(tm) =	ssettm $0x7FFFFFFF  }
0xc3: {  	_ =	shalt  }
tec
execute0_lowered:
.L_overlay_start_1:
0x0: {  	(tag) =	ssettag $0x1  }
0x1: {  	s0 =	rddreg [dreg:$0x0]  }
0x2: {  	s2 =	rddreg [dreg:$0x1]  }
0x3: {  	s3 =	simm.s32 $0x0;
	s15 =	stileid.u32;
	s6 =	srdreg.scid  }
0x4: {  	s19 =	simm.s32 $0x80;
	s20 =	simm.s32 $0x5000;
	s21 =	simm.s32 $0x7800  }
0x5: {  	s22 =	simm.s32 $0x1;
	s23 =	simm.s32 $0x8800;
	s24 =	simm.s32 $0x7780  }
0x6: {  	s25 =	simm.s32 $0x4F00;
	s28 =	simm.s32 $0x10;
	s29 =	simm.s32 $0x4  }
0x7: {  	s30 =	simm.s32 $0x0;
	[smem:$0x7FF] =	sst s3;
	s1 =	smul.u32 $0x500, s15  }
0x8: {  	s4 =	sadd.s32 $0x154E00, s0;
	s5 =	smul.u32 $0xA000, s15;
	s14 =	sand.u32 $0x1, s6  }
0x9: {  	s8 =	smul.u32 $0x50000, s15;
	s6 =	sadd.s32 $0x12600, s0;
	s11 =	sadd.s32 $0x14E08, s0  }
0xa: {  	s12 =	sadd.s32 $0x14E0C, s0;
	_ =	strace $0x8000004A;
	s7 =	ssub.s32 $0x2, s14  }
0xb: {  	p0 =	sne.s32 s14, $0x0;
	s14 =	sshll.u32 s15, $0x6;
	s15 =	simm.s32 $0x2  }
.Ltmp0:
0xc: {  	s1 =	sadd.s32 s1, s0;
	s10 =	sadd.s32 s5, s0;
	(pc) =	sbr.rel .LBB2_1-.Ltmp0, $4  }
0xd: {  	s9 =	sshrl.u32 s7, $0x1;
	s26 =	sshrl.u32 s8, $0x2;
	s17 =	sor.u32 $0x1C02, s14  }
0xe: {  	s13 =	ssub.s32 s7, s9;
	s7 =	sadd.s32 $0x8600, s1;
	s8 =	sadd.s32 $0xD600, s1  }
0xf: {  	s31 =	sadd.s32 s26, s2;
	s9 =	sadd.s32 $0x14E04, s10;
	s10 =	sadd.s32 $0x14E00, s10  }
0x10: {  	s26 =	simm.s32 $0x4F80;
	s13 =	smax.u32 s13, $0x1;
	s18 =	sshrl.u32 s31, $0x3  }
.LBB2_19:
0x11: {  	[sflag:s15] =	ssyncadd.s32 $0xFFFFF000;
	s0 =	smov.u32 s12  }
.LBB2_20:
0x12: {  	_ =	swait.ge [sflag:s22], $0x1000  }
0x13: {  	[sflag:s22] =	ssyncset.done $0x0  }
0x14: {  	[sflag:s22] =	ssyncadd.s32 $0xFFFFF000  }
0x15: {  	[tilespmem:s23], [sflag:$0x1] =	stream.indirect.gather [hbm4b:s4+s19], $0x20, s24, s19, $0xb8;
	[tilespmem:$0x1D800] =	vst v63  }
0x16: {  	_ = 	snop  }
0x17: {  	[spmem:s2] =	stream.indirect.scatter.add.f32 [tilespmem:s21], [sflag:$0x2], $0x20, s25, s19, $0xb8;
	[tilespmem:$0x1D800] =	vst v63  }
0x18: {  	_ =	swait.ge [sflag:s15], $0x1000  }
0x19: {  	[sflag:s15] =	ssyncset.done $0x0  }
0x1a: {  	[sflag:s15] =	ssyncadd.s32 $0xFFFFF000  }
0x1b: {  	_ =	swait.ge [sflag:s22], $0x1000  }
0x1c: {  	[sflag:s22] =	ssyncset.done $0x0  }
0x1d: {  	[sflag:s22] =	ssyncadd.s32 $0xFFFFF000  }
0x1e: {  	[tilespmem:s21], [sflag:$0x1] =	stream.indirect.gather [hbm4b:s4+s19], $0x20, s24, s19, $0xb8;
	[tilespmem:$0x1D800] =	vst v63  }
0x1f: {  	_ = 	snop  }
0x20: {  	[spmem:s2] =	stream.indirect.scatter.add.f32 [tilespmem:s23], [sflag:$0x2], $0x20, s26, s19, $0xb8;
	[tilespmem:$0x1D800] =	vst v63  }
0x21: {  	_ =	swait.ge [sflag:s15], $0x1000  }
0x22: {  	[sflag:s15] =	ssyncset.done $0x0  }
0x23: {  	[sflag:s15] =	ssyncadd.s32 $0xFFFFF000  }
0x24: {  	_ =	swait.ge [sflag:s22], $0x1000  }
0x25: {  	[sflag:s22] =	ssyncset.done $0x0  }
0x26: {  	s30 =	sadd.s32 $0x1, s30;
	[sflag:s22] =	ssyncadd.s32 $0xFFFFF000  }
0x27: {  	s0 =	sadd.s32 s5, s0;
	p1 =	sne.s32 s30, s13;
	[bflag:$0x0] =	sbarrier.arrive $0xFFFF  }
0x28: {  	[hbm:s0@s28], [sflag:s31] =	dma.strided [spmem:s18@s29], $0x2800, s22, $0x4   }
.Ltmp1:
0x29: {  	_ =	swait.ge [sflag:s15], $0x2800;
	(pc) =	sbr.rel @!p1 .LBB2_21-.Ltmp1, $3  }
0x2a: {  	[sflag:s15] =	ssyncset.done $0x0  }
0x2b: {  	[sflag:s15] =	ssyncadd.s32 $0xFFFFD800  }
0x2c: {  	[bflag:$0x0] =	sbarrier.arrive $0xFFFF;
	_ =	sdelay $0x1  }
.LBB2_1:
0x2d: {  	[tilespmem:s3], [sflag:$0x2] =	stream.linear.gather [hbm4b:s7+s3], $0x2800, $0x38;
	[tilespmem:$0x1D800] =	vst v63  }
0x2e: {  	_ =	swait.ge [sflag:s15], $0x2800  }
0x2f: {  	[sflag:s15] =	ssyncset.done $0x0  }
.Ltmp2:
0x30: {  	s0 =	simm.s32 $0x2800;
	[sflag:s15] =	ssyncadd.s32 $0xFFFFD800;
	(pc) =	sbr.rel @p0 .LBB2_11-.Ltmp2, $4  }
0x31: {  	[tilespmem:s0], [sflag:$0x2] =	stream.linear.gather [hbm4b:s8+s3], $0x2800, $0x38;
	[tilespmem:$0x1D800] =	vst v63  }
0x32: {  	_ =	swait.ge [sflag:s15], $0x2800  }
0x33: {  	[sflag:s15] =	ssyncset.done $0x0  }
0x34: {  	[sflag:s15] =	ssyncadd.s32 $0xFFFFD800  }
0x35: {  	s1 =	simm.s32 $0x0  }
0x36: {  	v1 =	vld [tilespmem:s1+$0x70]  }
0x37: {  	v4 =	vld [tilespmem:s1+$0x0]  }
0x38: {  	v5 =	vld [tilespmem:s1+$0x10]  }
0x39: {  	v3 =	vld [tilespmem:s1+$0x20]  }
0x3a: {  	v2 =	vld [tilespmem:s1+$0x30]  }
0x3b: {  	v0 =	vld [tilespmem:s1+$0x40];
	v6 =	vshll.u32 v1, $0x2  }
0x3c: {  	v1 =	vld [tilespmem:s1+$0x50];
	v4 =	vshll.u32 v4, $0x2;
	[tilespmem:s1+$0x5070] =	vst v6  }
0x3d: {  	s0 =	simm.s32 $0x80;
	s16 =	simm.s32 $0x400;
	v5 =	vshll.u32 v5, $0x2;
	[tilespmem:s1+$0x5000] =	vst v4;
	v4 =	vld [tilespmem:s1+$0x60]  }
.LBB2_3:
0x3e: {  	p1 =	sne.s32 s16, $0x9E00;
	v6 =	vld [tilespmem:s0+$0x70];
	[tilespmem:s1+$0x5010] =	vst v5;
	v3 =	vshll.u32 v3, $0x2  }
0x3f: {  	v5 =	vld [tilespmem:s0+$0x0];
	[tilespmem:s1+$0x5020] =	vst v3;
	v2 =	vshll.u32 v2, $0x2  }
0x40: {  	v7 =	vld [tilespmem:s0+$0x10];
	[tilespmem:s1+$0x5030] =	vst v2;
	v0 =	vshll.u32 v0, $0x2  }
.Ltmp3:
0x41: {  	v3 =	vld [tilespmem:s0+$0x20];
	[tilespmem:s1+$0x5040] =	vst v0;
	v0 =	vshll.u32 v1, $0x2;
	(pc) =	sbr.rel @p1 .LBB2_3-.Ltmp3, $4  }
0x42: {  	v2 =	vld [tilespmem:s0+$0x30];
	[tilespmem:s1+$0x5050] =	vst v0;
	v1 =	vshll.u32 v4, $0x2  }
0x43: {  	v0 =	vld [tilespmem:s0+$0x40];
	v4 =	vshll.u32 v6, $0x2;
	[tilespmem:s1+$0x5060] =	vst v1;
	s1 =	smov.u32 s0  }
0x44: {  	v5 =	vshll.u32 v5, $0x2;
	v1 =	vld [tilespmem:s1+$0x50];
	[tilespmem:s1+$0x5070] =	vst v4  }
0x45: {  	s0 =	sshra.s32 s16, $0x2;
	s16 =	sadd.s32 $0x200, s16;
	[tilespmem:s1+$0x5000] =	vst v5;
	v5 =	vshll.u32 v7, $0x2;
	v4 =	vld [tilespmem:s1+$0x60]  }
0x46: {  	v6 =	vld [tilespmem:s0+$0x70];
	[tilespmem:s1+$0x5010] =	vst v5;
	v3 =	vshll.u32 v3, $0x2  }
0x47: {  	v5 =	vld [tilespmem:s0+$0x0];
	[tilespmem:s1+$0x5020] =	vst v3;
	v2 =	vshll.u32 v2, $0x2  }
0x48: {  	v3 =	vld [tilespmem:s0+$0x10];
	[tilespmem:s1+$0x5030] =	vst v2;
	v0 =	vshll.u32 v0, $0x2  }
0x49: {  	v2 =	vld [tilespmem:s0+$0x20];
	[tilespmem:s1+$0x5040] =	vst v0;
	v51 =	vshll.u32 v1, $0x2  }
0x4a: {  	v52 =	vld [tilespmem:s0+$0x30];
	[tilespmem:s1+$0x5050] =	vst v51;
	v53 =	vshll.u32 v4, $0x2  }
0x4b: {  	v54 =	vld [tilespmem:s0+$0x40];
	[tilespmem:s1+$0x5060] =	vst v53;
	v55 =	vshll.u32 v6, $0x2  }
0x4c: {  	v56 =	vld [tilespmem:s0+$0x50];
	v5 =	vshll.u32 v5, $0x2;
	[tilespmem:s0+$0x5070] =	vst v55  }
0x4d: {  	v58 =	vld [tilespmem:s0+$0x60];
	[tilespmem:s0+$0x5000] =	vst v5;
	v57 =	vshll.u32 v3, $0x2  }
0x4e: {  	[tilespmem:s0+$0x5010] =	vst v57;
	v59 =	vshll.u32 v2, $0x2  }
0x4f: {  	[tilespmem:s0+$0x5020] =	vst v59;
	v60 =	vshll.u32 v52, $0x2  }
0x50: {  	[tilespmem:s0+$0x5030] =	vst v60;
	v61 =	vshll.u32 v54, $0x2  }
0x51: {  	[tilespmem:s0+$0x5040] =	vst v61;
	v62 =	vshll.u32 v56, $0x2  }
0x52: {  	v63 =	vshll.u32 v58, $0x2;
	[tilespmem:s0+$0x5050] =	vst v62  }
0x53: {  	[tilespmem:s0+$0x5060] =	vst v63  }
0x54: {  	[spmem:s18], [sflag:s17] =	dma.local [hbm:s6], $0x2800  }
0x55: {  	_ =	swait.ge [sflag:s15], $0x2800  }
0x56: {  	[sflag:s15] =	ssyncset.done $0x0  }
0x57: {  	[sflag:s15] =	ssyncadd.s32 $0xFFFFD800  }
0x58: {  	[bflag:$0x0] =	sbarrier.arrive $0xFFFF  }
0x59: {  	[tilespmem:s21], [sflag:$0x1] =	stream.indirect.gather [hbm4b:s4+s19], $0x20, s20, s19, $0xb8;
	[tilespmem:$0x1D800] =	vst v63  }
0x5a: {  	_ =	swait.ge [sflag:s22], $0x1000  }
0x5b: {  	[sflag:s22] =	ssyncset.done $0x0  }
0x5c: {  	s31 =	simm.s32 $0x5080;
	[sflag:s22] =	ssyncadd.s32 $0xFFFFF000  }
0x5d: {  	[tilespmem:s23], [sflag:$0x1] =	stream.indirect.gather [hbm4b:s4+s19], $0x20, s31, s19, $0xb8;
	[tilespmem:$0x1D800] =	vst v63  }
0x5e: {  	s1 =	simm.s32 $0x2800  }
0x5f: {  	[spmem:s2] =	stream.indirect.scatter.add.f32 [tilespmem:s21], [sflag:$0x2], $0x20, s1, s19, $0xb8;
	[tilespmem:$0x1D800] =	vst v63  }
0x60: {  	_ =	swait.ge [sflag:s15], $0x1000  }
0x61: {  	[sflag:s15] =	ssyncset.done $0x0  }
0x62: {  	[sflag:s15] =	ssyncadd.s32 $0xFFFFF000  }
0x63: {  	_ =	swait.ge [sflag:s22], $0x1000  }
0x64: {  	[sflag:s22] =	ssyncset.done $0x0  }
0x65: {  	s16 =	simm.s32 $0x5100;
	[sflag:s22] =	ssyncadd.s32 $0xFFFFF000  }
0x66: {  	[tilespmem:s21], [sflag:$0x1] =	stream.indirect.gather [hbm4b:s4+s19], $0x20, s16, s19, $0xb8;
	[tilespmem:$0x1D800] =	vst v63  }
0x67: {  	s31 =	simm.s32 $0x2880  }
0x68: {  	[spmem:s2] =	stream.indirect.scatter.add.f32 [tilespmem:s23], [sflag:$0x2], $0x20, s31, s19, $0xb8;
	[tilespmem:$0x1D800] =	vst v63  }
0x69: {  	_ =	swait.ge [sflag:s15], $0x1000  }
0x6a: {  	s0 =	simm.s32 $0x400;
	[sflag:s15] =	ssyncset.done $0x0  }
.LBB2_5:
0x6b: {  	p1 =	sne.s32 s0, $0x9800  }
0x6c: {  	[sflag:s15] =	ssyncadd.s32 $0xFFFFF000;
	s1 =	smov.u32 s0;
	s0 =	sadd.s32 $0x400, s0  }
0x6d: {  	_ = 	snop  }
0x6e: {  	_ =	swait.ge [sflag:s22], $0x1000  }
0x6f: {  	s1 =	sshra.s32 s1, $0x2;
	[sflag:s22] =	ssyncset.done $0x0  }
0x70: {  	s16 =	sadd.s32 $0x5080, s1;
	[sflag:s22] =	ssyncadd.s32 $0xFFFFF000  }
0x71: {  	[tilespmem:s23], [sflag:$0x1] =	stream.indirect.gather [hbm4b:s4+s19], $0x20, s16, s19, $0xb8;
	[tilespmem:$0x1D800] =	vst v63  }
0x72: {  	s16 =	sadd.s32 $0x2800, s1  }
0x73: {  	[spmem:s2] =	stream.indirect.scatter.add.f32 [tilespmem:s21], [sflag:$0x2], $0x20, s16, s19, $0xb8;
	[tilespmem:$0x1D800] =	vst v63  }
0x74: {  	_ =	swait.ge [sflag:s15], $0x1000  }
0x75: {  	[sflag:s15] =	ssyncset.done $0x0  }
0x76: {  	[sflag:s15] =	ssyncadd.s32 $0xFFFFF000  }
0x77: {  	_ =	swait.ge [sflag:s22], $0x1000  }
0x78: {  	[sflag:s22] =	ssyncset.done $0x0  }
0x79: {  	s16 =	sadd.s32 $0x5100, s1;
	[sflag:s22] =	ssyncadd.s32 $0xFFFFF000  }
0x7a: {  	[tilespmem:s21], [sflag:$0x1] =	stream.indirect.gather [hbm4b:s4+s19], $0x20, s16, s19, $0xb8;
	[tilespmem:$0x1D800] =	vst v63  }
.Ltmp4:
0x7b: {  	_ = 	snop;
	(pc) =	sbr.rel @p1 .LBB2_5-.Ltmp4, $4  }
0x7c: {  	s1 =	sadd.s32 $0x2880, s1  }
0x7d: {  	[spmem:s2] =	stream.indirect.scatter.add.f32 [tilespmem:s23], [sflag:$0x2], $0x20, s1, s19, $0xb8;
	[tilespmem:$0x1D800] =	vst v63  }
0x7e: {  	_ =	swait.ge [sflag:s15], $0x1000  }
0x7f: {  	[sflag:s15] =	ssyncset.done $0x0  }
0x80: {  	[sflag:s15] =	ssyncadd.s32 $0xFFFFF000  }
0x81: {  	_ =	swait.ge [sflag:s22], $0x1000  }
0x82: {  	[sflag:s22] =	ssyncset.done $0x0  }
0x83: {  	[sflag:s22] =	ssyncadd.s32 $0xFFFFF000  }
0x84: {  	[tilespmem:s23], [sflag:$0x1] =	stream.indirect.gather [hbm4b:s4+s19], $0x20, s24, s19, $0xb8;
	[tilespmem:$0x1D800] =	vst v63  }
0x85: {  	_ = 	snop  }
0x86: {  	[spmem:s2] =	stream.indirect.scatter.add.f32 [tilespmem:s21], [sflag:$0x2], $0x20, s25, s19, $0xb8;
	[tilespmem:$0x1D800] =	vst v63  }
0x87: {  	_ =	swait.ge [sflag:s15], $0x1000  }
0x88: {  	[sflag:s15] =	ssyncset.done $0x0  }
0x89: {  	[sflag:s15] =	ssyncadd.s32 $0xFFFFF000  }
0x8a: {  	_ =	swait.ge [sflag:s22], $0x1000  }
0x8b: {  	[sflag:s22] =	ssyncset.done $0x0  }
0x8c: {  	[sflag:s22] =	ssyncadd.s32 $0xFFFFF000  }
0x8d: {  	[tilespmem:s21], [sflag:$0x1] =	stream.indirect.gather [hbm4b:s4+s19], $0x20, s24, s19, $0xb8;
	[tilespmem:$0x1D800] =	vst v63  }
0x8e: {  	_ = 	snop  }
0x8f: {  	[spmem:s2] =	stream.indirect.scatter.add.f32 [tilespmem:s23], [sflag:$0x2], $0x20, s26, s19, $0xb8;
	[tilespmem:$0x1D800] =	vst v63  }
0x90: {  	_ =	swait.ge [sflag:s15], $0x1000  }
0x91: {  	[sflag:s15] =	ssyncset.done $0x0  }
0x92: {  	[sflag:s15] =	ssyncadd.s32 $0xFFFFF000  }
0x93: {  	_ =	swait.ge [sflag:s22], $0x1000  }
0x94: {  	[sflag:s22] =	ssyncset.done $0x0  }
0x95: {  	[sflag:s22] =	ssyncadd.s32 $0xFFFFF000  }
0x96: {  	[bflag:$0x0] =	sbarrier.arrive $0xFFFF  }
0x97: {  	[hbm:s10@s28], [sflag:s17] =	dma.strided [spmem:s18@s29], $0x2800, s22, $0x4   }
0x98: {  	_ =	swait.ge [sflag:s15], $0x2800  }
0x99: {  	[sflag:s15] =	ssyncset.done $0x0  }
0x9a: {  	[sflag:s15] =	ssyncadd.s32 $0xFFFFD800  }
0x9b: {  	s0 =	simm.s32 $0x0;
	[bflag:$0x0] =	sbarrier.arrive $0xFFFF  }
0x9c: {  	v0 =	vld [tilespmem:s0+$0x70]  }
0x9d: {  	v2 =	vld [tilespmem:s0+$0x0]  }
0x9e: {  	v6 =	vld [tilespmem:s0+$0x10]  }
0x9f: {  	v4 =	vld [tilespmem:s0+$0x20]  }
0xa0: {  	v3 =	vld [tilespmem:s0+$0x30]  }
0xa1: {  	v1 =	vld [tilespmem:s0+$0x40];
	v5 =	vshll.u32 v0, $0x2  }
0xa2: {  	v0 =	vld [tilespmem:s0+$0x50];
	v7 =	vshll.u32 v2, $0x2;
	v8 =	vor.u32 $0x2, v5  }
0xa3: {  	s31 =	simm.s32 $0x80;
	s1 =	simm.s32 $0x400;
	v2 =	vld [tilespmem:s0+$0x60];
	v6 =	vshll.u32 v6, $0x2;
	v5 =	vor.u32 $0x2, v7;
	[tilespmem:s0+$0x5070] =	vst v8  }
.LBB2_7:
0xa4: {  	p1 =	sne.s32 s1, $0x9E00;
	v7 =	vld [tilespmem:s31+$0x70];
	[tilespmem:s0+$0x5000] =	vst v5;
	v5 =	vor.u32 $0x2, v6;
	v4 =	vshll.u32 v4, $0x2  }
0xa5: {  	v6 =	vld [tilespmem:s31+$0x0];
	[tilespmem:s0+$0x5010] =	vst v5;
	v4 =	vor.u32 $0x2, v4;
	v3 =	vshll.u32 v3, $0x2  }
0xa6: {  	v8 =	vld [tilespmem:s31+$0x10];
	[tilespmem:s0+$0x5020] =	vst v4;
	v3 =	vor.u32 $0x2, v3;
	v1 =	vshll.u32 v1, $0x2  }
.Ltmp5:
0xa7: {  	v4 =	vld [tilespmem:s31+$0x20];
	[tilespmem:s0+$0x5030] =	vst v3;
	v1 =	vor.u32 $0x2, v1;
	v0 =	vshll.u32 v0, $0x2;
	(pc) =	sbr.rel @p1 .LBB2_7-.Ltmp5, $4  }
0xa8: {  	v3 =	vld [tilespmem:s31+$0x30];
	[tilespmem:s0+$0x5040] =	vst v1;
	v0 =	vor.u32 $0x2, v0;
	v2 =	vshll.u32 v2, $0x2  }
0xa9: {  	v1 =	vld [tilespmem:s31+$0x40];
	v5 =	vshll.u32 v7, $0x2;
	[tilespmem:s0+$0x5050] =	vst v0;
	v2 =	vor.u32 $0x2, v2  }
0xaa: {  	v6 =	vshll.u32 v6, $0x2;
	v0 =	vld [tilespmem:s31+$0x50];
	v7 =	vor.u32 $0x2, v5;
	[tilespmem:s0+$0x5060] =	vst v2;
	s0 =	smov.u32 s31  }
0xab: {  	s31 =	sshra.s32 s1, $0x2;
	s1 =	sadd.s32 $0x200, s1;
	v5 =	vor.u32 $0x2, v6;
	v6 =	vshll.u32 v8, $0x2;
	v2 =	vld [tilespmem:s0+$0x60];
	[tilespmem:s0+$0x5070] =	vst v7  }
0xac: {  	v7 =	vld [tilespmem:s31+$0x70];
	[tilespmem:s0+$0x5000] =	vst v5;
	v49 =	vor.u32 $0x2, v6;
	v4 =	vshll.u32 v4, $0x2  }
0xad: {  	v50 =	vld [tilespmem:s31+$0x0];
	[tilespmem:s0+$0x5010] =	vst v49;
	v4 =	vor.u32 $0x2, v4;
	v3 =	vshll.u32 v3, $0x2  }
0xae: {  	v5 =	vld [tilespmem:s31+$0x10];
	[tilespmem:s0+$0x5020] =	vst v4;
	v3 =	vor.u32 $0x2, v3;
	v1 =	vshll.u32 v1, $0x2  }
0xaf: {  	v4 =	vld [tilespmem:s31+$0x20];
	[tilespmem:s0+$0x5030] =	vst v3;
	v1 =	vor.u32 $0x2, v1;
	v0 =	vshll.u32 v0, $0x2  }
0xb0: {  	v3 =	vld [tilespmem:s31+$0x30];
	[tilespmem:s0+$0x5040] =	vst v1;
	v0 =	vor.u32 $0x2, v0;
	v2 =	vshll.u32 v2, $0x2  }
0xb1: {  	v1 =	vld [tilespmem:s31+$0x40];
	[tilespmem:s0+$0x5050] =	vst v0;
	v51 =	vor.u32 $0x2, v2;
	v7 =	vshll.u32 v7, $0x2  }
0xb2: {  	v52 =	vld [tilespmem:s31+$0x50];
	[tilespmem:s0+$0x5060] =	vst v51;
	v53 =	vshll.u32 v50, $0x2;
	v54 =	vor.u32 $0x2, v7  }
0xb3: {  	v55 =	vld [tilespmem:s31+$0x60];
	v0 =	vor.u32 $0x2, v53;
	v5 =	vshll.u32 v5, $0x2;
	[tilespmem:s31+$0x5070] =	vst v54  }
0xb4: {  	[tilespmem:s31+$0x5000] =	vst v0;
	v56 =	vor.u32 $0x2, v5;
	v4 =	vshll.u32 v4, $0x2  }
0xb5: {  	[tilespmem:s31+$0x5010] =	vst v56;
	v57 =	vor.u32 $0x2, v4;
	v3 =	vshll.u32 v3, $0x2  }
0xb6: {  	[tilespmem:s31+$0x5020] =	vst v57;
	v58 =	vor.u32 $0x2, v3;
	v1 =	vshll.u32 v1, $0x2  }
0xb7: {  	[tilespmem:s31+$0x5030] =	vst v58;
	v59 =	vor.u32 $0x2, v1;
	v60 =	vshll.u32 v52, $0x2  }
0xb8: {  	[tilespmem:s31+$0x5040] =	vst v59;
	v61 =	vor.u32 $0x2, v60;
	v62 =	vshll.u32 v55, $0x2  }
0xb9: {  	[tilespmem:s31+$0x5050] =	vst v61;
	v63 =	vor.u32 $0x2, v62  }
0xba: {  	[tilespmem:s31+$0x5060] =	vst v63  }
0xbb: {  	[spmem:s18], [sflag:s17] =	dma.local [hbm:s6], $0x2800  }
0xbc: {  	_ =	swait.ge [sflag:s15], $0x2800  }
0xbd: {  	[sflag:s15] =	ssyncset.done $0x0  }
0xbe: {  	[sflag:s15] =	ssyncadd.s32 $0xFFFFD800  }
0xbf: {  	[bflag:$0x0] =	sbarrier.arrive $0xFFFF  }
0xc0: {  	[tilespmem:s21], [sflag:$0x1] =	stream.indirect.gather [hbm4b:s4+s19], $0x20, s20, s19, $0xb8;
	[tilespmem:$0x1D800] =	vst v63  }
0xc1: {  	_ =	swait.ge [sflag:s22], $0x1000  }
0xc2: {  	[sflag:s22] =	ssyncset.done $0x0  }
0xc3: {  	s31 =	simm.s32 $0x5080;
	[sflag:s22] =	ssyncadd.s32 $0xFFFFF000  }
0xc4: {  	[tilespmem:s23], [sflag:$0x1] =	stream.indirect.gather [hbm4b:s4+s19], $0x20, s31, s19, $0xb8;
	[tilespmem:$0x1D800] =	vst v63  }
0xc5: {  	s1 =	simm.s32 $0x2800  }
0xc6: {  	[spmem:s2] =	stream.indirect.scatter.add.f32 [tilespmem:s21], [sflag:$0x2], $0x20, s1, s19, $0xb8;
	[tilespmem:$0x1D800] =	vst v63  }
0xc7: {  	_ =	swait.ge [sflag:s15], $0x1000  }
0xc8: {  	[sflag:s15] =	ssyncset.done $0x0  }
0xc9: {  	[sflag:s15] =	ssyncadd.s32 $0xFFFFF000  }
0xca: {  	_ =	swait.ge [sflag:s22], $0x1000  }
0xcb: {  	[sflag:s22] =	ssyncset.done $0x0  }
0xcc: {  	s16 =	simm.s32 $0x5100;
	[sflag:s22] =	ssyncadd.s32 $0xFFFFF000  }
0xcd: {  	[tilespmem:s21], [sflag:$0x1] =	stream.indirect.gather [hbm4b:s4+s19], $0x20, s16, s19, $0xb8;
	[tilespmem:$0x1D800] =	vst v63  }
0xce: {  	s31 =	simm.s32 $0x2880  }
0xcf: {  	[spmem:s2] =	stream.indirect.scatter.add.f32 [tilespmem:s23], [sflag:$0x2], $0x20, s31, s19, $0xb8;
	[tilespmem:$0x1D800] =	vst v63  }
0xd0: {  	_ =	swait.ge [sflag:s15], $0x1000  }
0xd1: {  	s0 =	simm.s32 $0x400;
	[sflag:s15] =	ssyncset.done $0x0  }
.LBB2_9:
0xd2: {  	p1 =	seq.s32 s0, $0x9800  }
0xd3: {  	[sflag:s15] =	ssyncadd.s32 $0xFFFFF000;
	s1 =	smov.u32 s0;
	s0 =	sadd.s32 $0x400, s0  }
0xd4: {  	_ = 	snop  }
0xd5: {  	_ =	swait.ge [sflag:s22], $0x1000  }
0xd6: {  	s1 =	sshra.s32 s1, $0x2;
	[sflag:s22] =	ssyncset.done $0x0  }
0xd7: {  	s16 =	sadd.s32 $0x5080, s1;
	[sflag:s22] =	ssyncadd.s32 $0xFFFFF000  }
0xd8: {  	[tilespmem:s23], [sflag:$0x1] =	stream.indirect.gather [hbm4b:s4+s19], $0x20, s16, s19, $0xb8;
	[tilespmem:$0x1D800] =	vst v63  }
0xd9: {  	s16 =	sadd.s32 $0x2800, s1  }
0xda: {  	[spmem:s2] =	stream.indirect.scatter.add.f32 [tilespmem:s21], [sflag:$0x2], $0x20, s16, s19, $0xb8;
	[tilespmem:$0x1D800] =	vst v63  }
0xdb: {  	_ =	swait.ge [sflag:s15], $0x1000  }
0xdc: {  	[sflag:s15] =	ssyncset.done $0x0  }
0xdd: {  	[sflag:s15] =	ssyncadd.s32 $0xFFFFF000  }
0xde: {  	_ =	swait.ge [sflag:s22], $0x1000  }
0xdf: {  	[sflag:s22] =	ssyncset.done $0x0  }
0xe0: {  	s16 =	sadd.s32 $0x5100, s1;
	[sflag:s22] =	ssyncadd.s32 $0xFFFFF000  }
0xe1: {  	[tilespmem:s21], [sflag:$0x1] =	stream.indirect.gather [hbm4b:s4+s19], $0x20, s16, s19, $0xb8;
	[tilespmem:$0x1D800] =	vst v63  }
.Ltmp6:
0xe2: {  	_ = 	snop;
	(pc) =	sbr.rel @!p1 .LBB2_9-.Ltmp6, $4  }
0xe3: {  	s1 =	sadd.s32 $0x2880, s1  }
0xe4: {  	[spmem:s2] =	stream.indirect.scatter.add.f32 [tilespmem:s23], [sflag:$0x2], $0x20, s1, s19, $0xb8;
	[tilespmem:$0x1D800] =	vst v63  }
0xe5: {  	_ =	swait.ge [sflag:s15], $0x1000  }
0xe6: {  	[sflag:s15] =	ssyncset.done $0x0  }
.Ltmp7:
0xe7: {  	(pc) =	sbr.rel .LBB2_20-.Ltmp7, $2  }
0xe8: {  	_ =	sdelay $0x2  }
0xe9: {  	[sflag:s15] =	ssyncadd.s32 $0xFFFFF000;
	s0 =	smov.u32 s11;
	s31 =	smov.u32 s17  }
.LBB2_11:
0xea: {  	s0 =	simm.s32 $0x0  }
0xeb: {  	v0 =	vld [tilespmem:s0+$0x70]  }
0xec: {  	v2 =	vld [tilespmem:s0+$0x0]  }
0xed: {  	v6 =	vld [tilespmem:s0+$0x10]  }
0xee: {  	v4 =	vld [tilespmem:s0+$0x20]  }
0xef: {  	v3 =	vld [tilespmem:s0+$0x30]  }
0xf0: {  	v1 =	vld [tilespmem:s0+$0x40];
	v5 =	vshll.u32 v0, $0x2  }
0xf1: {  	v0 =	vld [tilespmem:s0+$0x50];
	v7 =	vshll.u32 v2, $0x2;
	v8 =	vor.u32 $0x1, v5  }
0xf2: {  	s31 =	simm.s32 $0x80;
	s1 =	simm.s32 $0x400;
	v2 =	vld [tilespmem:s0+$0x60];
	v6 =	vshll.u32 v6, $0x2;
	v5 =	vor.u32 $0x1, v7;
	[tilespmem:s0+$0x5070] =	vst v8  }
.LBB2_12:
0xf3: {  	p1 =	sne.s32 s1, $0x9E00;
	v7 =	vld [tilespmem:s31+$0x70];
	[tilespmem:s0+$0x5000] =	vst v5;
	v5 =	vor.u32 $0x1, v6;
	v4 =	vshll.u32 v4, $0x2  }
0xf4: {  	v6 =	vld [tilespmem:s31+$0x0];
	[tilespmem:s0+$0x5010] =	vst v5;
	v4 =	vor.u32 $0x1, v4;
	v3 =	vshll.u32 v3, $0x2  }
0xf5: {  	v8 =	vld [tilespmem:s31+$0x10];
	[tilespmem:s0+$0x5020] =	vst v4;
	v3 =	vor.u32 $0x1, v3;
	v1 =	vshll.u32 v1, $0x2  }
.Ltmp8:
0xf6: {  	v4 =	vld [tilespmem:s31+$0x20];
	[tilespmem:s0+$0x5030] =	vst v3;
	v1 =	vor.u32 $0x1, v1;
	v0 =	vshll.u32 v0, $0x2;
	(pc) =	sbr.rel @p1 .LBB2_12-.Ltmp8, $4  }
0xf7: {  	v3 =	vld [tilespmem:s31+$0x30];
	[tilespmem:s0+$0x5040] =	vst v1;
	v0 =	vor.u32 $0x1, v0;
	v2 =	vshll.u32 v2, $0x2  }
0xf8: {  	v1 =	vld [tilespmem:s31+$0x40];
	v5 =	vshll.u32 v7, $0x2;
	[tilespmem:s0+$0x5050] =	vst v0;
	v2 =	vor.u32 $0x1, v2  }
0xf9: {  	v6 =	vshll.u32 v6, $0x2;
	v0 =	vld [tilespmem:s31+$0x50];
	v7 =	vor.u32 $0x1, v5;
	[tilespmem:s0+$0x5060] =	vst v2;
	s0 =	smov.u32 s31  }
0xfa: {  	s31 =	sshra.s32 s1, $0x2;
	s1 =	sadd.s32 $0x200, s1;
	v5 =	vor.u32 $0x1, v6;
	v6 =	vshll.u32 v8, $0x2;
	v2 =	vld [tilespmem:s0+$0x60];
	[tilespmem:s0+$0x5070] =	vst v7  }
0xfb: {  	v7 =	vld [tilespmem:s31+$0x70];
	[tilespmem:s0+$0x5000] =	vst v5;
	v49 =	vor.u32 $0x1, v6;
	v4 =	vshll.u32 v4, $0x2  }
0xfc: {  	v50 =	vld [tilespmem:s31+$0x0];
	[tilespmem:s0+$0x5010] =	vst v49;
	v4 =	vor.u32 $0x1, v4;
	v3 =	vshll.u32 v3, $0x2  }
0xfd: {  	v5 =	vld [tilespmem:s31+$0x10];
	[tilespmem:s0+$0x5020] =	vst v4;
	v3 =	vor.u32 $0x1, v3;
	v1 =	vshll.u32 v1, $0x2  }
0xfe: {  	v4 =	vld [tilespmem:s31+$0x20];
	[tilespmem:s0+$0x5030] =	vst v3;
	v1 =	vor.u32 $0x1, v1;
	v0 =	vshll.u32 v0, $0x2  }
0xff: {  	v3 =	vld [tilespmem:s31+$0x30];
	[tilespmem:s0+$0x5040] =	vst v1;
	v0 =	vor.u32 $0x1, v0;
	v2 =	vshll.u32 v2, $0x2  }
0x100: {  	v1 =	vld [tilespmem:s31+$0x40];
	[tilespmem:s0+$0x5050] =	vst v0;
	v51 =	vor.u32 $0x1, v2;
	v7 =	vshll.u32 v7, $0x2  }
0x101: {  	v52 =	vld [tilespmem:s31+$0x50];
	[tilespmem:s0+$0x5060] =	vst v51;
	v53 =	vshll.u32 v50, $0x2;
	v54 =	vor.u32 $0x1, v7  }
0x102: {  	v55 =	vld [tilespmem:s31+$0x60];
	v0 =	vor.u32 $0x1, v53;
	v5 =	vshll.u32 v5, $0x2;
	[tilespmem:s31+$0x5070] =	vst v54  }
0x103: {  	[tilespmem:s31+$0x5000] =	vst v0;
	v56 =	vor.u32 $0x1, v5;
	v4 =	vshll.u32 v4, $0x2  }
0x104: {  	[tilespmem:s31+$0x5010] =	vst v56;
	v57 =	vor.u32 $0x1, v4;
	v3 =	vshll.u32 v3, $0x2  }
0x105: {  	[tilespmem:s31+$0x5020] =	vst v57;
	v58 =	vor.u32 $0x1, v3;
	v1 =	vshll.u32 v1, $0x2  }
0x106: {  	[tilespmem:s31+$0x5030] =	vst v58;
	v59 =	vor.u32 $0x1, v1;
	v60 =	vshll.u32 v52, $0x2  }
0x107: {  	[tilespmem:s31+$0x5040] =	vst v59;
	v61 =	vor.u32 $0x1, v60;
	v62 =	vshll.u32 v55, $0x2  }
0x108: {  	[tilespmem:s31+$0x5050] =	vst v61;
	v63 =	vor.u32 $0x1, v62  }
0x109: {  	[tilespmem:s31+$0x5060] =	vst v63;
	s31 =	sor.u32 $0x1C02, s14  }
0x10a: {  	[spmem:s18], [sflag:s31] =	dma.local [hbm:s6], $0x2800  }
0x10b: {  	_ =	swait.ge [sflag:s15], $0x2800  }
0x10c: {  	[sflag:s15] =	ssyncset.done $0x0  }
0x10d: {  	[sflag:s15] =	ssyncadd.s32 $0xFFFFD800  }
0x10e: {  	[bflag:$0x0] =	sbarrier.arrive $0xFFFF  }
0x10f: {  	[tilespmem:s21], [sflag:$0x1] =	stream.indirect.gather [hbm4b:s4+s19], $0x20, s20, s19, $0xb8;
	[tilespmem:$0x1D800] =	vst v63  }
0x110: {  	_ =	swait.ge [sflag:s22], $0x1000  }
0x111: {  	[sflag:s22] =	ssyncset.done $0x0  }
0x112: {  	s1 =	simm.s32 $0x5080;
	[sflag:s22] =	ssyncadd.s32 $0xFFFFF000  }
0x113: {  	[tilespmem:s23], [sflag:$0x1] =	stream.indirect.gather [hbm4b:s4+s19], $0x20, s1, s19, $0xb8;
	[tilespmem:$0x1D800] =	vst v63  }
0x114: {  	s16 =	simm.s32 $0x2800  }
0x115: {  	[spmem:s2] =	stream.indirect.scatter.add.f32 [tilespmem:s21], [sflag:$0x2], $0x20, s16, s19, $0xb8;
	[tilespmem:$0x1D800] =	vst v63  }
0x116: {  	_ =	swait.ge [sflag:s15], $0x1000  }
0x117: {  	[sflag:s15] =	ssyncset.done $0x0  }
0x118: {  	[sflag:s15] =	ssyncadd.s32 $0xFFFFF000  }
0x119: {  	_ =	swait.ge [sflag:s22], $0x1000  }
0x11a: {  	[sflag:s22] =	ssyncset.done $0x0  }
0x11b: {  	s1 =	simm.s32 $0x5100;
	[sflag:s22] =	ssyncadd.s32 $0xFFFFF000  }
0x11c: {  	[tilespmem:s21], [sflag:$0x1] =	stream.indirect.gather [hbm4b:s4+s19], $0x20, s1, s19, $0xb8;
	[tilespmem:$0x1D800] =	vst v63  }
0x11d: {  	s16 =	simm.s32 $0x2880  }
0x11e: {  	[spmem:s2] =	stream.indirect.scatter.add.f32 [tilespmem:s23], [sflag:$0x2], $0x20, s16, s19, $0xb8;
	[tilespmem:$0x1D800] =	vst v63  }
0x11f: {  	_ =	swait.ge [sflag:s15], $0x1000  }
0x120: {  	s0 =	simm.s32 $0x400;
	[sflag:s15] =	ssyncset.done $0x0  }
.LBB2_14:
0x121: {  	p1 =	seq.s32 s0, $0x9800  }
0x122: {  	[sflag:s15] =	ssyncadd.s32 $0xFFFFF000;
	s1 =	smov.u32 s0;
	s0 =	sadd.s32 $0x400, s0  }
0x123: {  	_ = 	snop  }
0x124: {  	_ =	swait.ge [sflag:s22], $0x1000  }
0x125: {  	s1 =	sshra.s32 s1, $0x2;
	[sflag:s22] =	ssyncset.done $0x0  }
0x126: {  	s16 =	sadd.s32 $0x5080, s1;
	[sflag:s22] =	ssyncadd.s32 $0xFFFFF000  }
0x127: {  	[tilespmem:s23], [sflag:$0x1] =	stream.indirect.gather [hbm4b:s4+s19], $0x20, s16, s19, $0xb8;
	[tilespmem:$0x1D800] =	vst v63  }
0x128: {  	s16 =	sadd.s32 $0x2800, s1  }
0x129: {  	[spmem:s2] =	stream.indirect.scatter.add.f32 [tilespmem:s21], [sflag:$0x2], $0x20, s16, s19, $0xb8;
	[tilespmem:$0x1D800] =	vst v63  }
0x12a: {  	_ =	swait.ge [sflag:s15], $0x1000  }
0x12b: {  	[sflag:s15] =	ssyncset.done $0x0  }
0x12c: {  	[sflag:s15] =	ssyncadd.s32 $0xFFFFF000  }
0x12d: {  	_ =	swait.ge [sflag:s22], $0x1000  }
0x12e: {  	[sflag:s22] =	ssyncset.done $0x0  }
0x12f: {  	s16 =	sadd.s32 $0x5100, s1;
	[sflag:s22] =	ssyncadd.s32 $0xFFFFF000  }
0x130: {  	[tilespmem:s21], [sflag:$0x1] =	stream.indirect.gather [hbm4b:s4+s19], $0x20, s16, s19, $0xb8;
	[tilespmem:$0x1D800] =	vst v63  }
.Ltmp9:
0x131: {  	_ = 	snop;
	(pc) =	sbr.rel @!p1 .LBB2_14-.Ltmp9, $4  }
0x132: {  	s1 =	sadd.s32 $0x2880, s1  }
0x133: {  	[spmem:s2] =	stream.indirect.scatter.add.f32 [tilespmem:s23], [sflag:$0x2], $0x20, s1, s19, $0xb8;
	[tilespmem:$0x1D800] =	vst v63  }
0x134: {  	_ =	swait.ge [sflag:s15], $0x1000  }
0x135: {  	[sflag:s15] =	ssyncset.done $0x0  }
0x136: {  	[sflag:s15] =	ssyncadd.s32 $0xFFFFF000  }
0x137: {  	_ =	swait.ge [sflag:s22], $0x1000  }
0x138: {  	[sflag:s22] =	ssyncset.done $0x0  }
0x139: {  	[sflag:s22] =	ssyncadd.s32 $0xFFFFF000  }
0x13a: {  	[tilespmem:s23], [sflag:$0x1] =	stream.indirect.gather [hbm4b:s4+s19], $0x20, s24, s19, $0xb8;
	[tilespmem:$0x1D800] =	vst v63  }
0x13b: {  	_ = 	snop  }
0x13c: {  	[spmem:s2] =	stream.indirect.scatter.add.f32 [tilespmem:s21], [sflag:$0x2], $0x20, s25, s19, $0xb8;
	[tilespmem:$0x1D800] =	vst v63  }
0x13d: {  	_ =	swait.ge [sflag:s15], $0x1000  }
0x13e: {  	[sflag:s15] =	ssyncset.done $0x0  }
0x13f: {  	[sflag:s15] =	ssyncadd.s32 $0xFFFFF000  }
0x140: {  	_ =	swait.ge [sflag:s22], $0x1000  }
0x141: {  	[sflag:s22] =	ssyncset.done $0x0  }
0x142: {  	[sflag:s22] =	ssyncadd.s32 $0xFFFFF000  }
0x143: {  	[tilespmem:s21], [sflag:$0x1] =	stream.indirect.gather [hbm4b:s4+s19], $0x20, s24, s19, $0xb8;
	[tilespmem:$0x1D800] =	vst v63  }
0x144: {  	_ = 	snop  }
0x145: {  	[spmem:s2] =	stream.indirect.scatter.add.f32 [tilespmem:s23], [sflag:$0x2], $0x20, s26, s19, $0xb8;
	[tilespmem:$0x1D800] =	vst v63  }
0x146: {  	_ =	swait.ge [sflag:s15], $0x1000  }
0x147: {  	[sflag:s15] =	ssyncset.done $0x0  }
0x148: {  	[sflag:s15] =	ssyncadd.s32 $0xFFFFF000  }
0x149: {  	_ =	swait.ge [sflag:s22], $0x1000  }
0x14a: {  	[sflag:s22] =	ssyncset.done $0x0  }
0x14b: {  	[sflag:s22] =	ssyncadd.s32 $0xFFFFF000  }
0x14c: {  	[bflag:$0x0] =	sbarrier.arrive $0xFFFF  }
0x14d: {  	[hbm:s9@s28], [sflag:s31] =	dma.strided [spmem:s18@s29], $0x2800, s22, $0x4   }
0x14e: {  	_ =	swait.ge [sflag:s15], $0x2800  }
0x14f: {  	[sflag:s15] =	ssyncset.done $0x0  }
0x150: {  	[sflag:s15] =	ssyncadd.s32 $0xFFFFD800  }
0x151: {  	s1 =	simm.s32 $0x0;
	[bflag:$0x0] =	sbarrier.arrive $0xFFFF  }
0x152: {  	v0 =	vld [tilespmem:s1+$0x70]  }
0x153: {  	v2 =	vld [tilespmem:s1+$0x0]  }
0x154: {  	v6 =	vld [tilespmem:s1+$0x10]  }
0x155: {  	v4 =	vld [tilespmem:s1+$0x20]  }
0x156: {  	v3 =	vld [tilespmem:s1+$0x30]  }
0x157: {  	v1 =	vld [tilespmem:s1+$0x40];
	v5 =	vshll.u32 v0, $0x2  }
0x158: {  	v0 =	vld [tilespmem:s1+$0x50];
	v7 =	vshll.u32 v2, $0x2;
	v8 =	vor.u32 $0x3, v5  }
0x159: {  	s0 =	simm.s32 $0x80;
	s16 =	simm.s32 $0x400;
	v2 =	vld [tilespmem:s1+$0x60];
	v6 =	vshll.u32 v6, $0x2;
	v5 =	vor.u32 $0x3, v7;
	[tilespmem:s1+$0x5070] =	vst v8  }
.LBB2_16:
0x15a: {  	p1 =	sne.s32 s16, $0x9E00;
	v7 =	vld [tilespmem:s0+$0x70];
	[tilespmem:s1+$0x5000] =	vst v5;
	v5 =	vor.u32 $0x3, v6;
	v4 =	vshll.u32 v4, $0x2  }
0x15b: {  	v6 =	vld [tilespmem:s0+$0x0];
	[tilespmem:s1+$0x5010] =	vst v5;
	v4 =	vor.u32 $0x3, v4;
	v3 =	vshll.u32 v3, $0x2  }
0x15c: {  	v8 =	vld [tilespmem:s0+$0x10];
	[tilespmem:s1+$0x5020] =	vst v4;
	v3 =	vor.u32 $0x3, v3;
	v1 =	vshll.u32 v1, $0x2  }
.Ltmp10:
0x15d: {  	v4 =	vld [tilespmem:s0+$0x20];
	[tilespmem:s1+$0x5030] =	vst v3;
	v1 =	vor.u32 $0x3, v1;
	v0 =	vshll.u32 v0, $0x2;
	(pc) =	sbr.rel @p1 .LBB2_16-.Ltmp10, $4  }
0x15e: {  	v3 =	vld [tilespmem:s0+$0x30];
	[tilespmem:s1+$0x5040] =	vst v1;
	v0 =	vor.u32 $0x3, v0;
	v2 =	vshll.u32 v2, $0x2  }
0x15f: {  	v1 =	vld [tilespmem:s0+$0x40];
	v5 =	vshll.u32 v7, $0x2;
	[tilespmem:s1+$0x5050] =	vst v0;
	v2 =	vor.u32 $0x3, v2  }
0x160: {  	v6 =	vshll.u32 v6, $0x2;
	v0 =	vld [tilespmem:s0+$0x50];
	v7 =	vor.u32 $0x3, v5;
	[tilespmem:s1+$0x5060] =	vst v2;
	s1 =	smov.u32 s0  }
0x161: {  	s0 =	sshra.s32 s16, $0x2;
	s16 =	sadd.s32 $0x200, s16;
	v5 =	vor.u32 $0x3, v6;
	v6 =	vshll.u32 v8, $0x2;
	v2 =	vld [tilespmem:s1+$0x60];
	[tilespmem:s1+$0x5070] =	vst v7  }
0x162: {  	v7 =	vld [tilespmem:s0+$0x70];
	[tilespmem:s1+$0x5000] =	vst v5;
	v49 =	vor.u32 $0x3, v6;
	v4 =	vshll.u32 v4, $0x2  }
0x163: {  	v50 =	vld [tilespmem:s0+$0x0];
	[tilespmem:s1+$0x5010] =	vst v49;
	v4 =	vor.u32 $0x3, v4;
	v3 =	vshll.u32 v3, $0x2  }
0x164: {  	v5 =	vld [tilespmem:s0+$0x10];
	[tilespmem:s1+$0x5020] =	vst v4;
	v3 =	vor.u32 $0x3, v3;
	v1 =	vshll.u32 v1, $0x2  }
0x165: {  	v4 =	vld [tilespmem:s0+$0x20];
	[tilespmem:s1+$0x5030] =	vst v3;
	v1 =	vor.u32 $0x3, v1;
	v0 =	vshll.u32 v0, $0x2  }
0x166: {  	v3 =	vld [tilespmem:s0+$0x30];
	[tilespmem:s1+$0x5040] =	vst v1;
	v0 =	vor.u32 $0x3, v0;
	v2 =	vshll.u32 v2, $0x2  }
0x167: {  	v1 =	vld [tilespmem:s0+$0x40];
	[tilespmem:s1+$0x5050] =	vst v0;
	v51 =	vor.u32 $0x3, v2;
	v7 =	vshll.u32 v7, $0x2  }
0x168: {  	v52 =	vld [tilespmem:s0+$0x50];
	[tilespmem:s1+$0x5060] =	vst v51;
	v53 =	vshll.u32 v50, $0x2;
	v54 =	vor.u32 $0x3, v7  }
0x169: {  	v55 =	vld [tilespmem:s0+$0x60];
	v0 =	vor.u32 $0x3, v53;
	v5 =	vshll.u32 v5, $0x2;
	[tilespmem:s0+$0x5070] =	vst v54  }
0x16a: {  	[tilespmem:s0+$0x5000] =	vst v0;
	v56 =	vor.u32 $0x3, v5;
	v4 =	vshll.u32 v4, $0x2  }
0x16b: {  	[tilespmem:s0+$0x5010] =	vst v56;
	v57 =	vor.u32 $0x3, v4;
	v3 =	vshll.u32 v3, $0x2  }
0x16c: {  	[tilespmem:s0+$0x5020] =	vst v57;
	v58 =	vor.u32 $0x3, v3;
	v1 =	vshll.u32 v1, $0x2  }
0x16d: {  	[tilespmem:s0+$0x5030] =	vst v58;
	v59 =	vor.u32 $0x3, v1;
	v60 =	vshll.u32 v52, $0x2  }
0x16e: {  	[tilespmem:s0+$0x5040] =	vst v59;
	v61 =	vor.u32 $0x3, v60;
	v62 =	vshll.u32 v55, $0x2  }
0x16f: {  	[tilespmem:s0+$0x5050] =	vst v61;
	v63 =	vor.u32 $0x3, v62  }
0x170: {  	[tilespmem:s0+$0x5060] =	vst v63  }
0x171: {  	[spmem:s18], [sflag:s31] =	dma.local [hbm:s6], $0x2800  }
0x172: {  	_ =	swait.ge [sflag:s15], $0x2800  }
0x173: {  	[sflag:s15] =	ssyncset.done $0x0  }
0x174: {  	[sflag:s15] =	ssyncadd.s32 $0xFFFFD800  }
0x175: {  	[bflag:$0x0] =	sbarrier.arrive $0xFFFF  }
0x176: {  	[tilespmem:s21], [sflag:$0x1] =	stream.indirect.gather [hbm4b:s4+s19], $0x20, s20, s19, $0xb8;
	[tilespmem:$0x1D800] =	vst v63  }
0x177: {  	_ =	swait.ge [sflag:s22], $0x1000  }
0x178: {  	[sflag:s22] =	ssyncset.done $0x0  }
0x179: {  	s1 =	simm.s32 $0x5080;
	[sflag:s22] =	ssyncadd.s32 $0xFFFFF000  }
0x17a: {  	[tilespmem:s23], [sflag:$0x1] =	stream.indirect.gather [hbm4b:s4+s19], $0x20, s1, s19, $0xb8;
	[tilespmem:$0x1D800] =	vst v63  }
0x17b: {  	s16 =	simm.s32 $0x2800  }
0x17c: {  	[spmem:s2] =	stream.indirect.scatter.add.f32 [tilespmem:s21], [sflag:$0x2], $0x20, s16, s19, $0xb8;
	[tilespmem:$0x1D800] =	vst v63  }
0x17d: {  	_ =	swait.ge [sflag:s15], $0x1000  }
0x17e: {  	[sflag:s15] =	ssyncset.done $0x0  }
0x17f: {  	[sflag:s15] =	ssyncadd.s32 $0xFFFFF000  }
0x180: {  	_ =	swait.ge [sflag:s22], $0x1000  }
0x181: {  	[sflag:s22] =	ssyncset.done $0x0  }
0x182: {  	s1 =	simm.s32 $0x5100;
	[sflag:s22] =	ssyncadd.s32 $0xFFFFF000  }
0x183: {  	[tilespmem:s21], [sflag:$0x1] =	stream.indirect.gather [hbm4b:s4+s19], $0x20, s1, s19, $0xb8;
	[tilespmem:$0x1D800] =	vst v63  }
0x184: {  	s16 =	simm.s32 $0x2880  }
0x185: {  	[spmem:s2] =	stream.indirect.scatter.add.f32 [tilespmem:s23], [sflag:$0x2], $0x20, s16, s19, $0xb8;
	[tilespmem:$0x1D800] =	vst v63  }
0x186: {  	_ =	swait.ge [sflag:s15], $0x1000  }
0x187: {  	s0 =	simm.s32 $0x400;
	[sflag:s15] =	ssyncset.done $0x0  }
.LBB2_18:
0x188: {  	p1 =	sne.s32 s0, $0x9800  }
0x189: {  	[sflag:s15] =	ssyncadd.s32 $0xFFFFF000;
	s1 =	smov.u32 s0;
	s0 =	sadd.s32 $0x400, s0  }
0x18a: {  	_ = 	snop  }
0x18b: {  	_ =	swait.ge [sflag:s22], $0x1000  }
0x18c: {  	s1 =	sshra.s32 s1, $0x2;
	[sflag:s22] =	ssyncset.done $0x0  }
0x18d: {  	s16 =	sadd.s32 $0x5080, s1;
	[sflag:s22] =	ssyncadd.s32 $0xFFFFF000  }
0x18e: {  	[tilespmem:s23], [sflag:$0x1] =	stream.indirect.gather [hbm4b:s4+s19], $0x20, s16, s19, $0xb8;
	[tilespmem:$0x1D800] =	vst v63  }
0x18f: {  	s16 =	sadd.s32 $0x2800, s1  }
0x190: {  	[spmem:s2] =	stream.indirect.scatter.add.f32 [tilespmem:s21], [sflag:$0x2], $0x20, s16, s19, $0xb8;
	[tilespmem:$0x1D800] =	vst v63  }
0x191: {  	_ =	swait.ge [sflag:s15], $0x1000  }
0x192: {  	[sflag:s15] =	ssyncset.done $0x0  }
0x193: {  	[sflag:s15] =	ssyncadd.s32 $0xFFFFF000  }
0x194: {  	_ =	swait.ge [sflag:s22], $0x1000  }
0x195: {  	[sflag:s22] =	ssyncset.done $0x0  }
0x196: {  	s16 =	sadd.s32 $0x5100, s1;
	[sflag:s22] =	ssyncadd.s32 $0xFFFFF000  }
0x197: {  	[tilespmem:s21], [sflag:$0x1] =	stream.indirect.gather [hbm4b:s4+s19], $0x20, s16, s19, $0xb8;
	[tilespmem:$0x1D800] =	vst v63  }
.Ltmp11:
0x198: {  	_ = 	snop;
	(pc) =	sbr.rel @p1 .LBB2_18-.Ltmp11, $4  }
0x199: {  	s1 =	sadd.s32 $0x2880, s1  }
0x19a: {  	[spmem:s2] =	stream.indirect.scatter.add.f32 [tilespmem:s23], [sflag:$0x2], $0x20, s1, s19, $0xb8;
	[tilespmem:$0x1D800] =	vst v63  }
0x19b: {  	_ =	swait.ge [sflag:s15], $0x1000  }
0x19c: {  	[sflag:s15] =	ssyncset.done $0x0  }
.Ltmp12:
0x19d: {  	_ = 	snop;
	(pc) =	sbr.rel .LBB2_19-.Ltmp12, $1  }
0x19e: {  	_ =	sdelay $0x3  }
.LBB2_21:
0x19f: {  	_ =	sfence.sel $0x180000  }
0x1a0: {  	[bflag:$0x0] =	sbarrier.arrive $0xFFFF  }
0x1a1: {  	_ =	strace $0x9000004A  }
0x1a2: {  	s0 =	stileid.u32;
	[bflag:$0x2] =	sbarrier.arrive $0xFFFF  }
0x1a3: {  	p0 =	sne.s32 s0, $0x0;
	s0 =	rddreg [dreg:$0x2]  }
0x1a4: {  	s0 =	sadd.s32 @!p0 $0x100000, s0  }
0x1a5: {  	[sflag:s0] =	ssyncadd.tile.s32 @!p0 $0x1;
	_ =	shalt  }
.Lfunc_end2:
_tile_overlayer_lowered:
.L_overlay_start_2:
0x1a6: {  	(tag) =	ssettag $0x2  }
0x1a7: {  	s0 =	rddreg [dreg:$0x0];
	s2 =	stileid.u32  }
0x1a8: {  	s1 =	rddreg [dreg:$0x1];
	p0 =	sne.s32 s2, $0x0  }
0x1a9: {  	s3 =	rddreg [dreg:$0x2];
	[bflag:$0x3] =	sbarrier.arrive $0xFFFF;
	s2 =	simm.s32 @!p0 $0x1C02  }
0x1aa: {  	[timem:s3], [sflag:s2] =	dma.local @!p0 [hbm:s0], s1  }
0x1ab: {  	s0 =	simm.s32 @!p0 $0x2  }
0x1ac: {  	_ =	swait.ge @!p0 [sflag:s0], s1  }
0x1ad: {  	s1 =	ssub.s32 @!p0 $0x0, s1;
	[sflag:s0] =	ssyncset.done @!p0 $0x0  }
0x1ae: {  	[sflag:s0] =	ssyncadd.s32 @!p0 s1  }
0x1af: {  	[bflag:$0x3] =	sbarrier.arrive $0xFFFF  }
0x1b0: {  	_ =	shalt  }

// kernel: kernel.14.cloned.1.call-start
scs
__scs_entry_jumppad:
0x0: {  	(pc) =	sbr.rel $0x88, $3  }
0x1: {  	(tag) =	ssettag $0x0;
	lr =	simm.s32 $0x1  }
0x2: {  	[smem:$0x3F91] =	sst lr;
	_ =	strace $0xD0000000  }
0x3: {  	_ = 	snop  }
0x4: {  	_ = 	snop  }
0x5: {  	_ = 	snop  }
0x6: {  	_ = 	snop  }
0x7: {  	_ = 	snop  }
__scs_overlays_trampoline_lowered:
0x8: {  	[smem:$0x3FA0] =	sst s0  }
0x9: {  	[smem:$0x3FA1] =	sst s1  }
0xa: {  	[smem:$0x3FA2] =	sst s2  }
0xb: {  	[smem:$0x3FA3] =	sst s3  }
0xc: {  	[smem:$0x3FA4] =	sst s4  }
0xd: {  	[smem:$0x3FA5] =	sst s5  }
0xe: {  	[smem:$0x3FA6] =	sst s6  }
0xf: {  	[smem:$0x3FA7] =	sst s7  }
0x10: {  	[smem:$0x3FA8] =	sst s8  }
0x11: {  	[smem:$0x3FA9] =	sst s9;
	s0 =	simm.s32 @!p0 $0x0  }
0x12: {  	s1 =	sld [smem:$0x3F8F];
	s0 =	simm.s32 @p0 $0x1  }
0x13: {  	[smem:$0x3FAA] =	sst s0;
	s0 =	simm.s32 @!p1 $0x0  }
0x14: {  	s2 =	sld [smem:$0x3F8E];
	s0 =	simm.s32 @p1 $0x1  }
0x15: {  	[smem:$0x3FAB] =	sst s0;
	s0 =	simm.s32 @!p2 $0x0  }
0x16: {  	s3 =	sld [smem:$0x3FDB];
	s0 =	simm.s32 @p2 $0x1  }
0x17: {  	s4 =	simm.s32 $0x1BF5;
	[smem:$0x3FAD] =	sst s0  }
0x18: {  	s0 =	sld [smem:$0x3F90];
	_ =	swait.ge [sflag:s4], $0x0  }
0x19: {  	s7 =	sld [smem:$0x3F91]  }
0x1a: {  	s8 =	sadd.s32 $0xFFFFE003, lr  }
0x1b: {  	s9 =	sadd.s32 $0xFFFFFEF7, lr;
	s5 =	simm.s32 $0xFFFFFFFF;
	p2 =	slt.u32 s8, $0xFFFFF086  }
0x1c: {  	p1 =	slt.u32 s9, $0xF7A;
	s5 =	simm.s32 @!p2 $0x0  }
0x1d: {  	s5 =	simm.s32 @p1 $0x1;
	p0 =	seq.s32 s7, s2  }
0x1e: {  	s7 =	smul.u32 @!p0 $0xF7A, s2;
	p2 =	seq.s32 @!p0 s5, $0x0  }
0x1f: {  	s9 =	smul.u32 $0xF7A, s1;
	s8 =	simm.s32 @!p0 $0x1BF5;
	p2 =	por !p2, p0  }
0x20: {  	[sflag:s8] =	ssyncset.s32 @!p0 $0xFFFFF086;
	s6 =	sadd.s32 @!p0 s3, s7;
	s7 =	simm.s32 @!p0 $0x108  }
0x21: {  	s3 =	sadd.s32 s3, s9;
	s6 =	sadd.s32 @!p0 $0x88, s6;
	s7 =	simm.s32 @p2 $0x1082  }
0x22: {  	[simem:s7], [sflag:s8] =	dma.local @!p0 [hbm:s6], $0xF7A  }
0x23: {  	s9 =	sor.u32 $0xD0000000, s2;
	s6 =	simm.s32 $0x108;
	_ =	swait.ge @!p0 [sflag:s8], $0x0  }
0x24: {  	s3 =	sadd.s32 $0x88, s3;
	s6 =	simm.s32 @!p1 $0x1082;
	[sflag:s4] =	ssyncset.s32 $0xFFFFF086  }
0x25: {  	[simem:s6], [sflag:s4] =	dma.local [hbm:s3], $0xF7A  }
0x26: {  	[smem:$0x3F91] =	sst s1;
	(tag) =	ssettag s2;
	_ =	strace s9  }
0x27: {  	s1 =	sld [smem:$0x3FA1]  }
0x28: {  	s2 =	sld [smem:$0x3FA2]  }
0x29: {  	s4 =	sld [smem:$0x3FA4]  }
0x2a: {  	p0 =	seq.s32 s5, $0x0;
	s5 =	sld [smem:$0x3FA5]  }
0x2b: {  	s6 =	sld [smem:$0x3FA6]  }
0x2c: {  	s7 =	sld [smem:$0x3FA7]  }
0x2d: {  	s3 =	simm.s32 $0x108;
	s8 =	sld [smem:$0x3FA8]  }
0x2e: {  	s3 =	simm.s32 @!p0 $0x1082;
	s9 =	sld [smem:$0x3FA9]  }
0x2f: {  	lr =	sadd.s32 s0, s3;
	s0 =	sld [smem:$0x3FA0]  }
0x30: {  	s3 =	sld [smem:$0x3FA3]  }
0x31: {  	[smem:$0x3FAC] =	sst s10  }
0x32: {  	s10 =	sld [smem:$0x3FAA];
	_ =	sdelay $0x3  }
0x33: {  	p0 =	seq.s32 s10, $0x1;
	s10 =	sld [smem:$0x3FAC];
	_ =	sdelay $0x3  }
0x34: {  	[smem:$0x3FAC] =	sst s10  }
0x35: {  	s10 =	sld [smem:$0x3FAB];
	_ =	sdelay $0x3  }
0x36: {  	p1 =	seq.s32 s10, $0x1;
	s10 =	sld [smem:$0x3FAC];
	_ =	sdelay $0x3  }
0x37: {  	[smem:$0x3FAC] =	sst s10  }
0x38: {  	s10 =	sld [smem:$0x3FAD]  }
0x39: {  	_ = 	snop;
	(pc) =	sbr.ind lr, $3  }
0x3a: {  	_ = 	snop  }
0x3b: {  	_ = 	snop  }
0x3c: {  	p2 =	seq.s32 s10, $0x1;
	s10 =	sld [smem:$0x3FAC]  }
0x3d: {  	_ =	shalt  }
0x3e: {  	_ =	shalt  }
0x3f: {  	_ =	shalt  }
0x40: {  	_ =	shalt  }
0x41: {  	_ =	shalt  }
0x42: {  	_ =	shalt  }
0x43: {  	_ =	shalt  }
0x44: {  	_ =	shalt  }
0x45: {  	_ =	shalt  }
0x46: {  	_ =	shalt  }
0x47: {  	_ =	shalt  }
0x48: {  	_ =	shalt  }
0x49: {  	_ =	shalt  }
0x4a: {  	_ =	shalt  }
0x4b: {  	_ =	shalt  }
0x4c: {  	_ =	shalt  }
0x4d: {  	_ =	shalt  }
0x4e: {  	_ =	shalt  }
0x4f: {  	_ =	shalt  }
0x50: {  	_ =	shalt  }
0x51: {  	_ =	shalt  }
0x52: {  	_ =	shalt  }
0x53: {  	_ =	shalt  }
0x54: {  	_ =	shalt  }
0x55: {  	_ =	shalt  }
0x56: {  	_ =	shalt  }
0x57: {  	_ =	shalt  }
0x58: {  	_ =	shalt  }
0x59: {  	_ =	shalt  }
0x5a: {  	_ =	shalt  }
0x5b: {  	_ =	shalt  }
0x5c: {  	_ =	shalt  }
0x5d: {  	_ =	shalt  }
0x5e: {  	_ =	shalt  }
0x5f: {  	_ =	shalt  }
0x60: {  	_ =	shalt  }
0x61: {  	_ =	shalt  }
0x62: {  	_ =	shalt  }
0x63: {  	_ =	shalt  }
0x64: {  	_ =	shalt  }
0x65: {  	_ =	shalt  }
0x66: {  	_ =	shalt  }
0x67: {  	_ =	shalt  }
0x68: {  	_ =	shalt  }
0x69: {  	_ =	shalt  }
0x6a: {  	_ =	shalt  }
0x6b: {  	_ =	shalt  }
0x6c: {  	_ =	shalt  }
0x6d: {  	_ =	shalt  }
0x6e: {  	_ =	shalt  }
0x6f: {  	_ =	shalt  }
0x70: {  	_ =	shalt  }
0x71: {  	_ =	shalt  }
0x72: {  	_ =	shalt  }
0x73: {  	_ =	shalt  }
0x74: {  	_ =	shalt  }
0x75: {  	_ =	shalt  }
0x76: {  	_ =	shalt  }
0x77: {  	_ =	shalt  }
0x78: {  	_ =	shalt  }
0x79: {  	_ =	shalt  }
0x7a: {  	_ =	shalt  }
0x7b: {  	_ =	shalt  }
0x7c: {  	_ =	shalt  }
0x7d: {  	_ =	shalt  }
0x7e: {  	_ =	shalt  }
0x7f: {  	_ =	shalt  }
0x80: {  	_ =	shalt  }
0x81: {  	_ =	shalt  }
0x82: {  	_ =	shalt  }
0x83: {  	_ =	shalt  }
0x84: {  	_ =	shalt  }
0x85: {  	_ =	shalt  }
0x86: {  	_ =	shalt  }
0x87: {  	_ =	shalt  }
.Lfunc_end0:
.L_simem_size_0:
called_computation.2_lowered:
.L_overlay_start_0:
0x88: {  	s2 =	sld [smem:$0x3FD9]  }
0x89: {  	s3 =	sld [smem:$0x3FFE];
	_ =	sdelay $0x1  }
0x8a: {  	s1 =	srdreg.scid  }
0x8b: {  	s0 =	sand.u32 $0x1, s1  }
0x8c: {  	s16 =	sshll.u32 s0, $0xA;
	s2 =	sadd.s32 s3, s2  }
0x8d: {  	s2 =	sadd.s32 s2, s16  }
0x8e: {  	[smem:$0x3FB8] =	sst s2  }
0x8f: {  	_ = 	snop  }
0x90: {  	(tm) =	ssettm $0x1  }
0x91: {  	s17 =	sld [smem:$0x3FFB];
	_ =	sdelay $0x3  }
0x92: {  	_ =	strace s17  }
0x93: {  	s2 =	sld [smem:$0x3FFC];
	_ =	sdelay $0x3  }
0x94: {  	_ =	strace s2  }
0x95: {  	s2 =	sld [smem:$0x3FFD];
	_ =	sdelay $0x3  }
0x96: {  	_ =	strace s2  }
0x97: {  	_ =	strace $0x8FFFFFFF  }
0x98: {  	s18 =	sld [smem:$0x3FDB];
	_ =	sdelay $0x1  }
0x99: {  	s19 =	simm.s32 $_scs_section_size  }
0x9a: {  	s4 =	simm.s32 $_size__tile_overlayer_lowered;
	s5 =	simm.s32 $_tile_overlayer_lowered  }
0x9b: {  	s22 =	simm.s32 $0x1BFF;
	s21 =	sshll.u32 s5, $0x1;
	s2 =	sadd.s32 s19, s18  }
0x9c: {  	s6 =	simm.s32 $0x0;
	s20 =	sshll.u32 s4, $0x1;
	s4 =	sadd.s32 s21, s2  }
0x9d: {  	[timem:s6], [sflag:s22] =	dma.local [hbm:s4], s20  }
0x9e: {  	_ =	swait.ge [sflag:s22], s20  }
0x9f: {  	s3 =	ssub.s32 $0x0, s20;
	[sflag:s22] =	ssyncset.done $0x0  }
0xa0: {  	[sflag:s22] =	ssyncadd.s32 s3;
	_ =	sdelay $0x1  }
0xa1: {  	s23 =	simm.s32 $0x1B8B  }
0xa2: {  	_ =	swait.ge [sflag:s23], $0x1  }
0xa3: {  	[sflag:s23] =	ssyncset.done $0x0  }
0xa4: {  	s25 =	simm.s32 $0x1B8E;
	s24 =	sld [smem:$0x3FFE];
	[sflag:s23] =	ssyncadd.s32 $0xFFFFFFFF  }
0xa5: {  	s26 =	simm.s32 $execute0_lowered;
	[smem:$0x3FD2] =	sst s25  }
0xa6: {  	s4 =	sshll.u32 s26, $0x1;
	_ =	strace $0x8000004C;
	[dreg:$0x1] =	wrdreg $0xFFFFFFFF  }
0xa7: {  	s28 =	simm.s32 $_size_execute0_lowered;
	s2 =	sadd.s32 s2, s4;
	[dreg:$0x0] =	wrdreg $0x0  }
0xa8: {  	s4 =	sshll.u32 s28, $0x1;
	[dreg:$0x2] =	wrdreg s2  }
0xa9: {  	[dreg:$0x3] =	wrdreg s4  }
0xaa: {  	[dreg:$0x4] =	wrdreg $0xC0  }
0xab: {  	_ =	task [dreg:s6], $0x5FFFF  }
0xac: {  	[dreg:$0x1] =	wrdreg $0xFFFFFFFF  }
0xad: {  	[dreg:$0x0] =	wrdreg $0x60  }
0xae: {  	[dreg:$0x2] =	wrdreg s24  }
0xaf: {  	[dreg:$0x3] =	wrdreg $0x9  }
0xb0: {  	_ =	task.clear_ibuf [dreg:s6], $0x4FFFF;
	_ =	strace $0x9000004C  }
0xb1: {  	s29 =	simm.s32 $0x9;
	_ =	strace $0x8000004E  }
0xb2: {  	_ =	swait.ge [sflag:s29], $0x1  }
0xb3: {  	[sflag:s29] =	ssyncadd.s32 $0xFFFFFFFF  }
0xb4: {  	_ =	strace $0x9000004E  }
0xb5: {  	_ =	sfence  }
0xb6: {  	s30 =	sld [smem:$0x0];
	_ =	sdelay $0x2  }
0xb7: {  	s31 =	sshll.u32 s1, $0xD;
	s1 =	sshrl.u32 s1, $0x2  }
0xb8: {  	s3 =	sand.u32 $0x4000, s31;
	s1 =	sadd.s32 s1, s30  }
0xb9: {  	s0 =	sor.u32 s3, s0;
	s1 =	sshll.u32 s1, $0x11  }
0xba: {  	s0 =	sor.u32 s1, s0  }
0xbb: {  	s0 =	sadd.s32 $0x8F2B, s0  }
0xbc: {  	[sflag:s0] =	ssyncadd.remote.s32 $0x1  }
0xbd: {  	_ =	sfence.sel $0xFFFF  }
0xbe: {  	[dreg:$0x0] =	wrdreg $0xFFFFFFFF;
	(pc) =	sbr.abs _section_cstart, $3  }
0xbf: {  	[dreg:$0x1] =	wrdreg $0xFFFFFFFF  }
0xc0: {  	_ =	task.clear_ibuf [dreg:s6], $0x2FFFF;
	_ =	strace $0x9FFFFFFF  }
0xc1: {  	(tm) =	ssettm $0x7FFFFFFF  }
tec
execute0_lowered:
.L_overlay_start_1:
0x0: {  	(tag) =	ssettag $0x1  }
0x1: {  	s10 =	rddreg [dreg:$0x0]  }
0x2: {  	s0 =	rddreg [dreg:$0x1]  }
0x3: {  	s2 =	simm.s32 $0x0;
	s4 =	srdreg.scid;
	s1 =	stileid.u32  }
0x4: {  	s7 =	simm.s32 $0x80;
	[smem:$0x7FF] =	sst s2;
	s3 =	sadd.s32 $0x3600, s10  }
0x5: {  	s11 =	sand.u32 $0x1, s4;
	s4 =	simm.s32 $0x2;
	_ =	strace $0x8000004D  }
0x6: {  	[tilespmem:s2], [sflag:$0x2] =	stream.linear.gather [hbm4b:s3+s2], $0x2000, $0x38;
	[tilespmem:$0x6000] =	vst v63  }
0x7: {  	s8 =	simm.s32 $0x2000;
	s6 =	sshll.u32 s1, $0x1;
	_ =	swait.ge [sflag:s4], $0x2000  }
0x8: {  	s9 =	simm.s32 $0x1;
	s12 =	sor.u32 s11, s6;
	[sflag:s4] =	ssyncset.done $0x0  }
0x9: {  	s5 =	sadd.s32 $0x3A00, s10;
	s6 =	sshll.u32 s12, $0x8;
	[sflag:s4] =	ssyncadd.s32 $0xFFFFE000  }
0xa: {  	[tilespmem:s8], [sflag:$0x1] =	stream.indirect.gather [hbm4b:s5+s7], $0x80, s6, s7, $0xb8;
	[tilespmem:$0x6000] =	vst v63  }
0xb: {  	s12 =	sshll.u32 s12, $0xC;
	_ =	swait.ge [sflag:s9], $0x4000  }
0xc: {  	s12 =	sadd.s32 s12, s10;
	[sflag:s9] =	ssyncset.done $0x0  }
0xd: {  	s13 =	ssub.s32 $0x2, s11;
	s10 =	sadd.s32 $0x2AC00, s12;
	[sflag:s9] =	ssyncadd.s32 $0xFFFFC000  }
0xe: {  	[hbm4b:s10+s2] =	stream.linear.scatter [tilespmem:s8], [sflag:$0x2], $0x4000, $0x38;
	[tilespmem:$0x6000] =	vst v63  }
0xf: {  	s14 =	sshrl.u32 s13, $0x1;
	_ =	swait.ge [sflag:s4], $0x4000  }
0x10: {  	s13 =	ssub.s32 s13, s14;
	[sflag:s4] =	ssyncset.done $0x0  }
0x11: {  	s11 =	sor.u32 $0x80, s6;
	s13 =	smax.u32 s13, $0x1;
	[sflag:s4] =	ssyncadd.s32 $0xFFFFC000  }
0x12: {  	[tilespmem:s8], [sflag:$0x1] =	stream.indirect.gather [hbm4b:s5+s7], $0x80, s11, s7, $0xb8;
	[tilespmem:$0x6000] =	vst v63  }
0x13: {  	p0 =	sne.s32 s13, $0x1;
	_ =	swait.ge [sflag:s9], $0x4000  }
.Ltmp0:
0x14: {  	[sflag:s9] =	ssyncset.done $0x0;
	(pc) =	sbr.rel @!p0 .LBB2_2-.Ltmp0, $4  }
0x15: {  	s12 =	sadd.s32 $0x2B400, s12;
	[sflag:s9] =	ssyncadd.s32 $0xFFFFC000  }
0x16: {  	[hbm4b:s12+s2] =	stream.linear.scatter [tilespmem:s8], [sflag:$0x2], $0x4000, $0x38;
	[tilespmem:$0x6000] =	vst v63  }
0x17: {  	_ =	swait.ge [sflag:s4], $0x4000  }
0x18: {  	s13 =	sadd.s32 $0xFFFFFFFF, s13;
	[sflag:s4] =	ssyncset.done $0x0  }
.LBB2_1:
0x19: {  	p0 =	sne.s32 s13, $0x1;
	s13 =	sadd.s32 $0xFFFFFFFF, s13;
	[sflag:s4] =	ssyncadd.s32 $0xFFFFC000  }
0x1a: {  	[tilespmem:s2], [sflag:$0x2] =	stream.linear.gather [hbm4b:s3+s2], $0x2000, $0x38;
	[tilespmem:$0x6000] =	vst v63  }
0x1b: {  	_ =	swait.ge [sflag:s4], $0x2000  }
0x1c: {  	[sflag:s4] =	ssyncset.done $0x0  }
0x1d: {  	[sflag:s4] =	ssyncadd.s32 $0xFFFFE000  }
0x1e: {  	[tilespmem:s8], [sflag:$0x1] =	stream.indirect.gather [hbm4b:s5+s7], $0x80, s6, s7, $0xb8;
	[tilespmem:$0x6000] =	vst v63  }
0x1f: {  	_ =	swait.ge [sflag:s9], $0x4000  }
0x20: {  	[sflag:s9] =	ssyncset.done $0x0  }
0x21: {  	[sflag:s9] =	ssyncadd.s32 $0xFFFFC000  }
0x22: {  	[hbm4b:s10+s2] =	stream.linear.scatter [tilespmem:s8], [sflag:$0x2], $0x4000, $0x38;
	[tilespmem:$0x6000] =	vst v63  }
0x23: {  	_ =	swait.ge [sflag:s4], $0x4000  }
0x24: {  	[sflag:s4] =	ssyncset.done $0x0  }
0x25: {  	[sflag:s4] =	ssyncadd.s32 $0xFFFFC000  }
0x26: {  	[tilespmem:s8], [sflag:$0x1] =	stream.indirect.gather [hbm4b:s5+s7], $0x80, s11, s7, $0xb8;
	[tilespmem:$0x6000] =	vst v63  }
0x27: {  	_ =	swait.ge [sflag:s9], $0x4000  }
.Ltmp1:
0x28: {  	[sflag:s9] =	ssyncset.done $0x0;
	(pc) =	sbr.rel @p0 .LBB2_1-.Ltmp1, $4  }
0x29: {  	[sflag:s9] =	ssyncadd.s32 $0xFFFFC000  }
0x2a: {  	[hbm4b:s12+s2] =	stream.linear.scatter [tilespmem:s8], [sflag:$0x2], $0x4000, $0x38;
	[tilespmem:$0x6000] =	vst v63  }
0x2b: {  	_ =	swait.ge [sflag:s4], $0x4000  }
0x2c: {  	[sflag:s4] =	ssyncset.done $0x0  }
.LBB2_2:
0x2d: {  	[sflag:s4] =	ssyncadd.s32 $0xFFFFC000  }
0x2e: {  	_ =	sfence.sel $0x180000  }
0x2f: {  	[bflag:$0x0] =	sbarrier.arrive $0xFFFF  }
0x30: {  	p0 =	sne.s32 s1, $0x0;
	_ =	strace $0x9000004D  }
0x31: {  	s0 =	sadd.s32 @!p0 $0x100000, s0;
	[bflag:$0x2] =	sbarrier.arrive $0xFFFF  }
0x32: {  	[sflag:s0] =	ssyncadd.tile.s32 @!p0 $0x1;
	_ =	shalt  }
.Lfunc_end2:
_tile_overlayer_lowered:
.L_overlay_start_2:
0x33: {  	(tag) =	ssettag $0x2  }
0x34: {  	s0 =	rddreg [dreg:$0x0];
	s2 =	stileid.u32  }
0x35: {  	s1 =	rddreg [dreg:$0x1];
	p0 =	sne.s32 s2, $0x0  }
0x36: {  	s3 =	rddreg [dreg:$0x2];
	[bflag:$0x3] =	sbarrier.arrive $0xFFFF;
	s2 =	simm.s32 @!p0 $0x1C02  }
0x37: {  	[timem:s3], [sflag:s2] =	dma.local @!p0 [hbm:s0], s1  }
0x38: {  	s0 =	simm.s32 @!p0 $0x2  }
0x39: {  	_ =	swait.ge @!p0 [sflag:s0], s1  }
0x3a: {  	s1 =	ssub.s32 @!p0 $0x0, s1;
	[sflag:s0] =	ssyncset.done @!p0 $0x0  }
0x3b: {  	[sflag:s0] =	ssyncadd.s32 @!p0 s1  }
0x3c: {  	[bflag:$0x3] =	sbarrier.arrive $0xFFFF  }
0x3d: {  	_ =	shalt  }

// kernel: kernel.8.cloned.1.call-start
scs
__scs_entry_jumppad:
0x0: {  	(pc) =	sbr.rel $0x88, $3  }
0x1: {  	(tag) =	ssettag $0x0;
	lr =	simm.s32 $0x1  }
0x2: {  	[smem:$0x3F91] =	sst lr;
	_ =	strace $0xD0000000  }
0x3: {  	_ = 	snop  }
0x4: {  	_ = 	snop  }
0x5: {  	_ = 	snop  }
0x6: {  	_ = 	snop  }
0x7: {  	_ = 	snop  }
__scs_overlays_trampoline_lowered:
0x8: {  	[smem:$0x3FA0] =	sst s0  }
0x9: {  	[smem:$0x3FA1] =	sst s1  }
0xa: {  	[smem:$0x3FA2] =	sst s2  }
0xb: {  	[smem:$0x3FA3] =	sst s3  }
0xc: {  	[smem:$0x3FA4] =	sst s4  }
0xd: {  	[smem:$0x3FA5] =	sst s5  }
0xe: {  	[smem:$0x3FA6] =	sst s6  }
0xf: {  	[smem:$0x3FA7] =	sst s7  }
0x10: {  	[smem:$0x3FA8] =	sst s8  }
0x11: {  	[smem:$0x3FA9] =	sst s9;
	s0 =	simm.s32 @!p0 $0x0  }
0x12: {  	s1 =	sld [smem:$0x3F8F];
	s0 =	simm.s32 @p0 $0x1  }
0x13: {  	[smem:$0x3FAA] =	sst s0;
	s0 =	simm.s32 @!p1 $0x0  }
0x14: {  	s2 =	sld [smem:$0x3F8E];
	s0 =	simm.s32 @p1 $0x1  }
0x15: {  	[smem:$0x3FAB] =	sst s0;
	s0 =	simm.s32 @!p2 $0x0  }
0x16: {  	s3 =	sld [smem:$0x3FDB];
	s0 =	simm.s32 @p2 $0x1  }
0x17: {  	s4 =	simm.s32 $0x1BF5;
	[smem:$0x3FAD] =	sst s0  }
0x18: {  	s0 =	sld [smem:$0x3F90];
	_ =	swait.ge [sflag:s4], $0x0  }
0x19: {  	s7 =	sld [smem:$0x3F91]  }
0x1a: {  	s8 =	sadd.s32 $0xFFFFE003, lr  }
0x1b: {  	s9 =	sadd.s32 $0xFFFFFEF7, lr;
	s5 =	simm.s32 $0xFFFFFFFF;
	p2 =	slt.u32 s8, $0xFFFFF086  }
0x1c: {  	p1 =	slt.u32 s9, $0xF7A;
	s5 =	simm.s32 @!p2 $0x0  }
0x1d: {  	s5 =	simm.s32 @p1 $0x1;
	p0 =	seq.s32 s7, s2  }
0x1e: {  	s7 =	smul.u32 @!p0 $0xF7A, s2;
	p2 =	seq.s32 @!p0 s5, $0x0  }
0x1f: {  	s9 =	smul.u32 $0xF7A, s1;
	s8 =	simm.s32 @!p0 $0x1BF5;
	p2 =	por !p2, p0  }
0x20: {  	[sflag:s8] =	ssyncset.s32 @!p0 $0xFFFFF086;
	s6 =	sadd.s32 @!p0 s3, s7;
	s7 =	simm.s32 @!p0 $0x108  }
0x21: {  	s3 =	sadd.s32 s3, s9;
	s6 =	sadd.s32 @!p0 $0x88, s6;
	s7 =	simm.s32 @p2 $0x1082  }
0x22: {  	[simem:s7], [sflag:s8] =	dma.local @!p0 [hbm:s6], $0xF7A  }
0x23: {  	s9 =	sor.u32 $0xD0000000, s2;
	s6 =	simm.s32 $0x108;
	_ =	swait.ge @!p0 [sflag:s8], $0x0  }
0x24: {  	s3 =	sadd.s32 $0x88, s3;
	s6 =	simm.s32 @!p1 $0x1082;
	[sflag:s4] =	ssyncset.s32 $0xFFFFF086  }
0x25: {  	[simem:s6], [sflag:s4] =	dma.local [hbm:s3], $0xF7A  }
0x26: {  	[smem:$0x3F91] =	sst s1;
	(tag) =	ssettag s2;
	_ =	strace s9  }
0x27: {  	s1 =	sld [smem:$0x3FA1]  }
0x28: {  	s2 =	sld [smem:$0x3FA2]  }
0x29: {  	s4 =	sld [smem:$0x3FA4]  }
0x2a: {  	p0 =	seq.s32 s5, $0x0;
	s5 =	sld [smem:$0x3FA5]  }
0x2b: {  	s6 =	sld [smem:$0x3FA6]  }
0x2c: {  	s7 =	sld [smem:$0x3FA7]  }
0x2d: {  	s3 =	simm.s32 $0x108;
	s8 =	sld [smem:$0x3FA8]  }
0x2e: {  	s3 =	simm.s32 @!p0 $0x1082;
	s9 =	sld [smem:$0x3FA9]  }
0x2f: {  	lr =	sadd.s32 s0, s3;
	s0 =	sld [smem:$0x3FA0]  }
0x30: {  	s3 =	sld [smem:$0x3FA3]  }
0x31: {  	[smem:$0x3FAC] =	sst s10  }
0x32: {  	s10 =	sld [smem:$0x3FAA];
	_ =	sdelay $0x3  }
0x33: {  	p0 =	seq.s32 s10, $0x1;
	s10 =	sld [smem:$0x3FAC];
	_ =	sdelay $0x3  }
0x34: {  	[smem:$0x3FAC] =	sst s10  }
0x35: {  	s10 =	sld [smem:$0x3FAB];
	_ =	sdelay $0x3  }
0x36: {  	p1 =	seq.s32 s10, $0x1;
	s10 =	sld [smem:$0x3FAC];
	_ =	sdelay $0x3  }
0x37: {  	[smem:$0x3FAC] =	sst s10  }
0x38: {  	s10 =	sld [smem:$0x3FAD]  }
0x39: {  	_ = 	snop;
	(pc) =	sbr.ind lr, $3  }
0x3a: {  	_ = 	snop  }
0x3b: {  	_ = 	snop  }
0x3c: {  	p2 =	seq.s32 s10, $0x1;
	s10 =	sld [smem:$0x3FAC]  }
0x3d: {  	_ =	shalt  }
0x3e: {  	_ =	shalt  }
0x3f: {  	_ =	shalt  }
0x40: {  	_ =	shalt  }
0x41: {  	_ =	shalt  }
0x42: {  	_ =	shalt  }
0x43: {  	_ =	shalt  }
0x44: {  	_ =	shalt  }
0x45: {  	_ =	shalt  }
0x46: {  	_ =	shalt  }
0x47: {  	_ =	shalt  }
0x48: {  	_ =	shalt  }
0x49: {  	_ =	shalt  }
0x4a: {  	_ =	shalt  }
0x4b: {  	_ =	shalt  }
0x4c: {  	_ =	shalt  }
0x4d: {  	_ =	shalt  }
0x4e: {  	_ =	shalt  }
0x4f: {  	_ =	shalt  }
0x50: {  	_ =	shalt  }
0x51: {  	_ =	shalt  }
0x52: {  	_ =	shalt  }
0x53: {  	_ =	shalt  }
0x54: {  	_ =	shalt  }
0x55: {  	_ =	shalt  }
0x56: {  	_ =	shalt  }
0x57: {  	_ =	shalt  }
0x58: {  	_ =	shalt  }
0x59: {  	_ =	shalt  }
0x5a: {  	_ =	shalt  }
0x5b: {  	_ =	shalt  }
0x5c: {  	_ =	shalt  }
0x5d: {  	_ =	shalt  }
0x5e: {  	_ =	shalt  }
0x5f: {  	_ =	shalt  }
0x60: {  	_ =	shalt  }
0x61: {  	_ =	shalt  }
0x62: {  	_ =	shalt  }
0x63: {  	_ =	shalt  }
0x64: {  	_ =	shalt  }
0x65: {  	_ =	shalt  }
0x66: {  	_ =	shalt  }
0x67: {  	_ =	shalt  }
0x68: {  	_ =	shalt  }
0x69: {  	_ =	shalt  }
0x6a: {  	_ =	shalt  }
0x6b: {  	_ =	shalt  }
0x6c: {  	_ =	shalt  }
0x6d: {  	_ =	shalt  }
0x6e: {  	_ =	shalt  }
0x6f: {  	_ =	shalt  }
0x70: {  	_ =	shalt  }
0x71: {  	_ =	shalt  }
0x72: {  	_ =	shalt  }
0x73: {  	_ =	shalt  }
0x74: {  	_ =	shalt  }
0x75: {  	_ =	shalt  }
0x76: {  	_ =	shalt  }
0x77: {  	_ =	shalt  }
0x78: {  	_ =	shalt  }
0x79: {  	_ =	shalt  }
0x7a: {  	_ =	shalt  }
0x7b: {  	_ =	shalt  }
0x7c: {  	_ =	shalt  }
0x7d: {  	_ =	shalt  }
0x7e: {  	_ =	shalt  }
0x7f: {  	_ =	shalt  }
0x80: {  	_ =	shalt  }
0x81: {  	_ =	shalt  }
0x82: {  	_ =	shalt  }
0x83: {  	_ =	shalt  }
0x84: {  	_ =	shalt  }
0x85: {  	_ =	shalt  }
0x86: {  	_ =	shalt  }
0x87: {  	_ =	shalt  }
.Lfunc_end0:
.L_simem_size_0:
called_computation_lowered:
.L_overlay_start_0:
0x88: {  	s2 =	sld [smem:$0x3FD9]  }
0x89: {  	s3 =	sld [smem:$0x3FFE];
	_ =	sdelay $0x1  }
0x8a: {  	s1 =	srdreg.scid  }
0x8b: {  	s0 =	sand.u32 $0x1, s1  }
0x8c: {  	s17 =	sshll.u32 s0, $0xA;
	s2 =	sadd.s32 s3, s2  }
0x8d: {  	s2 =	sadd.s32 s2, s17  }
0x8e: {  	[smem:$0x3FB8] =	sst s2  }
0x8f: {  	_ = 	snop  }
0x90: {  	s2 =	sld [smem:$0x3FC6];
	(tm) =	ssettm $0x1  }
0x91: {  	s18 =	sld [smem:$0x3FFB];
	_ =	sdelay $0x3  }
0x92: {  	_ =	strace s18  }
0x93: {  	s3 =	sld [smem:$0x3FFC];
	_ =	sdelay $0x3  }
0x94: {  	_ =	strace s3  }
0x95: {  	s3 =	sld [smem:$0x3FFD];
	_ =	sdelay $0x3  }
0x96: {  	_ =	strace s3  }
0x97: {  	_ =	strace $0x8FFFFFFF  }
0x98: {  	s19 =	sld [smem:$0x3FDB];
	_ =	sdelay $0x1  }
0x99: {  	s4 =	simm.s32 $_scs_section_size  }
0x9a: {  	s5 =	simm.s32 $_size__tile_overlayer_lowered;
	s6 =	simm.s32 $_tile_overlayer_lowered  }
0x9b: {  	s22 =	simm.s32 $0x1BFF;
	s21 =	sshll.u32 s6, $0x1;
	s3 =	sadd.s32 s4, s19  }
0x9c: {  	s7 =	simm.s32 $0x0;
	s20 =	sshll.u32 s5, $0x1;
	s5 =	sadd.s32 s21, s3  }
0x9d: {  	[timem:s7], [sflag:s22] =	dma.local [hbm:s5], s20  }
0x9e: {  	_ =	swait.ge [sflag:s22], s20  }
0x9f: {  	s4 =	ssub.s32 $0x0, s20;
	[sflag:s22] =	ssyncset.done $0x0  }
0xa0: {  	[sflag:s22] =	ssyncadd.s32 s4;
	_ =	sdelay $0x1  }
0xa1: {  	s23 =	simm.s32 $0x1B8B  }
0xa2: {  	_ =	swait.ge [sflag:s23], $0x1  }
0xa3: {  	[sflag:s23] =	ssyncset.done $0x0  }
0xa4: {  	s25 =	simm.s32 $0x1B8E;
	s24 =	sld [smem:$0x3FFE];
	[sflag:s23] =	ssyncadd.s32 $0xFFFFFFFF  }
0xa5: {  	s26 =	simm.s32 $execute0_lowered;
	[smem:$0x3FD2] =	sst s25  }
0xa6: {  	s5 =	sshll.u32 s26, $0x1;
	_ =	strace $0x80000046;
	[dreg:$0x1] =	wrdreg $0xFFFFFFFF  }
0xa7: {  	s28 =	simm.s32 $_size_execute0_lowered;
	s3 =	sadd.s32 s3, s5;
	[dreg:$0x0] =	wrdreg $0x0  }
0xa8: {  	s5 =	sshll.u32 s28, $0x1;
	[dreg:$0x2] =	wrdreg s3  }
0xa9: {  	[dreg:$0x3] =	wrdreg s5  }
0xaa: {  	[dreg:$0x4] =	wrdreg $0xC0  }
0xab: {  	_ =	task [dreg:s7], $0x5FFFF  }
0xac: {  	[dreg:$0x1] =	wrdreg $0xFFFFFFFF  }
0xad: {  	[dreg:$0x0] =	wrdreg $0x60  }
0xae: {  	[dreg:$0x2] =	wrdreg s2  }
0xaf: {  	[dreg:$0x3] =	wrdreg s24  }
0xb0: {  	[dreg:$0x4] =	wrdreg $0x98000  }
0xb1: {  	[dreg:$0x5] =	wrdreg $0x9  }
0xb2: {  	_ =	task.clear_ibuf [dreg:s7], $0x6FFFF;
	_ =	strace $0x90000046  }
0xb3: {  	s29 =	simm.s32 $0x9;
	_ =	strace $0x80000048  }
0xb4: {  	_ =	swait.ge [sflag:s29], $0x1  }
0xb5: {  	[sflag:s29] =	ssyncadd.s32 $0xFFFFFFFF  }
0xb6: {  	_ =	strace $0x90000048  }
0xb7: {  	_ =	sfence  }
0xb8: {  	s30 =	sld [smem:$0x0];
	_ =	sdelay $0x2  }
0xb9: {  	s31 =	sshll.u32 s1, $0xD;
	s1 =	sshrl.u32 s1, $0x2  }
0xba: {  	s3 =	sand.u32 $0x4000, s31;
	s1 =	sadd.s32 s1, s30  }
0xbb: {  	s0 =	sor.u32 s3, s0;
	s1 =	sshll.u32 s1, $0x11  }
0xbc: {  	s0 =	sor.u32 s1, s0  }
0xbd: {  	s0 =	sadd.s32 $0x8F2B, s0  }
0xbe: {  	[sflag:s0] =	ssyncadd.remote.s32 $0x1  }
0xbf: {  	_ =	sfence.sel $0xFFFF  }
0xc0: {  	[dreg:$0x0] =	wrdreg $0xFFFFFFFF;
	(pc) =	sbr.abs _section_cstart, $3  }
0xc1: {  	[dreg:$0x1] =	wrdreg $0xFFFFFFFF  }
0xc2: {  	_ =	task.clear_ibuf [dreg:s7], $0x2FFFF;
	_ =	strace $0x9FFFFFFF  }
0xc3: {  	(tm) =	ssettm $0x7FFFFFFF  }
tec
execute0_lowered:
.L_overlay_start_1:
0x0: {  	(tag) =	ssettag $0x1  }
0x1: {  	s1 =	rddreg [dreg:$0x0]  }
0x2: {  	s0 =	rddreg [dreg:$0x1]  }
0x3: {  	s3 =	rddreg [dreg:$0x2];
	s4 =	simm.s32 $0x0  }
0x4: {  	s16 =	stileid.u32;
	s5 =	srdreg.scid;
	s15 =	simm.s32 $0x2  }
0x5: {  	s20 =	simm.s32 $0x80;
	s21 =	simm.s32 $0x5000;
	s22 =	simm.s32 $0x7800  }
0x6: {  	s23 =	simm.s32 $0x1;
	s28 =	simm.s32 $0x4F80;
	s29 =	simm.s32 $0x10  }
0x7: {  	s30 =	simm.s32 $0x4;
	s31 =	simm.s32 $0x1D800;
	s2 =	smul.u32 $0x500, s16  }
0x8: {  	[smem:$0x7FF] =	sst s4;
	s6 =	smul.u32 $0xA000, s16;
	s8 =	sand.u32 $0x1, s5  }
0x9: {  	s9 =	smul.u32 $0x50000, s16;
	s5 =	sadd.s32 $0x12600, s0;
	s17 =	sshll.u32 s16, $0x6  }
0xa: {  	_ =	strace $0x80000047;
	s7 =	ssub.s32 $0x2, s8;
	p0 =	sne.s32 s8, $0x0  }
0xb: {  	s2 =	sadd.s32 s2, s0;
	s0 =	sadd.s32 s6, s0;
	s24 =	sshrl.u32 s7, $0x1  }
0xc: {  	s9 =	sshrl.u32 s9, $0x2;
	s14 =	ssub.s32 s7, s24;
	s6 =	sadd.s32 $0x3600, s2  }
0xd: {  	s7 =	sadd.s32 $0xD600, s2;
	s9 =	sadd.s32 s9, s3;
	s25 =	sadd.s32 $0x14E04, s0  }
.Ltmp0:
0xe: {  	s26 =	sadd.s32 $0x14E00, s0;
	s10 =	sadd.s32 $0x14E08, s0;
	(pc) =	sbr.rel .LBB2_1-.Ltmp0, $4  }
0xf: {  	s11 =	sadd.s32 $0x14E0C, s0;
	s12 =	sadd.s32 $0xB4E00, s0;
	s13 =	sadd.s32 $0xB4E04, s0  }
0x10: {  	s2 =	sor.u32 $0x1C02, s17;
	s24 =	simm.s32 $0x8800;
	[dreg:$0x4] =	wrdreg s25  }
0x11: {  	s0 =	simm.s32 $0x0;
	[dreg:$0x5] =	wrdreg s26;
	s14 =	smax.u32 s14, $0x1  }
0x12: {  	v0 =	vimm.f32 $1.000000000e+00;
	s19 =	sshrl.u32 s9, $0x3;
	s25 =	simm.s32 $0x7780;
	s26 =	simm.s32 $0x4F00  }
.LBB2_25:
0x13: {  	[sflag:s15] =	ssyncset.done $0x0  }
0x14: {  	s8 =	smov.u32 s13;
	[sflag:s15] =	ssyncadd.s32 $0xFFFFF000  }
.LBB2_26:
0x15: {  	[bflag:$0x0] =	sbarrier.arrive $0xFFFF;
	s0 =	sadd.s32 $0x1, s0  }
0x16: {  	[hbm:s8@s29], [sflag:s18] =	dma.strided [spmem:s19@s30], $0x2800, s23, $0x4   }
0x17: {  	p1 =	sne.s32 s0, s14  }
.Ltmp1:
0x18: {  	_ =	swait.ge [sflag:s15], $0x2800;
	(pc) =	sbr.rel @!p1 .LBB2_27-.Ltmp1, $3  }
0x19: {  	[sflag:s15] =	ssyncset.done $0x0  }
0x1a: {  	[sflag:s15] =	ssyncadd.s32 $0xFFFFD800  }
0x1b: {  	[bflag:$0x0] =	sbarrier.arrive $0xFFFF;
	_ =	sdelay $0x1  }
.LBB2_1:
0x1c: {  	[tilespmem:s4], [sflag:$0x2] =	stream.linear.gather [hbm4b:s6+s4], $0x2800, $0x38;
	[tilespmem:$0x1E800] =	vst v63  }
0x1d: {  	_ =	swait.ge [sflag:s15], $0x2800  }
0x1e: {  	[sflag:s15] =	ssyncset.done $0x0  }
0x1f: {  	s8 =	simm.s32 $0x2800;
	[sflag:s15] =	ssyncadd.s32 $0xFFFFD800  }
0x20: {  	[tilespmem:s8], [sflag:$0x2] =	stream.linear.gather [hbm4b:s7+s4], $0x2800, $0x38;
	[tilespmem:$0x1E800] =	vst v63  }
0x21: {  	_ =	swait.ge [sflag:s15], $0x2800  }
0x22: {  	[sflag:s15] =	ssyncset.done $0x0  }
0x23: {  	s9 =	simm.s32 $0x0;
	s8 =	simm.s32 $0x80;
	[sflag:s15] =	ssyncadd.s32 $0xFFFFD800  }
.LBB2_2:
0x24: {  	p1 =	sne.s32 s8, $0x3F80;
	[tilespmem:s9+$0x1D800] =	vst v0;
	s16 =	smov.u32 s8;
	s8 =	sadd.s32 $0x80, s8  }
.Ltmp2:
0x25: {  	[tilespmem:s9+$0x1D810] =	vst v0;
	(pc) =	sbr.rel @p1 .LBB2_2-.Ltmp2, $2  }
0x26: {  	_ =	sdelay $0x2  }
0x27: {  	s9 =	sshra.s32 s16, $0x2  }
.Ltmp3:
0x28: {  	(pc) =	sbr.rel @p0 .LBB2_15-.Ltmp3, $3  }
0x29: {  	_ =	sdelay $0x1  }
0x2a: {  	[tilespmem:s9+$0x1D800] =	vst v0  }
0x2b: {  	[tilespmem:s9+$0x1D810] =	vst v0;
	s16 =	simm.s32 $0x0  }
0x2c: {  	v2 =	vld [tilespmem:s16+$0x70]  }
0x2d: {  	v5 =	vld [tilespmem:s16+$0x0]  }
0x2e: {  	v6 =	vld [tilespmem:s16+$0x10]  }
0x2f: {  	v4 =	vld [tilespmem:s16+$0x20]  }
0x30: {  	v3 =	vld [tilespmem:s16+$0x30]  }
0x31: {  	v1 =	vld [tilespmem:s16+$0x40];
	v7 =	vshll.u32 v2, $0x2  }
0x32: {  	v2 =	vld [tilespmem:s16+$0x50];
	v5 =	vshll.u32 v5, $0x2;
	[tilespmem:s16+$0x5070] =	vst v7  }
0x33: {  	s8 =	simm.s32 $0x80;
	s9 =	simm.s32 $0x400;
	v6 =	vshll.u32 v6, $0x2;
	[tilespmem:s16+$0x5000] =	vst v5;
	v5 =	vld [tilespmem:s16+$0x60]  }
.LBB2_5:
0x34: {  	p1 =	sne.s32 s9, $0x9E00;
	v7 =	vld [tilespmem:s8+$0x70];
	[tilespmem:s16+$0x5010] =	vst v6;
	v4 =	vshll.u32 v4, $0x2  }
0x35: {  	v6 =	vld [tilespmem:s8+$0x0];
	[tilespmem:s16+$0x5020] =	vst v4;
	v3 =	vshll.u32 v3, $0x2  }
0x36: {  	v8 =	vld [tilespmem:s8+$0x10];
	[tilespmem:s16+$0x5030] =	vst v3;
	v1 =	vshll.u32 v1, $0x2  }
.Ltmp4:
0x37: {  	v4 =	vld [tilespmem:s8+$0x20];
	[tilespmem:s16+$0x5040] =	vst v1;
	v1 =	vshll.u32 v2, $0x2;
	(pc) =	sbr.rel @p1 .LBB2_5-.Ltmp4, $4  }
0x38: {  	v3 =	vld [tilespmem:s8+$0x30];
	[tilespmem:s16+$0x5050] =	vst v1;
	v2 =	vshll.u32 v5, $0x2  }
0x39: {  	v1 =	vld [tilespmem:s8+$0x40];
	v5 =	vshll.u32 v7, $0x2;
	[tilespmem:s16+$0x5060] =	vst v2;
	s16 =	smov.u32 s8  }
0x3a: {  	v6 =	vshll.u32 v6, $0x2;
	v2 =	vld [tilespmem:s16+$0x50];
	[tilespmem:s16+$0x5070] =	vst v5  }
0x3b: {  	s8 =	sshra.s32 s9, $0x2;
	s9 =	sadd.s32 $0x200, s9;
	[tilespmem:s16+$0x5000] =	vst v6;
	v6 =	vshll.u32 v8, $0x2;
	v5 =	vld [tilespmem:s16+$0x60]  }
0x3c: {  	v7 =	vld [tilespmem:s8+$0x70];
	[tilespmem:s16+$0x5010] =	vst v6;
	v4 =	vshll.u32 v4, $0x2  }
0x3d: {  	v6 =	vld [tilespmem:s8+$0x0];
	[tilespmem:s16+$0x5020] =	vst v4;
	v3 =	vshll.u32 v3, $0x2  }
0x3e: {  	v4 =	vld [tilespmem:s8+$0x10];
	[tilespmem:s16+$0x5030] =	vst v3;
	v1 =	vshll.u32 v1, $0x2  }
0x3f: {  	v3 =	vld [tilespmem:s8+$0x20];
	[tilespmem:s16+$0x5040] =	vst v1;
	v1 =	vshll.u32 v2, $0x2  }
0x40: {  	v2 =	vld [tilespmem:s8+$0x30];
	[tilespmem:s16+$0x5050] =	vst v1;
	v1 =	vshll.u32 v5, $0x2  }
0x41: {  	v61 =	vld [tilespmem:s8+$0x40];
	[tilespmem:s16+$0x5060] =	vst v1;
	v1 =	vshll.u32 v7, $0x2  }
0x42: {  	v62 =	vld [tilespmem:s8+$0x50];
	v6 =	vshll.u32 v6, $0x2;
	[tilespmem:s8+$0x5070] =	vst v1  }
0x43: {  	v63 =	vld [tilespmem:s8+$0x60];
	[tilespmem:s8+$0x5000] =	vst v6;
	v1 =	vshll.u32 v4, $0x2  }
0x44: {  	[tilespmem:s8+$0x5010] =	vst v1;
	v1 =	vshll.u32 v3, $0x2  }
0x45: {  	[tilespmem:s8+$0x5020] =	vst v1;
	v1 =	vshll.u32 v2, $0x2  }
0x46: {  	[tilespmem:s8+$0x5030] =	vst v1;
	v1 =	vshll.u32 v61, $0x2  }
0x47: {  	[tilespmem:s8+$0x5040] =	vst v1;
	v1 =	vshll.u32 v62, $0x2  }
0x48: {  	[tilespmem:s8+$0x5050] =	vst v1;
	v1 =	vshll.u32 v63, $0x2  }
0x49: {  	[tilespmem:s8+$0x5060] =	vst v1  }
0x4a: {  	[spmem:s19], [sflag:s2] =	dma.local [hbm:s5], $0x2800  }
0x4b: {  	_ =	swait.ge [sflag:s15], $0x2800  }
0x4c: {  	[sflag:s15] =	ssyncset.done $0x0  }
0x4d: {  	[sflag:s15] =	ssyncadd.s32 $0xFFFFD800  }
0x4e: {  	[bflag:$0x0] =	sbarrier.arrive $0xFFFF  }
0x4f: {  	[tilespmem:s22], [sflag:$0x1] =	stream.indirect.gather [hbm4b:s1+s20], $0x20, s21, s20, $0xb8;
	[tilespmem:$0x1E800] =	vst v63  }
0x50: {  	_ =	swait.ge [sflag:s23], $0x1000  }
0x51: {  	[sflag:s23] =	ssyncset.done $0x0  }
0x52: {  	s18 =	simm.s32 $0x5080;
	[sflag:s23] =	ssyncadd.s32 $0xFFFFF000  }
0x53: {  	[tilespmem:s24], [sflag:$0x1] =	stream.indirect.gather [hbm4b:s1+s20], $0x20, s18, s20, $0xb8;
	[tilespmem:$0x1E800] =	vst v63  }
0x54: {  	s9 =	simm.s32 $0x2800  }
0x55: {  	[spmem:s3] =	stream.indirect.scatter.add.f32 [tilespmem:s22], [sflag:$0x2], $0x20, s9, s20, $0xb8;
	[tilespmem:$0x1E800] =	vst v63  }
0x56: {  	_ =	swait.ge [sflag:s15], $0x1000  }
0x57: {  	[sflag:s15] =	ssyncset.done $0x0  }
0x58: {  	[sflag:s15] =	ssyncadd.s32 $0xFFFFF000  }
0x59: {  	_ =	swait.ge [sflag:s23], $0x1000  }
0x5a: {  	[sflag:s23] =	ssyncset.done $0x0  }
0x5b: {  	s16 =	simm.s32 $0x5100;
	[sflag:s23] =	ssyncadd.s32 $0xFFFFF000  }
0x5c: {  	[tilespmem:s22], [sflag:$0x1] =	stream.indirect.gather [hbm4b:s1+s20], $0x20, s16, s20, $0xb8;
	[tilespmem:$0x1E800] =	vst v63  }
0x5d: {  	s18 =	simm.s32 $0x2880  }
0x5e: {  	[spmem:s3] =	stream.indirect.scatter.add.f32 [tilespmem:s24], [sflag:$0x2], $0x20, s18, s20, $0xb8;
	[tilespmem:$0x1E800] =	vst v63  }
0x5f: {  	_ =	swait.ge [sflag:s15], $0x1000  }
0x60: {  	s8 =	simm.s32 $0x400;
	[sflag:s15] =	ssyncset.done $0x0  }
.LBB2_7:
0x61: {  	p1 =	sne.s32 s8, $0x9800  }
0x62: {  	[sflag:s15] =	ssyncadd.s32 $0xFFFFF000;
	s9 =	smov.u32 s8;
	s8 =	sadd.s32 $0x400, s8  }
0x63: {  	_ = 	snop  }
0x64: {  	_ =	swait.ge [sflag:s23], $0x1000  }
0x65: {  	s9 =	sshra.s32 s9, $0x2;
	[sflag:s23] =	ssyncset.done $0x0  }
0x66: {  	s16 =	sadd.s32 $0x5080, s9;
	[sflag:s23] =	ssyncadd.s32 $0xFFFFF000  }
0x67: {  	[tilespmem:s24], [sflag:$0x1] =	stream.indirect.gather [hbm4b:s1+s20], $0x20, s16, s20, $0xb8;
	[tilespmem:$0x1E800] =	vst v63  }
0x68: {  	s16 =	sadd.s32 $0x2800, s9  }
0x69: {  	[spmem:s3] =	stream.indirect.scatter.add.f32 [tilespmem:s22], [sflag:$0x2], $0x20, s16, s20, $0xb8;
	[tilespmem:$0x1E800] =	vst v63  }
0x6a: {  	_ =	swait.ge [sflag:s15], $0x1000  }
0x6b: {  	[sflag:s15] =	ssyncset.done $0x0  }
0x6c: {  	[sflag:s15] =	ssyncadd.s32 $0xFFFFF000  }
0x6d: {  	_ =	swait.ge [sflag:s23], $0x1000  }
0x6e: {  	[sflag:s23] =	ssyncset.done $0x0  }
0x6f: {  	s16 =	sadd.s32 $0x5100, s9;
	[sflag:s23] =	ssyncadd.s32 $0xFFFFF000  }
0x70: {  	[tilespmem:s22], [sflag:$0x1] =	stream.indirect.gather [hbm4b:s1+s20], $0x20, s16, s20, $0xb8;
	[tilespmem:$0x1E800] =	vst v63  }
.Ltmp5:
0x71: {  	_ = 	snop;
	(pc) =	sbr.rel @p1 .LBB2_7-.Ltmp5, $4  }
0x72: {  	s9 =	sadd.s32 $0x2880, s9  }
0x73: {  	[spmem:s3] =	stream.indirect.scatter.add.f32 [tilespmem:s24], [sflag:$0x2], $0x20, s9, s20, $0xb8;
	[tilespmem:$0x1E800] =	vst v63  }
0x74: {  	_ =	swait.ge [sflag:s15], $0x1000  }
0x75: {  	[sflag:s15] =	ssyncset.done $0x0  }
0x76: {  	[sflag:s15] =	ssyncadd.s32 $0xFFFFF000  }
0x77: {  	_ =	swait.ge [sflag:s23], $0x1000  }
0x78: {  	[sflag:s23] =	ssyncset.done $0x0  }
0x79: {  	[sflag:s23] =	ssyncadd.s32 $0xFFFFF000  }
0x7a: {  	[tilespmem:s24], [sflag:$0x1] =	stream.indirect.gather [hbm4b:s1+s20], $0x20, s25, s20, $0xb8;
	[tilespmem:$0x1E800] =	vst v63  }
0x7b: {  	_ = 	snop  }
0x7c: {  	[spmem:s3] =	stream.indirect.scatter.add.f32 [tilespmem:s22], [sflag:$0x2], $0x20, s26, s20, $0xb8;
	[tilespmem:$0x1E800] =	vst v63  }
0x7d: {  	_ =	swait.ge [sflag:s15], $0x1000  }
0x7e: {  	[sflag:s15] =	ssyncset.done $0x0  }
0x7f: {  	[sflag:s15] =	ssyncadd.s32 $0xFFFFF000  }
0x80: {  	_ =	swait.ge [sflag:s23], $0x1000  }
0x81: {  	[sflag:s23] =	ssyncset.done $0x0  }
0x82: {  	[sflag:s23] =	ssyncadd.s32 $0xFFFFF000  }
0x83: {  	[tilespmem:s22], [sflag:$0x1] =	stream.indirect.gather [hbm4b:s1+s20], $0x20, s25, s20, $0xb8;
	[tilespmem:$0x1E800] =	vst v63  }
0x84: {  	_ = 	snop  }
0x85: {  	[spmem:s3] =	stream.indirect.scatter.add.f32 [tilespmem:s24], [sflag:$0x2], $0x20, s28, s20, $0xb8;
	[tilespmem:$0x1E800] =	vst v63  }
0x86: {  	_ =	swait.ge [sflag:s15], $0x1000  }
0x87: {  	[sflag:s15] =	ssyncset.done $0x0  }
0x88: {  	[sflag:s15] =	ssyncadd.s32 $0xFFFFF000  }
0x89: {  	_ =	swait.ge [sflag:s23], $0x1000  }
0x8a: {  	[sflag:s23] =	ssyncset.done $0x0  }
0x8b: {  	[sflag:s23] =	ssyncadd.s32 $0xFFFFF000  }
0x8c: {  	[bflag:$0x0] =	sbarrier.arrive $0xFFFF  }
0x8d: {  	s8 =	rddreg [dreg:$0x5]  }
0x8e: {  	[hbm:s8@s29], [sflag:s2] =	dma.strided [spmem:s19@s30], $0x2800, s23, $0x4   }
0x8f: {  	_ =	swait.ge [sflag:s15], $0x2800  }
0x90: {  	[sflag:s15] =	ssyncset.done $0x0  }
0x91: {  	[sflag:s15] =	ssyncadd.s32 $0xFFFFD800  }
0x92: {  	s16 =	simm.s32 $0x0;
	[bflag:$0x0] =	sbarrier.arrive $0xFFFF  }
0x93: {  	v1 =	vld [tilespmem:s16+$0x70]  }
0x94: {  	v3 =	vld [tilespmem:s16+$0x0]  }
0x95: {  	v7 =	vld [tilespmem:s16+$0x10]  }
0x96: {  	v5 =	vld [tilespmem:s16+$0x20]  }
0x97: {  	v4 =	vld [tilespmem:s16+$0x30]  }
0x98: {  	v2 =	vld [tilespmem:s16+$0x40];
	v6 =	vshll.u32 v1, $0x2  }
0x99: {  	v1 =	vld [tilespmem:s16+$0x50];
	v8 =	vshll.u32 v3, $0x2;
	v9 =	vor.u32 $0x2, v6  }
0x9a: {  	s18 =	simm.s32 $0x80;
	s8 =	simm.s32 $0x400;
	v3 =	vld [tilespmem:s16+$0x60];
	v7 =	vshll.u32 v7, $0x2;
	v6 =	vor.u32 $0x2, v8;
	[tilespmem:s16+$0x5070] =	vst v9  }
.LBB2_9:
0x9b: {  	p1 =	sne.s32 s8, $0x9E00;
	v8 =	vld [tilespmem:s18+$0x70];
	[tilespmem:s16+$0x5000] =	vst v6;
	v6 =	vor.u32 $0x2, v7;
	v5 =	vshll.u32 v5, $0x2  }
0x9c: {  	v7 =	vld [tilespmem:s18+$0x0];
	[tilespmem:s16+$0x5010] =	vst v6;
	v5 =	vor.u32 $0x2, v5;
	v4 =	vshll.u32 v4, $0x2  }
0x9d: {  	v9 =	vld [tilespmem:s18+$0x10];
	[tilespmem:s16+$0x5020] =	vst v5;
	v4 =	vor.u32 $0x2, v4;
	v2 =	vshll.u32 v2, $0x2  }
.Ltmp6:
0x9e: {  	v5 =	vld [tilespmem:s18+$0x20];
	[tilespmem:s16+$0x5030] =	vst v4;
	v2 =	vor.u32 $0x2, v2;
	v1 =	vshll.u32 v1, $0x2;
	(pc) =	sbr.rel @p1 .LBB2_9-.Ltmp6, $4  }
0x9f: {  	v4 =	vld [tilespmem:s18+$0x30];
	[tilespmem:s16+$0x5040] =	vst v2;
	v1 =	vor.u32 $0x2, v1;
	v3 =	vshll.u32 v3, $0x2  }
0xa0: {  	v2 =	vld [tilespmem:s18+$0x40];
	v6 =	vshll.u32 v8, $0x2;
	[tilespmem:s16+$0x5050] =	vst v1;
	v3 =	vor.u32 $0x2, v3  }
0xa1: {  	v7 =	vshll.u32 v7, $0x2;
	v1 =	vld [tilespmem:s18+$0x50];
	v8 =	vor.u32 $0x2, v6;
	[tilespmem:s16+$0x5060] =	vst v3;
	s16 =	smov.u32 s18  }
0xa2: {  	s18 =	sshra.s32 s8, $0x2;
	s8 =	sadd.s32 $0x200, s8;
	v6 =	vor.u32 $0x2, v7;
	v7 =	vshll.u32 v9, $0x2;
	v3 =	vld [tilespmem:s16+$0x60];
	[tilespmem:s16+$0x5070] =	vst v8  }
0xa3: {  	v8 =	vld [tilespmem:s18+$0x70];
	[tilespmem:s16+$0x5000] =	vst v6;
	v60 =	vor.u32 $0x2, v7;
	v5 =	vshll.u32 v5, $0x2  }
0xa4: {  	v61 =	vld [tilespmem:s18+$0x0];
	[tilespmem:s16+$0x5010] =	vst v60;
	v5 =	vor.u32 $0x2, v5;
	v4 =	vshll.u32 v4, $0x2  }
0xa5: {  	v6 =	vld [tilespmem:s18+$0x10];
	[tilespmem:s16+$0x5020] =	vst v5;
	v4 =	vor.u32 $0x2, v4;
	v2 =	vshll.u32 v2, $0x2  }
0xa6: {  	v5 =	vld [tilespmem:s18+$0x20];
	[tilespmem:s16+$0x5030] =	vst v4;
	v2 =	vor.u32 $0x2, v2;
	v1 =	vshll.u32 v1, $0x2  }
0xa7: {  	v4 =	vld [tilespmem:s18+$0x30];
	[tilespmem:s16+$0x5040] =	vst v2;
	v1 =	vor.u32 $0x2, v1;
	v3 =	vshll.u32 v3, $0x2  }
0xa8: {  	v2 =	vld [tilespmem:s18+$0x40];
	[tilespmem:s16+$0x5050] =	vst v1;
	v1 =	vor.u32 $0x2, v3;
	v8 =	vshll.u32 v8, $0x2  }
0xa9: {  	v3 =	vld [tilespmem:s18+$0x50];
	[tilespmem:s16+$0x5060] =	vst v1;
	v1 =	vshll.u32 v61, $0x2;
	v62 =	vor.u32 $0x2, v8  }
0xaa: {  	v63 =	vld [tilespmem:s18+$0x60];
	v1 =	vor.u32 $0x2, v1;
	v6 =	vshll.u32 v6, $0x2;
	[tilespmem:s18+$0x5070] =	vst v62  }
0xab: {  	[tilespmem:s18+$0x5000] =	vst v1;
	v1 =	vor.u32 $0x2, v6;
	v5 =	vshll.u32 v5, $0x2  }
0xac: {  	[tilespmem:s18+$0x5010] =	vst v1;
	v1 =	vor.u32 $0x2, v5;
	v4 =	vshll.u32 v4, $0x2  }
0xad: {  	[tilespmem:s18+$0x5020] =	vst v1;
	v1 =	vor.u32 $0x2, v4;
	v2 =	vshll.u32 v2, $0x2  }
0xae: {  	[tilespmem:s18+$0x5030] =	vst v1;
	v1 =	vor.u32 $0x2, v2;
	v2 =	vshll.u32 v3, $0x2  }
0xaf: {  	[tilespmem:s18+$0x5040] =	vst v1;
	v1 =	vor.u32 $0x2, v2;
	v2 =	vshll.u32 v63, $0x2  }
0xb0: {  	[tilespmem:s18+$0x5050] =	vst v1;
	v1 =	vor.u32 $0x2, v2  }
0xb1: {  	[tilespmem:s18+$0x5060] =	vst v1  }
0xb2: {  	[spmem:s19], [sflag:s2] =	dma.local [hbm:s5], $0x2800  }
0xb3: {  	_ =	swait.ge [sflag:s15], $0x2800  }
0xb4: {  	[sflag:s15] =	ssyncset.done $0x0  }
0xb5: {  	[sflag:s15] =	ssyncadd.s32 $0xFFFFD800  }
0xb6: {  	[bflag:$0x0] =	sbarrier.arrive $0xFFFF  }
0xb7: {  	[tilespmem:s22], [sflag:$0x1] =	stream.indirect.gather [hbm4b:s1+s20], $0x20, s21, s20, $0xb8;
	[tilespmem:$0x1E800] =	vst v63  }
0xb8: {  	_ =	swait.ge [sflag:s23], $0x1000  }
0xb9: {  	[sflag:s23] =	ssyncset.done $0x0  }
0xba: {  	s8 =	simm.s32 $0x5080;
	[sflag:s23] =	ssyncadd.s32 $0xFFFFF000  }
0xbb: {  	[tilespmem:s24], [sflag:$0x1] =	stream.indirect.gather [hbm4b:s1+s20], $0x20, s8, s20, $0xb8;
	[tilespmem:$0x1E800] =	vst v63  }
0xbc: {  	s9 =	simm.s32 $0x2800  }
0xbd: {  	[spmem:s3] =	stream.indirect.scatter.add.f32 [tilespmem:s22], [sflag:$0x2], $0x20, s9, s20, $0xb8;
	[tilespmem:$0x1E800] =	vst v63  }
0xbe: {  	_ =	swait.ge [sflag:s15], $0x1000  }
0xbf: {  	[sflag:s15] =	ssyncset.done $0x0  }
0xc0: {  	[sflag:s15] =	ssyncadd.s32 $0xFFFFF000  }
0xc1: {  	_ =	swait.ge [sflag:s23], $0x1000  }
0xc2: {  	[sflag:s23] =	ssyncset.done $0x0  }
0xc3: {  	s16 =	simm.s32 $0x5100;
	[sflag:s23] =	ssyncadd.s32 $0xFFFFF000  }
0xc4: {  	[tilespmem:s22], [sflag:$0x1] =	stream.indirect.gather [hbm4b:s1+s20], $0x20, s16, s20, $0xb8;
	[tilespmem:$0x1E800] =	vst v63  }
0xc5: {  	s18 =	simm.s32 $0x2880  }
0xc6: {  	[spmem:s3] =	stream.indirect.scatter.add.f32 [tilespmem:s24], [sflag:$0x2], $0x20, s18, s20, $0xb8;
	[tilespmem:$0x1E800] =	vst v63  }
0xc7: {  	_ =	swait.ge [sflag:s15], $0x1000  }
0xc8: {  	s8 =	simm.s32 $0x400;
	[sflag:s15] =	ssyncset.done $0x0  }
.LBB2_11:
0xc9: {  	p1 =	seq.s32 s8, $0x9800  }
0xca: {  	[sflag:s15] =	ssyncadd.s32 $0xFFFFF000;
	s9 =	smov.u32 s8;
	s8 =	sadd.s32 $0x400, s8  }
0xcb: {  	_ = 	snop  }
0xcc: {  	_ =	swait.ge [sflag:s23], $0x1000  }
0xcd: {  	s9 =	sshra.s32 s9, $0x2;
	[sflag:s23] =	ssyncset.done $0x0  }
0xce: {  	s16 =	sadd.s32 $0x5080, s9;
	[sflag:s23] =	ssyncadd.s32 $0xFFFFF000  }
0xcf: {  	[tilespmem:s24], [sflag:$0x1] =	stream.indirect.gather [hbm4b:s1+s20], $0x20, s16, s20, $0xb8;
	[tilespmem:$0x1E800] =	vst v63  }
0xd0: {  	s16 =	sadd.s32 $0x2800, s9  }
0xd1: {  	[spmem:s3] =	stream.indirect.scatter.add.f32 [tilespmem:s22], [sflag:$0x2], $0x20, s16, s20, $0xb8;
	[tilespmem:$0x1E800] =	vst v63  }
0xd2: {  	_ =	swait.ge [sflag:s15], $0x1000  }
0xd3: {  	[sflag:s15] =	ssyncset.done $0x0  }
0xd4: {  	[sflag:s15] =	ssyncadd.s32 $0xFFFFF000  }
0xd5: {  	_ =	swait.ge [sflag:s23], $0x1000  }
0xd6: {  	[sflag:s23] =	ssyncset.done $0x0  }
0xd7: {  	s16 =	sadd.s32 $0x5100, s9;
	[sflag:s23] =	ssyncadd.s32 $0xFFFFF000  }
0xd8: {  	[tilespmem:s22], [sflag:$0x1] =	stream.indirect.gather [hbm4b:s1+s20], $0x20, s16, s20, $0xb8;
	[tilespmem:$0x1E800] =	vst v63  }
.Ltmp7:
0xd9: {  	_ = 	snop;
	(pc) =	sbr.rel @!p1 .LBB2_11-.Ltmp7, $4  }
0xda: {  	s9 =	sadd.s32 $0x2880, s9  }
0xdb: {  	[spmem:s3] =	stream.indirect.scatter.add.f32 [tilespmem:s24], [sflag:$0x2], $0x20, s9, s20, $0xb8;
	[tilespmem:$0x1E800] =	vst v63  }
0xdc: {  	_ =	swait.ge [sflag:s15], $0x1000  }
0xdd: {  	[sflag:s15] =	ssyncset.done $0x0  }
0xde: {  	[sflag:s15] =	ssyncadd.s32 $0xFFFFF000  }
0xdf: {  	_ =	swait.ge [sflag:s23], $0x1000  }
0xe0: {  	[sflag:s23] =	ssyncset.done $0x0  }
0xe1: {  	[sflag:s23] =	ssyncadd.s32 $0xFFFFF000  }
0xe2: {  	[tilespmem:s24], [sflag:$0x1] =	stream.indirect.gather [hbm4b:s1+s20], $0x20, s25, s20, $0xb8;
	[tilespmem:$0x1E800] =	vst v63  }
0xe3: {  	_ = 	snop  }
0xe4: {  	[spmem:s3] =	stream.indirect.scatter.add.f32 [tilespmem:s22], [sflag:$0x2], $0x20, s26, s20, $0xb8;
	[tilespmem:$0x1E800] =	vst v63  }
0xe5: {  	_ =	swait.ge [sflag:s15], $0x1000  }
0xe6: {  	[sflag:s15] =	ssyncset.done $0x0  }
0xe7: {  	[sflag:s15] =	ssyncadd.s32 $0xFFFFF000  }
0xe8: {  	_ =	swait.ge [sflag:s23], $0x1000  }
0xe9: {  	[sflag:s23] =	ssyncset.done $0x0  }
0xea: {  	[sflag:s23] =	ssyncadd.s32 $0xFFFFF000  }
0xeb: {  	[tilespmem:s22], [sflag:$0x1] =	stream.indirect.gather [hbm4b:s1+s20], $0x20, s25, s20, $0xb8;
	[tilespmem:$0x1E800] =	vst v63  }
0xec: {  	_ = 	snop  }
0xed: {  	[spmem:s3] =	stream.indirect.scatter.add.f32 [tilespmem:s24], [sflag:$0x2], $0x20, s28, s20, $0xb8;
	[tilespmem:$0x1E800] =	vst v63  }
0xee: {  	_ =	swait.ge [sflag:s15], $0x1000  }
0xef: {  	[sflag:s15] =	ssyncset.done $0x0  }
0xf0: {  	[sflag:s15] =	ssyncadd.s32 $0xFFFFF000  }
0xf1: {  	_ =	swait.ge [sflag:s23], $0x1000  }
0xf2: {  	[sflag:s23] =	ssyncset.done $0x0  }
0xf3: {  	[sflag:s23] =	ssyncadd.s32 $0xFFFFF000  }
0xf4: {  	[bflag:$0x0] =	sbarrier.arrive $0xFFFF  }
0xf5: {  	[hbm:s10@s29], [sflag:s2] =	dma.strided [spmem:s19@s30], $0x2800, s23, $0x4   }
0xf6: {  	_ =	swait.ge [sflag:s15], $0x2800  }
0xf7: {  	[sflag:s15] =	ssyncset.done $0x0  }
0xf8: {  	[sflag:s15] =	ssyncadd.s32 $0xFFFFD800  }
0xf9: {  	[bflag:$0x0] =	sbarrier.arrive $0xFFFF  }
0xfa: {  	[spmem:s19], [sflag:s2] =	dma.local [hbm:s5], $0x2800  }
0xfb: {  	_ =	swait.ge [sflag:s15], $0x2800  }
0xfc: {  	[sflag:s15] =	ssyncset.done $0x0  }
0xfd: {  	[sflag:s15] =	ssyncadd.s32 $0xFFFFD800  }
0xfe: {  	s8 =	simm.s32 $0x2800;
	[bflag:$0x0] =	sbarrier.arrive $0xFFFF  }
0xff: {  	[spmem:s3] =	stream.indirect.scatter.add.f32 [tilespmem:s31], [sflag:$0x2], $0x20, s8, s20, $0xb8;
	[tilespmem:$0x1E800] =	vst v63  }
0x100: {  	s8 =	simm.s32 $0x200;
	_ =	swait.ge [sflag:s15], $0x1000  }
.LBB2_13:
0x101: {  	s9 =	sshra.s32 s8, $0x2;
	[sflag:s15] =	ssyncset.done $0x0;
	p1 =	seq.s32 s8, $0x4E00  }
.Ltmp8:
0x102: {  	s9 =	sadd.s32 $0x2800, s9;
	[sflag:s15] =	ssyncadd.s32 $0xFFFFF000;
	(pc) =	sbr.rel @!p1 .LBB2_13-.Ltmp8, $3  }
0x103: {  	[spmem:s3] =	stream.indirect.scatter.add.f32 [tilespmem:s31], [sflag:$0x2], $0x20, s9, s20, $0xb8;
	[tilespmem:$0x1E800] =	vst v63  }
0x104: {  	s8 =	sadd.s32 $0x200, s8;
	_ =	sdelay $0x1  }
0x105: {  	_ =	swait.ge [sflag:s15], $0x1000  }
.Ltmp9:
0x106: {  	(pc) =	sbr.rel .LBB2_26-.Ltmp9, $3  }
0x107: {  	_ =	sdelay $0x1  }
0x108: {  	[sflag:s15] =	ssyncset.done $0x0  }
0x109: {  	s8 =	smov.u32 s12;
	s18 =	smov.u32 s2;
	[sflag:s15] =	ssyncadd.s32 $0xFFFFF000  }
.LBB2_15:
0x10a: {  	v1 =	vld [tilespmem:s16+$0x70]  }
0x10b: {  	v3 =	vld [tilespmem:s16+$0x0]  }
0x10c: {  	v7 =	vld [tilespmem:s16+$0x10]  }
0x10d: {  	v5 =	vld [tilespmem:s16+$0x20]  }
0x10e: {  	v4 =	vld [tilespmem:s16+$0x30]  }
0x10f: {  	v2 =	vld [tilespmem:s16+$0x40];
	v6 =	vshll.u32 v1, $0x2  }
0x110: {  	v1 =	vld [tilespmem:s16+$0x50];
	v8 =	vshll.u32 v3, $0x2;
	v9 =	vor.u32 $0x1, v6  }
0x111: {  	s18 =	simm.s32 $0x80;
	s8 =	simm.s32 $0x400;
	v3 =	vld [tilespmem:s16+$0x60];
	v7 =	vshll.u32 v7, $0x2;
	v6 =	vor.u32 $0x1, v8;
	[tilespmem:s16+$0x5070] =	vst v9  }
.LBB2_16:
0x112: {  	p1 =	sne.s32 s8, $0x9E00;
	v8 =	vld [tilespmem:s18+$0x70];
	[tilespmem:s16+$0x5000] =	vst v6;
	v6 =	vor.u32 $0x1, v7;
	v5 =	vshll.u32 v5, $0x2  }
0x113: {  	v7 =	vld [tilespmem:s18+$0x0];
	[tilespmem:s16+$0x5010] =	vst v6;
	v5 =	vor.u32 $0x1, v5;
	v4 =	vshll.u32 v4, $0x2  }
0x114: {  	v9 =	vld [tilespmem:s18+$0x10];
	[tilespmem:s16+$0x5020] =	vst v5;
	v4 =	vor.u32 $0x1, v4;
	v2 =	vshll.u32 v2, $0x2  }
.Ltmp10:
0x115: {  	v5 =	vld [tilespmem:s18+$0x20];
	[tilespmem:s16+$0x5030] =	vst v4;
	v2 =	vor.u32 $0x1, v2;
	v1 =	vshll.u32 v1, $0x2;
	(pc) =	sbr.rel @p1 .LBB2_16-.Ltmp10, $4  }
0x116: {  	v4 =	vld [tilespmem:s18+$0x30];
	[tilespmem:s16+$0x5040] =	vst v2;
	v1 =	vor.u32 $0x1, v1;
	v3 =	vshll.u32 v3, $0x2  }
0x117: {  	v2 =	vld [tilespmem:s18+$0x40];
	v6 =	vshll.u32 v8, $0x2;
	[tilespmem:s16+$0x5050] =	vst v1;
	v3 =	vor.u32 $0x1, v3  }
0x118: {  	v7 =	vshll.u32 v7, $0x2;
	v1 =	vld [tilespmem:s18+$0x50];
	v8 =	vor.u32 $0x1, v6;
	[tilespmem:s16+$0x5060] =	vst v3;
	s16 =	smov.u32 s18  }
0x119: {  	s18 =	sshra.s32 s8, $0x2;
	s8 =	sadd.s32 $0x200, s8;
	v6 =	vor.u32 $0x1, v7;
	v7 =	vshll.u32 v9, $0x2;
	v3 =	vld [tilespmem:s16+$0x60];
	[tilespmem:s16+$0x5070] =	vst v8  }
0x11a: {  	v8 =	vld [tilespmem:s18+$0x70];
	[tilespmem:s16+$0x5000] =	vst v6;
	v60 =	vor.u32 $0x1, v7;
	v5 =	vshll.u32 v5, $0x2  }
0x11b: {  	v61 =	vld [tilespmem:s18+$0x0];
	[tilespmem:s16+$0x5010] =	vst v60;
	v5 =	vor.u32 $0x1, v5;
	v4 =	vshll.u32 v4, $0x2  }
0x11c: {  	v6 =	vld [tilespmem:s18+$0x10];
	[tilespmem:s16+$0x5020] =	vst v5;
	v4 =	vor.u32 $0x1, v4;
	v2 =	vshll.u32 v2, $0x2  }
0x11d: {  	v5 =	vld [tilespmem:s18+$0x20];
	[tilespmem:s16+$0x5030] =	vst v4;
	v2 =	vor.u32 $0x1, v2;
	v1 =	vshll.u32 v1, $0x2  }
0x11e: {  	v4 =	vld [tilespmem:s18+$0x30];
	[tilespmem:s16+$0x5040] =	vst v2;
	v1 =	vor.u32 $0x1, v1;
	v3 =	vshll.u32 v3, $0x2  }
0x11f: {  	v2 =	vld [tilespmem:s18+$0x40];
	[tilespmem:s16+$0x5050] =	vst v1;
	v1 =	vor.u32 $0x1, v3;
	v8 =	vshll.u32 v8, $0x2  }
0x120: {  	v3 =	vld [tilespmem:s18+$0x50];
	[tilespmem:s16+$0x5060] =	vst v1;
	v1 =	vshll.u32 v61, $0x2;
	v62 =	vor.u32 $0x1, v8  }
0x121: {  	v63 =	vld [tilespmem:s18+$0x60];
	v1 =	vor.u32 $0x1, v1;
	v6 =	vshll.u32 v6, $0x2;
	[tilespmem:s18+$0x5070] =	vst v62  }
0x122: {  	[tilespmem:s18+$0x5000] =	vst v1;
	v1 =	vor.u32 $0x1, v6;
	v5 =	vshll.u32 v5, $0x2  }
0x123: {  	[tilespmem:s18+$0x5010] =	vst v1;
	v1 =	vor.u32 $0x1, v5;
	v4 =	vshll.u32 v4, $0x2  }
0x124: {  	[tilespmem:s18+$0x5020] =	vst v1;
	v1 =	vor.u32 $0x1, v4;
	v2 =	vshll.u32 v2, $0x2  }
0x125: {  	[tilespmem:s18+$0x5030] =	vst v1;
	v1 =	vor.u32 $0x1, v2;
	v2 =	vshll.u32 v3, $0x2  }
0x126: {  	[tilespmem:s18+$0x5040] =	vst v1;
	v1 =	vor.u32 $0x1, v2;
	v2 =	vshll.u32 v63, $0x2  }
0x127: {  	[tilespmem:s18+$0x5050] =	vst v1;
	v1 =	vor.u32 $0x1, v2  }
0x128: {  	[tilespmem:s18+$0x5060] =	vst v1;
	s18 =	sor.u32 $0x1C02, s17  }
0x129: {  	[spmem:s19], [sflag:s18] =	dma.local [hbm:s5], $0x2800  }
0x12a: {  	_ =	swait.ge [sflag:s15], $0x2800  }
0x12b: {  	[sflag:s15] =	ssyncset.done $0x0  }
0x12c: {  	[sflag:s15] =	ssyncadd.s32 $0xFFFFD800  }
0x12d: {  	[bflag:$0x0] =	sbarrier.arrive $0xFFFF  }
0x12e: {  	[tilespmem:s22], [sflag:$0x1] =	stream.indirect.gather [hbm4b:s1+s20], $0x20, s21, s20, $0xb8;
	[tilespmem:$0x1E800] =	vst v63  }
0x12f: {  	_ =	swait.ge [sflag:s23], $0x1000  }
0x130: {  	[sflag:s23] =	ssyncset.done $0x0  }
0x131: {  	s8 =	simm.s32 $0x5080;
	[sflag:s23] =	ssyncadd.s32 $0xFFFFF000  }
0x132: {  	[tilespmem:s24], [sflag:$0x1] =	stream.indirect.gather [hbm4b:s1+s20], $0x20, s8, s20, $0xb8;
	[tilespmem:$0x1E800] =	vst v63  }
0x133: {  	s16 =	simm.s32 $0x2800  }
0x134: {  	[spmem:s3] =	stream.indirect.scatter.add.f32 [tilespmem:s22], [sflag:$0x2], $0x20, s16, s20, $0xb8;
	[tilespmem:$0x1E800] =	vst v63  }
0x135: {  	_ =	swait.ge [sflag:s15], $0x1000  }
0x136: {  	[sflag:s15] =	ssyncset.done $0x0  }
0x137: {  	[sflag:s15] =	ssyncadd.s32 $0xFFFFF000  }
0x138: {  	_ =	swait.ge [sflag:s23], $0x1000  }
0x139: {  	[sflag:s23] =	ssyncset.done $0x0  }
0x13a: {  	s9 =	simm.s32 $0x5100;
	[sflag:s23] =	ssyncadd.s32 $0xFFFFF000  }
0x13b: {  	[tilespmem:s22], [sflag:$0x1] =	stream.indirect.gather [hbm4b:s1+s20], $0x20, s9, s20, $0xb8;
	[tilespmem:$0x1E800] =	vst v63  }
0x13c: {  	s16 =	simm.s32 $0x2880  }
0x13d: {  	[spmem:s3] =	stream.indirect.scatter.add.f32 [tilespmem:s24], [sflag:$0x2], $0x20, s16, s20, $0xb8;
	[tilespmem:$0x1E800] =	vst v63  }
0x13e: {  	_ =	swait.ge [sflag:s15], $0x1000  }
0x13f: {  	s8 =	simm.s32 $0x400;
	[sflag:s15] =	ssyncset.done $0x0  }
.LBB2_18:
0x140: {  	p1 =	seq.s32 s8, $0x9800  }
0x141: {  	[sflag:s15] =	ssyncadd.s32 $0xFFFFF000;
	s9 =	smov.u32 s8;
	s8 =	sadd.s32 $0x400, s8  }
0x142: {  	_ = 	snop  }
0x143: {  	_ =	swait.ge [sflag:s23], $0x1000  }
0x144: {  	s9 =	sshra.s32 s9, $0x2;
	[sflag:s23] =	ssyncset.done $0x0  }
0x145: {  	s16 =	sadd.s32 $0x5080, s9;
	[sflag:s23] =	ssyncadd.s32 $0xFFFFF000  }
0x146: {  	[tilespmem:s24], [sflag:$0x1] =	stream.indirect.gather [hbm4b:s1+s20], $0x20, s16, s20, $0xb8;
	[tilespmem:$0x1E800] =	vst v63  }
0x147: {  	s16 =	sadd.s32 $0x2800, s9  }
0x148: {  	[spmem:s3] =	stream.indirect.scatter.add.f32 [tilespmem:s22], [sflag:$0x2], $0x20, s16, s20, $0xb8;
	[tilespmem:$0x1E800] =	vst v63  }
0x149: {  	_ =	swait.ge [sflag:s15], $0x1000  }
0x14a: {  	[sflag:s15] =	ssyncset.done $0x0  }
0x14b: {  	[sflag:s15] =	ssyncadd.s32 $0xFFFFF000  }
0x14c: {  	_ =	swait.ge [sflag:s23], $0x1000  }
0x14d: {  	[sflag:s23] =	ssyncset.done $0x0  }
0x14e: {  	s16 =	sadd.s32 $0x5100, s9;
	[sflag:s23] =	ssyncadd.s32 $0xFFFFF000  }
0x14f: {  	[tilespmem:s22], [sflag:$0x1] =	stream.indirect.gather [hbm4b:s1+s20], $0x20, s16, s20, $0xb8;
	[tilespmem:$0x1E800] =	vst v63  }
.Ltmp11:
0x150: {  	_ = 	snop;
	(pc) =	sbr.rel @!p1 .LBB2_18-.Ltmp11, $4  }
0x151: {  	s9 =	sadd.s32 $0x2880, s9  }
0x152: {  	[spmem:s3] =	stream.indirect.scatter.add.f32 [tilespmem:s24], [sflag:$0x2], $0x20, s9, s20, $0xb8;
	[tilespmem:$0x1E800] =	vst v63  }
0x153: {  	_ =	swait.ge [sflag:s15], $0x1000  }
0x154: {  	[sflag:s15] =	ssyncset.done $0x0  }
0x155: {  	[sflag:s15] =	ssyncadd.s32 $0xFFFFF000  }
0x156: {  	_ =	swait.ge [sflag:s23], $0x1000  }
0x157: {  	[sflag:s23] =	ssyncset.done $0x0  }
0x158: {  	[sflag:s23] =	ssyncadd.s32 $0xFFFFF000  }
0x159: {  	[tilespmem:s24], [sflag:$0x1] =	stream.indirect.gather [hbm4b:s1+s20], $0x20, s25, s20, $0xb8;
	[tilespmem:$0x1E800] =	vst v63  }
0x15a: {  	_ = 	snop  }
0x15b: {  	[spmem:s3] =	stream.indirect.scatter.add.f32 [tilespmem:s22], [sflag:$0x2], $0x20, s26, s20, $0xb8;
	[tilespmem:$0x1E800] =	vst v63  }
0x15c: {  	_ =	swait.ge [sflag:s15], $0x1000  }
0x15d: {  	[sflag:s15] =	ssyncset.done $0x0  }
0x15e: {  	[sflag:s15] =	ssyncadd.s32 $0xFFFFF000  }
0x15f: {  	_ =	swait.ge [sflag:s23], $0x1000  }
0x160: {  	[sflag:s23] =	ssyncset.done $0x0  }
0x161: {  	[sflag:s23] =	ssyncadd.s32 $0xFFFFF000  }
0x162: {  	[tilespmem:s22], [sflag:$0x1] =	stream.indirect.gather [hbm4b:s1+s20], $0x20, s25, s20, $0xb8;
	[tilespmem:$0x1E800] =	vst v63  }
0x163: {  	_ = 	snop  }
0x164: {  	[spmem:s3] =	stream.indirect.scatter.add.f32 [tilespmem:s24], [sflag:$0x2], $0x20, s28, s20, $0xb8;
	[tilespmem:$0x1E800] =	vst v63  }
0x165: {  	_ =	swait.ge [sflag:s15], $0x1000  }
0x166: {  	[sflag:s15] =	ssyncset.done $0x0  }
0x167: {  	[sflag:s15] =	ssyncadd.s32 $0xFFFFF000  }
0x168: {  	_ =	swait.ge [sflag:s23], $0x1000  }
0x169: {  	[sflag:s23] =	ssyncset.done $0x0  }
0x16a: {  	[sflag:s23] =	ssyncadd.s32 $0xFFFFF000  }
0x16b: {  	[bflag:$0x0] =	sbarrier.arrive $0xFFFF  }
0x16c: {  	s8 =	rddreg [dreg:$0x4]  }
0x16d: {  	[hbm:s8@s29], [sflag:s18] =	dma.strided [spmem:s19@s30], $0x2800, s23, $0x4   }
0x16e: {  	_ =	swait.ge [sflag:s15], $0x2800  }
0x16f: {  	[sflag:s15] =	ssyncset.done $0x0  }
0x170: {  	[sflag:s15] =	ssyncadd.s32 $0xFFFFD800  }
0x171: {  	s8 =	simm.s32 $0x0;
	[bflag:$0x0] =	sbarrier.arrive $0xFFFF  }
0x172: {  	v1 =	vld [tilespmem:s8+$0x70]  }
0x173: {  	v3 =	vld [tilespmem:s8+$0x0]  }
0x174: {  	v7 =	vld [tilespmem:s8+$0x10]  }
0x175: {  	v5 =	vld [tilespmem:s8+$0x20]  }
0x176: {  	v4 =	vld [tilespmem:s8+$0x30]  }
0x177: {  	v2 =	vld [tilespmem:s8+$0x40];
	v6 =	vshll.u32 v1, $0x2  }
0x178: {  	v1 =	vld [tilespmem:s8+$0x50];
	v8 =	vshll.u32 v3, $0x2;
	v9 =	vor.u32 $0x3, v6  }
0x179: {  	s16 =	simm.s32 $0x80;
	s9 =	simm.s32 $0x400;
	v3 =	vld [tilespmem:s8+$0x60];
	v7 =	vshll.u32 v7, $0x2;
	v6 =	vor.u32 $0x3, v8;
	[tilespmem:s8+$0x5070] =	vst v9  }
.LBB2_20:
0x17a: {  	p1 =	sne.s32 s9, $0x9E00;
	v8 =	vld [tilespmem:s16+$0x70];
	[tilespmem:s8+$0x5000] =	vst v6;
	v6 =	vor.u32 $0x3, v7;
	v5 =	vshll.u32 v5, $0x2  }
0x17b: {  	v7 =	vld [tilespmem:s16+$0x0];
	[tilespmem:s8+$0x5010] =	vst v6;
	v5 =	vor.u32 $0x3, v5;
	v4 =	vshll.u32 v4, $0x2  }
0x17c: {  	v9 =	vld [tilespmem:s16+$0x10];
	[tilespmem:s8+$0x5020] =	vst v5;
	v4 =	vor.u32 $0x3, v4;
	v2 =	vshll.u32 v2, $0x2  }
.Ltmp12:
0x17d: {  	v5 =	vld [tilespmem:s16+$0x20];
	[tilespmem:s8+$0x5030] =	vst v4;
	v2 =	vor.u32 $0x3, v2;
	v1 =	vshll.u32 v1, $0x2;
	(pc) =	sbr.rel @p1 .LBB2_20-.Ltmp12, $4  }
0x17e: {  	v4 =	vld [tilespmem:s16+$0x30];
	[tilespmem:s8+$0x5040] =	vst v2;
	v1 =	vor.u32 $0x3, v1;
	v3 =	vshll.u32 v3, $0x2  }
0x17f: {  	v2 =	vld [tilespmem:s16+$0x40];
	v6 =	vshll.u32 v8, $0x2;
	[tilespmem:s8+$0x5050] =	vst v1;
	v3 =	vor.u32 $0x3, v3  }
0x180: {  	v7 =	vshll.u32 v7, $0x2;
	v1 =	vld [tilespmem:s16+$0x50];
	v8 =	vor.u32 $0x3, v6;
	[tilespmem:s8+$0x5060] =	vst v3;
	s8 =	smov.u32 s16  }
0x181: {  	s16 =	sshra.s32 s9, $0x2;
	s9 =	sadd.s32 $0x200, s9;
	v6 =	vor.u32 $0x3, v7;
	v7 =	vshll.u32 v9, $0x2;
	v3 =	vld [tilespmem:s8+$0x60];
	[tilespmem:s8+$0x5070] =	vst v8  }
0x182: {  	v8 =	vld [tilespmem:s16+$0x70];
	[tilespmem:s8+$0x5000] =	vst v6;
	v60 =	vor.u32 $0x3, v7;
	v5 =	vshll.u32 v5, $0x2  }
0x183: {  	v61 =	vld [tilespmem:s16+$0x0];
	[tilespmem:s8+$0x5010] =	vst v60;
	v5 =	vor.u32 $0x3, v5;
	v4 =	vshll.u32 v4, $0x2  }
0x184: {  	v6 =	vld [tilespmem:s16+$0x10];
	[tilespmem:s8+$0x5020] =	vst v5;
	v4 =	vor.u32 $0x3, v4;
	v2 =	vshll.u32 v2, $0x2  }
0x185: {  	v5 =	vld [tilespmem:s16+$0x20];
	[tilespmem:s8+$0x5030] =	vst v4;
	v2 =	vor.u32 $0x3, v2;
	v1 =	vshll.u32 v1, $0x2  }
0x186: {  	v4 =	vld [tilespmem:s16+$0x30];
	[tilespmem:s8+$0x5040] =	vst v2;
	v1 =	vor.u32 $0x3, v1;
	v3 =	vshll.u32 v3, $0x2  }
0x187: {  	v2 =	vld [tilespmem:s16+$0x40];
	[tilespmem:s8+$0x5050] =	vst v1;
	v1 =	vor.u32 $0x3, v3;
	v8 =	vshll.u32 v8, $0x2  }
0x188: {  	v3 =	vld [tilespmem:s16+$0x50];
	[tilespmem:s8+$0x5060] =	vst v1;
	v1 =	vshll.u32 v61, $0x2;
	v62 =	vor.u32 $0x3, v8  }
0x189: {  	v63 =	vld [tilespmem:s16+$0x60];
	v1 =	vor.u32 $0x3, v1;
	v6 =	vshll.u32 v6, $0x2;
	[tilespmem:s16+$0x5070] =	vst v62  }
0x18a: {  	[tilespmem:s16+$0x5000] =	vst v1;
	v1 =	vor.u32 $0x3, v6;
	v5 =	vshll.u32 v5, $0x2  }
0x18b: {  	[tilespmem:s16+$0x5010] =	vst v1;
	v1 =	vor.u32 $0x3, v5;
	v4 =	vshll.u32 v4, $0x2  }
0x18c: {  	[tilespmem:s16+$0x5020] =	vst v1;
	v1 =	vor.u32 $0x3, v4;
	v2 =	vshll.u32 v2, $0x2  }
0x18d: {  	[tilespmem:s16+$0x5030] =	vst v1;
	v1 =	vor.u32 $0x3, v2;
	v2 =	vshll.u32 v3, $0x2  }
0x18e: {  	[tilespmem:s16+$0x5040] =	vst v1;
	v1 =	vor.u32 $0x3, v2;
	v2 =	vshll.u32 v63, $0x2  }
0x18f: {  	[tilespmem:s16+$0x5050] =	vst v1;
	v1 =	vor.u32 $0x3, v2  }
0x190: {  	[tilespmem:s16+$0x5060] =	vst v1  }
0x191: {  	[spmem:s19], [sflag:s18] =	dma.local [hbm:s5], $0x2800  }
0x192: {  	_ =	swait.ge [sflag:s15], $0x2800  }
0x193: {  	[sflag:s15] =	ssyncset.done $0x0  }
0x194: {  	[sflag:s15] =	ssyncadd.s32 $0xFFFFD800  }
0x195: {  	[bflag:$0x0] =	sbarrier.arrive $0xFFFF  }
0x196: {  	[tilespmem:s22], [sflag:$0x1] =	stream.indirect.gather [hbm4b:s1+s20], $0x20, s21, s20, $0xb8;
	[tilespmem:$0x1E800] =	vst v63  }
0x197: {  	_ =	swait.ge [sflag:s23], $0x1000  }
0x198: {  	[sflag:s23] =	ssyncset.done $0x0  }
0x199: {  	s9 =	simm.s32 $0x5080;
	[sflag:s23] =	ssyncadd.s32 $0xFFFFF000  }
0x19a: {  	[tilespmem:s24], [sflag:$0x1] =	stream.indirect.gather [hbm4b:s1+s20], $0x20, s9, s20, $0xb8;
	[tilespmem:$0x1E800] =	vst v63  }
0x19b: {  	s16 =	simm.s32 $0x2800  }
0x19c: {  	[spmem:s3] =	stream.indirect.scatter.add.f32 [tilespmem:s22], [sflag:$0x2], $0x20, s16, s20, $0xb8;
	[tilespmem:$0x1E800] =	vst v63  }
0x19d: {  	_ =	swait.ge [sflag:s15], $0x1000  }
0x19e: {  	[sflag:s15] =	ssyncset.done $0x0  }
0x19f: {  	[sflag:s15] =	ssyncadd.s32 $0xFFFFF000  }
0x1a0: {  	_ =	swait.ge [sflag:s23], $0x1000  }
0x1a1: {  	[sflag:s23] =	ssyncset.done $0x0  }
0x1a2: {  	s9 =	simm.s32 $0x5100;
	[sflag:s23] =	ssyncadd.s32 $0xFFFFF000  }
0x1a3: {  	[tilespmem:s22], [sflag:$0x1] =	stream.indirect.gather [hbm4b:s1+s20], $0x20, s9, s20, $0xb8;
	[tilespmem:$0x1E800] =	vst v63  }
0x1a4: {  	s16 =	simm.s32 $0x2880  }
0x1a5: {  	[spmem:s3] =	stream.indirect.scatter.add.f32 [tilespmem:s24], [sflag:$0x2], $0x20, s16, s20, $0xb8;
	[tilespmem:$0x1E800] =	vst v63  }
0x1a6: {  	_ =	swait.ge [sflag:s15], $0x1000  }
0x1a7: {  	s8 =	simm.s32 $0x400;
	[sflag:s15] =	ssyncset.done $0x0  }
.LBB2_22:
0x1a8: {  	p1 =	seq.s32 s8, $0x9800  }
0x1a9: {  	[sflag:s15] =	ssyncadd.s32 $0xFFFFF000;
	s9 =	smov.u32 s8;
	s8 =	sadd.s32 $0x400, s8  }
0x1aa: {  	_ = 	snop  }
0x1ab: {  	_ =	swait.ge [sflag:s23], $0x1000  }
0x1ac: {  	s9 =	sshra.s32 s9, $0x2;
	[sflag:s23] =	ssyncset.done $0x0  }
0x1ad: {  	s16 =	sadd.s32 $0x5080, s9;
	[sflag:s23] =	ssyncadd.s32 $0xFFFFF000  }
0x1ae: {  	[tilespmem:s24], [sflag:$0x1] =	stream.indirect.gather [hbm4b:s1+s20], $0x20, s16, s20, $0xb8;
	[tilespmem:$0x1E800] =	vst v63  }
0x1af: {  	s16 =	sadd.s32 $0x2800, s9  }
0x1b0: {  	[spmem:s3] =	stream.indirect.scatter.add.f32 [tilespmem:s22], [sflag:$0x2], $0x20, s16, s20, $0xb8;
	[tilespmem:$0x1E800] =	vst v63  }
0x1b1: {  	_ =	swait.ge [sflag:s15], $0x1000  }
0x1b2: {  	[sflag:s15] =	ssyncset.done $0x0  }
0x1b3: {  	[sflag:s15] =	ssyncadd.s32 $0xFFFFF000  }
0x1b4: {  	_ =	swait.ge [sflag:s23], $0x1000  }
0x1b5: {  	[sflag:s23] =	ssyncset.done $0x0  }
0x1b6: {  	s16 =	sadd.s32 $0x5100, s9;
	[sflag:s23] =	ssyncadd.s32 $0xFFFFF000  }
0x1b7: {  	[tilespmem:s22], [sflag:$0x1] =	stream.indirect.gather [hbm4b:s1+s20], $0x20, s16, s20, $0xb8;
	[tilespmem:$0x1E800] =	vst v63  }
.Ltmp13:
0x1b8: {  	_ = 	snop;
	(pc) =	sbr.rel @!p1 .LBB2_22-.Ltmp13, $4  }
0x1b9: {  	s9 =	sadd.s32 $0x2880, s9  }
0x1ba: {  	[spmem:s3] =	stream.indirect.scatter.add.f32 [tilespmem:s24], [sflag:$0x2], $0x20, s9, s20, $0xb8;
	[tilespmem:$0x1E800] =	vst v63  }
0x1bb: {  	_ =	swait.ge [sflag:s15], $0x1000  }
0x1bc: {  	[sflag:s15] =	ssyncset.done $0x0  }
0x1bd: {  	[sflag:s15] =	ssyncadd.s32 $0xFFFFF000  }
0x1be: {  	_ =	swait.ge [sflag:s23], $0x1000  }
0x1bf: {  	[sflag:s23] =	ssyncset.done $0x0  }
0x1c0: {  	[sflag:s23] =	ssyncadd.s32 $0xFFFFF000  }
0x1c1: {  	[tilespmem:s24], [sflag:$0x1] =	stream.indirect.gather [hbm4b:s1+s20], $0x20, s25, s20, $0xb8;
	[tilespmem:$0x1E800] =	vst v63  }
0x1c2: {  	_ = 	snop  }
0x1c3: {  	[spmem:s3] =	stream.indirect.scatter.add.f32 [tilespmem:s22], [sflag:$0x2], $0x20, s26, s20, $0xb8;
	[tilespmem:$0x1E800] =	vst v63  }
0x1c4: {  	_ =	swait.ge [sflag:s15], $0x1000  }
0x1c5: {  	[sflag:s15] =	ssyncset.done $0x0  }
0x1c6: {  	[sflag:s15] =	ssyncadd.s32 $0xFFFFF000  }
0x1c7: {  	_ =	swait.ge [sflag:s23], $0x1000  }
0x1c8: {  	[sflag:s23] =	ssyncset.done $0x0  }
0x1c9: {  	[sflag:s23] =	ssyncadd.s32 $0xFFFFF000  }
0x1ca: {  	[tilespmem:s22], [sflag:$0x1] =	stream.indirect.gather [hbm4b:s1+s20], $0x20, s25, s20, $0xb8;
	[tilespmem:$0x1E800] =	vst v63  }
0x1cb: {  	_ = 	snop  }
0x1cc: {  	[spmem:s3] =	stream.indirect.scatter.add.f32 [tilespmem:s24], [sflag:$0x2], $0x20, s28, s20, $0xb8;
	[tilespmem:$0x1E800] =	vst v63  }
0x1cd: {  	_ =	swait.ge [sflag:s15], $0x1000  }
0x1ce: {  	[sflag:s15] =	ssyncset.done $0x0  }
0x1cf: {  	[sflag:s15] =	ssyncadd.s32 $0xFFFFF000  }
0x1d0: {  	_ =	swait.ge [sflag:s23], $0x1000  }
0x1d1: {  	[sflag:s23] =	ssyncset.done $0x0  }
0x1d2: {  	[sflag:s23] =	ssyncadd.s32 $0xFFFFF000  }
0x1d3: {  	[bflag:$0x0] =	sbarrier.arrive $0xFFFF  }
0x1d4: {  	[hbm:s11@s29], [sflag:s18] =	dma.strided [spmem:s19@s30], $0x2800, s23, $0x4   }
0x1d5: {  	_ =	swait.ge [sflag:s15], $0x2800  }
0x1d6: {  	[sflag:s15] =	ssyncset.done $0x0  }
0x1d7: {  	[sflag:s15] =	ssyncadd.s32 $0xFFFFD800  }
0x1d8: {  	[bflag:$0x0] =	sbarrier.arrive $0xFFFF  }
0x1d9: {  	[spmem:s19], [sflag:s18] =	dma.local [hbm:s5], $0x2800  }
0x1da: {  	_ =	swait.ge [sflag:s15], $0x2800  }
0x1db: {  	[sflag:s15] =	ssyncset.done $0x0  }
0x1dc: {  	[sflag:s15] =	ssyncadd.s32 $0xFFFFD800  }
0x1dd: {  	s8 =	simm.s32 $0x3C00;
	[bflag:$0x0] =	sbarrier.arrive $0xFFFF  }
0x1de: {  	[spmem:s3] =	stream.indirect.scatter.add.f32 [tilespmem:s31], [sflag:$0x2], $0x20, s8, s20, $0xb8;
	[tilespmem:$0x1E800] =	vst v63  }
0x1df: {  	s8 =	simm.s32 $0x200;
	_ =	swait.ge [sflag:s15], $0x1000  }
.LBB2_24:
0x1e0: {  	s9 =	sshra.s32 s8, $0x2;
	[sflag:s15] =	ssyncset.done $0x0;
	p1 =	sne.s32 s8, $0x4E00  }
.Ltmp14:
0x1e1: {  	s9 =	sadd.s32 $0x3C00, s9;
	[sflag:s15] =	ssyncadd.s32 $0xFFFFF000;
	(pc) =	sbr.rel @p1 .LBB2_24-.Ltmp14, $3  }
0x1e2: {  	[spmem:s3] =	stream.indirect.scatter.add.f32 [tilespmem:s31], [sflag:$0x2], $0x20, s9, s20, $0xb8;
	[tilespmem:$0x1E800] =	vst v63  }
0x1e3: {  	s8 =	sadd.s32 $0x200, s8;
	_ =	sdelay $0x1  }
0x1e4: {  	_ =	swait.ge [sflag:s15], $0x1000  }
.Ltmp15:
0x1e5: {  	_ = 	snop;
	(pc) =	sbr.rel .LBB2_25-.Ltmp15, $1  }
0x1e6: {  	_ =	sdelay $0x3  }
.LBB2_27:
0x1e7: {  	_ =	sfence.sel $0x180000  }
0x1e8: {  	[bflag:$0x0] =	sbarrier.arrive $0xFFFF  }
0x1e9: {  	_ =	strace $0x90000047  }
0x1ea: {  	s0 =	stileid.u32;
	[bflag:$0x2] =	sbarrier.arrive $0xFFFF  }
0x1eb: {  	p0 =	sne.s32 s0, $0x0;
	s0 =	rddreg [dreg:$0x3]  }
0x1ec: {  	s0 =	sadd.s32 @!p0 $0x100000, s0  }
0x1ed: {  	[sflag:s0] =	ssyncadd.tile.s32 @!p0 $0x1;
	_ =	shalt  }
.Lfunc_end2:
_tile_overlayer_lowered:
.L_overlay_start_2:
0x1ee: {  	(tag) =	ssettag $0x2  }
0x1ef: {  	s0 =	rddreg [dreg:$0x0];
	s2 =	stileid.u32  }
0x1f0: {  	s1 =	rddreg [dreg:$0x1];
	p0 =	sne.s32 s2, $0x0  }
0x1f1: {  	s3 =	rddreg [dreg:$0x2];
	[bflag:$0x3] =	sbarrier.arrive $0xFFFF;
	s2 =	simm.s32 @!p0 $0x1C02  }
0x1f2: {  	[timem:s3], [sflag:s2] =	dma.local @!p0 [hbm:s0], s1  }
0x1f3: {  	s0 =	simm.s32 @!p0 $0x2  }
0x1f4: {  	_ =	swait.ge @!p0 [sflag:s0], s1  }
0x1f5: {  	s1 =	ssub.s32 @!p0 $0x0, s1;
	[sflag:s0] =	ssyncset.done @!p0 $0x0  }
0x1f6: {  	[sflag:s0] =	ssyncadd.s32 @!p0 s1  }
0x1f7: {  	[bflag:$0x3] =	sbarrier.arrive $0xFFFF  }
0x1f8: {  	_ =	shalt  }

</sc_bundles>
